<compile_context>
chip_gen: v7x
topology: tpu7x:2x2x1
jax: 0.10.2.dev20260603
libtpu: 0.0.44.dev20260713+nightly
codegen_flags: <defaults>
</compile_context>

<pallas_src>
import functools

import jax
import jax.numpy as jnp
from jax import lax
from jax.experimental import pallas as pl
from jax.experimental.pallas import tpu as pltpu
from jax.experimental.pallas import tpu_sc as plsc

_B, _Q, _D = 2, 2048, 256
_G, _P = 4, 8
_GP = _G * _P
_N, _C, _HF, _WF = 6, 256, 64, 176
_Cg = _C // _G
_IMG_H, _IMG_W = 256, 704
_EPS = 1e-5
_ROWS2 = _B * _N * _HF * _WF * 2

_QB = 512
_NP = _B * _Q * _GP
_NW = 32
_CH = 64


def _transpose_body(x_ref, o_ref):
    o_ref[0] = x_ref[0].T


def _build_table(mlvl_feats):
    feats = mlvl_feats.reshape(_B * _N, _C, _HF * _WF)
    hwb = 1024
    out = pl.pallas_call(
        _transpose_body,
        grid=(_B * _N, (_HF * _WF) // hwb),
        in_specs=[pl.BlockSpec((1, _C, hwb), lambda i, j: (i, 0, j))],
        out_specs=pl.BlockSpec((1, hwb, _C), lambda i, j: (i, j, 0)),
        out_shape=jax.ShapeDtypeStruct((_B * _N, _HF * _WF, _C), jnp.float32),
    )(feats)
    return out.reshape(_ROWS2, 2 * _Cg)


def _mm_body(q_ref, w_ref, o_ref):
    o_ref[0] = jnp.dot(q_ref[0].astype(jnp.bfloat16),
                       w_ref[...].astype(jnp.bfloat16),
                       preferred_element_type=jnp.float32)


def _offsets(query, W_off):
    w_pad = jnp.concatenate(
        [W_off, jnp.zeros((128 - 3 * _GP, _D), jnp.float32)], axis=0)
    return pl.pallas_call(
        _mm_body,
        grid=(_B, _Q // _QB),
        in_specs=[
            pl.BlockSpec((1, _QB, _D), lambda b, q: (b, q, 0)),
            pl.BlockSpec((_D, 128), lambda b, q: (0, 0)),
        ],
        out_specs=pl.BlockSpec((1, _QB, 128), lambda b, q: (b, q, 0)),
        out_shape=jax.ShapeDtypeStruct((_B, _Q, 128), jnp.float32),
    )(query, w_pad.T)[:, :, :3 * _GP]


def _index_body(sx_ref, sy_ref, ms_ref, sn_ref,
                i00_ref, i01_ref, i10_ref, i11_ref,
                w00_ref, w01_ref, w10_ref, w11_ref):
    b = pl.program_id(0)
    sx = sx_ref[0]
    sy = sy_ref[0]
    m_sel = ms_ref[0]
    sn = sn_ref[0]
    fx = sx * float(_WF) - 0.5
    fy = sy * float(_HF) - 0.5
    x0f = jnp.floor(fx)
    y0f = jnp.floor(fy)
    wx1 = fx - x0f
    wy1 = fy - y0f
    inbx0 = (x0f >= 0.0) & (x0f <= float(_WF - 1))
    inbx1 = (x0f >= -1.0) & (x0f <= float(_WF - 2))
    inby0 = (y0f >= 0.0) & (y0f <= float(_HF - 1))
    inby1 = (y0f >= -1.0) & (y0f <= float(_HF - 2))
    x0i = jnp.clip(x0f, 0.0, float(_WF - 1)).astype(jnp.int32)
    x1i = jnp.clip(x0f + 1.0, 0.0, float(_WF - 1)).astype(jnp.int32)
    y0i = jnp.clip(y0f, 0.0, float(_HF - 1)).astype(jnp.int32)
    y1i = jnp.clip(y0f + 1.0, 0.0, float(_HF - 1)).astype(jnp.int32)

    g_half = lax.broadcasted_iota(jnp.int32, (_QB, _GP), 1) // (2 * _P)
    bn = (b * _N + sn) * (_HF * _WF * 2)
    i00_ref[0] = bn + y0i * (_WF * 2) + x0i * 2 + g_half
    i01_ref[0] = bn + y0i * (_WF * 2) + x1i * 2 + g_half
    i10_ref[0] = bn + y1i * (_WF * 2) + x0i * 2 + g_half
    i11_ref[0] = bn + y1i * (_WF * 2) + x1i * 2 + g_half

    wxa = 1.0 - wx1
    wya = 1.0 - wy1
    w00_ref[0] = wya * wxa * inbx0.astype(jnp.float32) * inby0.astype(jnp.float32) * m_sel
    w01_ref[0] = wya * wx1 * inbx1.astype(jnp.float32) * inby0.astype(jnp.float32) * m_sel
    w10_ref[0] = wy1 * wxa * inbx0.astype(jnp.float32) * inby1.astype(jnp.float32) * m_sel
    w11_ref[0] = wy1 * wx1 * inbx1.astype(jnp.float32) * inby1.astype(jnp.float32) * m_sel


def _select_views(query, reference_points, lidar2img, W_off, b_off):
    off = _offsets(query, W_off) + b_off
    off = off.reshape(_B, _Q, _G, _P, 3)
    ref = reference_points[:, :, None, None, :]
    lo = jnp.array([-51.2, -51.2, -5.0], dtype=jnp.float32)
    hi = jnp.array([51.2, 51.2, 3.0], dtype=jnp.float32)
    ref = ref * (hi - lo) + lo
    pts = ref + off
    pts = pts.reshape(_B, _Q, _GP, 3)
    pts_h = jnp.concatenate([pts, jnp.ones_like(pts[..., :1])], axis=-1)
    cam = jnp.einsum('bnij,bqpj->bnqpi', lidar2img, pts_h)
    homo = cam[..., 2:3]
    homo_nz = jnp.maximum(homo, _EPS)
    xy = cam[..., 0:2] / homo_nz
    x01 = xy[..., 0] / _IMG_W
    y01 = xy[..., 1] / _IMG_H
    valid = ((homo[..., 0] > _EPS) & (x01 > 0.0) & (x01 < 1.0)
             & (y01 > 0.0) & (y01 < 1.0))
    valid_f = valid.astype(jnp.float32)
    i_view = jnp.argmax(valid_f, axis=1)
    x01t = jnp.transpose(x01, (0, 2, 3, 1))
    y01t = jnp.transpose(y01, (0, 2, 3, 1))
    vft = jnp.transpose(valid_f, (0, 2, 3, 1))
    iv = i_view[..., None]
    x_sel = jnp.take_along_axis(x01t, iv, axis=-1)[..., 0]
    y_sel = jnp.take_along_axis(y01t, iv, axis=-1)[..., 0]
    m_sel = jnp.take_along_axis(vft, iv, axis=-1)[..., 0]
    return x_sel, y_sel, m_sel, i_view.astype(jnp.int32)


def _build_indices(x_sel, y_sel, m_sel, i_view):
    grid = (_B, _Q // _QB)
    in_spec = pl.BlockSpec((1, _QB, _GP), lambda b, q: (b, q, 0))
    out_spec = pl.BlockSpec((1, _QB, _GP), lambda b, q: (b, q, 0))
    ishape = jax.ShapeDtypeStruct((_B, _Q, _GP), jnp.int32)
    wshape = jax.ShapeDtypeStruct((_B, _Q, _GP), jnp.float32)
    outs = pl.pallas_call(
        _index_body,
        grid=grid,
        in_specs=[in_spec] * 4,
        out_specs=[out_spec] * 8,
        out_shape=[ishape] * 4 + [wshape] * 4,
    )(x_sel, y_sel, m_sel, i_view)
    return tuple(o.reshape(_NP) for o in outs)


_NCH = _NP // (_NW * _CH)


def _sc_gather_combine(table, i00, i01, i10, i11, w00, w01, w10, w11):
    mesh = plsc.VectorSubcoreMesh(core_axis_name="c", subcore_axis_name="s")
    rowbuf = pltpu.VMEM((_CH, 2 * _Cg), jnp.float32)

    @functools.partial(
        pl.kernel,
        mesh=mesh,
        out_type=jax.ShapeDtypeStruct((_NP, _Cg), jnp.float32),
        scratch_types=[
            pltpu.VMEM((_CH,), jnp.int32),
            pltpu.VMEM((_CH,), jnp.int32),
            pltpu.VMEM((_CH,), jnp.int32),
            pltpu.VMEM((_CH,), jnp.int32),
            pltpu.VMEM((_CH,), jnp.float32),
            pltpu.VMEM((_CH,), jnp.float32),
            pltpu.VMEM((_CH,), jnp.float32),
            pltpu.VMEM((_CH,), jnp.float32),
            rowbuf, rowbuf, rowbuf, rowbuf,
            pltpu.VMEM((_CH, _Cg), jnp.float32),
            pltpu.SemaphoreType.DMA,
        ],
    )
    def sample(table_hbm, i00_hbm, i01_hbm, i10_hbm, i11_hbm,
               w00_hbm, w01_hbm, w10_hbm, w11_hbm, out_hbm,
               iv0, iv1, iv2, iv3, wv0, wv1, wv2, wv3,
               r0, r1, r2, r3, ob, sem):
        wid = lax.axis_index("s") * 2 + lax.axis_index("c")

        def chunk(ch, carry):
            base = wid * (_NCH * _CH) + ch * _CH
            pltpu.sync_copy(i00_hbm.at[pl.ds(base, _CH)], iv0)
            pltpu.sync_copy(i01_hbm.at[pl.ds(base, _CH)], iv1)
            pltpu.sync_copy(i10_hbm.at[pl.ds(base, _CH)], iv2)
            pltpu.sync_copy(i11_hbm.at[pl.ds(base, _CH)], iv3)
            pltpu.sync_copy(w00_hbm.at[pl.ds(base, _CH)], wv0)
            pltpu.sync_copy(w01_hbm.at[pl.ds(base, _CH)], wv1)
            pltpu.sync_copy(w10_hbm.at[pl.ds(base, _CH)], wv2)
            pltpu.sync_copy(w11_hbm.at[pl.ds(base, _CH)], wv3)
            c0 = pltpu.async_copy(table_hbm.at[iv0], r0, sem)
            c1 = pltpu.async_copy(table_hbm.at[iv1], r1, sem)
            c2 = pltpu.async_copy(table_hbm.at[iv2], r2, sem)
            c3 = pltpu.async_copy(table_hbm.at[iv3], r3, sem)
            c0.wait()
            c1.wait()
            c2.wait()
            c3.wait()

            def group(g, carry2):
                w0g = wv0[pl.ds(g * 16, 16)]
                w1g = wv1[pl.ds(g * 16, 16)]
                w2g = wv2[pl.ds(g * 16, 16)]
                w3g = wv3[pl.ds(g * 16, 16)]
                dn = lax.GatherDimensionNumbers(
                    offset_dims=(), collapsed_slice_dims=(0,),
                    start_index_map=(0,))
                for j in range(16):
                    jv = jnp.full((16, 1), j, jnp.int32)
                    splat = lambda w: lax.gather(
                        w, jv, dn, (1,),
                        mode=lax.GatherScatterMode.PROMISE_IN_BOUNDS)
                    a0 = splat(w0g)
                    a1 = splat(w1g)
                    a2 = splat(w2g)
                    a3 = splat(w3g)
                    p = g * 16 + j
                    cb = ((j // _P) % 2) * _Cg
                    for jj in range(_Cg // 16):
                        s = pl.ds(cb + jj * 16, 16)
                        so = pl.ds(jj * 16, 16)
                        acc = (a0 * r0[p, s] + a1 * r1[p, s]
                               + a2 * r2[p, s] + a3 * r3[p, s])
                        ob[p, so] = acc
                return carry2

            lax.fori_loop(0, _CH // 16, group, 0)
            pltpu.sync_copy(ob, out_hbm.at[pl.ds(base, _CH)])
            return carry

        lax.fori_loop(0, _NCH, chunk, 0)

    return sample(table, i00, i01, i10, i11, w00, w01, w10, w11)


def kernel(query, mlvl_feats, reference_points, lidar2img, W_off, b_off):
    table = _build_table(mlvl_feats)
    x_sel, y_sel, m_sel, i_view = _select_views(
        query, reference_points, lidar2img, W_off, b_off)
    i00, i01, i10, i11, w00, w01, w10, w11 = _build_indices(
        x_sel, y_sel, m_sel, i_view)
    out = _sc_gather_combine(table, i00, i01, i10, i11, w00, w01, w10, w11)
    return out.reshape(_B, _Q, _G, _P, _Cg)

# --- scband reference (transcript-rebuilt; emitter-appended) ---
"""Pipeline reference for scband-det-seg-sampling-34076270527052 (READ-ONLY COPY).

The authoritative reference and input builder live on the scoring server;
editing this copy changes nothing except your own understanding.
"""

import jax, jax.numpy as jnp
import numpy as np

B, Q, D = 2, 2048, 256
G, P = 4, 8
N, C, HF, WF = 6, 256, 64, 176
IMG_H, IMG_W = 256, 704
PC_RANGE = [-51.2, -51.2, -5.0, 51.2, 51.2, 3.0]
EPS = 1e-5


def setup_inputs(seed: int = 0):
    key = jax.random.key(seed)
    ks = jax.random.split(key, 6)
    query = jax.random.normal(ks[0], (B, Q, D), dtype=jnp.float32)
    mlvl_feats = jax.random.normal(ks[1], (B, N, C, HF, WF), dtype=jnp.float32)
    reference_points = jax.random.uniform(ks[2], (B, Q, 3), dtype=jnp.float32)
    lidar2img = jax.random.normal(ks[3], (B, N, 4, 4), dtype=jnp.float32)
    W_off = jax.random.normal(ks[4], (G * P * 3, D), dtype=jnp.float32) * 0.02
    b_off = jax.random.uniform(ks[5], (G * P * 3,), minval=-0.5, maxval=0.5, dtype=jnp.float32)
    return {"query": query, "mlvl_feats": mlvl_feats, "reference_points": reference_points,
            "lidar2img": lidar2img, "W_off": W_off, "b_off": b_off}


def _forward(query, mlvl_feats, reference_points, lidar2img, W_off, b_off):
    # sampling_offset linear
    off = query @ W_off.T + b_off                      # [B, Q, G*P*3]
    off = off.reshape(B, Q, G, P, 3)
    # denormalize reference points into pc_range
    ref = reference_points[:, :, None, None, :]
    lo = jnp.array(PC_RANGE[:3], dtype=jnp.float32)
    hi = jnp.array(PC_RANGE[3:], dtype=jnp.float32)
    ref = ref * (hi - lo) + lo
    pts = ref + off                                    # [B, Q, G, P, 3]
    pts = pts.reshape(B, Q, G * P, 3)
    pts_h = jnp.concatenate([pts, jnp.ones_like(pts[..., :1])], axis=-1)  # [B, Q, GP, 4]

    # project 3D sampling points to all N camera views (sampling_4d, T=1)
    cam = jnp.einsum('bnij,bqpj->bnqpi', lidar2img, pts_h)  # [B, N, Q, GP, 4]
    homo = cam[..., 2:3]
    homo_nz = jnp.maximum(homo, EPS)
    xy = cam[..., 0:2] / homo_nz
    x01 = xy[..., 0] / IMG_W
    y01 = xy[..., 1] / IMG_H
    valid = ((homo[..., 0] > EPS) & (x01 > 0.0) & (x01 < 1.0) & (y01 > 0.0) & (y01 < 1.0))
    valid_f = valid.astype(jnp.float32)                # [B, N, Q, GP]

    # choose best (valid) view per sampling point
    i_view = jnp.argmax(valid_f, axis=1)               # [B, Q, GP]
    x01t = jnp.transpose(x01, (0, 2, 3, 1))            # [B, Q, GP, N]
    y01t = jnp.transpose(y01, (0, 2, 3, 1))
    vft = jnp.transpose(valid_f, (0, 2, 3, 1))
    iv = i_view[..., None]
    x_sel = jnp.take_along_axis(x01t, iv, axis=-1)[..., 0]
    y_sel = jnp.take_along_axis(y01t, iv, axis=-1)[..., 0]
    m_sel = jnp.take_along_axis(vft, iv, axis=-1)[..., 0]  # [B, Q, GP]

    # group-wise bilinear grid sampling (align_corners=False, zero padding)
    Cg = C // G
    feat_g = mlvl_feats.reshape(B, N, G, Cg, HF, WF)
    g_idx = jnp.broadcast_to((jnp.arange(G * P) // P)[None, None, :], (B, Q, G * P))
    b_idx = jnp.broadcast_to(jnp.arange(B)[:, None, None], (B, Q, G * P))

    fx = x_sel * WF - 0.5
    fy = y_sel * HF - 0.5
    x0 = jnp.floor(fx)
    y0 = jnp.floor(fy)
    wx1 = fx - x0
    wy1 = fy - y0
    x0i = x0.astype(jnp.int32)
    y0i = y0.astype(jnp.int32)
    x1i = x0i + 1
    y1i = y0i + 1

    def gather(yy, xx):
        inb = ((yy >= 0) & (yy < HF) & (xx >= 0) & (xx < WF)).astype(jnp.float32)
        yyc = jnp.clip(yy, 0, HF - 1)
        xxc = jnp.clip(xx, 0, WF - 1)
        vals = feat_g[b_idx, i_view, g_idx, :, yyc, xxc]   # [B, Q, GP, Cg]
        return vals * inb[..., None]

    out = (gather(y0i, x0i) * ((1.0 - wy1) * (1.0 - wx1))[..., None]
         + gather(y0i, x1i) * ((1.0 - wy1) * wx1)[..., None]
         + gather(y1i, x0i) * (wy1 * (1.0 - wx1))[..., None]
         + gather(y1i, x1i) * (wy1 * wx1)[..., None])
    out = out * m_sel[..., None]
    return out.reshape(B, Q, G, P, Cg)


def reference(query, mlvl_feats, reference_points, lidar2img, W_off, b_off):
    return _forward(query, mlvl_feats, reference_points, lidar2img, W_off, b_off)

if __name__ == "__main__":
    import jax
    _d = setup_inputs()
    print(jax.jit(kernel)(*tuple(_d.values())))

</pallas_src>

<mosaic_0001>
#map = affine_map<(d0, d1) -> (0, 0)>
#map1 = affine_map<(d0, d1) -> (0)>
module attributes {stable_mosaic.version = 14 : i64} {
  func.func @sample(%arg0: i32, %arg1: i32, %arg2: memref<270336x128xf32, #tpu.memory_space<hbm>>, %arg3: memref<131072xi32, #tpu.memory_space<hbm>>, %arg4: memref<131072xi32, #tpu.memory_space<hbm>>, %arg5: memref<131072xi32, #tpu.memory_space<hbm>>, %arg6: memref<131072xi32, #tpu.memory_space<hbm>>, %arg7: memref<131072xf32, #tpu.memory_space<hbm>>, %arg8: memref<131072xf32, #tpu.memory_space<hbm>>, %arg9: memref<131072xf32, #tpu.memory_space<hbm>>, %arg10: memref<131072xf32, #tpu.memory_space<hbm>>, %arg11: memref<131072x64xf32, #tpu.memory_space<hbm>>, %arg12: memref<64xi32, #tpu.memory_space<vmem>>, %arg13: memref<64xi32, #tpu.memory_space<vmem>>, %arg14: memref<64xi32, #tpu.memory_space<vmem>>, %arg15: memref<64xi32, #tpu.memory_space<vmem>>, %arg16: memref<64xf32, #tpu.memory_space<vmem>>, %arg17: memref<64xf32, #tpu.memory_space<vmem>>, %arg18: memref<64xf32, #tpu.memory_space<vmem>>, %arg19: memref<64xf32, #tpu.memory_space<vmem>>, %arg20: memref<64x128xf32, #tpu.memory_space<vmem>>, %arg21: memref<64x128xf32, #tpu.memory_space<vmem>>, %arg22: memref<64x128xf32, #tpu.memory_space<vmem>>, %arg23: memref<64x128xf32, #tpu.memory_space<vmem>>, %arg24: memref<64x64xf32, #tpu.memory_space<vmem>>, %arg25: memref<!tpu.dma_semaphore, #tpu.memory_space<semaphore_mem>>) attributes {dimension_semantics = [#tpu.dimension_semantics<core_parallel>, #tpu.dimension_semantics<subcore_parallel>], iteration_bounds = array<i64: 2, 16>, scalar_prefetch = 0 : i64, scratch_operands = 14 : i64, tpu.core_type = #tpu.core_type<sc_vector_subcore>, window_params = [{transform_indices = #map}, {transform_indices = #map1}, {transform_indices = #map1}, {transform_indices = #map1}, {transform_indices = #map1}, {transform_indices = #map1}, {transform_indices = #map1}, {transform_indices = #map1}, {transform_indices = #map1}, {transform_indices = #map}]} {
    %mul3A = arith.constant 2 : i32
    %mul3A_0 = arith.muli %arg1, %mul3A : i32
    %add3A = arith.addi %mul3A_0, %arg0 : i32
    %scan3A = arith.constant 0 : i32
    %scan3A_1 = arith.constant 0 : i32
    %scan3A_2 = arith.constant 64 : i32
    %scan3A_3 = arith.addi %scan3A_1, %scan3A_2 : i32
    %scan3A_4 = arith.constant 1 : i32
    scf.for %scan3A_6 = %scan3A_1 to %scan3A_3 step %scan3A_4  : i32 {
      %mul3A_7 = arith.constant 4096 : i32
      %mul3A_8 = arith.muli %add3A, %mul3A_7 : i32
      %mul3A_9 = arith.constant 64 : i32
      %mul3A_10 = arith.muli %scan3A_6, %mul3A_9 : i32
      %add3A_11 = arith.addi %mul3A_8, %mul3A_10 : i32
      "tpu.region"() ({
        %run_scoped3A = tpu.sem_alloc : memref<!tpu.dma_semaphore, #tpu.memory_space<semaphore_mem>>
        %dma_start3A_40 = tpu.memref_slice %arg3[%add3A_11] : memref<131072xi32, #tpu.memory_space<hbm>> -> memref<64xi32, #tpu.memory_space<hbm>>
        %dma_start3A_41 = tpu.memref_slice %arg3[%add3A_11] : memref<131072xi32, #tpu.memory_space<hbm>> -> memref<64xi32, #tpu.memory_space<hbm>>
        tpu.enqueue_dma source(%dma_start3A_41 : memref<64xi32, #tpu.memory_space<hbm>>) target(%arg12 : memref<64xi32, #tpu.memory_space<vmem>>) target_semaphore(%run_scoped3A : memref<!tpu.dma_semaphore, #tpu.memory_space<semaphore_mem>>)
        %dma_wait3A_42 = tpu.memref_slice %arg3[%add3A_11] : memref<131072xi32, #tpu.memory_space<hbm>> -> memref<64xi32, #tpu.memory_space<hbm>>
        %dma_wait3A_43 = tpu.memref_slice %arg3[%add3A_11] : memref<131072xi32, #tpu.memory_space<hbm>> -> memref<64xi32, #tpu.memory_space<hbm>>
        tpu.wait_dma2 semaphore(%run_scoped3A : memref<!tpu.dma_semaphore, #tpu.memory_space<semaphore_mem>>) src(%dma_wait3A_43 : memref<64xi32, #tpu.memory_space<hbm>>) dst(%arg12 : memref<64xi32, #tpu.memory_space<vmem>>)
        tpu.yield
      }) : () -> ()
      "tpu.region"() ({
        %run_scoped3A = tpu.sem_alloc : memref<!tpu.dma_semaphore, #tpu.memory_space<semaphore_mem>>
        %dma_start3A_40 = tpu.memref_slice %arg4[%add3A_11] : memref<131072xi32, #tpu.memory_space<hbm>> -> memref<64xi32, #tpu.memory_space<hbm>>
        %dma_start3A_41 = tpu.memref_slice %arg4[%add3A_11] : memref<131072xi32, #tpu.memory_space<hbm>> -> memref<64xi32, #tpu.memory_space<hbm>>
        tpu.enqueue_dma source(%dma_start3A_41 : memref<64xi32, #tpu.memory_space<hbm>>) target(%arg13 : memref<64xi32, #tpu.memory_space<vmem>>) target_semaphore(%run_scoped3A : memref<!tpu.dma_semaphore, #tpu.memory_space<semaphore_mem>>)
        %dma_wait3A_42 = tpu.memref_slice %arg4[%add3A_11] : memref<131072xi32, #tpu.memory_space<hbm>> -> memref<64xi32, #tpu.memory_space<hbm>>
        %dma_wait3A_43 = tpu.memref_slice %arg4[%add3A_11] : memref<131072xi32, #tpu.memory_space<hbm>> -> memref<64xi32, #tpu.memory_space<hbm>>
        tpu.wait_dma2 semaphore(%run_scoped3A : memref<!tpu.dma_semaphore, #tpu.memory_space<semaphore_mem>>) src(%dma_wait3A_43 : memref<64xi32, #tpu.memory_space<hbm>>) dst(%arg13 : memref<64xi32, #tpu.memory_space<vmem>>)
        tpu.yield
      }) : () -> ()
      "tpu.region"() ({
        %run_scoped3A = tpu.sem_alloc : memref<!tpu.dma_semaphore, #tpu.memory_space<semaphore_mem>>
        %dma_start3A_40 = tpu.memref_slice %arg5[%add3A_11] : memref<131072xi32, #tpu.memory_space<hbm>> -> memref<64xi32, #tpu.memory_space<hbm>>
        %dma_start3A_41 = tpu.memref_slice %arg5[%add3A_11] : memref<131072xi32, #tpu.memory_space<hbm>> -> memref<64xi32, #tpu.memory_space<hbm>>
        tpu.enqueue_dma source(%dma_start3A_41 : memref<64xi32, #tpu.memory_space<hbm>>) target(%arg14 : memref<64xi32, #tpu.memory_space<vmem>>) target_semaphore(%run_scoped3A : memref<!tpu.dma_semaphore, #tpu.memory_space<semaphore_mem>>)
        %dma_wait3A_42 = tpu.memref_slice %arg5[%add3A_11] : memref<131072xi32, #tpu.memory_space<hbm>> -> memref<64xi32, #tpu.memory_space<hbm>>
        %dma_wait3A_43 = tpu.memref_slice %arg5[%add3A_11] : memref<131072xi32, #tpu.memory_space<hbm>> -> memref<64xi32, #tpu.memory_space<hbm>>
        tpu.wait_dma2 semaphore(%run_scoped3A : memref<!tpu.dma_semaphore, #tpu.memory_space<semaphore_mem>>) src(%dma_wait3A_43 : memref<64xi32, #tpu.memory_space<hbm>>) dst(%arg14 : memref<64xi32, #tpu.memory_space<vmem>>)
        tpu.yield
      }) : () -> ()
      "tpu.region"() ({
        %run_scoped3A = tpu.sem_alloc : memref<!tpu.dma_semaphore, #tpu.memory_space<semaphore_mem>>
        %dma_start3A_40 = tpu.memref_slice %arg6[%add3A_11] : memref<131072xi32, #tpu.memory_space<hbm>> -> memref<64xi32, #tpu.memory_space<hbm>>
        %dma_start3A_41 = tpu.memref_slice %arg6[%add3A_11] : memref<131072xi32, #tpu.memory_space<hbm>> -> memref<64xi32, #tpu.memory_space<hbm>>
        tpu.enqueue_dma source(%dma_start3A_41 : memref<64xi32, #tpu.memory_space<hbm>>) target(%arg15 : memref<64xi32, #tpu.memory_space<vmem>>) target_semaphore(%run_scoped3A : memref<!tpu.dma_semaphore, #tpu.memory_space<semaphore_mem>>)
        %dma_wait3A_42 = tpu.memref_slice %arg6[%add3A_11] : memref<131072xi32, #tpu.memory_space<hbm>> -> memref<64xi32, #tpu.memory_space<hbm>>
        %dma_wait3A_43 = tpu.memref_slice %arg6[%add3A_11] : memref<131072xi32, #tpu.memory_space<hbm>> -> memref<64xi32, #tpu.memory_space<hbm>>
        tpu.wait_dma2 semaphore(%run_scoped3A : memref<!tpu.dma_semaphore, #tpu.memory_space<semaphore_mem>>) src(%dma_wait3A_43 : memref<64xi32, #tpu.memory_space<hbm>>) dst(%arg15 : memref<64xi32, #tpu.memory_space<vmem>>)
        tpu.yield
      }) : () -> ()
      "tpu.region"() ({
        %run_scoped3A = tpu.sem_alloc : memref<!tpu.dma_semaphore, #tpu.memory_space<semaphore_mem>>
        %dma_start3A_40 = tpu.memref_slice %arg7[%add3A_11] : memref<131072xf32, #tpu.memory_space<hbm>> -> memref<64xf32, #tpu.memory_space<hbm>>
        %dma_start3A_41 = tpu.memref_slice %arg7[%add3A_11] : memref<131072xf32, #tpu.memory_space<hbm>> -> memref<64xf32, #tpu.memory_space<hbm>>
        tpu.enqueue_dma source(%dma_start3A_41 : memref<64xf32, #tpu.memory_space<hbm>>) target(%arg16 : memref<64xf32, #tpu.memory_space<vmem>>) target_semaphore(%run_scoped3A : memref<!tpu.dma_semaphore, #tpu.memory_space<semaphore_mem>>)
        %dma_wait3A_42 = tpu.memref_slice %arg7[%add3A_11] : memref<131072xf32, #tpu.memory_space<hbm>> -> memref<64xf32, #tpu.memory_space<hbm>>
        %dma_wait3A_43 = tpu.memref_slice %arg7[%add3A_11] : memref<131072xf32, #tpu.memory_space<hbm>> -> memref<64xf32, #tpu.memory_space<hbm>>
        tpu.wait_dma2 semaphore(%run_scoped3A : memref<!tpu.dma_semaphore, #tpu.memory_space<semaphore_mem>>) src(%dma_wait3A_43 : memref<64xf32, #tpu.memory_space<hbm>>) dst(%arg16 : memref<64xf32, #tpu.memory_space<vmem>>)
        tpu.yield
      }) : () -> ()
      "tpu.region"() ({
        %run_scoped3A = tpu.sem_alloc : memref<!tpu.dma_semaphore, #tpu.memory_space<semaphore_mem>>
        %dma_start3A_40 = tpu.memref_slice %arg8[%add3A_11] : memref<131072xf32, #tpu.memory_space<hbm>> -> memref<64xf32, #tpu.memory_space<hbm>>
        %dma_start3A_41 = tpu.memref_slice %arg8[%add3A_11] : memref<131072xf32, #tpu.memory_space<hbm>> -> memref<64xf32, #tpu.memory_space<hbm>>
        tpu.enqueue_dma source(%dma_start3A_41 : memref<64xf32, #tpu.memory_space<hbm>>) target(%arg17 : memref<64xf32, #tpu.memory_space<vmem>>) target_semaphore(%run_scoped3A : memref<!tpu.dma_semaphore, #tpu.memory_space<semaphore_mem>>)
        %dma_wait3A_42 = tpu.memref_slice %arg8[%add3A_11] : memref<131072xf32, #tpu.memory_space<hbm>> -> memref<64xf32, #tpu.memory_space<hbm>>
        %dma_wait3A_43 = tpu.memref_slice %arg8[%add3A_11] : memref<131072xf32, #tpu.memory_space<hbm>> -> memref<64xf32, #tpu.memory_space<hbm>>
        tpu.wait_dma2 semaphore(%run_scoped3A : memref<!tpu.dma_semaphore, #tpu.memory_space<semaphore_mem>>) src(%dma_wait3A_43 : memref<64xf32, #tpu.memory_space<hbm>>) dst(%arg17 : memref<64xf32, #tpu.memory_space<vmem>>)
        tpu.yield
      }) : () -> ()
      "tpu.region"() ({
        %run_scoped3A = tpu.sem_alloc : memref<!tpu.dma_semaphore, #tpu.memory_space<semaphore_mem>>
        %dma_start3A_40 = tpu.memref_slice %arg9[%add3A_11] : memref<131072xf32, #tpu.memory_space<hbm>> -> memref<64xf32, #tpu.memory_space<hbm>>
        %dma_start3A_41 = tpu.memref_slice %arg9[%add3A_11] : memref<131072xf32, #tpu.memory_space<hbm>> -> memref<64xf32, #tpu.memory_space<hbm>>
        tpu.enqueue_dma source(%dma_start3A_41 : memref<64xf32, #tpu.memory_space<hbm>>) target(%arg18 : memref<64xf32, #tpu.memory_space<vmem>>) target_semaphore(%run_scoped3A : memref<!tpu.dma_semaphore, #tpu.memory_space<semaphore_mem>>)
        %dma_wait3A_42 = tpu.memref_slice %arg9[%add3A_11] : memref<131072xf32, #tpu.memory_space<hbm>> -> memref<64xf32, #tpu.memory_space<hbm>>
        %dma_wait3A_43 = tpu.memref_slice %arg9[%add3A_11] : memref<131072xf32, #tpu.memory_space<hbm>> -> memref<64xf32, #tpu.memory_space<hbm>>
        tpu.wait_dma2 semaphore(%run_scoped3A : memref<!tpu.dma_semaphore, #tpu.memory_space<semaphore_mem>>) src(%dma_wait3A_43 : memref<64xf32, #tpu.memory_space<hbm>>) dst(%arg18 : memref<64xf32, #tpu.memory_space<vmem>>)
        tpu.yield
      }) : () -> ()
      "tpu.region"() ({
        %run_scoped3A = tpu.sem_alloc : memref<!tpu.dma_semaphore, #tpu.memory_space<semaphore_mem>>
        %dma_start3A_40 = tpu.memref_slice %arg10[%add3A_11] : memref<131072xf32, #tpu.memory_space<hbm>> -> memref<64xf32, #tpu.memory_space<hbm>>
        %dma_start3A_41 = tpu.memref_slice %arg10[%add3A_11] : memref<131072xf32, #tpu.memory_space<hbm>> -> memref<64xf32, #tpu.memory_space<hbm>>
        tpu.enqueue_dma source(%dma_start3A_41 : memref<64xf32, #tpu.memory_space<hbm>>) target(%arg19 : memref<64xf32, #tpu.memory_space<vmem>>) target_semaphore(%run_scoped3A : memref<!tpu.dma_semaphore, #tpu.memory_space<semaphore_mem>>)
        %dma_wait3A_42 = tpu.memref_slice %arg10[%add3A_11] : memref<131072xf32, #tpu.memory_space<hbm>> -> memref<64xf32, #tpu.memory_space<hbm>>
        %dma_wait3A_43 = tpu.memref_slice %arg10[%add3A_11] : memref<131072xf32, #tpu.memory_space<hbm>> -> memref<64xf32, #tpu.memory_space<hbm>>
        tpu.wait_dma2 semaphore(%run_scoped3A : memref<!tpu.dma_semaphore, #tpu.memory_space<semaphore_mem>>) src(%dma_wait3A_43 : memref<64xf32, #tpu.memory_space<hbm>>) dst(%arg19 : memref<64xf32, #tpu.memory_space<vmem>>)
        tpu.yield
      }) : () -> ()
      %dma_start3A = arith.constant 0 : i32
      %dma_start3A_12 = arith.constant 0 : i32
      %dma_start3A_13 = tpu.memref_slice %arg2[%dma_start3A, %dma_start3A_12] : memref<270336x128xf32, #tpu.memory_space<hbm>> -> memref<270336x128xf32, #tpu.memory_space<hbm>>
      tpu.enqueue_indirect_dma source(%dma_start3A_13 : memref<270336x128xf32, #tpu.memory_space<hbm>>) target(%arg20 : memref<64x128xf32, #tpu.memory_space<vmem>>) offsets(%arg12 : memref<64xi32, #tpu.memory_space<vmem>>) semaphore(%arg25 : memref<!tpu.dma_semaphore, #tpu.memory_space<semaphore_mem>>)
      %dma_start3A_14 = arith.constant 0 : i32
      %dma_start3A_15 = arith.constant 0 : i32
      %dma_start3A_16 = tpu.memref_slice %arg2[%dma_start3A_14, %dma_start3A_15] : memref<270336x128xf32, #tpu.memory_space<hbm>> -> memref<270336x128xf32, #tpu.memory_space<hbm>>
      tpu.enqueue_indirect_dma source(%dma_start3A_16 : memref<270336x128xf32, #tpu.memory_space<hbm>>) target(%arg21 : memref<64x128xf32, #tpu.memory_space<vmem>>) offsets(%arg13 : memref<64xi32, #tpu.memory_space<vmem>>) semaphore(%arg25 : memref<!tpu.dma_semaphore, #tpu.memory_space<semaphore_mem>>)
      %dma_start3A_17 = arith.constant 0 : i32
      %dma_start3A_18 = arith.constant 0 : i32
      %dma_start3A_19 = tpu.memref_slice %arg2[%dma_start3A_17, %dma_start3A_18] : memref<270336x128xf32, #tpu.memory_space<hbm>> -> memref<270336x128xf32, #tpu.memory_space<hbm>>
      tpu.enqueue_indirect_dma source(%dma_start3A_19 : memref<270336x128xf32, #tpu.memory_space<hbm>>) target(%arg22 : memref<64x128xf32, #tpu.memory_space<vmem>>) offsets(%arg14 : memref<64xi32, #tpu.memory_space<vmem>>) semaphore(%arg25 : memref<!tpu.dma_semaphore, #tpu.memory_space<semaphore_mem>>)
      %dma_start3A_20 = arith.constant 0 : i32
      %dma_start3A_21 = arith.constant 0 : i32
      %dma_start3A_22 = tpu.memref_slice %arg2[%dma_start3A_20, %dma_start3A_21] : memref<270336x128xf32, #tpu.memory_space<hbm>> -> memref<270336x128xf32, #tpu.memory_space<hbm>>
      tpu.enqueue_indirect_dma source(%dma_start3A_22 : memref<270336x128xf32, #tpu.memory_space<hbm>>) target(%arg23 : memref<64x128xf32, #tpu.memory_space<vmem>>) offsets(%arg15 : memref<64xi32, #tpu.memory_space<vmem>>) semaphore(%arg25 : memref<!tpu.dma_semaphore, #tpu.memory_space<semaphore_mem>>)
      %dma_wait3A = arith.constant 0 : i32
      %dma_wait3A_23 = arith.constant 0 : i32
      %dma_wait3A_24 = tpu.memref_slice %arg2[%dma_wait3A, %dma_wait3A_23] : memref<270336x128xf32, #tpu.memory_space<hbm>> -> memref<270336x128xf32, #tpu.memory_space<hbm>>
      tpu.wait_indirect_dma semaphore(%arg25 : memref<!tpu.dma_semaphore, #tpu.memory_space<semaphore_mem>>) src(%dma_wait3A_24 : memref<270336x128xf32, #tpu.memory_space<hbm>>) dst(%arg20 : memref<64x128xf32, #tpu.memory_space<vmem>>)
      %dma_wait3A_25 = arith.constant 0 : i32
      %dma_wait3A_26 = arith.constant 0 : i32
      %dma_wait3A_27 = tpu.memref_slice %arg2[%dma_wait3A_25, %dma_wait3A_26] : memref<270336x128xf32, #tpu.memory_space<hbm>> -> memref<270336x128xf32, #tpu.memory_space<hbm>>
      tpu.wait_indirect_dma semaphore(%arg25 : memref<!tpu.dma_semaphore, #tpu.memory_space<semaphore_mem>>) src(%dma_wait3A_27 : memref<270336x128xf32, #tpu.memory_space<hbm>>) dst(%arg21 : memref<64x128xf32, #tpu.memory_space<vmem>>)
      %dma_wait3A_28 = arith.constant 0 : i32
      %dma_wait3A_29 = arith.constant 0 : i32
      %dma_wait3A_30 = tpu.memref_slice %arg2[%dma_wait3A_28, %dma_wait3A_29] : memref<270336x128xf32, #tpu.memory_space<hbm>> -> memref<270336x128xf32, #tpu.memory_space<hbm>>
      tpu.wait_indirect_dma semaphore(%arg25 : memref<!tpu.dma_semaphore, #tpu.memory_space<semaphore_mem>>) src(%dma_wait3A_30 : memref<270336x128xf32, #tpu.memory_space<hbm>>) dst(%arg22 : memref<64x128xf32, #tpu.memory_space<vmem>>)
      %dma_wait3A_31 = arith.constant 0 : i32
      %dma_wait3A_32 = arith.constant 0 : i32
      %dma_wait3A_33 = tpu.memref_slice %arg2[%dma_wait3A_31, %dma_wait3A_32] : memref<270336x128xf32, #tpu.memory_space<hbm>> -> memref<270336x128xf32, #tpu.memory_space<hbm>>
      tpu.wait_indirect_dma semaphore(%arg25 : memref<!tpu.dma_semaphore, #tpu.memory_space<semaphore_mem>>) src(%dma_wait3A_33 : memref<270336x128xf32, #tpu.memory_space<hbm>>) dst(%arg23 : memref<64x128xf32, #tpu.memory_space<vmem>>)
      %scan3A_34 = arith.constant 0 : i32
      %scan3A_35 = arith.constant 0 : i32
      %scan3A_36 = arith.constant 4 : i32
      %scan3A_37 = arith.addi %scan3A_35, %scan3A_36 : i32
      %scan3A_38 = arith.constant 1 : i32
      scf.for %scan3A_40 = %scan3A_35 to %scan3A_37 step %scan3A_38  : i32 {
        %mul3A_41 = arith.constant 16 : i32
        %mul3A_42 = arith.muli %scan3A_40, %mul3A_41 : i32
        %get3A = arith.index_cast %mul3A_42 : i32 to index
        %get3A_43 = tpu.vector_load %arg16[%get3A] {strides = array<i32>} : memref<64xf32, #tpu.memory_space<vmem>>, vector<16xf32>,
        %get3A_44 = vector.shape_cast %get3A_43 : vector<16xf32> to vector<16xf32>
        %mul3A_45 = arith.constant 16 : i32
        %mul3A_46 = arith.muli %scan3A_40, %mul3A_45 : i32
        %get3A_47 = arith.index_cast %mul3A_46 : i32 to index
        %get3A_48 = tpu.vector_load %arg17[%get3A_47] {strides = array<i32>} : memref<64xf32, #tpu.memory_space<vmem>>, vector<16xf32>,
        %get3A_49 = vector.shape_cast %get3A_48 : vector<16xf32> to vector<16xf32>
        %mul3A_50 = arith.constant 16 : i32
        %mul3A_51 = arith.muli %scan3A_40, %mul3A_50 : i32
        %get3A_52 = arith.index_cast %mul3A_51 : i32 to index
        %get3A_53 = tpu.vector_load %arg18[%get3A_52] {strides = array<i32>} : memref<64xf32, #tpu.memory_space<vmem>>, vector<16xf32>,
        %get3A_54 = vector.shape_cast %get3A_53 : vector<16xf32> to vector<16xf32>
        %mul3A_55 = arith.constant 16 : i32
        %mul3A_56 = arith.muli %scan3A_40, %mul3A_55 : i32
        %get3A_57 = arith.index_cast %mul3A_56 : i32 to index
        %get3A_58 = tpu.vector_load %arg19[%get3A_57] {strides = array<i32>} : memref<64xf32, #tpu.memory_space<vmem>>, vector<16xf32>,
        %get3A_59 = vector.shape_cast %get3A_58 : vector<16xf32> to vector<16xf32>
        %broadcast_in_dim3A = arith.constant 0 : i32
        %broadcast_in_dim3A_60 = vector.broadcast %broadcast_in_dim3A : i32 to vector<16x1xi32>
        %gather3A = vector.shape_cast %broadcast_in_dim3A_60 : vector<16x1xi32> to vector<16xi32>
        %gather3A_61 = tpu.dynamic_gather %get3A_44[%gather3A] in [0] : vector<16xf32>, vector<16xi32> -> vector<16xf32>
        %gather3A_62 = vector.shape_cast %broadcast_in_dim3A_60 : vector<16x1xi32> to vector<16xi32>
        %gather3A_63 = tpu.dynamic_gather %get3A_49[%gather3A_62] in [0] : vector<16xf32>, vector<16xi32> -> vector<16xf32>
        %gather3A_64 = vector.shape_cast %broadcast_in_dim3A_60 : vector<16x1xi32> to vector<16xi32>
        %gather3A_65 = tpu.dynamic_gather %get3A_54[%gather3A_64] in [0] : vector<16xf32>, vector<16xi32> -> vector<16xf32>
        %gather3A_66 = vector.shape_cast %broadcast_in_dim3A_60 : vector<16x1xi32> to vector<16xi32>
        %gather3A_67 = tpu.dynamic_gather %get3A_59[%gather3A_66] in [0] : vector<16xf32>, vector<16xi32> -> vector<16xf32>
        %mul3A_68 = arith.constant 16 : i32
        %mul3A_69 = arith.muli %scan3A_40, %mul3A_68 : i32
        %add3A_70 = arith.constant 0 : i32
        %add3A_71 = arith.addi %mul3A_69, %add3A_70 : i32
        %get3A_72 = arith.index_cast %add3A_71 : i32 to index
        %get3A_73 = arith.constant 0 : index
        %get3A_74 = tpu.vector_load %arg20[%get3A_72, %get3A_73] {strides = array<i32>} : memref<64x128xf32, #tpu.memory_space<vmem>>, vector<1x16xf32>,
        %get3A_75 = vector.shape_cast %get3A_74 : vector<1x16xf32> to vector<16xf32>
        %mul3A_76 = arith.mulf %gather3A_61, %get3A_75 : vector<16xf32>
        %get3A_77 = arith.index_cast %add3A_71 : i32 to index
        %get3A_78 = arith.constant 0 : index
        %get3A_79 = tpu.vector_load %arg21[%get3A_77, %get3A_78] {strides = array<i32>} : memref<64x128xf32, #tpu.memory_space<vmem>>, vector<1x16xf32>,
        %get3A_80 = vector.shape_cast %get3A_79 : vector<1x16xf32> to vector<16xf32>
        %mul3A_81 = arith.mulf %gather3A_63, %get3A_80 : vector<16xf32>
        %add3A_82 = arith.addf %mul3A_76, %mul3A_81 : vector<16xf32>
        %get3A_83 = arith.index_cast %add3A_71 : i32 to index
        %get3A_84 = arith.constant 0 : index
        %get3A_85 = tpu.vector_load %arg22[%get3A_83, %get3A_84] {strides = array<i32>} : memref<64x128xf32, #tpu.memory_space<vmem>>, vector<1x16xf32>,
        %get3A_86 = vector.shape_cast %get3A_85 : vector<1x16xf32> to vector<16xf32>
        %mul3A_87 = arith.mulf %gather3A_65, %get3A_86 : vector<16xf32>
        %add3A_88 = arith.addf %add3A_82, %mul3A_87 : vector<16xf32>
        %get3A_89 = arith.index_cast %add3A_71 : i32 to index
        %get3A_90 = arith.constant 0 : index
        %get3A_91 = tpu.vector_load %arg23[%get3A_89, %get3A_90] {strides = array<i32>} : memref<64x128xf32, #tpu.memory_space<vmem>>, vector<1x16xf32>,
        %get3A_92 = vector.shape_cast %get3A_91 : vector<1x16xf32> to vector<16xf32>
        %mul3A_93 = arith.mulf %gather3A_67, %get3A_92 : vector<16xf32>
        %add3A_94 = arith.addf %add3A_88, %mul3A_93 : vector<16xf32>
        %swap3A = arith.index_cast %add3A_71 : i32 to index
        %swap3A_95 = arith.constant 0 : index
        %swap3A_96 = tpu.vector_load %arg24[%swap3A, %swap3A_95] {strides = array<i32>} : memref<64x64xf32, #tpu.memory_space<vmem>>, vector<1x16xf32>,
        %swap3A_97 = vector.shape_cast %swap3A_96 : vector<1x16xf32> to vector<16xf32>
        %swap3A_98 = vector.shape_cast %add3A_94 : vector<16xf32> to vector<1x16xf32>
        tpu.vector_store %arg24[%swap3A, %swap3A_95], %swap3A_98 {strides = array<i32>} : memref<64x64xf32, #tpu.memory_space<vmem>>, vector<1x16xf32>,
        %get3A_99 = arith.index_cast %add3A_71 : i32 to index
        %get3A_100 = arith.constant 16 : index
        %get3A_101 = tpu.vector_load %arg20[%get3A_99, %get3A_100] {strides = array<i32>} : memref<64x128xf32, #tpu.memory_space<vmem>>, vector<1x16xf32>,
        %get3A_102 = vector.shape_cast %get3A_101 : vector<1x16xf32> to vector<16xf32>
        %mul3A_103 = arith.mulf %gather3A_61, %get3A_102 : vector<16xf32>
        %get3A_104 = arith.index_cast %add3A_71 : i32 to index
        %get3A_105 = arith.constant 16 : index
        %get3A_106 = tpu.vector_load %arg21[%get3A_104, %get3A_105] {strides = array<i32>} : memref<64x128xf32, #tpu.memory_space<vmem>>, vector<1x16xf32>,
        %get3A_107 = vector.shape_cast %get3A_106 : vector<1x16xf32> to vector<16xf32>
        %mul3A_108 = arith.mulf %gather3A_63, %get3A_107 : vector<16xf32>
        %add3A_109 = arith.addf %mul3A_103, %mul3A_108 : vector<16xf32>
        %get3A_110 = arith.index_cast %add3A_71 : i32 to index
        %get3A_111 = arith.constant 16 : index
        %get3A_112 = tpu.vector_load %arg22[%get3A_110, %get3A_111] {strides = array<i32>} : memref<64x128xf32, #tpu.memory_space<vmem>>, vector<1x16xf32>,
        %get3A_113 = vector.shape_cast %get3A_112 : vector<1x16xf32> to vector<16xf32>
        %mul3A_114 = arith.mulf %gather3A_65, %get3A_113 : vector<16xf32>
        %add3A_115 = arith.addf %add3A_109, %mul3A_114 : vector<16xf32>
        %get3A_116 = arith.index_cast %add3A_71 : i32 to index
        %get3A_117 = arith.constant 16 : index
        %get3A_118 = tpu.vector_load %arg23[%get3A_116, %get3A_117] {strides = array<i32>} : memref<64x128xf32, #tpu.memory_space<vmem>>, vector<1x16xf32>,
        %get3A_119 = vector.shape_cast %get3A_118 : vector<1x16xf32> to vector<16xf32>
        %mul3A_120 = arith.mulf %gather3A_67, %get3A_119 : vector<16xf32>
        %add3A_121 = arith.addf %add3A_115, %mul3A_120 : vector<16xf32>
        %swap3A_122 = arith.index_cast %add3A_71 : i32 to index
        %swap3A_123 = arith.constant 16 : index
        %swap3A_124 = tpu.vector_load %arg24[%swap3A_122, %swap3A_123] {strides = array<i32>} : memref<64x64xf32, #tpu.memory_space<vmem>>, vector<1x16xf32>,
        %swap3A_125 = vector.shape_cast %swap3A_124 : vector<1x16xf32> to vector<16xf32>
        %swap3A_126 = vector.shape_cast %add3A_121 : vector<16xf32> to vector<1x16xf32>
        tpu.vector_store %arg24[%swap3A_122, %swap3A_123], %swap3A_126 {strides = array<i32>} : memref<64x64xf32, #tpu.memory_space<vmem>>, vector<1x16xf32>,
        %get3A_127 = arith.index_cast %add3A_71 : i32 to index
        %get3A_128 = arith.constant 32 : index
        %get3A_129 = tpu.vector_load %arg20[%get3A_127, %get3A_128] {strides = array<i32>} : memref<64x128xf32, #tpu.memory_space<vmem>>, vector<1x16xf32>,
        %get3A_130 = vector.shape_cast %get3A_129 : vector<1x16xf32> to vector<16xf32>
        %mul3A_131 = arith.mulf %gather3A_61, %get3A_130 : vector<16xf32>
        %get3A_132 = arith.index_cast %add3A_71 : i32 to index
        %get3A_133 = arith.constant 32 : index
        %get3A_134 = tpu.vector_load %arg21[%get3A_132, %get3A_133] {strides = array<i32>} : memref<64x128xf32, #tpu.memory_space<vmem>>, vector<1x16xf32>,
        %get3A_135 = vector.shape_cast %get3A_134 : vector<1x16xf32> to vector<16xf32>
        %mul3A_136 = arith.mulf %gather3A_63, %get3A_135 : vector<16xf32>
        %add3A_137 = arith.addf %mul3A_131, %mul3A_136 : vector<16xf32>
        %get3A_138 = arith.index_cast %add3A_71 : i32 to index
        %get3A_139 = arith.constant 32 : index
        %get3A_140 = tpu.vector_load %arg22[%get3A_138, %get3A_139] {strides = array<i32>} : memref<64x128xf32, #tpu.memory_space<vmem>>, vector<1x16xf32>,
        %get3A_141 = vector.shape_cast %get3A_140 : vector<1x16xf32> to vector<16xf32>
        %mul3A_142 = arith.mulf %gather3A_65, %get3A_141 : vector<16xf32>
        %add3A_143 = arith.addf %add3A_137, %mul3A_142 : vector<16xf32>
        %get3A_144 = arith.index_cast %add3A_71 : i32 to index
        %get3A_145 = arith.constant 32 : index
        %get3A_146 = tpu.vector_load %arg23[%get3A_144, %get3A_145] {strides = array<i32>} : memref<64x128xf32, #tpu.memory_space<vmem>>, vector<1x16xf32>,
        %get3A_147 = vector.shape_cast %get3A_146 : vector<1x16xf32> to vector<16xf32>
        %mul3A_148 = arith.mulf %gather3A_67, %get3A_147 : vector<16xf32>
        %add3A_149 = arith.addf %add3A_143, %mul3A_148 : vector<16xf32>
        %swap3A_150 = arith.index_cast %add3A_71 : i32 to index
        %swap3A_151 = arith.constant 32 : index
        %swap3A_152 = tpu.vector_load %arg24[%swap3A_150, %swap3A_151] {strides = array<i32>} : memref<64x64xf32, #tpu.memory_space<vmem>>, vector<1x16xf32>,
        %swap3A_153 = vector.shape_cast %swap3A_152 : vector<1x16xf32> to vector<16xf32>
        %swap3A_154 = vector.shape_cast %add3A_149 : vector<16xf32> to vector<1x16xf32>
        tpu.vector_store %arg24[%swap3A_150, %swap3A_151], %swap3A_154 {strides = array<i32>} : memref<64x64xf32, #tpu.memory_space<vmem>>, vector<1x16xf32>,
        %get3A_155 = arith.index_cast %add3A_71 : i32 to index
        %get3A_156 = arith.constant 48 : index
        %get3A_157 = tpu.vector_load %arg20[%get3A_155, %get3A_156] {strides = array<i32>} : memref<64x128xf32, #tpu.memory_space<vmem>>, vector<1x16xf32>,
        %get3A_158 = vector.shape_cast %get3A_157 : vector<1x16xf32> to vector<16xf32>
        %mul3A_159 = arith.mulf %gather3A_61, %get3A_158 : vector<16xf32>
        %get3A_160 = arith.index_cast %add3A_71 : i32 to index
        %get3A_161 = arith.constant 48 : index
        %get3A_162 = tpu.vector_load %arg21[%get3A_160, %get3A_161] {strides = array<i32>} : memref<64x128xf32, #tpu.memory_space<vmem>>, vector<1x16xf32>,
        %get3A_163 = vector.shape_cast %get3A_162 : vector<1x16xf32> to vector<16xf32>
        %mul3A_164 = arith.mulf %gather3A_63, %get3A_163 : vector<16xf32>
        %add3A_165 = arith.addf %mul3A_159, %mul3A_164 : vector<16xf32>
        %get3A_166 = arith.index_cast %add3A_71 : i32 to index
        %get3A_167 = arith.constant 48 : index
        %get3A_168 = tpu.vector_load %arg22[%get3A_166, %get3A_167] {strides = array<i32>} : memref<64x128xf32, #tpu.memory_space<vmem>>, vector<1x16xf32>,
        %get3A_169 = vector.shape_cast %get3A_168 : vector<1x16xf32> to vector<16xf32>
        %mul3A_170 = arith.mulf %gather3A_65, %get3A_169 : vector<16xf32>
        %add3A_171 = arith.addf %add3A_165, %mul3A_170 : vector<16xf32>
        %get3A_172 = arith.index_cast %add3A_71 : i32 to index
        %get3A_173 = arith.constant 48 : index
        %get3A_174 = tpu.vector_load %arg23[%get3A_172, %get3A_173] {strides = array<i32>} : memref<64x128xf32, #tpu.memory_space<vmem>>, vector<1x16xf32>,
        %get3A_175 = vector.shape_cast %get3A_174 : vector<1x16xf32> to vector<16xf32>
        %mul3A_176 = arith.mulf %gather3A_67, %get3A_175 : vector<16xf32>
        %add3A_177 = arith.addf %add3A_171, %mul3A_176 : vector<16xf32>
        %swap3A_178 = arith.index_cast %add3A_71 : i32 to index
        %swap3A_179 = arith.constant 48 : index
        %swap3A_180 = tpu.vector_load %arg24[%swap3A_178, %swap3A_179] {strides = array<i32>} : memref<64x64xf32, #tpu.memory_space<vmem>>, vector<1x16xf32>,
        %swap3A_181 = vector.shape_cast %swap3A_180 : vector<1x16xf32> to vector<16xf32>
        %swap3A_182 = vector.shape_cast %add3A_177 : vector<16xf32> to vector<1x16xf32>
        tpu.vector_store %arg24[%swap3A_178, %swap3A_179], %swap3A_182 {strides = array<i32>} : memref<64x64xf32, #tpu.memory_space<vmem>>, vector<1x16xf32>,
        %broadcast_in_dim3A_183 = arith.constant 1 : i32
        %broadcast_in_dim3A_184 = vector.broadcast %broadcast_in_dim3A_183 : i32 to vector<16x1xi32>
        %gather3A_185 = vector.shape_cast %broadcast_in_dim3A_184 : vector<16x1xi32> to vector<16xi32>
        %gather3A_186 = tpu.dynamic_gather %get3A_44[%gather3A_185] in [0] : vector<16xf32>, vector<16xi32> -> vector<16xf32>
        %gather3A_187 = vector.shape_cast %broadcast_in_dim3A_184 : vector<16x1xi32> to vector<16xi32>
        %gather3A_188 = tpu.dynamic_gather %get3A_49[%gather3A_187] in [0] : vector<16xf32>, vector<16xi32> -> vector<16xf32>
        %gather3A_189 = vector.shape_cast %broadcast_in_dim3A_184 : vector<16x1xi32> to vector<16xi32>
        %gather3A_190 = tpu.dynamic_gather %get3A_54[%gather3A_189] in [0] : vector<16xf32>, vector<16xi32> -> vector<16xf32>
        %gather3A_191 = vector.shape_cast %broadcast_in_dim3A_184 : vector<16x1xi32> to vector<16xi32>
        %gather3A_192 = tpu.dynamic_gather %get3A_59[%gather3A_191] in [0] : vector<16xf32>, vector<16xi32> -> vector<16xf32>
        %mul3A_193 = arith.constant 16 : i32
        %mul3A_194 = arith.muli %scan3A_40, %mul3A_193 : i32
        %add3A_195 = arith.constant 1 : i32
        %add3A_196 = arith.addi %mul3A_194, %add3A_195 : i32
        %get3A_197 = arith.index_cast %add3A_196 : i32 to index
        %get3A_198 = arith.constant 0 : index
        %get3A_199 = tpu.vector_load %arg20[%get3A_197, %get3A_198] {strides = array<i32>} : memref<64x128xf32, #tpu.memory_space<vmem>>, vector<1x16xf32>,
        %get3A_200 = vector.shape_cast %get3A_199 : vector<1x16xf32> to vector<16xf32>
        %mul3A_201 = arith.mulf %gather3A_186, %get3A_200 : vector<16xf32>
        %get3A_202 = arith.index_cast %add3A_196 : i32 to index
        %get3A_203 = arith.constant 0 : index
        %get3A_204 = tpu.vector_load %arg21[%get3A_202, %get3A_203] {strides = array<i32>} : memref<64x128xf32, #tpu.memory_space<vmem>>, vector<1x16xf32>,
        %get3A_205 = vector.shape_cast %get3A_204 : vector<1x16xf32> to vector<16xf32>
        %mul3A_206 = arith.mulf %gather3A_188, %get3A_205 : vector<16xf32>
        %add3A_207 = arith.addf %mul3A_201, %mul3A_206 : vector<16xf32>
        %get3A_208 = arith.index_cast %add3A_196 : i32 to index
        %get3A_209 = arith.constant 0 : index
        %get3A_210 = tpu.vector_load %arg22[%get3A_208, %get3A_209] {strides = array<i32>} : memref<64x128xf32, #tpu.memory_space<vmem>>, vector<1x16xf32>,
        %get3A_211 = vector.shape_cast %get3A_210 : vector<1x16xf32> to vector<16xf32>
        %mul3A_212 = arith.mulf %gather3A_190, %get3A_211 : vector<16xf32>
        %add3A_213 = arith.addf %add3A_207, %mul3A_212 : vector<16xf32>
        %get3A_214 = arith.index_cast %add3A_196 : i32 to index
        %get3A_215 = arith.constant 0 : index
        %get3A_216 = tpu.vector_load %arg23[%get3A_214, %get3A_215] {strides = array<i32>} : memref<64x128xf32, #tpu.memory_space<vmem>>, vector<1x16xf32>,
        %get3A_217 = vector.shape_cast %get3A_216 : vector<1x16xf32> to vector<16xf32>
        %mul3A_218 = arith.mulf %gather3A_192, %get3A_217 : vector<16xf32>
        %add3A_219 = arith.addf %add3A_213, %mul3A_218 : vector<16xf32>
        %swap3A_220 = arith.index_cast %add3A_196 : i32 to index
        %swap3A_221 = arith.constant 0 : index
        %swap3A_222 = tpu.vector_load %arg24[%swap3A_220, %swap3A_221] {strides = array<i32>} : memref<64x64xf32, #tpu.memory_space<vmem>>, vector<1x16xf32>,
        %swap3A_223 = vector.shape_cast %swap3A_222 : vector<1x16xf32> to vector<16xf32>
        %swap3A_224 = vector.shape_cast %add3A_219 : vector<16xf32> to vector<1x16xf32>
        tpu.vector_store %arg24[%swap3A_220, %swap3A_221], %swap3A_224 {strides = array<i32>} : memref<64x64xf32, #tpu.memory_space<vmem>>, vector<1x16xf32>,
        %get3A_225 = arith.index_cast %add3A_196 : i32 to index
        %get3A_226 = arith.constant 16 : index
        %get3A_227 = tpu.vector_load %arg20[%get3A_225, %get3A_226] {strides = array<i32>} : memref<64x128xf32, #tpu.memory_space<vmem>>, vector<1x16xf32>,
        %get3A_228 = vector.shape_cast %get3A_227 : vector<1x16xf32> to vector<16xf32>
        %mul3A_229 = arith.mulf %gather3A_186, %get3A_228 : vector<16xf32>
        %get3A_230 = arith.index_cast %add3A_196 : i32 to index
        %get3A_231 = arith.constant 16 : index
        %get3A_232 = tpu.vector_load %arg21[%get3A_230, %get3A_231] {strides = array<i32>} : memref<64x128xf32, #tpu.memory_space<vmem>>, vector<1x16xf32>,
        %get3A_233 = vector.shape_cast %get3A_232 : vector<1x16xf32> to vector<16xf32>
        %mul3A_234 = arith.mulf %gather3A_188, %get3A_233 : vector<16xf32>
        %add3A_235 = arith.addf %mul3A_229, %mul3A_234 : vector<16xf32>
        %get3A_236 = arith.index_cast %add3A_196 : i32 to index
        %get3A_237 = arith.constant 16 : index
        %get3A_238 = tpu.vector_load %arg22[%get3A_236, %get3A_237] {strides = array<i32>} : memref<64x128xf32, #tpu.memory_space<vmem>>, vector<1x16xf32>,
        %get3A_239 = vector.shape_cast %get3A_238 : vector<1x16xf32> to vector<16xf32>
        %mul3A_240 = arith.mulf %gather3A_190, %get3A_239 : vector<16xf32>
        %add3A_241 = arith.addf %add3A_235, %mul3A_240 : vector<16xf32>
        %get3A_242 = arith.index_cast %add3A_196 : i32 to index
        %get3A_243 = arith.constant 16 : index
        %get3A_244 = tpu.vector_load %arg23[%get3A_242, %get3A_243] {strides = array<i32>} : memref<64x128xf32, #tpu.memory_space<vmem>>, vector<1x16xf32>,
        %get3A_245 = vector.shape_cast %get3A_244 : vector<1x16xf32> to vector<16xf32>
        %mul3A_246 = arith.mulf %gather3A_192, %get3A_245 : vector<16xf32>
        %add3A_247 = arith.addf %add3A_241, %mul3A_246 : vector<16xf32>
        %swap3A_248 = arith.index_cast %add3A_196 : i32 to index
        %swap3A_249 = arith.constant 16 : index
        %swap3A_250 = tpu.vector_load %arg24[%swap3A_248, %swap3A_249] {strides = array<i32>} : memref<64x64xf32, #tpu.memory_space<vmem>>, vector<1x16xf32>,
        %swap3A_251 = vector.shape_cast %swap3A_250 : vector<1x16xf32> to vector<16xf32>
        %swap3A_252 = vector.shape_cast %add3A_247 : vector<16xf32> to vector<1x16xf32>
        tpu.vector_store %arg24[%swap3A_248, %swap3A_249], %swap3A_252 {strides = array<i32>} : memref<64x64xf32, #tpu.memory_space<vmem>>, vector<1x16xf32>,
        %get3A_253 = arith.index_cast %add3A_196 : i32 to index
        %get3A_254 = arith.constant 32 : index
        %get3A_255 = tpu.vector_load %arg20[%get3A_253, %get3A_254] {strides = array<i32>} : memref<64x128xf32, #tpu.memory_space<vmem>>, vector<1x16xf32>,
        %get3A_256 = vector.shape_cast %get3A_255 : vector<1x16xf32> to vector<16xf32>
        %mul3A_257 = arith.mulf %gather3A_186, %get3A_256 : vector<16xf32>
        %get3A_258 = arith.index_cast %add3A_196 : i32 to index
        %get3A_259 = arith.constant 32 : index
        %get3A_260 = tpu.vector_load %arg21[%get3A_258, %get3A_259] {strides = array<i32>} : memref<64x128xf32, #tpu.memory_space<vmem>>, vector<1x16xf32>,
        %get3A_261 = vector.shape_cast %get3A_260 : vector<1x16xf32> to vector<16xf32>
        %mul3A_262 = arith.mulf %gather3A_188, %get3A_261 : vector<16xf32>
        %add3A_263 = arith.addf %mul3A_257, %mul3A_262 : vector<16xf32>
        %get3A_264 = arith.index_cast %add3A_196 : i32 to index
        %get3A_265 = arith.constant 32 : index
        %get3A_266 = tpu.vector_load %arg22[%get3A_264, %get3A_265] {strides = array<i32>} : memref<64x128xf32, #tpu.memory_space<vmem>>, vector<1x16xf32>,
        %get3A_267 = vector.shape_cast %get3A_266 : vector<1x16xf32> to vector<16xf32>
        %mul3A_268 = arith.mulf %gather3A_190, %get3A_267 : vector<16xf32>
        %add3A_269 = arith.addf %add3A_263, %mul3A_268 : vector<16xf32>
        %get3A_270 = arith.index_cast %add3A_196 : i32 to index
        %get3A_271 = arith.constant 32 : index
        %get3A_272 = tpu.vector_load %arg23[%get3A_270, %get3A_271] {strides = array<i32>} : memref<64x128xf32, #tpu.memory_space<vmem>>, vector<1x16xf32>,
        %get3A_273 = vector.shape_cast %get3A_272 : vector<1x16xf32> to vector<16xf32>
        %mul3A_274 = arith.mulf %gather3A_192, %get3A_273 : vector<16xf32>
        %add3A_275 = arith.addf %add3A_269, %mul3A_274 : vector<16xf32>
        %swap3A_276 = arith.index_cast %add3A_196 : i32 to index
        %swap3A_277 = arith.constant 32 : index
        %swap3A_278 = tpu.vector_load %arg24[%swap3A_276, %swap3A_277] {strides = array<i32>} : memref<64x64xf32, #tpu.memory_space<vmem>>, vector<1x16xf32>,
        %swap3A_279 = vector.shape_cast %swap3A_278 : vector<1x16xf32> to vector<16xf32>
        %swap3A_280 = vector.shape_cast %add3A_275 : vector<16xf32> to vector<1x16xf32>
        tpu.vector_store %arg24[%swap3A_276, %swap3A_277], %swap3A_280 {strides = array<i32>} : memref<64x64xf32, #tpu.memory_space<vmem>>, vector<1x16xf32>,
        %get3A_281 = arith.index_cast %add3A_196 : i32 to index
        %get3A_282 = arith.constant 48 : index
        %get3A_283 = tpu.vector_load %arg20[%get3A_281, %get3A_282] {strides = array<i32>} : memref<64x128xf32, #tpu.memory_space<vmem>>, vector<1x16xf32>,
        %get3A_284 = vector.shape_cast %get3A_283 : vector<1x16xf32> to vector<16xf32>
        %mul3A_285 = arith.mulf %gather3A_186, %get3A_284 : vector<16xf32>
        %get3A_286 = arith.index_cast %add3A_196 : i32 to index
        %get3A_287 = arith.constant 48 : index
        %get3A_288 = tpu.vector_load %arg21[%get3A_286, %get3A_287] {strides = array<i32>} : memref<64x128xf32, #tpu.memory_space<vmem>>, vector<1x16xf32>,
        %get3A_289 = vector.shape_cast %get3A_288 : vector<1x16xf32> to vector<16xf32>
        %mul3A_290 = arith.mulf %gather3A_188, %get3A_289 : vector<16xf32>
        %add3A_291 = arith.addf %mul3A_285, %mul3A_290 : vector<16xf32>
        %get3A_292 = arith.index_cast %add3A_196 : i32 to index
        %get3A_293 = arith.constant 48 : index
        %get3A_294 = tpu.vector_load %arg22[%get3A_292, %get3A_293] {strides = array<i32>} : memref<64x128xf32, #tpu.memory_space<vmem>>, vector<1x16xf32>,
        %get3A_295 = vector.shape_cast %get3A_294 : vector<1x16xf32> to vector<16xf32>
        %mul3A_296 = arith.mulf %gather3A_190, %get3A_295 : vector<16xf32>
        %add3A_297 = arith.addf %add3A_291, %mul3A_296 : vector<16xf32>
        %get3A_298 = arith.index_cast %add3A_196 : i32 to index
        %get3A_299 = arith.constant 48 : index
        %get3A_300 = tpu.vector_load %arg23[%get3A_298, %get3A_299] {strides = array<i32>} : memref<64x128xf32, #tpu.memory_space<vmem>>, vector<1x16xf32>,
        %get3A_301 = vector.shape_cast %get3A_300 : vector<1x16xf32> to vector<16xf32>
        %mul3A_302 = arith.mulf %gather3A_192, %get3A_301 : vector<16xf32>
        %add3A_303 = arith.addf %add3A_297, %mul3A_302 : vector<16xf32>
        %swap3A_304 = arith.index_cast %add3A_196 : i32 to index
        %swap3A_305 = arith.constant 48 : index
        %swap3A_306 = tpu.vector_load %arg24[%swap3A_304, %swap3A_305] {strides = array<i32>} : memref<64x64xf32, #tpu.memory_space<vmem>>, vector<1x16xf32>,
        %swap3A_307 = vector.shape_cast %swap3A_306 : vector<1x16xf32> to vector<16xf32>
        %swap3A_308 = vector.shape_cast %add3A_303 : vector<16xf32> to vector<1x16xf32>
        tpu.vector_store %arg24[%swap3A_304, %swap3A_305], %swap3A_308 {strides = array<i32>} : memref<64x64xf32, #tpu.memory_space<vmem>>, vector<1x16xf32>,
        %broadcast_in_dim3A_309 = arith.constant 2 : i32
        %broadcast_in_dim3A_310 = vector.broadcast %broadcast_in_dim3A_309 : i32 to vector<16x1xi32>
        %gather3A_311 = vector.shape_cast %broadcast_in_dim3A_310 : vector<16x1xi32> to vector<16xi32>
        %gather3A_312 = tpu.dynamic_gather %get3A_44[%gather3A_311] in [0] : vector<16xf32>, vector<16xi32> -> vector<16xf32>
        %gather3A_313 = vector.shape_cast %broadcast_in_dim3A_310 : vector<16x1xi32> to vector<16xi32>
        %gather3A_314 = tpu.dynamic_gather %get3A_49[%gather3A_313] in [0] : vector<16xf32>, vector<16xi32> -> vector<16xf32>
        %gather3A_315 = vector.shape_cast %broadcast_in_dim3A_310 : vector<16x1xi32> to vector<16xi32>
        %gather3A_316 = tpu.dynamic_gather %get3A_54[%gather3A_315] in [0] : vector<16xf32>, vector<16xi32> -> vector<16xf32>
        %gather3A_317 = vector.shape_cast %broadcast_in_dim3A_310 : vector<16x1xi32> to vector<16xi32>
        %gather3A_318 = tpu.dynamic_gather %get3A_59[%gather3A_317] in [0] : vector<16xf32>, vector<16xi32> -> vector<16xf32>
        %mul3A_319 = arith.constant 16 : i32
        %mul3A_320 = arith.muli %scan3A_40, %mul3A_319 : i32
        %add3A_321 = arith.constant 2 : i32
        %add3A_322 = arith.addi %mul3A_320, %add3A_321 : i32
        %get3A_323 = arith.index_cast %add3A_322 : i32 to index
        %get3A_324 = arith.constant 0 : index
        %get3A_325 = tpu.vector_load %arg20[%get3A_323, %get3A_324] {strides = array<i32>} : memref<64x128xf32, #tpu.memory_space<vmem>>, vector<1x16xf32>,
        %get3A_326 = vector.shape_cast %get3A_325 : vector<1x16xf32> to vector<16xf32>
        %mul3A_327 = arith.mulf %gather3A_312, %get3A_326 : vector<16xf32>
        %get3A_328 = arith.index_cast %add3A_322 : i32 to index
        %get3A_329 = arith.constant 0 : index
        %get3A_330 = tpu.vector_load %arg21[%get3A_328, %get3A_329] {strides = array<i32>} : memref<64x128xf32, #tpu.memory_space<vmem>>, vector<1x16xf32>,
        %get3A_331 = vector.shape_cast %get3A_330 : vector<1x16xf32> to vector<16xf32>
        %mul3A_332 = arith.mulf %gather3A_314, %get3A_331 : vector<16xf32>
        %add3A_333 = arith.addf %mul3A_327, %mul3A_332 : vector<16xf32>
        %get3A_334 = arith.index_cast %add3A_322 : i32 to index
        %get3A_335 = arith.constant 0 : index
        %get3A_336 = tpu.vector_load %arg22[%get3A_334, %get3A_335] {strides = array<i32>} : memref<64x128xf32, #tpu.memory_space<vmem>>, vector<1x16xf32>,
        %get3A_337 = vector.shape_cast %get3A_336 : vector<1x16xf32> to vector<16xf32>
        %mul3A_338 = arith.mulf %gather3A_316, %get3A_337 : vector<16xf32>
        %add3A_339 = arith.addf %add3A_333, %mul3A_338 : vector<16xf32>
        %get3A_340 = arith.index_cast %add3A_322 : i32 to index
        %get3A_341 = arith.constant 0 : index
        %get3A_342 = tpu.vector_load %arg23[%get3A_340, %get3A_341] {strides = array<i32>} : memref<64x128xf32, #tpu.memory_space<vmem>>, vector<1x16xf32>,
        %get3A_343 = vector.shape_cast %get3A_342 : vector<1x16xf32> to vector<16xf32>
        %mul3A_344 = arith.mulf %gather3A_318, %get3A_343 : vector<16xf32>
        %add3A_345 = arith.addf %add3A_339, %mul3A_344 : vector<16xf32>
        %swap3A_346 = arith.index_cast %add3A_322 : i32 to index
        %swap3A_347 = arith.constant 0 : index
        %swap3A_348 = tpu.vector_load %arg24[%swap3A_346, %swap3A_347] {strides = array<i32>} : memref<64x64xf32, #tpu.memory_space<vmem>>, vector<1x16xf32>,
        %swap3A_349 = vector.shape_cast %swap3A_348 : vector<1x16xf32> to vector<16xf32>
        %swap3A_350 = vector.shape_cast %add3A_345 : vector<16xf32> to vector<1x16xf32>
        tpu.vector_store %arg24[%swap3A_346, %swap3A_347], %swap3A_350 {strides = array<i32>} : memref<64x64xf32, #tpu.memory_space<vmem>>, vector<1x16xf32>,
        %get3A_351 = arith.index_cast %add3A_322 : i32 to index
        %get3A_352 = arith.constant 16 : index
        %get3A_353 = tpu.vector_load %arg20[%get3A_351, %get3A_352] {strides = array<i32>} : memref<64x128xf32, #tpu.memory_space<vmem>>, vector<1x16xf32>,
        %get3A_354 = vector.shape_cast %get3A_353 : vector<1x16xf32> to vector<16xf32>
        %mul3A_355 = arith.mulf %gather3A_312, %get3A_354 : vector<16xf32>
        %get3A_356 = arith.index_cast %add3A_322 : i32 to index
        %get3A_357 = arith.constant 16 : index
        %get3A_358 = tpu.vector_load %arg21[%get3A_356, %get3A_357] {strides = array<i32>} : memref<64x128xf32, #tpu.memory_space<vmem>>, vector<1x16xf32>,
        %get3A_359 = vector.shape_cast %get3A_358 : vector<1x16xf32> to vector<16xf32>
        %mul3A_360 = arith.mulf %gather3A_314, %get3A_359 : vector<16xf32>
        %add3A_361 = arith.addf %mul3A_355, %mul3A_360 : vector<16xf32>
        %get3A_362 = arith.index_cast %add3A_322 : i32 to index
        %get3A_363 = arith.constant 16 : index
        %get3A_364 = tpu.vector_load %arg22[%get3A_362, %get3A_363] {strides = array<i32>} : memref<64x128xf32, #tpu.memory_space<vmem>>, vector<1x16xf32>,
        %get3A_365 = vector.shape_cast %get3A_364 : vector<1x16xf32> to vector<16xf32>
        %mul3A_366 = arith.mulf %gather3A_316, %get3A_365 : vector<16xf32>
        %add3A_367 = arith.addf %add3A_361, %mul3A_366 : vector<16xf32>
        %get3A_368 = arith.index_cast %add3A_322 : i32 to index
        %get3A_369 = arith.constant 16 : index
        %get3A_370 = tpu.vector_load %arg23[%get3A_368, %get3A_369] {strides = array<i32>} : memref<64x128xf32, #tpu.memory_space<vmem>>, vector<1x16xf32>,
        %get3A_371 = vector.shape_cast %get3A_370 : vector<1x16xf32> to vector<16xf32>
        %mul3A_372 = arith.mulf %gather3A_318, %get3A_371 : vector<16xf32>
        %add3A_373 = arith.addf %add3A_367, %mul3A_372 : vector<16xf32>
        %swap3A_374 = arith.index_cast %add3A_322 : i32 to index
        %swap3A_375 = arith.constant 16 : index
        %swap3A_376 = tpu.vector_load %arg24[%swap3A_374, %swap3A_375] {strides = array<i32>} : memref<64x64xf32, #tpu.memory_space<vmem>>, vector<1x16xf32>,
        %swap3A_377 = vector.shape_cast %swap3A_376 : vector<1x16xf32> to vector<16xf32>
        %swap3A_378 = vector.shape_cast %add3A_373 : vector<16xf32> to vector<1x16xf32>
        tpu.vector_store %arg24[%swap3A_374, %swap3A_375], %swap3A_378 {strides = array<i32>} : memref<64x64xf32, #tpu.memory_space<vmem>>, vector<1x16xf32>,
        %get3A_379 = arith.index_cast %add3A_322 : i32 to index
        %get3A_380 = arith.constant 32 : index
        %get3A_381 = tpu.vector_load %arg20[%get3A_379, %get3A_380] {strides = array<i32>} : memref<64x128xf32, #tpu.memory_space<vmem>>, vector<1x16xf32>,
        %get3A_382 = vector.shape_cast %get3A_381 : vector<1x16xf32> to vector<16xf32>
        %mul3A_383 = arith.mulf %gather3A_312, %get3A_382 : vector<16xf32>
        %get3A_384 = arith.index_cast %add3A_322 : i32 to index
        %get3A_385 = arith.constant 32 : index
        %get3A_386 = tpu.vector_load %arg21[%get3A_384, %get3A_385] {strides = array<i32>} : memref<64x128xf32, #tpu.memory_space<vmem>>, vector<1x16xf32>,
        %get3A_387 = vector.shape_cast %get3A_386 : vector<1x16xf32> to vector<16xf32>
        %mul3A_388 = arith.mulf %gather3A_314, %get3A_387 : vector<16xf32>
        %add3A_389 = arith.addf %mul3A_383, %mul3A_388 : vector<16xf32>
        %get3A_390 = arith.index_cast %add3A_322 : i32 to index
        %get3A_391 = arith.constant 32 : index
        %get3A_392 = tpu.vector_load %arg22[%get3A_390, %get3A_391] {strides = array<i32>} : memref<64x128xf32, #tpu.memory_space<vmem>>, vector<1x16xf32>,
        %get3A_393 = vector.shape_cast %get3A_392 : vector<1x16xf32> to vector<16xf32>
        %mul3A_394 = arith.mulf %gather3A_316, %get3A_393 : vector<16xf32>
        %add3A_395 = arith.addf %add3A_389, %mul3A_394 : vector<16xf32>
        %get3A_396 = arith.index_cast %add3A_322 : i32 to index
        %get3A_397 = arith.constant 32 : index
        %get3A_398 = tpu.vector_load %arg23[%get3A_396, %get3A_397] {strides = array<i32>} : memref<64x128xf32, #tpu.memory_space<vmem>>, vector<1x16xf32>,
        %get3A_399 = vector.shape_cast %get3A_398 : vector<1x16xf32> to vector<16xf32>
        %mul3A_400 = arith.mulf %gather3A_318, %get3A_399 : vector<16xf32>
        %add3A_401 = arith.addf %add3A_395, %mul3A_400 : vector<16xf32>
        %swap3A_402 = arith.index_cast %add3A_322 : i32 to index
        %swap3A_403 = arith.constant 32 : index
        %swap3A_404 = tpu.vector_load %arg24[%swap3A_402, %swap3A_403] {strides = array<i32>} : memref<64x64xf32, #tpu.memory_space<vmem>>, vector<1x16xf32>,
        %swap3A_405 = vector.shape_cast %swap3A_404 : vector<1x16xf32> to vector<16xf32>
        %swap3A_406 = vector.shape_cast %add3A_401 : vector<16xf32> to vector<1x16xf32>
        tpu.vector_store %arg24[%swap3A_402, %swap3A_403], %swap3A_406 {strides = array<i32>} : memref<64x64xf32, #tpu.memory_space<vmem>>, vector<1x16xf32>,
        %get3A_407 = arith.index_cast %add3A_322 : i32 to index
        %get3A_408 = arith.constant 48 : index
        %get3A_409 = tpu.vector_load %arg20[%get3A_407, %get3A_408] {strides = array<i32>} : memref<64x128xf32, #tpu.memory_space<vmem>>, vector<1x16xf32>,
        %get3A_410 = vector.shape_cast %get3A_409 : vector<1x16xf32> to vector<16xf32>
        %mul3A_411 = arith.mulf %gather3A_312, %get3A_410 : vector<16xf32>
        %get3A_412 = arith.index_cast %add3A_322 : i32 to index
        %get3A_413 = arith.constant 48 : index
        %get3A_414 = tpu.vector_load %arg21[%get3A_412, %get3A_413] {strides = array<i32>} : memref<64x128xf32, #tpu.memory_space<vmem>>, vector<1x16xf32>,
        %get3A_415 = vector.shape_cast %get3A_414 : vector<1x16xf32> to vector<16xf32>
        %mul3A_416 = arith.mulf %gather3A_314, %get3A_415 : vector<16xf32>
        %add3A_417 = arith.addf %mul3A_411, %mul3A_416 : vector<16xf32>
        %get3A_418 = arith.index_cast %add3A_322 : i32 to index
        %get3A_419 = arith.constant 48 : index
        %get3A_420 = tpu.vector_load %arg22[%get3A_418, %get3A_419] {strides = array<i32>} : memref<64x128xf32, #tpu.memory_space<vmem>>, vector<1x16xf32>,
        %get3A_421 = vector.shape_cast %get3A_420 : vector<1x16xf32> to vector<16xf32>
        %mul3A_422 = arith.mulf %gather3A_316, %get3A_421 : vector<16xf32>
        %add3A_423 = arith.addf %add3A_417, %mul3A_422 : vector<16xf32>
        %get3A_424 = arith.index_cast %add3A_322 : i32 to index
        %get3A_425 = arith.constant 48 : index
        %get3A_426 = tpu.vector_load %arg23[%get3A_424, %get3A_425] {strides = array<i32>} : memref<64x128xf32, #tpu.memory_space<vmem>>, vector<1x16xf32>,
        %get3A_427 = vector.shape_cast %get3A_426 : vector<1x16xf32> to vector<16xf32>
        %mul3A_428 = arith.mulf %gather3A_318, %get3A_427 : vector<16xf32>
        %add3A_429 = arith.addf %add3A_423, %mul3A_428 : vector<16xf32>
        %swap3A_430 = arith.index_cast %add3A_322 : i32 to index
        %swap3A_431 = arith.constant 48 : index
        %swap3A_432 = tpu.vector_load %arg24[%swap3A_430, %swap3A_431] {strides = array<i32>} : memref<64x64xf32, #tpu.memory_space<vmem>>, vector<1x16xf32>,
        %swap3A_433 = vector.shape_cast %swap3A_432 : vector<1x16xf32> to vector<16xf32>
        %swap3A_434 = vector.shape_cast %add3A_429 : vector<16xf32> to vector<1x16xf32>
        tpu.vector_store %arg24[%swap3A_430, %swap3A_431], %swap3A_434 {strides = array<i32>} : memref<64x64xf32, #tpu.memory_space<vmem>>, vector<1x16xf32>,
        %broadcast_in_dim3A_435 = arith.constant 3 : i32
        %broadcast_in_dim3A_436 = vector.broadcast %broadcast_in_dim3A_435 : i32 to vector<16x1xi32>
        %gather3A_437 = vector.shape_cast %broadcast_in_dim3A_436 : vector<16x1xi32> to vector<16xi32>
        %gather3A_438 = tpu.dynamic_gather %get3A_44[%gather3A_437] in [0] : vector<16xf32>, vector<16xi32> -> vector<16xf32>
        %gather3A_439 = vector.shape_cast %broadcast_in_dim3A_436 : vector<16x1xi32> to vector<16xi32>
        %gather3A_440 = tpu.dynamic_gather %get3A_49[%gather3A_439] in [0] : vector<16xf32>, vector<16xi32> -> vector<16xf32>
        %gather3A_441 = vector.shape_cast %broadcast_in_dim3A_436 : vector<16x1xi32> to vector<16xi32>
        %gather3A_442 = tpu.dynamic_gather %get3A_54[%gather3A_441] in [0] : vector<16xf32>, vector<16xi32> -> vector<16xf32>
        %gather3A_443 = vector.shape_cast %broadcast_in_dim3A_436 : vector<16x1xi32> to vector<16xi32>
        %gather3A_444 = tpu.dynamic_gather %get3A_59[%gather3A_443] in [0] : vector<16xf32>, vector<16xi32> -> vector<16xf32>
        %mul3A_445 = arith.constant 16 : i32
        %mul3A_446 = arith.muli %scan3A_40, %mul3A_445 : i32
        %add3A_447 = arith.constant 3 : i32
        %add3A_448 = arith.addi %mul3A_446, %add3A_447 : i32
        %get3A_449 = arith.index_cast %add3A_448 : i32 to index
        %get3A_450 = arith.constant 0 : index
        %get3A_451 = tpu.vector_load %arg20[%get3A_449, %get3A_450] {strides = array<i32>} : memref<64x128xf32, #tpu.memory_space<vmem>>, vector<1x16xf32>,
        %get3A_452 = vector.shape_cast %get3A_451 : vector<1x16xf32> to vector<16xf32>
        %mul3A_453 = arith.mulf %gather3A_438, %get3A_452 : vector<16xf32>
        %get3A_454 = arith.index_cast %add3A_448 : i32 to index
        %get3A_455 = arith.constant 0 : index
        %get3A_456 = tpu.vector_load %arg21[%get3A_454, %get3A_455] {strides = array<i32>} : memref<64x128xf32, #tpu.memory_space<vmem>>, vector<1x16xf32>,
        %get3A_457 = vector.shape_cast %get3A_456 : vector<1x16xf32> to vector<16xf32>
        %mul3A_458 = arith.mulf %gather3A_440, %get3A_457 : vector<16xf32>
        %add3A_459 = arith.addf %mul3A_453, %mul3A_458 : vector<16xf32>
        %get3A_460 = arith.index_cast %add3A_448 : i32 to index
        %get3A_461 = arith.constant 0 : index
        %get3A_462 = tpu.vector_load %arg22[%get3A_460, %get3A_461] {strides = array<i32>} : memref<64x128xf32, #tpu.memory_space<vmem>>, vector<1x16xf32>,
        %get3A_463 = vector.shape_cast %get3A_462 : vector<1x16xf32> to vector<16xf32>
        %mul3A_464 = arith.mulf %gather3A_442, %get3A_463 : vector<16xf32>
        %add3A_465 = arith.addf %add3A_459, %mul3A_464 : vector<16xf32>
        %get3A_466 = arith.index_cast %add3A_448 : i32 to index
        %get3A_467 = arith.constant 0 : index
        %get3A_468 = tpu.vector_load %arg23[%get3A_466, %get3A_467] {strides = array<i32>} : memref<64x128xf32, #tpu.memory_space<vmem>>, vector<1x16xf32>,
        %get3A_469 = vector.shape_cast %get3A_468 : vector<1x16xf32> to vector<16xf32>
        %mul3A_470 = arith.mulf %gather3A_444, %get3A_469 : vector<16xf32>
        %add3A_471 = arith.addf %add3A_465, %mul3A_470 : vector<16xf32>
        %swap3A_472 = arith.index_cast %add3A_448 : i32 to index
        %swap3A_473 = arith.constant 0 : index
        %swap3A_474 = tpu.vector_load %arg24[%swap3A_472, %swap3A_473] {strides = array<i32>} : memref<64x64xf32, #tpu.memory_space<vmem>>, vector<1x16xf32>,
        %swap3A_475 = vector.shape_cast %swap3A_474 : vector<1x16xf32> to vector<16xf32>
        %swap3A_476 = vector.shape_cast %add3A_471 : vector<16xf32> to vector<1x16xf32>
        tpu.vector_store %arg24[%swap3A_472, %swap3A_473], %swap3A_476 {strides = array<i32>} : memref<64x64xf32, #tpu.memory_space<vmem>>, vector<1x16xf32>,
        %get3A_477 = arith.index_cast %add3A_448 : i32 to index
        %get3A_478 = arith.constant 16 : index
        %get3A_479 = tpu.vector_load %arg20[%get3A_477, %get3A_478] {strides = array<i32>} : memref<64x128xf32, #tpu.memory_space<vmem>>, vector<1x16xf32>,
        %get3A_480 = vector.shape_cast %get3A_479 : vector<1x16xf32> to vector<16xf32>
        %mul3A_481 = arith.mulf %gather3A_438, %get3A_480 : vector<16xf32>
        %get3A_482 = arith.index_cast %add3A_448 : i32 to index
        %get3A_483 = arith.constant 16 : index
        %get3A_484 = tpu.vector_load %arg21[%get3A_482, %get3A_483] {strides = array<i32>} : memref<64x128xf32, #tpu.memory_space<vmem>>, vector<1x16xf32>,
        %get3A_485 = vector.shape_cast %get3A_484 : vector<1x16xf32> to vector<16xf32>
        %mul3A_486 = arith.mulf %gather3A_440, %get3A_485 : vector<16xf32>
        %add3A_487 = arith.addf %mul3A_481, %mul3A_486 : vector<16xf32>
        %get3A_488 = arith.index_cast %add3A_448 : i32 to index
        %get3A_489 = arith.constant 16 : index
        %get3A_490 = tpu.vector_load %arg22[%get3A_488, %get3A_489] {strides = array<i32>} : memref<64x128xf32, #tpu.memory_space<vmem>>, vector<1x16xf32>,
        %get3A_491 = vector.shape_cast %get3A_490 : vector<1x16xf32> to vector<16xf32>
        %mul3A_492 = arith.mulf %gather3A_442, %get3A_491 : vector<16xf32>
        %add3A_493 = arith.addf %add3A_487, %mul3A_492 : vector<16xf32>
        %get3A_494 = arith.index_cast %add3A_448 : i32 to index
        %get3A_495 = arith.constant 16 : index
        %get3A_496 = tpu.vector_load %arg23[%get3A_494, %get3A_495] {strides = array<i32>} : memref<64x128xf32, #tpu.memory_space<vmem>>, vector<1x16xf32>,
        %get3A_497 = vector.shape_cast %get3A_496 : vector<1x16xf32> to vector<16xf32>
        %mul3A_498 = arith.mulf %gather3A_444, %get3A_497 : vector<16xf32>
        %add3A_499 = arith.addf %add3A_493, %mul3A_498 : vector<16xf32>
        %swap3A_500 = arith.index_cast %add3A_448 : i32 to index
        %swap3A_501 = arith.constant 16 : index
        %swap3A_502 = tpu.vector_load %arg24[%swap3A_500, %swap3A_501] {strides = array<i32>} : memref<64x64xf32, #tpu.memory_space<vmem>>, vector<1x16xf32>,
        %swap3A_503 = vector.shape_cast %swap3A_502 : vector<1x16xf32> to vector<16xf32>
        %swap3A_504 = vector.shape_cast %add3A_499 : vector<16xf32> to vector<1x16xf32>
        tpu.vector_store %arg24[%swap3A_500, %swap3A_501], %swap3A_504 {strides = array<i32>} : memref<64x64xf32, #tpu.memory_space<vmem>>, vector<1x16xf32>,
        %get3A_505 = arith.index_cast %add3A_448 : i32 to index
        %get3A_506 = arith.constant 32 : index
        %get3A_507 = tpu.vector_load %arg20[%get3A_505, %get3A_506] {strides = array<i32>} : memref<64x128xf32, #tpu.memory_space<vmem>>, vector<1x16xf32>,
        %get3A_508 = vector.shape_cast %get3A_507 : vector<1x16xf32> to vector<16xf32>
        %mul3A_509 = arith.mulf %gather3A_438, %get3A_508 : vector<16xf32>
        %get3A_510 = arith.index_cast %add3A_448 : i32 to index
        %get3A_511 = arith.constant 32 : index
        %get3A_512 = tpu.vector_load %arg21[%get3A_510, %get3A_511] {strides = array<i32>} : memref<64x128xf32, #tpu.memory_space<vmem>>, vector<1x16xf32>,
        %get3A_513 = vector.shape_cast %get3A_512 : vector<1x16xf32> to vector<16xf32>
        %mul3A_514 = arith.mulf %gather3A_440, %get3A_513 : vector<16xf32>
        %add3A_515 = arith.addf %mul3A_509, %mul3A_514 : vector<16xf32>
        %get3A_516 = arith.index_cast %add3A_448 : i32 to index
        %get3A_517 = arith.constant 32 : index
        %get3A_518 = tpu.vector_load %arg22[%get3A_516, %get3A_517] {strides = array<i32>} : memref<64x128xf32, #tpu.memory_space<vmem>>, vector<1x16xf32>,
        %get3A_519 = vector.shape_cast %get3A_518 : vector<1x16xf32> to vector<16xf32>
        %mul3A_520 = arith.mulf %gather3A_442, %get3A_519 : vector<16xf32>
        %add3A_521 = arith.addf %add3A_515, %mul3A_520 : vector<16xf32>
        %get3A_522 = arith.index_cast %add3A_448 : i32 to index
        %get3A_523 = arith.constant 32 : index
        %get3A_524 = tpu.vector_load %arg23[%get3A_522, %get3A_523] {strides = array<i32>} : memref<64x128xf32, #tpu.memory_space<vmem>>, vector<1x16xf32>,
        %get3A_525 = vector.shape_cast %get3A_524 : vector<1x16xf32> to vector<16xf32>
        %mul3A_526 = arith.mulf %gather3A_444, %get3A_525 : vector<16xf32>
        %add3A_527 = arith.addf %add3A_521, %mul3A_526 : vector<16xf32>
        %swap3A_528 = arith.index_cast %add3A_448 : i32 to index
        %swap3A_529 = arith.constant 32 : index
        %swap3A_530 = tpu.vector_load %arg24[%swap3A_528, %swap3A_529] {strides = array<i32>} : memref<64x64xf32, #tpu.memory_space<vmem>>, vector<1x16xf32>,
        %swap3A_531 = vector.shape_cast %swap3A_530 : vector<1x16xf32> to vector<16xf32>
        %swap3A_532 = vector.shape_cast %add3A_527 : vector<16xf32> to vector<1x16xf32>
        tpu.vector_store %arg24[%swap3A_528, %swap3A_529], %swap3A_532 {strides = array<i32>} : memref<64x64xf32, #tpu.memory_space<vmem>>, vector<1x16xf32>,
        %get3A_533 = arith.index_cast %add3A_448 : i32 to index
        %get3A_534 = arith.constant 48 : index
        %get3A_535 = tpu.vector_load %arg20[%get3A_533, %get3A_534] {strides = array<i32>} : memref<64x128xf32, #tpu.memory_space<vmem>>, vector<1x16xf32>,
        %get3A_536 = vector.shape_cast %get3A_535 : vector<1x16xf32> to vector<16xf32>
        %mul3A_537 = arith.mulf %gather3A_438, %get3A_536 : vector<16xf32>
        %get3A_538 = arith.index_cast %add3A_448 : i32 to index
        %get3A_539 = arith.constant 48 : index
        %get3A_540 = tpu.vector_load %arg21[%get3A_538, %get3A_539] {strides = array<i32>} : memref<64x128xf32, #tpu.memory_space<vmem>>, vector<1x16xf32>,
        %get3A_541 = vector.shape_cast %get3A_540 : vector<1x16xf32> to vector<16xf32>
        %mul3A_542 = arith.mulf %gather3A_440, %get3A_541 : vector<16xf32>
        %add3A_543 = arith.addf %mul3A_537, %mul3A_542 : vector<16xf32>
        %get3A_544 = arith.index_cast %add3A_448 : i32 to index
        %get3A_545 = arith.constant 48 : index
        %get3A_546 = tpu.vector_load %arg22[%get3A_544, %get3A_545] {strides = array<i32>} : memref<64x128xf32, #tpu.memory_space<vmem>>, vector<1x16xf32>,
        %get3A_547 = vector.shape_cast %get3A_546 : vector<1x16xf32> to vector<16xf32>
        %mul3A_548 = arith.mulf %gather3A_442, %get3A_547 : vector<16xf32>
        %add3A_549 = arith.addf %add3A_543, %mul3A_548 : vector<16xf32>
        %get3A_550 = arith.index_cast %add3A_448 : i32 to index
        %get3A_551 = arith.constant 48 : index
        %get3A_552 = tpu.vector_load %arg23[%get3A_550, %get3A_551] {strides = array<i32>} : memref<64x128xf32, #tpu.memory_space<vmem>>, vector<1x16xf32>,
        %get3A_553 = vector.shape_cast %get3A_552 : vector<1x16xf32> to vector<16xf32>
        %mul3A_554 = arith.mulf %gather3A_444, %get3A_553 : vector<16xf32>
        %add3A_555 = arith.addf %add3A_549, %mul3A_554 : vector<16xf32>
        %swap3A_556 = arith.index_cast %add3A_448 : i32 to index
        %swap3A_557 = arith.constant 48 : index
        %swap3A_558 = tpu.vector_load %arg24[%swap3A_556, %swap3A_557] {strides = array<i32>} : memref<64x64xf32, #tpu.memory_space<vmem>>, vector<1x16xf32>,
        %swap3A_559 = vector.shape_cast %swap3A_558 : vector<1x16xf32> to vector<16xf32>
        %swap3A_560 = vector.shape_cast %add3A_555 : vector<16xf32> to vector<1x16xf32>
        tpu.vector_store %arg24[%swap3A_556, %swap3A_557], %swap3A_560 {strides = array<i32>} : memref<64x64xf32, #tpu.memory_space<vmem>>, vector<1x16xf32>,
        %broadcast_in_dim3A_561 = arith.constant 4 : i32
        %broadcast_in_dim3A_562 = vector.broadcast %broadcast_in_dim3A_561 : i32 to vector<16x1xi32>
        %gather3A_563 = vector.shape_cast %broadcast_in_dim3A_562 : vector<16x1xi32> to vector<16xi32>
        %gather3A_564 = tpu.dynamic_gather %get3A_44[%gather3A_563] in [0] : vector<16xf32>, vector<16xi32> -> vector<16xf32>
        %gather3A_565 = vector.shape_cast %broadcast_in_dim3A_562 : vector<16x1xi32> to vector<16xi32>
        %gather3A_566 = tpu.dynamic_gather %get3A_49[%gather3A_565] in [0] : vector<16xf32>, vector<16xi32> -> vector<16xf32>
        %gather3A_567 = vector.shape_cast %broadcast_in_dim3A_562 : vector<16x1xi32> to vector<16xi32>
        %gather3A_568 = tpu.dynamic_gather %get3A_54[%gather3A_567] in [0] : vector<16xf32>, vector<16xi32> -> vector<16xf32>
        %gather3A_569 = vector.shape_cast %broadcast_in_dim3A_562 : vector<16x1xi32> to vector<16xi32>
        %gather3A_570 = tpu.dynamic_gather %get3A_59[%gather3A_569] in [0] : vector<16xf32>, vector<16xi32> -> vector<16xf32>
        %mul3A_571 = arith.constant 16 : i32
        %mul3A_572 = arith.muli %scan3A_40, %mul3A_571 : i32
        %add3A_573 = arith.constant 4 : i32
        %add3A_574 = arith.addi %mul3A_572, %add3A_573 : i32
        %get3A_575 = arith.index_cast %add3A_574 : i32 to index
        %get3A_576 = arith.constant 0 : index
        %get3A_577 = tpu.vector_load %arg20[%get3A_575, %get3A_576] {strides = array<i32>} : memref<64x128xf32, #tpu.memory_space<vmem>>, vector<1x16xf32>,
        %get3A_578 = vector.shape_cast %get3A_577 : vector<1x16xf32> to vector<16xf32>
        %mul3A_579 = arith.mulf %gather3A_564, %get3A_578 : vector<16xf32>
        %get3A_580 = arith.index_cast %add3A_574 : i32 to index
        %get3A_581 = arith.constant 0 : index
        %get3A_582 = tpu.vector_load %arg21[%get3A_580, %get3A_581] {strides = array<i32>} : memref<64x128xf32, #tpu.memory_space<vmem>>, vector<1x16xf32>,
        %get3A_583 = vector.shape_cast %get3A_582 : vector<1x16xf32> to vector<16xf32>
        %mul3A_584 = arith.mulf %gather3A_566, %get3A_583 : vector<16xf32>
        %add3A_585 = arith.addf %mul3A_579, %mul3A_584 : vector<16xf32>
        %get3A_586 = arith.index_cast %add3A_574 : i32 to index
        %get3A_587 = arith.constant 0 : index
        %get3A_588 = tpu.vector_load %arg22[%get3A_586, %get3A_587] {strides = array<i32>} : memref<64x128xf32, #tpu.memory_space<vmem>>, vector<1x16xf32>,
        %get3A_589 = vector.shape_cast %get3A_588 : vector<1x16xf32> to vector<16xf32>
        %mul3A_590 = arith.mulf %gather3A_568, %get3A_589 : vector<16xf32>
        %add3A_591 = arith.addf %add3A_585, %mul3A_590 : vector<16xf32>
        %get3A_592 = arith.index_cast %add3A_574 : i32 to index
        %get3A_593 = arith.constant 0 : index
        %get3A_594 = tpu.vector_load %arg23[%get3A_592, %get3A_593] {strides = array<i32>} : memref<64x128xf32, #tpu.memory_space<vmem>>, vector<1x16xf32>,
        %get3A_595 = vector.shape_cast %get3A_594 : vector<1x16xf32> to vector<16xf32>
        %mul3A_596 = arith.mulf %gather3A_570, %get3A_595 : vector<16xf32>
        %add3A_597 = arith.addf %add3A_591, %mul3A_596 : vector<16xf32>
        %swap3A_598 = arith.index_cast %add3A_574 : i32 to index
        %swap3A_599 = arith.constant 0 : index
        %swap3A_600 = tpu.vector_load %arg24[%swap3A_598, %swap3A_599] {strides = array<i32>} : memref<64x64xf32, #tpu.memory_space<vmem>>, vector<1x16xf32>,
        %swap3A_601 = vector.shape_cast %swap3A_600 : vector<1x16xf32> to vector<16xf32>
        %swap3A_602 = vector.shape_cast %add3A_597 : vector<16xf32> to vector<1x16xf32>
        tpu.vector_store %arg24[%swap3A_598, %swap3A_599], %swap3A_602 {strides = array<i32>} : memref<64x64xf32, #tpu.memory_space<vmem>>, vector<1x16xf32>,
        %get3A_603 = arith.index_cast %add3A_574 : i32 to index
        %get3A_604 = arith.constant 16 : index
        %get3A_605 = tpu.vector_load %arg20[%get3A_603, %get3A_604] {strides = array<i32>} : memref<64x128xf32, #tpu.memory_space<vmem>>, vector<1x16xf32>,
        %get3A_606 = vector.shape_cast %get3A_605 : vector<1x16xf32> to vector<16xf32>
        %mul3A_607 = arith.mulf %gather3A_564, %get3A_606 : vector<16xf32>
        %get3A_608 = arith.index_cast %add3A_574 : i32 to index
        %get3A_609 = arith.constant 16 : index
        %get3A_610 = tpu.vector_load %arg21[%get3A_608, %get3A_609] {strides = array<i32>} : memref<64x128xf32, #tpu.memory_space<vmem>>, vector<1x16xf32>,
        %get3A_611 = vector.shape_cast %get3A_610 : vector<1x16xf32> to vector<16xf32>
        %mul3A_612 = arith.mulf %gather3A_566, %get3A_611 : vector<16xf32>
        %add3A_613 = arith.addf %mul3A_607, %mul3A_612 : vector<16xf32>
        %get3A_614 = arith.index_cast %add3A_574 : i32 to index
        %get3A_615 = arith.constant 16 : index
        %get3A_616 = tpu.vector_load %arg22[%get3A_614, %get3A_615] {strides = array<i32>} : memref<64x128xf32, #tpu.memory_space<vmem>>, vector<1x16xf32>,
        %get3A_617 = vector.shape_cast %get3A_616 : vector<1x16xf32> to vector<16xf32>
        %mul3A_618 = arith.mulf %gather3A_568, %get3A_617 : vector<16xf32>
        %add3A_619 = arith.addf %add3A_613, %mul3A_618 : vector<16xf32>
        %get3A_620 = arith.index_cast %add3A_574 : i32 to index
        %get3A_621 = arith.constant 16 : index
        %get3A_622 = tpu.vector_load %arg23[%get3A_620, %get3A_621] {strides = array<i32>} : memref<64x128xf32, #tpu.memory_space<vmem>>, vector<1x16xf32>,
        %get3A_623 = vector.shape_cast %get3A_622 : vector<1x16xf32> to vector<16xf32>
        %mul3A_624 = arith.mulf %gather3A_570, %get3A_623 : vector<16xf32>
        %add3A_625 = arith.addf %add3A_619, %mul3A_624 : vector<16xf32>
        %swap3A_626 = arith.index_cast %add3A_574 : i32 to index
        %swap3A_627 = arith.constant 16 : index
        %swap3A_628 = tpu.vector_load %arg24[%swap3A_626, %swap3A_627] {strides = array<i32>} : memref<64x64xf32, #tpu.memory_space<vmem>>, vector<1x16xf32>,
        %swap3A_629 = vector.shape_cast %swap3A_628 : vector<1x16xf32> to vector<16xf32>
        %swap3A_630 = vector.shape_cast %add3A_625 : vector<16xf32> to vector<1x16xf32>
        tpu.vector_store %arg24[%swap3A_626, %swap3A_627], %swap3A_630 {strides = array<i32>} : memref<64x64xf32, #tpu.memory_space<vmem>>, vector<1x16xf32>,
        %get3A_631 = arith.index_cast %add3A_574 : i32 to index
        %get3A_632 = arith.constant 32 : index
        %get3A_633 = tpu.vector_load %arg20[%get3A_631, %get3A_632] {strides = array<i32>} : memref<64x128xf32, #tpu.memory_space<vmem>>, vector<1x16xf32>,
        %get3A_634 = vector.shape_cast %get3A_633 : vector<1x16xf32> to vector<16xf32>
        %mul3A_635 = arith.mulf %gather3A_564, %get3A_634 : vector<16xf32>
        %get3A_636 = arith.index_cast %add3A_574 : i32 to index
        %get3A_637 = arith.constant 32 : index
        %get3A_638 = tpu.vector_load %arg21[%get3A_636, %get3A_637] {strides = array<i32>} : memref<64x128xf32, #tpu.memory_space<vmem>>, vector<1x16xf32>,
        %get3A_639 = vector.shape_cast %get3A_638 : vector<1x16xf32> to vector<16xf32>
        %mul3A_640 = arith.mulf %gather3A_566, %get3A_639 : vector<16xf32>
        %add3A_641 = arith.addf %mul3A_635, %mul3A_640 : vector<16xf32>
        %get3A_642 = arith.index_cast %add3A_574 : i32 to index
        %get3A_643 = arith.constant 32 : index
        %get3A_644 = tpu.vector_load %arg22[%get3A_642, %get3A_643] {strides = array<i32>} : memref<64x128xf32, #tpu.memory_space<vmem>>, vector<1x16xf32>,
        %get3A_645 = vector.shape_cast %get3A_644 : vector<1x16xf32> to vector<16xf32>
        %mul3A_646 = arith.mulf %gather3A_568, %get3A_645 : vector<16xf32>
        %add3A_647 = arith.addf %add3A_641, %mul3A_646 : vector<16xf32>
        %get3A_648 = arith.index_cast %add3A_574 : i32 to index
        %get3A_649 = arith.constant 32 : index
        %get3A_650 = tpu.vector_load %arg23[%get3A_648, %get3A_649] {strides = array<i32>} : memref<64x128xf32, #tpu.memory_space<vmem>>, vector<1x16xf32>,
        %get3A_651 = vector.shape_cast %get3A_650 : vector<1x16xf32> to vector<16xf32>
        %mul3A_652 = arith.mulf %gather3A_570, %get3A_651 : vector<16xf32>
        %add3A_653 = arith.addf %add3A_647, %mul3A_652 : vector<16xf32>
        %swap3A_654 = arith.index_cast %add3A_574 : i32 to index
        %swap3A_655 = arith.constant 32 : index
        %swap3A_656 = tpu.vector_load %arg24[%swap3A_654, %swap3A_655] {strides = array<i32>} : memref<64x64xf32, #tpu.memory_space<vmem>>, vector<1x16xf32>,
        %swap3A_657 = vector.shape_cast %swap3A_656 : vector<1x16xf32> to vector<16xf32>
        %swap3A_658 = vector.shape_cast %add3A_653 : vector<16xf32> to vector<1x16xf32>
        tpu.vector_store %arg24[%swap3A_654, %swap3A_655], %swap3A_658 {strides = array<i32>} : memref<64x64xf32, #tpu.memory_space<vmem>>, vector<1x16xf32>,
        %get3A_659 = arith.index_cast %add3A_574 : i32 to index
        %get3A_660 = arith.constant 48 : index
        %get3A_661 = tpu.vector_load %arg20[%get3A_659, %get3A_660] {strides = array<i32>} : memref<64x128xf32, #tpu.memory_space<vmem>>, vector<1x16xf32>,
        %get3A_662 = vector.shape_cast %get3A_661 : vector<1x16xf32> to vector<16xf32>
        %mul3A_663 = arith.mulf %gather3A_564, %get3A_662 : vector<16xf32>
        %get3A_664 = arith.index_cast %add3A_574 : i32 to index
        %get3A_665 = arith.constant 48 : index
        %get3A_666 = tpu.vector_load %arg21[%get3A_664, %get3A_665] {strides = array<i32>} : memref<64x128xf32, #tpu.memory_space<vmem>>, vector<1x16xf32>,
        %get3A_667 = vector.shape_cast %get3A_666 : vector<1x16xf32> to vector<16xf32>
        %mul3A_668 = arith.mulf %gather3A_566, %get3A_667 : vector<16xf32>
        %add3A_669 = arith.addf %mul3A_663, %mul3A_668 : vector<16xf32>
        %get3A_670 = arith.index_cast %add3A_574 : i32 to index
        %get3A_671 = arith.constant 48 : index
        %get3A_672 = tpu.vector_load %arg22[%get3A_670, %get3A_671] {strides = array<i32>} : memref<64x128xf32, #tpu.memory_space<vmem>>, vector<1x16xf32>,
        %get3A_673 = vector.shape_cast %get3A_672 : vector<1x16xf32> to vector<16xf32>
        %mul3A_674 = arith.mulf %gather3A_568, %get3A_673 : vector<16xf32>
        %add3A_675 = arith.addf %add3A_669, %mul3A_674 : vector<16xf32>
        %get3A_676 = arith.index_cast %add3A_574 : i32 to index
        %get3A_677 = arith.constant 48 : index
        %get3A_678 = tpu.vector_load %arg23[%get3A_676, %get3A_677] {strides = array<i32>} : memref<64x128xf32, #tpu.memory_space<vmem>>, vector<1x16xf32>,
        %get3A_679 = vector.shape_cast %get3A_678 : vector<1x16xf32> to vector<16xf32>
        %mul3A_680 = arith.mulf %gather3A_570, %get3A_679 : vector<16xf32>
        %add3A_681 = arith.addf %add3A_675, %mul3A_680 : vector<16xf32>
        %swap3A_682 = arith.index_cast %add3A_574 : i32 to index
        %swap3A_683 = arith.constant 48 : index
        %swap3A_684 = tpu.vector_load %arg24[%swap3A_682, %swap3A_683] {strides = array<i32>} : memref<64x64xf32, #tpu.memory_space<vmem>>, vector<1x16xf32>,
        %swap3A_685 = vector.shape_cast %swap3A_684 : vector<1x16xf32> to vector<16xf32>
        %swap3A_686 = vector.shape_cast %add3A_681 : vector<16xf32> to vector<1x16xf32>
        tpu.vector_store %arg24[%swap3A_682, %swap3A_683], %swap3A_686 {strides = array<i32>} : memref<64x64xf32, #tpu.memory_space<vmem>>, vector<1x16xf32>,
        %broadcast_in_dim3A_687 = arith.constant 5 : i32
        %broadcast_in_dim3A_688 = vector.broadcast %broadcast_in_dim3A_687 : i32 to vector<16x1xi32>
        %gather3A_689 = vector.shape_cast %broadcast_in_dim3A_688 : vector<16x1xi32> to vector<16xi32>
        %gather3A_690 = tpu.dynamic_gather %get3A_44[%gather3A_689] in [0] : vector<16xf32>, vector<16xi32> -> vector<16xf32>
        %gather3A_691 = vector.shape_cast %broadcast_in_dim3A_688 : vector<16x1xi32> to vector<16xi32>
        %gather3A_692 = tpu.dynamic_gather %get3A_49[%gather3A_691] in [0] : vector<16xf32>, vector<16xi32> -> vector<16xf32>
        %gather3A_693 = vector.shape_cast %broadcast_in_dim3A_688 : vector<16x1xi32> to vector<16xi32>
        %gather3A_694 = tpu.dynamic_gather %get3A_54[%gather3A_693] in [0] : vector<16xf32>, vector<16xi32> -> vector<16xf32>
        %gather3A_695 = vector.shape_cast %broadcast_in_dim3A_688 : vector<16x1xi32> to vector<16xi32>
        %gather3A_696 = tpu.dynamic_gather %get3A_59[%gather3A_695] in [0] : vector<16xf32>, vector<16xi32> -> vector<16xf32>
        %mul3A_697 = arith.constant 16 : i32
        %mul3A_698 = arith.muli %scan3A_40, %mul3A_697 : i32
        %add3A_699 = arith.constant 5 : i32
        %add3A_700 = arith.addi %mul3A_698, %add3A_699 : i32
        %get3A_701 = arith.index_cast %add3A_700 : i32 to index
        %get3A_702 = arith.constant 0 : index
        %get3A_703 = tpu.vector_load %arg20[%get3A_701, %get3A_702] {strides = array<i32>} : memref<64x128xf32, #tpu.memory_space<vmem>>, vector<1x16xf32>,
        %get3A_704 = vector.shape_cast %get3A_703 : vector<1x16xf32> to vector<16xf32>
        %mul3A_705 = arith.mulf %gather3A_690, %get3A_704 : vector<16xf32>
        %get3A_706 = arith.index_cast %add3A_700 : i32 to index
        %get3A_707 = arith.constant 0 : index
        %get3A_708 = tpu.vector_load %arg21[%get3A_706, %get3A_707] {strides = array<i32>} : memref<64x128xf32, #tpu.memory_space<vmem>>, vector<1x16xf32>,
        %get3A_709 = vector.shape_cast %get3A_708 : vector<1x16xf32> to vector<16xf32>
        %mul3A_710 = arith.mulf %gather3A_692, %get3A_709 : vector<16xf32>
        %add3A_711 = arith.addf %mul3A_705, %mul3A_710 : vector<16xf32>
        %get3A_712 = arith.index_cast %add3A_700 : i32 to index
        %get3A_713 = arith.constant 0 : index
        %get3A_714 = tpu.vector_load %arg22[%get3A_712, %get3A_713] {strides = array<i32>} : memref<64x128xf32, #tpu.memory_space<vmem>>, vector<1x16xf32>,
        %get3A_715 = vector.shape_cast %get3A_714 : vector<1x16xf32> to vector<16xf32>
        %mul3A_716 = arith.mulf %gather3A_694, %get3A_715 : vector<16xf32>
        %add3A_717 = arith.addf %add3A_711, %mul3A_716 : vector<16xf32>
        %get3A_718 = arith.index_cast %add3A_700 : i32 to index
        %get3A_719 = arith.constant 0 : index
        %get3A_720 = tpu.vector_load %arg23[%get3A_718, %get3A_719] {strides = array<i32>} : memref<64x128xf32, #tpu.memory_space<vmem>>, vector<1x16xf32>,
        %get3A_721 = vector.shape_cast %get3A_720 : vector<1x16xf32> to vector<16xf32>
        %mul3A_722 = arith.mulf %gather3A_696, %get3A_721 : vector<16xf32>
        %add3A_723 = arith.addf %add3A_717, %mul3A_722 : vector<16xf32>
        %swap3A_724 = arith.index_cast %add3A_700 : i32 to index
        %swap3A_725 = arith.constant 0 : index
        %swap3A_726 = tpu.vector_load %arg24[%swap3A_724, %swap3A_725] {strides = array<i32>} : memref<64x64xf32, #tpu.memory_space<vmem>>, vector<1x16xf32>,
        %swap3A_727 = vector.shape_cast %swap3A_726 : vector<1x16xf32> to vector<16xf32>
        %swap3A_728 = vector.shape_cast %add3A_723 : vector<16xf32> to vector<1x16xf32>
        tpu.vector_store %arg24[%swap3A_724, %swap3A_725], %swap3A_728 {strides = array<i32>} : memref<64x64xf32, #tpu.memory_space<vmem>>, vector<1x16xf32>,
        %get3A_729 = arith.index_cast %add3A_700 : i32 to index
        %get3A_730 = arith.constant 16 : index
        %get3A_731 = tpu.vector_load %arg20[%get3A_729, %get3A_730] {strides = array<i32>} : memref<64x128xf32, #tpu.memory_space<vmem>>, vector<1x16xf32>,
        %get3A_732 = vector.shape_cast %get3A_731 : vector<1x16xf32> to vector<16xf32>
        %mul3A_733 = arith.mulf %gather3A_690, %get3A_732 : vector<16xf32>
        %get3A_734 = arith.index_cast %add3A_700 : i32 to index
        %get3A_735 = arith.constant 16 : index
        %get3A_736 = tpu.vector_load %arg21[%get3A_734, %get3A_735] {strides = array<i32>} : memref<64x128xf32, #tpu.memory_space<vmem>>, vector<1x16xf32>,
        %get3A_737 = vector.shape_cast %get3A_736 : vector<1x16xf32> to vector<16xf32>
        %mul3A_738 = arith.mulf %gather3A_692, %get3A_737 : vector<16xf32>
        %add3A_739 = arith.addf %mul3A_733, %mul3A_738 : vector<16xf32>
        %get3A_740 = arith.index_cast %add3A_700 : i32 to index
        %get3A_741 = arith.constant 16 : index
        %get3A_742 = tpu.vector_load %arg22[%get3A_740, %get3A_741] {strides = array<i32>} : memref<64x128xf32, #tpu.memory_space<vmem>>, vector<1x16xf32>,
        %get3A_743 = vector.shape_cast %get3A_742 : vector<1x16xf32> to vector<16xf32>
        %mul3A_744 = arith.mulf %gather3A_694, %get3A_743 : vector<16xf32>
        %add3A_745 = arith.addf %add3A_739, %mul3A_744 : vector<16xf32>
        %get3A_746 = arith.index_cast %add3A_700 : i32 to index
        %get3A_747 = arith.constant 16 : index
        %get3A_748 = tpu.vector_load %arg23[%get3A_746, %get3A_747] {strides = array<i32>} : memref<64x128xf32, #tpu.memory_space<vmem>>, vector<1x16xf32>,
        %get3A_749 = vector.shape_cast %get3A_748 : vector<1x16xf32> to vector<16xf32>
        %mul3A_750 = arith.mulf %gather3A_696, %get3A_749 : vector<16xf32>
        %add3A_751 = arith.addf %add3A_745, %mul3A_750 : vector<16xf32>
        %swap3A_752 = arith.index_cast %add3A_700 : i32 to index
        %swap3A_753 = arith.constant 16 : index
        %swap3A_754 = tpu.vector_load %arg24[%swap3A_752, %swap3A_753] {strides = array<i32>} : memref<64x64xf32, #tpu.memory_space<vmem>>, vector<1x16xf32>,
        %swap3A_755 = vector.shape_cast %swap3A_754 : vector<1x16xf32> to vector<16xf32>
        %swap3A_756 = vector.shape_cast %add3A_751 : vector<16xf32> to vector<1x16xf32>
        tpu.vector_store %arg24[%swap3A_752, %swap3A_753], %swap3A_756 {strides = array<i32>} : memref<64x64xf32, #tpu.memory_space<vmem>>, vector<1x16xf32>,
        %get3A_757 = arith.index_cast %add3A_700 : i32 to index
        %get3A_758 = arith.constant 32 : index
        %get3A_759 = tpu.vector_load %arg20[%get3A_757, %get3A_758] {strides = array<i32>} : memref<64x128xf32, #tpu.memory_space<vmem>>, vector<1x16xf32>,
        %get3A_760 = vector.shape_cast %get3A_759 : vector<1x16xf32> to vector<16xf32>
        %mul3A_761 = arith.mulf %gather3A_690, %get3A_760 : vector<16xf32>
        %get3A_762 = arith.index_cast %add3A_700 : i32 to index
        %get3A_763 = arith.constant 32 : index
        %get3A_764 = tpu.vector_load %arg21[%get3A_762, %get3A_763] {strides = array<i32>} : memref<64x128xf32, #tpu.memory_space<vmem>>, vector<1x16xf32>,
        %get3A_765 = vector.shape_cast %get3A_764 : vector<1x16xf32> to vector<16xf32>
        %mul3A_766 = arith.mulf %gather3A_692, %get3A_765 : vector<16xf32>
        %add3A_767 = arith.addf %mul3A_761, %mul3A_766 : vector<16xf32>
        %get3A_768 = arith.index_cast %add3A_700 : i32 to index
        %get3A_769 = arith.constant 32 : index
        %get3A_770 = tpu.vector_load %arg22[%get3A_768, %get3A_769] {strides = array<i32>} : memref<64x128xf32, #tpu.memory_space<vmem>>, vector<1x16xf32>,
        %get3A_771 = vector.shape_cast %get3A_770 : vector<1x16xf32> to vector<16xf32>
        %mul3A_772 = arith.mulf %gather3A_694, %get3A_771 : vector<16xf32>
        %add3A_773 = arith.addf %add3A_767, %mul3A_772 : vector<16xf32>
        %get3A_774 = arith.index_cast %add3A_700 : i32 to index
        %get3A_775 = arith.constant 32 : index
        %get3A_776 = tpu.vector_load %arg23[%get3A_774, %get3A_775] {strides = array<i32>} : memref<64x128xf32, #tpu.memory_space<vmem>>, vector<1x16xf32>,
        %get3A_777 = vector.shape_cast %get3A_776 : vector<1x16xf32> to vector<16xf32>
        %mul3A_778 = arith.mulf %gather3A_696, %get3A_777 : vector<16xf32>
        %add3A_779 = arith.addf %add3A_773, %mul3A_778 : vector<16xf32>
        %swap3A_780 = arith.index_cast %add3A_700 : i32 to index
        %swap3A_781 = arith.constant 32 : index
        %swap3A_782 = tpu.vector_load %arg24[%swap3A_780, %swap3A_781] {strides = array<i32>} : memref<64x64xf32, #tpu.memory_space<vmem>>, vector<1x16xf32>,
        %swap3A_783 = vector.shape_cast %swap3A_782 : vector<1x16xf32> to vector<16xf32>
        %swap3A_784 = vector.shape_cast %add3A_779 : vector<16xf32> to vector<1x16xf32>
        tpu.vector_store %arg24[%swap3A_780, %swap3A_781], %swap3A_784 {strides = array<i32>} : memref<64x64xf32, #tpu.memory_space<vmem>>, vector<1x16xf32>,
        %get3A_785 = arith.index_cast %add3A_700 : i32 to index
        %get3A_786 = arith.constant 48 : index
        %get3A_787 = tpu.vector_load %arg20[%get3A_785, %get3A_786] {strides = array<i32>} : memref<64x128xf32, #tpu.memory_space<vmem>>, vector<1x16xf32>,
        %get3A_788 = vector.shape_cast %get3A_787 : vector<1x16xf32> to vector<16xf32>
        %mul3A_789 = arith.mulf %gather3A_690, %get3A_788 : vector<16xf32>
        %get3A_790 = arith.index_cast %add3A_700 : i32 to index
        %get3A_791 = arith.constant 48 : index
        %get3A_792 = tpu.vector_load %arg21[%get3A_790, %get3A_791] {strides = array<i32>} : memref<64x128xf32, #tpu.memory_space<vmem>>, vector<1x16xf32>,
        %get3A_793 = vector.shape_cast %get3A_792 : vector<1x16xf32> to vector<16xf32>
        %mul3A_794 = arith.mulf %gather3A_692, %get3A_793 : vector<16xf32>
        %add3A_795 = arith.addf %mul3A_789, %mul3A_794 : vector<16xf32>
        %get3A_796 = arith.index_cast %add3A_700 : i32 to index
        %get3A_797 = arith.constant 48 : index
        %get3A_798 = tpu.vector_load %arg22[%get3A_796, %get3A_797] {strides = array<i32>} : memref<64x128xf32, #tpu.memory_space<vmem>>, vector<1x16xf32>,
        %get3A_799 = vector.shape_cast %get3A_798 : vector<1x16xf32> to vector<16xf32>
        %mul3A_800 = arith.mulf %gather3A_694, %get3A_799 : vector<16xf32>
        %add3A_801 = arith.addf %add3A_795, %mul3A_800 : vector<16xf32>
        %get3A_802 = arith.index_cast %add3A_700 : i32 to index
        %get3A_803 = arith.constant 48 : index
        %get3A_804 = tpu.vector_load %arg23[%get3A_802, %get3A_803] {strides = array<i32>} : memref<64x128xf32, #tpu.memory_space<vmem>>, vector<1x16xf32>,
        %get3A_805 = vector.shape_cast %get3A_804 : vector<1x16xf32> to vector<16xf32>
        %mul3A_806 = arith.mulf %gather3A_696, %get3A_805 : vector<16xf32>
        %add3A_807 = arith.addf %add3A_801, %mul3A_806 : vector<16xf32>
        %swap3A_808 = arith.index_cast %add3A_700 : i32 to index
        %swap3A_809 = arith.constant 48 : index
        %swap3A_810 = tpu.vector_load %arg24[%swap3A_808, %swap3A_809] {strides = array<i32>} : memref<64x64xf32, #tpu.memory_space<vmem>>, vector<1x16xf32>,
        %swap3A_811 = vector.shape_cast %swap3A_810 : vector<1x16xf32> to vector<16xf32>
        %swap3A_812 = vector.shape_cast %add3A_807 : vector<16xf32> to vector<1x16xf32>
        tpu.vector_store %arg24[%swap3A_808, %swap3A_809], %swap3A_812 {strides = array<i32>} : memref<64x64xf32, #tpu.memory_space<vmem>>, vector<1x16xf32>,
        %broadcast_in_dim3A_813 = arith.constant 6 : i32
        %broadcast_in_dim3A_814 = vector.broadcast %broadcast_in_dim3A_813 : i32 to vector<16x1xi32>
        %gather3A_815 = vector.shape_cast %broadcast_in_dim3A_814 : vector<16x1xi32> to vector<16xi32>
        %gather3A_816 = tpu.dynamic_gather %get3A_44[%gather3A_815] in [0] : vector<16xf32>, vector<16xi32> -> vector<16xf32>
        %gather3A_817 = vector.shape_cast %broadcast_in_dim3A_814 : vector<16x1xi32> to vector<16xi32>
        %gather3A_818 = tpu.dynamic_gather %get3A_49[%gather3A_817] in [0] : vector<16xf32>, vector<16xi32> -> vector<16xf32>
        %gather3A_819 = vector.shape_cast %broadcast_in_dim3A_814 : vector<16x1xi32> to vector<16xi32>
        %gather3A_820 = tpu.dynamic_gather %get3A_54[%gather3A_819] in [0] : vector<16xf32>, vector<16xi32> -> vector<16xf32>
        %gather3A_821 = vector.shape_cast %broadcast_in_dim3A_814 : vector<16x1xi32> to vector<16xi32>
        %gather3A_822 = tpu.dynamic_gather %get3A_59[%gather3A_821] in [0] : vector<16xf32>, vector<16xi32> -> vector<16xf32>
        %mul3A_823 = arith.constant 16 : i32
        %mul3A_824 = arith.muli %scan3A_40, %mul3A_823 : i32
        %add3A_825 = arith.constant 6 : i32
        %add3A_826 = arith.addi %mul3A_824, %add3A_825 : i32
        %get3A_827 = arith.index_cast %add3A_826 : i32 to index
        %get3A_828 = arith.constant 0 : index
        %get3A_829 = tpu.vector_load %arg20[%get3A_827, %get3A_828] {strides = array<i32>} : memref<64x128xf32, #tpu.memory_space<vmem>>, vector<1x16xf32>,
        %get3A_830 = vector.shape_cast %get3A_829 : vector<1x16xf32> to vector<16xf32>
        %mul3A_831 = arith.mulf %gather3A_816, %get3A_830 : vector<16xf32>
        %get3A_832 = arith.index_cast %add3A_826 : i32 to index
        %get3A_833 = arith.constant 0 : index
        %get3A_834 = tpu.vector_load %arg21[%get3A_832, %get3A_833] {strides = array<i32>} : memref<64x128xf32, #tpu.memory_space<vmem>>, vector<1x16xf32>,
        %get3A_835 = vector.shape_cast %get3A_834 : vector<1x16xf32> to vector<16xf32>
        %mul3A_836 = arith.mulf %gather3A_818, %get3A_835 : vector<16xf32>
        %add3A_837 = arith.addf %mul3A_831, %mul3A_836 : vector<16xf32>
        %get3A_838 = arith.index_cast %add3A_826 : i32 to index
        %get3A_839 = arith.constant 0 : index
        %get3A_840 = tpu.vector_load %arg22[%get3A_838, %get3A_839] {strides = array<i32>} : memref<64x128xf32, #tpu.memory_space<vmem>>, vector<1x16xf32>,
        %get3A_841 = vector.shape_cast %get3A_840 : vector<1x16xf32> to vector<16xf32>
        %mul3A_842 = arith.mulf %gather3A_820, %get3A_841 : vector<16xf32>
        %add3A_843 = arith.addf %add3A_837, %mul3A_842 : vector<16xf32>
        %get3A_844 = arith.index_cast %add3A_826 : i32 to index
        %get3A_845 = arith.constant 0 : index
        %get3A_846 = tpu.vector_load %arg23[%get3A_844, %get3A_845] {strides = array<i32>} : memref<64x128xf32, #tpu.memory_space<vmem>>, vector<1x16xf32>,
        %get3A_847 = vector.shape_cast %get3A_846 : vector<1x16xf32> to vector<16xf32>
        %mul3A_848 = arith.mulf %gather3A_822, %get3A_847 : vector<16xf32>
        %add3A_849 = arith.addf %add3A_843, %mul3A_848 : vector<16xf32>
        %swap3A_850 = arith.index_cast %add3A_826 : i32 to index
        %swap3A_851 = arith.constant 0 : index
        %swap3A_852 = tpu.vector_load %arg24[%swap3A_850, %swap3A_851] {strides = array<i32>} : memref<64x64xf32, #tpu.memory_space<vmem>>, vector<1x16xf32>,
        %swap3A_853 = vector.shape_cast %swap3A_852 : vector<1x16xf32> to vector<16xf32>
        %swap3A_854 = vector.shape_cast %add3A_849 : vector<16xf32> to vector<1x16xf32>
        tpu.vector_store %arg24[%swap3A_850, %swap3A_851], %swap3A_854 {strides = array<i32>} : memref<64x64xf32, #tpu.memory_space<vmem>>, vector<1x16xf32>,
        %get3A_855 = arith.index_cast %add3A_826 : i32 to index
        %get3A_856 = arith.constant 16 : index
        %get3A_857 = tpu.vector_load %arg20[%get3A_855, %get3A_856] {strides = array<i32>} : memref<64x128xf32, #tpu.memory_space<vmem>>, vector<1x16xf32>,
        %get3A_858 = vector.shape_cast %get3A_857 : vector<1x16xf32> to vector<16xf32>
        %mul3A_859 = arith.mulf %gather3A_816, %get3A_858 : vector<16xf32>
        %get3A_860 = arith.index_cast %add3A_826 : i32 to index
        %get3A_861 = arith.constant 16 : index
        %get3A_862 = tpu.vector_load %arg21[%get3A_860, %get3A_861] {strides = array<i32>} : memref<64x128xf32, #tpu.memory_space<vmem>>, vector<1x16xf32>,
        %get3A_863 = vector.shape_cast %get3A_862 : vector<1x16xf32> to vector<16xf32>
        %mul3A_864 = arith.mulf %gather3A_818, %get3A_863 : vector<16xf32>
        %add3A_865 = arith.addf %mul3A_859, %mul3A_864 : vector<16xf32>
        %get3A_866 = arith.index_cast %add3A_826 : i32 to index
        %get3A_867 = arith.constant 16 : index
        %get3A_868 = tpu.vector_load %arg22[%get3A_866, %get3A_867] {strides = array<i32>} : memref<64x128xf32, #tpu.memory_space<vmem>>, vector<1x16xf32>,
        %get3A_869 = vector.shape_cast %get3A_868 : vector<1x16xf32> to vector<16xf32>
        %mul3A_870 = arith.mulf %gather3A_820, %get3A_869 : vector<16xf32>
        %add3A_871 = arith.addf %add3A_865, %mul3A_870 : vector<16xf32>
        %get3A_872 = arith.index_cast %add3A_826 : i32 to index
        %get3A_873 = arith.constant 16 : index
        %get3A_874 = tpu.vector_load %arg23[%get3A_872, %get3A_873] {strides = array<i32>} : memref<64x128xf32, #tpu.memory_space<vmem>>, vector<1x16xf32>,
        %get3A_875 = vector.shape_cast %get3A_874 : vector<1x16xf32> to vector<16xf32>
        %mul3A_876 = arith.mulf %gather3A_822, %get3A_875 : vector<16xf32>
        %add3A_877 = arith.addf %add3A_871, %mul3A_876 : vector<16xf32>
        %swap3A_878 = arith.index_cast %add3A_826 : i32 to index
        %swap3A_879 = arith.constant 16 : index
        %swap3A_880 = tpu.vector_load %arg24[%swap3A_878, %swap3A_879] {strides = array<i32>} : memref<64x64xf32, #tpu.memory_space<vmem>>, vector<1x16xf32>,
        %swap3A_881 = vector.shape_cast %swap3A_880 : vector<1x16xf32> to vector<16xf32>
        %swap3A_882 = vector.shape_cast %add3A_877 : vector<16xf32> to vector<1x16xf32>
        tpu.vector_store %arg24[%swap3A_878, %swap3A_879], %swap3A_882 {strides = array<i32>} : memref<64x64xf32, #tpu.memory_space<vmem>>, vector<1x16xf32>,
        %get3A_883 = arith.index_cast %add3A_826 : i32 to index
        %get3A_884 = arith.constant 32 : index
        %get3A_885 = tpu.vector_load %arg20[%get3A_883, %get3A_884] {strides = array<i32>} : memref<64x128xf32, #tpu.memory_space<vmem>>, vector<1x16xf32>,
        %get3A_886 = vector.shape_cast %get3A_885 : vector<1x16xf32> to vector<16xf32>
        %mul3A_887 = arith.mulf %gather3A_816, %get3A_886 : vector<16xf32>
        %get3A_888 = arith.index_cast %add3A_826 : i32 to index
        %get3A_889 = arith.constant 32 : index
        %get3A_890 = tpu.vector_load %arg21[%get3A_888, %get3A_889] {strides = array<i32>} : memref<64x128xf32, #tpu.memory_space<vmem>>, vector<1x16xf32>,
        %get3A_891 = vector.shape_cast %get3A_890 : vector<1x16xf32> to vector<16xf32>
        %mul3A_892 = arith.mulf %gather3A_818, %get3A_891 : vector<16xf32>
        %add3A_893 = arith.addf %mul3A_887, %mul3A_892 : vector<16xf32>
        %get3A_894 = arith.index_cast %add3A_826 : i32 to index
        %get3A_895 = arith.constant 32 : index
        %get3A_896 = tpu.vector_load %arg22[%get3A_894, %get3A_895] {strides = array<i32>} : memref<64x128xf32, #tpu.memory_space<vmem>>, vector<1x16xf32>,
        %get3A_897 = vector.shape_cast %get3A_896 : vector<1x16xf32> to vector<16xf32>
        %mul3A_898 = arith.mulf %gather3A_820, %get3A_897 : vector<16xf32>
        %add3A_899 = arith.addf %add3A_893, %mul3A_898 : vector<16xf32>
        %get3A_900 = arith.index_cast %add3A_826 : i32 to index
        %get3A_901 = arith.constant 32 : index
        %get3A_902 = tpu.vector_load %arg23[%get3A_900, %get3A_901] {strides = array<i32>} : memref<64x128xf32, #tpu.memory_space<vmem>>, vector<1x16xf32>,
        %get3A_903 = vector.shape_cast %get3A_902 : vector<1x16xf32> to vector<16xf32>
        %mul3A_904 = arith.mulf %gather3A_822, %get3A_903 : vector<16xf32>
        %add3A_905 = arith.addf %add3A_899, %mul3A_904 : vector<16xf32>
        %swap3A_906 = arith.index_cast %add3A_826 : i32 to index
        %swap3A_907 = arith.constant 32 : index
        %swap3A_908 = tpu.vector_load %arg24[%swap3A_906, %swap3A_907] {strides = array<i32>} : memref<64x64xf32, #tpu.memory_space<vmem>>, vector<1x16xf32>,
        %swap3A_909 = vector.shape_cast %swap3A_908 : vector<1x16xf32> to vector<16xf32>
        %swap3A_910 = vector.shape_cast %add3A_905 : vector<16xf32> to vector<1x16xf32>
        tpu.vector_store %arg24[%swap3A_906, %swap3A_907], %swap3A_910 {strides = array<i32>} : memref<64x64xf32, #tpu.memory_space<vmem>>, vector<1x16xf32>,
        %get3A_911 = arith.index_cast %add3A_826 : i32 to index
        %get3A_912 = arith.constant 48 : index
        %get3A_913 = tpu.vector_load %arg20[%get3A_911, %get3A_912] {strides = array<i32>} : memref<64x128xf32, #tpu.memory_space<vmem>>, vector<1x16xf32>,
        %get3A_914 = vector.shape_cast %get3A_913 : vector<1x16xf32> to vector<16xf32>
        %mul3A_915 = arith.mulf %gather3A_816, %get3A_914 : vector<16xf32>
        %get3A_916 = arith.index_cast %add3A_826 : i32 to index
        %get3A_917 = arith.constant 48 : index
        %get3A_918 = tpu.vector_load %arg21[%get3A_916, %get3A_917] {strides = array<i32>} : memref<64x128xf32, #tpu.memory_space<vmem>>, vector<1x16xf32>,
        %get3A_919 = vector.shape_cast %get3A_918 : vector<1x16xf32> to vector<16xf32>
        %mul3A_920 = arith.mulf %gather3A_818, %get3A_919 : vector<16xf32>
        %add3A_921 = arith.addf %mul3A_915, %mul3A_920 : vector<16xf32>
        %get3A_922 = arith.index_cast %add3A_826 : i32 to index
        %get3A_923 = arith.constant 48 : index
        %get3A_924 = tpu.vector_load %arg22[%get3A_922, %get3A_923] {strides = array<i32>} : memref<64x128xf32, #tpu.memory_space<vmem>>, vector<1x16xf32>,
        %get3A_925 = vector.shape_cast %get3A_924 : vector<1x16xf32> to vector<16xf32>
        %mul3A_926 = arith.mulf %gather3A_820, %get3A_925 : vector<16xf32>
        %add3A_927 = arith.addf %add3A_921, %mul3A_926 : vector<16xf32>
        %get3A_928 = arith.index_cast %add3A_826 : i32 to index
        %get3A_929 = arith.constant 48 : index
        %get3A_930 = tpu.vector_load %arg23[%get3A_928, %get3A_929] {strides = array<i32>} : memref<64x128xf32, #tpu.memory_space<vmem>>, vector<1x16xf32>,
        %get3A_931 = vector.shape_cast %get3A_930 : vector<1x16xf32> to vector<16xf32>
        %mul3A_932 = arith.mulf %gather3A_822, %get3A_931 : vector<16xf32>
        %add3A_933 = arith.addf %add3A_927, %mul3A_932 : vector<16xf32>
        %swap3A_934 = arith.index_cast %add3A_826 : i32 to index
        %swap3A_935 = arith.constant 48 : index
        %swap3A_936 = tpu.vector_load %arg24[%swap3A_934, %swap3A_935] {strides = array<i32>} : memref<64x64xf32, #tpu.memory_space<vmem>>, vector<1x16xf32>,
        %swap3A_937 = vector.shape_cast %swap3A_936 : vector<1x16xf32> to vector<16xf32>
        %swap3A_938 = vector.shape_cast %add3A_933 : vector<16xf32> to vector<1x16xf32>
        tpu.vector_store %arg24[%swap3A_934, %swap3A_935], %swap3A_938 {strides = array<i32>} : memref<64x64xf32, #tpu.memory_space<vmem>>, vector<1x16xf32>,
        %broadcast_in_dim3A_939 = arith.constant 7 : i32
        %broadcast_in_dim3A_940 = vector.broadcast %broadcast_in_dim3A_939 : i32 to vector<16x1xi32>
        %gather3A_941 = vector.shape_cast %broadcast_in_dim3A_940 : vector<16x1xi32> to vector<16xi32>
        %gather3A_942 = tpu.dynamic_gather %get3A_44[%gather3A_941] in [0] : vector<16xf32>, vector<16xi32> -> vector<16xf32>
        %gather3A_943 = vector.shape_cast %broadcast_in_dim3A_940 : vector<16x1xi32> to vector<16xi32>
        %gather3A_944 = tpu.dynamic_gather %get3A_49[%gather3A_943] in [0] : vector<16xf32>, vector<16xi32> -> vector<16xf32>
        %gather3A_945 = vector.shape_cast %broadcast_in_dim3A_940 : vector<16x1xi32> to vector<16xi32>
        %gather3A_946 = tpu.dynamic_gather %get3A_54[%gather3A_945] in [0] : vector<16xf32>, vector<16xi32> -> vector<16xf32>
        %gather3A_947 = vector.shape_cast %broadcast_in_dim3A_940 : vector<16x1xi32> to vector<16xi32>
        %gather3A_948 = tpu.dynamic_gather %get3A_59[%gather3A_947] in [0] : vector<16xf32>, vector<16xi32> -> vector<16xf32>
        %mul3A_949 = arith.constant 16 : i32
        %mul3A_950 = arith.muli %scan3A_40, %mul3A_949 : i32
        %add3A_951 = arith.constant 7 : i32
        %add3A_952 = arith.addi %mul3A_950, %add3A_951 : i32
        %get3A_953 = arith.index_cast %add3A_952 : i32 to index
        %get3A_954 = arith.constant 0 : index
        %get3A_955 = tpu.vector_load %arg20[%get3A_953, %get3A_954] {strides = array<i32>} : memref<64x128xf32, #tpu.memory_space<vmem>>, vector<1x16xf32>,
        %get3A_956 = vector.shape_cast %get3A_955 : vector<1x16xf32> to vector<16xf32>
        %mul3A_957 = arith.mulf %gather3A_942, %get3A_956 : vector<16xf32>
        %get3A_958 = arith.index_cast %add3A_952 : i32 to index
        %get3A_959 = arith.constant 0 : index
        %get3A_960 = tpu.vector_load %arg21[%get3A_958, %get3A_959] {strides = array<i32>} : memref<64x128xf32, #tpu.memory_space<vmem>>, vector<1x16xf32>,
        %get3A_961 = vector.shape_cast %get3A_960 : vector<1x16xf32> to vector<16xf32>
        %mul3A_962 = arith.mulf %gather3A_944, %get3A_961 : vector<16xf32>
        %add3A_963 = arith.addf %mul3A_957, %mul3A_962 : vector<16xf32>
        %get3A_964 = arith.index_cast %add3A_952 : i32 to index
        %get3A_965 = arith.constant 0 : index
        %get3A_966 = tpu.vector_load %arg22[%get3A_964, %get3A_965] {strides = array<i32>} : memref<64x128xf32, #tpu.memory_space<vmem>>, vector<1x16xf32>,
        %get3A_967 = vector.shape_cast %get3A_966 : vector<1x16xf32> to vector<16xf32>
        %mul3A_968 = arith.mulf %gather3A_946, %get3A_967 : vector<16xf32>
        %add3A_969 = arith.addf %add3A_963, %mul3A_968 : vector<16xf32>
        %get3A_970 = arith.index_cast %add3A_952 : i32 to index
        %get3A_971 = arith.constant 0 : index
        %get3A_972 = tpu.vector_load %arg23[%get3A_970, %get3A_971] {strides = array<i32>} : memref<64x128xf32, #tpu.memory_space<vmem>>, vector<1x16xf32>,
        %get3A_973 = vector.shape_cast %get3A_972 : vector<1x16xf32> to vector<16xf32>
        %mul3A_974 = arith.mulf %gather3A_948, %get3A_973 : vector<16xf32>
        %add3A_975 = arith.addf %add3A_969, %mul3A_974 : vector<16xf32>
        %swap3A_976 = arith.index_cast %add3A_952 : i32 to index
        %swap3A_977 = arith.constant 0 : index
        %swap3A_978 = tpu.vector_load %arg24[%swap3A_976, %swap3A_977] {strides = array<i32>} : memref<64x64xf32, #tpu.memory_space<vmem>>, vector<1x16xf32>,
        %swap3A_979 = vector.shape_cast %swap3A_978 : vector<1x16xf32> to vector<16xf32>
        %swap3A_980 = vector.shape_cast %add3A_975 : vector<16xf32> to vector<1x16xf32>
        tpu.vector_store %arg24[%swap3A_976, %swap3A_977], %swap3A_980 {strides = array<i32>} : memref<64x64xf32, #tpu.memory_space<vmem>>, vector<1x16xf32>,
        %get3A_981 = arith.index_cast %add3A_952 : i32 to index
        %get3A_982 = arith.constant 16 : index
        %get3A_983 = tpu.vector_load %arg20[%get3A_981, %get3A_982] {strides = array<i32>} : memref<64x128xf32, #tpu.memory_space<vmem>>, vector<1x16xf32>,
        %get3A_984 = vector.shape_cast %get3A_983 : vector<1x16xf32> to vector<16xf32>
        %mul3A_985 = arith.mulf %gather3A_942, %get3A_984 : vector<16xf32>
        %get3A_986 = arith.index_cast %add3A_952 : i32 to index
        %get3A_987 = arith.constant 16 : index
        %get3A_988 = tpu.vector_load %arg21[%get3A_986, %get3A_987] {strides = array<i32>} : memref<64x128xf32, #tpu.memory_space<vmem>>, vector<1x16xf32>,
        %get3A_989 = vector.shape_cast %get3A_988 : vector<1x16xf32> to vector<16xf32>
        %mul3A_990 = arith.mulf %gather3A_944, %get3A_989 : vector<16xf32>
        %add3A_991 = arith.addf %mul3A_985, %mul3A_990 : vector<16xf32>
        %get3A_992 = arith.index_cast %add3A_952 : i32 to index
        %get3A_993 = arith.constant 16 : index
        %get3A_994 = tpu.vector_load %arg22[%get3A_992, %get3A_993] {strides = array<i32>} : memref<64x128xf32, #tpu.memory_space<vmem>>, vector<1x16xf32>,
        %get3A_995 = vector.shape_cast %get3A_994 : vector<1x16xf32> to vector<16xf32>
        %mul3A_996 = arith.mulf %gather3A_946, %get3A_995 : vector<16xf32>
        %add3A_997 = arith.addf %add3A_991, %mul3A_996 : vector<16xf32>
        %get3A_998 = arith.index_cast %add3A_952 : i32 to index
        %get3A_999 = arith.constant 16 : index
        %get3A_1000 = tpu.vector_load %arg23[%get3A_998, %get3A_999] {strides = array<i32>} : memref<64x128xf32, #tpu.memory_space<vmem>>, vector<1x16xf32>,
        %get3A_1001 = vector.shape_cast %get3A_1000 : vector<1x16xf32> to vector<16xf32>
        %mul3A_1002 = arith.mulf %gather3A_948, %get3A_1001 : vector<16xf32>
        %add3A_1003 = arith.addf %add3A_997, %mul3A_1002 : vector<16xf32>
        %swap3A_1004 = arith.index_cast %add3A_952 : i32 to index
        %swap3A_1005 = arith.constant 16 : index
        %swap3A_1006 = tpu.vector_load %arg24[%swap3A_1004, %swap3A_1005] {strides = array<i32>} : memref<64x64xf32, #tpu.memory_space<vmem>>, vector<1x16xf32>,
        %swap3A_1007 = vector.shape_cast %swap3A_1006 : vector<1x16xf32> to vector<16xf32>
        %swap3A_1008 = vector.shape_cast %add3A_1003 : vector<16xf32> to vector<1x16xf32>
        tpu.vector_store %arg24[%swap3A_1004, %swap3A_1005], %swap3A_1008 {strides = array<i32>} : memref<64x64xf32, #tpu.memory_space<vmem>>, vector<1x16xf32>,
        %get3A_1009 = arith.index_cast %add3A_952 : i32 to index
        %get3A_1010 = arith.constant 32 : index
        %get3A_1011 = tpu.vector_load %arg20[%get3A_1009, %get3A_1010] {strides = array<i32>} : memref<64x128xf32, #tpu.memory_space<vmem>>, vector<1x16xf32>,
        %get3A_1012 = vector.shape_cast %get3A_1011 : vector<1x16xf32> to vector<16xf32>
        %mul3A_1013 = arith.mulf %gather3A_942, %get3A_1012 : vector<16xf32>
        %get3A_1014 = arith.index_cast %add3A_952 : i32 to index
        %get3A_1015 = arith.constant 32 : index
        %get3A_1016 = tpu.vector_load %arg21[%get3A_1014, %get3A_1015] {strides = array<i32>} : memref<64x128xf32, #tpu.memory_space<vmem>>, vector<1x16xf32>,
        %get3A_1017 = vector.shape_cast %get3A_1016 : vector<1x16xf32> to vector<16xf32>
        %mul3A_1018 = arith.mulf %gather3A_944, %get3A_1017 : vector<16xf32>
        %add3A_1019 = arith.addf %mul3A_1013, %mul3A_1018 : vector<16xf32>
        %get3A_1020 = arith.index_cast %add3A_952 : i32 to index
        %get3A_1021 = arith.constant 32 : index
        %get3A_1022 = tpu.vector_load %arg22[%get3A_1020, %get3A_1021] {strides = array<i32>} : memref<64x128xf32, #tpu.memory_space<vmem>>, vector<1x16xf32>,
        %get3A_1023 = vector.shape_cast %get3A_1022 : vector<1x16xf32> to vector<16xf32>
        %mul3A_1024 = arith.mulf %gather3A_946, %get3A_1023 : vector<16xf32>
        %add3A_1025 = arith.addf %add3A_1019, %mul3A_1024 : vector<16xf32>
        %get3A_1026 = arith.index_cast %add3A_952 : i32 to index
        %get3A_1027 = arith.constant 32 : index
        %get3A_1028 = tpu.vector_load %arg23[%get3A_1026, %get3A_1027] {strides = array<i32>} : memref<64x128xf32, #tpu.memory_space<vmem>>, vector<1x16xf32>,
        %get3A_1029 = vector.shape_cast %get3A_1028 : vector<1x16xf32> to vector<16xf32>
        %mul3A_1030 = arith.mulf %gather3A_948, %get3A_1029 : vector<16xf32>
        %add3A_1031 = arith.addf %add3A_1025, %mul3A_1030 : vector<16xf32>
        %swap3A_1032 = arith.index_cast %add3A_952 : i32 to index
        %swap3A_1033 = arith.constant 32 : index
        %swap3A_1034 = tpu.vector_load %arg24[%swap3A_1032, %swap3A_1033] {strides = array<i32>} : memref<64x64xf32, #tpu.memory_space<vmem>>, vector<1x16xf32>,
        %swap3A_1035 = vector.shape_cast %swap3A_1034 : vector<1x16xf32> to vector<16xf32>
        %swap3A_1036 = vector.shape_cast %add3A_1031 : vector<16xf32> to vector<1x16xf32>
        tpu.vector_store %arg24[%swap3A_1032, %swap3A_1033], %swap3A_1036 {strides = array<i32>} : memref<64x64xf32, #tpu.memory_space<vmem>>, vector<1x16xf32>,
        %get3A_1037 = arith.index_cast %add3A_952 : i32 to index
        %get3A_1038 = arith.constant 48 : index
        %get3A_1039 = tpu.vector_load %arg20[%get3A_1037, %get3A_1038] {strides = array<i32>} : memref<64x128xf32, #tpu.memory_space<vmem>>, vector<1x16xf32>,
        %get3A_1040 = vector.shape_cast %get3A_1039 : vector<1x16xf32> to vector<16xf32>
        %mul3A_1041 = arith.mulf %gather3A_942, %get3A_1040 : vector<16xf32>
        %get3A_1042 = arith.index_cast %add3A_952 : i32 to index
        %get3A_1043 = arith.constant 48 : index
        %get3A_1044 = tpu.vector_load %arg21[%get3A_1042, %get3A_1043] {strides = array<i32>} : memref<64x128xf32, #tpu.memory_space<vmem>>, vector<1x16xf32>,
        %get3A_1045 = vector.shape_cast %get3A_1044 : vector<1x16xf32> to vector<16xf32>
        %mul3A_1046 = arith.mulf %gather3A_944, %get3A_1045 : vector<16xf32>
        %add3A_1047 = arith.addf %mul3A_1041, %mul3A_1046 : vector<16xf32>
        %get3A_1048 = arith.index_cast %add3A_952 : i32 to index
        %get3A_1049 = arith.constant 48 : index
        %get3A_1050 = tpu.vector_load %arg22[%get3A_1048, %get3A_1049] {strides = array<i32>} : memref<64x128xf32, #tpu.memory_space<vmem>>, vector<1x16xf32>,
        %get3A_1051 = vector.shape_cast %get3A_1050 : vector<1x16xf32> to vector<16xf32>
        %mul3A_1052 = arith.mulf %gather3A_946, %get3A_1051 : vector<16xf32>
        %add3A_1053 = arith.addf %add3A_1047, %mul3A_1052 : vector<16xf32>
        %get3A_1054 = arith.index_cast %add3A_952 : i32 to index
        %get3A_1055 = arith.constant 48 : index
        %get3A_1056 = tpu.vector_load %arg23[%get3A_1054, %get3A_1055] {strides = array<i32>} : memref<64x128xf32, #tpu.memory_space<vmem>>, vector<1x16xf32>,
        %get3A_1057 = vector.shape_cast %get3A_1056 : vector<1x16xf32> to vector<16xf32>
        %mul3A_1058 = arith.mulf %gather3A_948, %get3A_1057 : vector<16xf32>
        %add3A_1059 = arith.addf %add3A_1053, %mul3A_1058 : vector<16xf32>
        %swap3A_1060 = arith.index_cast %add3A_952 : i32 to index
        %swap3A_1061 = arith.constant 48 : index
        %swap3A_1062 = tpu.vector_load %arg24[%swap3A_1060, %swap3A_1061] {strides = array<i32>} : memref<64x64xf32, #tpu.memory_space<vmem>>, vector<1x16xf32>,
        %swap3A_1063 = vector.shape_cast %swap3A_1062 : vector<1x16xf32> to vector<16xf32>
        %swap3A_1064 = vector.shape_cast %add3A_1059 : vector<16xf32> to vector<1x16xf32>
        tpu.vector_store %arg24[%swap3A_1060, %swap3A_1061], %swap3A_1064 {strides = array<i32>} : memref<64x64xf32, #tpu.memory_space<vmem>>, vector<1x16xf32>,
        %broadcast_in_dim3A_1065 = arith.constant 8 : i32
        %broadcast_in_dim3A_1066 = vector.broadcast %broadcast_in_dim3A_1065 : i32 to vector<16x1xi32>
        %gather3A_1067 = vector.shape_cast %broadcast_in_dim3A_1066 : vector<16x1xi32> to vector<16xi32>
        %gather3A_1068 = tpu.dynamic_gather %get3A_44[%gather3A_1067] in [0] : vector<16xf32>, vector<16xi32> -> vector<16xf32>
        %gather3A_1069 = vector.shape_cast %broadcast_in_dim3A_1066 : vector<16x1xi32> to vector<16xi32>
        %gather3A_1070 = tpu.dynamic_gather %get3A_49[%gather3A_1069] in [0] : vector<16xf32>, vector<16xi32> -> vector<16xf32>
        %gather3A_1071 = vector.shape_cast %broadcast_in_dim3A_1066 : vector<16x1xi32> to vector<16xi32>
        %gather3A_1072 = tpu.dynamic_gather %get3A_54[%gather3A_1071] in [0] : vector<16xf32>, vector<16xi32> -> vector<16xf32>
        %gather3A_1073 = vector.shape_cast %broadcast_in_dim3A_1066 : vector<16x1xi32> to vector<16xi32>
        %gather3A_1074 = tpu.dynamic_gather %get3A_59[%gather3A_1073] in [0] : vector<16xf32>, vector<16xi32> -> vector<16xf32>
        %mul3A_1075 = arith.constant 16 : i32
        %mul3A_1076 = arith.muli %scan3A_40, %mul3A_1075 : i32
        %add3A_1077 = arith.constant 8 : i32
        %add3A_1078 = arith.addi %mul3A_1076, %add3A_1077 : i32
        %get3A_1079 = arith.index_cast %add3A_1078 : i32 to index
        %get3A_1080 = arith.constant 64 : index
        %get3A_1081 = tpu.vector_load %arg20[%get3A_1079, %get3A_1080] {strides = array<i32>} : memref<64x128xf32, #tpu.memory_space<vmem>>, vector<1x16xf32>,
        %get3A_1082 = vector.shape_cast %get3A_1081 : vector<1x16xf32> to vector<16xf32>
        %mul3A_1083 = arith.mulf %gather3A_1068, %get3A_1082 : vector<16xf32>
        %get3A_1084 = arith.index_cast %add3A_1078 : i32 to index
        %get3A_1085 = arith.constant 64 : index
        %get3A_1086 = tpu.vector_load %arg21[%get3A_1084, %get3A_1085] {strides = array<i32>} : memref<64x128xf32, #tpu.memory_space<vmem>>, vector<1x16xf32>,
        %get3A_1087 = vector.shape_cast %get3A_1086 : vector<1x16xf32> to vector<16xf32>
        %mul3A_1088 = arith.mulf %gather3A_1070, %get3A_1087 : vector<16xf32>
        %add3A_1089 = arith.addf %mul3A_1083, %mul3A_1088 : vector<16xf32>
        %get3A_1090 = arith.index_cast %add3A_1078 : i32 to index
        %get3A_1091 = arith.constant 64 : index
        %get3A_1092 = tpu.vector_load %arg22[%get3A_1090, %get3A_1091] {strides = array<i32>} : memref<64x128xf32, #tpu.memory_space<vmem>>, vector<1x16xf32>,
        %get3A_1093 = vector.shape_cast %get3A_1092 : vector<1x16xf32> to vector<16xf32>
        %mul3A_1094 = arith.mulf %gather3A_1072, %get3A_1093 : vector<16xf32>
        %add3A_1095 = arith.addf %add3A_1089, %mul3A_1094 : vector<16xf32>
        %get3A_1096 = arith.index_cast %add3A_1078 : i32 to index
        %get3A_1097 = arith.constant 64 : index
        %get3A_1098 = tpu.vector_load %arg23[%get3A_1096, %get3A_1097] {strides = array<i32>} : memref<64x128xf32, #tpu.memory_space<vmem>>, vector<1x16xf32>,
        %get3A_1099 = vector.shape_cast %get3A_1098 : vector<1x16xf32> to vector<16xf32>
        %mul3A_1100 = arith.mulf %gather3A_1074, %get3A_1099 : vector<16xf32>
        %add3A_1101 = arith.addf %add3A_1095, %mul3A_1100 : vector<16xf32>
        %swap3A_1102 = arith.index_cast %add3A_1078 : i32 to index
        %swap3A_1103 = arith.constant 0 : index
        %swap3A_1104 = tpu.vector_load %arg24[%swap3A_1102, %swap3A_1103] {strides = array<i32>} : memref<64x64xf32, #tpu.memory_space<vmem>>, vector<1x16xf32>,
        %swap3A_1105 = vector.shape_cast %swap3A_1104 : vector<1x16xf32> to vector<16xf32>
        %swap3A_1106 = vector.shape_cast %add3A_1101 : vector<16xf32> to vector<1x16xf32>
        tpu.vector_store %arg24[%swap3A_1102, %swap3A_1103], %swap3A_1106 {strides = array<i32>} : memref<64x64xf32, #tpu.memory_space<vmem>>, vector<1x16xf32>,
        %get3A_1107 = arith.index_cast %add3A_1078 : i32 to index
        %get3A_1108 = arith.constant 80 : index
        %get3A_1109 = tpu.vector_load %arg20[%get3A_1107, %get3A_1108] {strides = array<i32>} : memref<64x128xf32, #tpu.memory_space<vmem>>, vector<1x16xf32>,
        %get3A_1110 = vector.shape_cast %get3A_1109 : vector<1x16xf32> to vector<16xf32>
        %mul3A_1111 = arith.mulf %gather3A_1068, %get3A_1110 : vector<16xf32>
        %get3A_1112 = arith.index_cast %add3A_1078 : i32 to index
        %get3A_1113 = arith.constant 80 : index
        %get3A_1114 = tpu.vector_load %arg21[%get3A_1112, %get3A_1113] {strides = array<i32>} : memref<64x128xf32, #tpu.memory_space<vmem>>, vector<1x16xf32>,
        %get3A_1115 = vector.shape_cast %get3A_1114 : vector<1x16xf32> to vector<16xf32>
        %mul3A_1116 = arith.mulf %gather3A_1070, %get3A_1115 : vector<16xf32>
        %add3A_1117 = arith.addf %mul3A_1111, %mul3A_1116 : vector<16xf32>
        %get3A_1118 = arith.index_cast %add3A_1078 : i32 to index
        %get3A_1119 = arith.constant 80 : index
        %get3A_1120 = tpu.vector_load %arg22[%get3A_1118, %get3A_1119] {strides = array<i32>} : memref<64x128xf32, #tpu.memory_space<vmem>>, vector<1x16xf32>,
        %get3A_1121 = vector.shape_cast %get3A_1120 : vector<1x16xf32> to vector<16xf32>
        %mul3A_1122 = arith.mulf %gather3A_1072, %get3A_1121 : vector<16xf32>
        %add3A_1123 = arith.addf %add3A_1117, %mul3A_1122 : vector<16xf32>
        %get3A_1124 = arith.index_cast %add3A_1078 : i32 to index
        %get3A_1125 = arith.constant 80 : index
        %get3A_1126 = tpu.vector_load %arg23[%get3A_1124, %get3A_1125] {strides = array<i32>} : memref<64x128xf32, #tpu.memory_space<vmem>>, vector<1x16xf32>,
        %get3A_1127 = vector.shape_cast %get3A_1126 : vector<1x16xf32> to vector<16xf32>
        %mul3A_1128 = arith.mulf %gather3A_1074, %get3A_1127 : vector<16xf32>
        %add3A_1129 = arith.addf %add3A_1123, %mul3A_1128 : vector<16xf32>
        %swap3A_1130 = arith.index_cast %add3A_1078 : i32 to index
        %swap3A_1131 = arith.constant 16 : index
        %swap3A_1132 = tpu.vector_load %arg24[%swap3A_1130, %swap3A_1131] {strides = array<i32>} : memref<64x64xf32, #tpu.memory_space<vmem>>, vector<1x16xf32>,
        %swap3A_1133 = vector.shape_cast %swap3A_1132 : vector<1x16xf32> to vector<16xf32>
        %swap3A_1134 = vector.shape_cast %add3A_1129 : vector<16xf32> to vector<1x16xf32>
        tpu.vector_store %arg24[%swap3A_1130, %swap3A_1131], %swap3A_1134 {strides = array<i32>} : memref<64x64xf32, #tpu.memory_space<vmem>>, vector<1x16xf32>,
        %get3A_1135 = arith.index_cast %add3A_1078 : i32 to index
        %get3A_1136 = arith.constant 96 : index
        %get3A_1137 = tpu.vector_load %arg20[%get3A_1135, %get3A_1136] {strides = array<i32>} : memref<64x128xf32, #tpu.memory_space<vmem>>, vector<1x16xf32>,
        %get3A_1138 = vector.shape_cast %get3A_1137 : vector<1x16xf32> to vector<16xf32>
        %mul3A_1139 = arith.mulf %gather3A_1068, %get3A_1138 : vector<16xf32>
        %get3A_1140 = arith.index_cast %add3A_1078 : i32 to index
        %get3A_1141 = arith.constant 96 : index
        %get3A_1142 = tpu.vector_load %arg21[%get3A_1140, %get3A_1141] {strides = array<i32>} : memref<64x128xf32, #tpu.memory_space<vmem>>, vector<1x16xf32>,
        %get3A_1143 = vector.shape_cast %get3A_1142 : vector<1x16xf32> to vector<16xf32>
        %mul3A_1144 = arith.mulf %gather3A_1070, %get3A_1143 : vector<16xf32>
        %add3A_1145 = arith.addf %mul3A_1139, %mul3A_1144 : vector<16xf32>
        %get3A_1146 = arith.index_cast %add3A_1078 : i32 to index
        %get3A_1147 = arith.constant 96 : index
        %get3A_1148 = tpu.vector_load %arg22[%get3A_1146, %get3A_1147] {strides = array<i32>} : memref<64x128xf32, #tpu.memory_space<vmem>>, vector<1x16xf32>,
        %get3A_1149 = vector.shape_cast %get3A_1148 : vector<1x16xf32> to vector<16xf32>
        %mul3A_1150 = arith.mulf %gather3A_1072, %get3A_1149 : vector<16xf32>
        %add3A_1151 = arith.addf %add3A_1145, %mul3A_1150 : vector<16xf32>
        %get3A_1152 = arith.index_cast %add3A_1078 : i32 to index
        %get3A_1153 = arith.constant 96 : index
        %get3A_1154 = tpu.vector_load %arg23[%get3A_1152, %get3A_1153] {strides = array<i32>} : memref<64x128xf32, #tpu.memory_space<vmem>>, vector<1x16xf32>,
        %get3A_1155 = vector.shape_cast %get3A_1154 : vector<1x16xf32> to vector<16xf32>
        %mul3A_1156 = arith.mulf %gather3A_1074, %get3A_1155 : vector<16xf32>
        %add3A_1157 = arith.addf %add3A_1151, %mul3A_1156 : vector<16xf32>
        %swap3A_1158 = arith.index_cast %add3A_1078 : i32 to index
        %swap3A_1159 = arith.constant 32 : index
        %swap3A_1160 = tpu.vector_load %arg24[%swap3A_1158, %swap3A_1159] {strides = array<i32>} : memref<64x64xf32, #tpu.memory_space<vmem>>, vector<1x16xf32>,
        %swap3A_1161 = vector.shape_cast %swap3A_1160 : vector<1x16xf32> to vector<16xf32>
        %swap3A_1162 = vector.shape_cast %add3A_1157 : vector<16xf32> to vector<1x16xf32>
        tpu.vector_store %arg24[%swap3A_1158, %swap3A_1159], %swap3A_1162 {strides = array<i32>} : memref<64x64xf32, #tpu.memory_space<vmem>>, vector<1x16xf32>,
        %get3A_1163 = arith.index_cast %add3A_1078 : i32 to index
        %get3A_1164 = arith.constant 112 : index
        %get3A_1165 = tpu.vector_load %arg20[%get3A_1163, %get3A_1164] {strides = array<i32>} : memref<64x128xf32, #tpu.memory_space<vmem>>, vector<1x16xf32>,
        %get3A_1166 = vector.shape_cast %get3A_1165 : vector<1x16xf32> to vector<16xf32>
        %mul3A_1167 = arith.mulf %gather3A_1068, %get3A_1166 : vector<16xf32>
        %get3A_1168 = arith.index_cast %add3A_1078 : i32 to index
        %get3A_1169 = arith.constant 112 : index
        %get3A_1170 = tpu.vector_load %arg21[%get3A_1168, %get3A_1169] {strides = array<i32>} : memref<64x128xf32, #tpu.memory_space<vmem>>, vector<1x16xf32>,
        %get3A_1171 = vector.shape_cast %get3A_1170 : vector<1x16xf32> to vector<16xf32>
        %mul3A_1172 = arith.mulf %gather3A_1070, %get3A_1171 : vector<16xf32>
        %add3A_1173 = arith.addf %mul3A_1167, %mul3A_1172 : vector<16xf32>
        %get3A_1174 = arith.index_cast %add3A_1078 : i32 to index
        %get3A_1175 = arith.constant 112 : index
        %get3A_1176 = tpu.vector_load %arg22[%get3A_1174, %get3A_1175] {strides = array<i32>} : memref<64x128xf32, #tpu.memory_space<vmem>>, vector<1x16xf32>,
        %get3A_1177 = vector.shape_cast %get3A_1176 : vector<1x16xf32> to vector<16xf32>
        %mul3A_1178 = arith.mulf %gather3A_1072, %get3A_1177 : vector<16xf32>
        %add3A_1179 = arith.addf %add3A_1173, %mul3A_1178 : vector<16xf32>
        %get3A_1180 = arith.index_cast %add3A_1078 : i32 to index
        %get3A_1181 = arith.constant 112 : index
        %get3A_1182 = tpu.vector_load %arg23[%get3A_1180, %get3A_1181] {strides = array<i32>} : memref<64x128xf32, #tpu.memory_space<vmem>>, vector<1x16xf32>,
        %get3A_1183 = vector.shape_cast %get3A_1182 : vector<1x16xf32> to vector<16xf32>
        %mul3A_1184 = arith.mulf %gather3A_1074, %get3A_1183 : vector<16xf32>
        %add3A_1185 = arith.addf %add3A_1179, %mul3A_1184 : vector<16xf32>
        %swap3A_1186 = arith.index_cast %add3A_1078 : i32 to index
        %swap3A_1187 = arith.constant 48 : index
        %swap3A_1188 = tpu.vector_load %arg24[%swap3A_1186, %swap3A_1187] {strides = array<i32>} : memref<64x64xf32, #tpu.memory_space<vmem>>, vector<1x16xf32>,
        %swap3A_1189 = vector.shape_cast %swap3A_1188 : vector<1x16xf32> to vector<16xf32>
        %swap3A_1190 = vector.shape_cast %add3A_1185 : vector<16xf32> to vector<1x16xf32>
        tpu.vector_store %arg24[%swap3A_1186, %swap3A_1187], %swap3A_1190 {strides = array<i32>} : memref<64x64xf32, #tpu.memory_space<vmem>>, vector<1x16xf32>,
        %broadcast_in_dim3A_1191 = arith.constant 9 : i32
        %broadcast_in_dim3A_1192 = vector.broadcast %broadcast_in_dim3A_1191 : i32 to vector<16x1xi32>
        %gather3A_1193 = vector.shape_cast %broadcast_in_dim3A_1192 : vector<16x1xi32> to vector<16xi32>
        %gather3A_1194 = tpu.dynamic_gather %get3A_44[%gather3A_1193] in [0] : vector<16xf32>, vector<16xi32> -> vector<16xf32>
        %gather3A_1195 = vector.shape_cast %broadcast_in_dim3A_1192 : vector<16x1xi32> to vector<16xi32>
        %gather3A_1196 = tpu.dynamic_gather %get3A_49[%gather3A_1195] in [0] : vector<16xf32>, vector<16xi32> -> vector<16xf32>
        %gather3A_1197 = vector.shape_cast %broadcast_in_dim3A_1192 : vector<16x1xi32> to vector<16xi32>
        %gather3A_1198 = tpu.dynamic_gather %get3A_54[%gather3A_1197] in [0] : vector<16xf32>, vector<16xi32> -> vector<16xf32>
        %gather3A_1199 = vector.shape_cast %broadcast_in_dim3A_1192 : vector<16x1xi32> to vector<16xi32>
        %gather3A_1200 = tpu.dynamic_gather %get3A_59[%gather3A_1199] in [0] : vector<16xf32>, vector<16xi32> -> vector<16xf32>
        %mul3A_1201 = arith.constant 16 : i32
        %mul3A_1202 = arith.muli %scan3A_40, %mul3A_1201 : i32
        %add3A_1203 = arith.constant 9 : i32
        %add3A_1204 = arith.addi %mul3A_1202, %add3A_1203 : i32
        %get3A_1205 = arith.index_cast %add3A_1204 : i32 to index
        %get3A_1206 = arith.constant 64 : index
        %get3A_1207 = tpu.vector_load %arg20[%get3A_1205, %get3A_1206] {strides = array<i32>} : memref<64x128xf32, #tpu.memory_space<vmem>>, vector<1x16xf32>,
        %get3A_1208 = vector.shape_cast %get3A_1207 : vector<1x16xf32> to vector<16xf32>
        %mul3A_1209 = arith.mulf %gather3A_1194, %get3A_1208 : vector<16xf32>
        %get3A_1210 = arith.index_cast %add3A_1204 : i32 to index
        %get3A_1211 = arith.constant 64 : index
        %get3A_1212 = tpu.vector_load %arg21[%get3A_1210, %get3A_1211] {strides = array<i32>} : memref<64x128xf32, #tpu.memory_space<vmem>>, vector<1x16xf32>,
        %get3A_1213 = vector.shape_cast %get3A_1212 : vector<1x16xf32> to vector<16xf32>
        %mul3A_1214 = arith.mulf %gather3A_1196, %get3A_1213 : vector<16xf32>
        %add3A_1215 = arith.addf %mul3A_1209, %mul3A_1214 : vector<16xf32>
        %get3A_1216 = arith.index_cast %add3A_1204 : i32 to index
        %get3A_1217 = arith.constant 64 : index
        %get3A_1218 = tpu.vector_load %arg22[%get3A_1216, %get3A_1217] {strides = array<i32>} : memref<64x128xf32, #tpu.memory_space<vmem>>, vector<1x16xf32>,
        %get3A_1219 = vector.shape_cast %get3A_1218 : vector<1x16xf32> to vector<16xf32>
        %mul3A_1220 = arith.mulf %gather3A_1198, %get3A_1219 : vector<16xf32>
        %add3A_1221 = arith.addf %add3A_1215, %mul3A_1220 : vector<16xf32>
        %get3A_1222 = arith.index_cast %add3A_1204 : i32 to index
        %get3A_1223 = arith.constant 64 : index
        %get3A_1224 = tpu.vector_load %arg23[%get3A_1222, %get3A_1223] {strides = array<i32>} : memref<64x128xf32, #tpu.memory_space<vmem>>, vector<1x16xf32>,
        %get3A_1225 = vector.shape_cast %get3A_1224 : vector<1x16xf32> to vector<16xf32>
        %mul3A_1226 = arith.mulf %gather3A_1200, %get3A_1225 : vector<16xf32>
        %add3A_1227 = arith.addf %add3A_1221, %mul3A_1226 : vector<16xf32>
        %swap3A_1228 = arith.index_cast %add3A_1204 : i32 to index
        %swap3A_1229 = arith.constant 0 : index
        %swap3A_1230 = tpu.vector_load %arg24[%swap3A_1228, %swap3A_1229] {strides = array<i32>} : memref<64x64xf32, #tpu.memory_space<vmem>>, vector<1x16xf32>,
        %swap3A_1231 = vector.shape_cast %swap3A_1230 : vector<1x16xf32> to vector<16xf32>
        %swap3A_1232 = vector.shape_cast %add3A_1227 : vector<16xf32> to vector<1x16xf32>
        tpu.vector_store %arg24[%swap3A_1228, %swap3A_1229], %swap3A_1232 {strides = array<i32>} : memref<64x64xf32, #tpu.memory_space<vmem>>, vector<1x16xf32>,
        %get3A_1233 = arith.index_cast %add3A_1204 : i32 to index
        %get3A_1234 = arith.constant 80 : index
        %get3A_1235 = tpu.vector_load %arg20[%get3A_1233, %get3A_1234] {strides = array<i32>} : memref<64x128xf32, #tpu.memory_space<vmem>>, vector<1x16xf32>,
        %get3A_1236 = vector.shape_cast %get3A_1235 : vector<1x16xf32> to vector<16xf32>
        %mul3A_1237 = arith.mulf %gather3A_1194, %get3A_1236 : vector<16xf32>
        %get3A_1238 = arith.index_cast %add3A_1204 : i32 to index
        %get3A_1239 = arith.constant 80 : index
        %get3A_1240 = tpu.vector_load %arg21[%get3A_1238, %get3A_1239] {strides = array<i32>} : memref<64x128xf32, #tpu.memory_space<vmem>>, vector<1x16xf32>,
        %get3A_1241 = vector.shape_cast %get3A_1240 : vector<1x16xf32> to vector<16xf32>
        %mul3A_1242 = arith.mulf %gather3A_1196, %get3A_1241 : vector<16xf32>
        %add3A_1243 = arith.addf %mul3A_1237, %mul3A_1242 : vector<16xf32>
        %get3A_1244 = arith.index_cast %add3A_1204 : i32 to index
        %get3A_1245 = arith.constant 80 : index
        %get3A_1246 = tpu.vector_load %arg22[%get3A_1244, %get3A_1245] {strides = array<i32>} : memref<64x128xf32, #tpu.memory_space<vmem>>, vector<1x16xf32>,
        %get3A_1247 = vector.shape_cast %get3A_1246 : vector<1x16xf32> to vector<16xf32>
        %mul3A_1248 = arith.mulf %gather3A_1198, %get3A_1247 : vector<16xf32>
        %add3A_1249 = arith.addf %add3A_1243, %mul3A_1248 : vector<16xf32>
        %get3A_1250 = arith.index_cast %add3A_1204 : i32 to index
        %get3A_1251 = arith.constant 80 : index
        %get3A_1252 = tpu.vector_load %arg23[%get3A_1250, %get3A_1251] {strides = array<i32>} : memref<64x128xf32, #tpu.memory_space<vmem>>, vector<1x16xf32>,
        %get3A_1253 = vector.shape_cast %get3A_1252 : vector<1x16xf32> to vector<16xf32>
        %mul3A_1254 = arith.mulf %gather3A_1200, %get3A_1253 : vector<16xf32>
        %add3A_1255 = arith.addf %add3A_1249, %mul3A_1254 : vector<16xf32>
        %swap3A_1256 = arith.index_cast %add3A_1204 : i32 to index
        %swap3A_1257 = arith.constant 16 : index
        %swap3A_1258 = tpu.vector_load %arg24[%swap3A_1256, %swap3A_1257] {strides = array<i32>} : memref<64x64xf32, #tpu.memory_space<vmem>>, vector<1x16xf32>,
        %swap3A_1259 = vector.shape_cast %swap3A_1258 : vector<1x16xf32> to vector<16xf32>
        %swap3A_1260 = vector.shape_cast %add3A_1255 : vector<16xf32> to vector<1x16xf32>
        tpu.vector_store %arg24[%swap3A_1256, %swap3A_1257], %swap3A_1260 {strides = array<i32>} : memref<64x64xf32, #tpu.memory_space<vmem>>, vector<1x16xf32>,
        %get3A_1261 = arith.index_cast %add3A_1204 : i32 to index
        %get3A_1262 = arith.constant 96 : index
        %get3A_1263 = tpu.vector_load %arg20[%get3A_1261, %get3A_1262] {strides = array<i32>} : memref<64x128xf32, #tpu.memory_space<vmem>>, vector<1x16xf32>,
        %get3A_1264 = vector.shape_cast %get3A_1263 : vector<1x16xf32> to vector<16xf32>
        %mul3A_1265 = arith.mulf %gather3A_1194, %get3A_1264 : vector<16xf32>
        %get3A_1266 = arith.index_cast %add3A_1204 : i32 to index
        %get3A_1267 = arith.constant 96 : index
        %get3A_1268 = tpu.vector_load %arg21[%get3A_1266, %get3A_1267] {strides = array<i32>} : memref<64x128xf32, #tpu.memory_space<vmem>>, vector<1x16xf32>,
        %get3A_1269 = vector.shape_cast %get3A_1268 : vector<1x16xf32> to vector<16xf32>
        %mul3A_1270 = arith.mulf %gather3A_1196, %get3A_1269 : vector<16xf32>
        %add3A_1271 = arith.addf %mul3A_1265, %mul3A_1270 : vector<16xf32>
        %get3A_1272 = arith.index_cast %add3A_1204 : i32 to index
        %get3A_1273 = arith.constant 96 : index
        %get3A_1274 = tpu.vector_load %arg22[%get3A_1272, %get3A_1273] {strides = array<i32>} : memref<64x128xf32, #tpu.memory_space<vmem>>, vector<1x16xf32>,
        %get3A_1275 = vector.shape_cast %get3A_1274 : vector<1x16xf32> to vector<16xf32>
        %mul3A_1276 = arith.mulf %gather3A_1198, %get3A_1275 : vector<16xf32>
        %add3A_1277 = arith.addf %add3A_1271, %mul3A_1276 : vector<16xf32>
        %get3A_1278 = arith.index_cast %add3A_1204 : i32 to index
        %get3A_1279 = arith.constant 96 : index
        %get3A_1280 = tpu.vector_load %arg23[%get3A_1278, %get3A_1279] {strides = array<i32>} : memref<64x128xf32, #tpu.memory_space<vmem>>, vector<1x16xf32>,
        %get3A_1281 = vector.shape_cast %get3A_1280 : vector<1x16xf32> to vector<16xf32>
        %mul3A_1282 = arith.mulf %gather3A_1200, %get3A_1281 : vector<16xf32>
        %add3A_1283 = arith.addf %add3A_1277, %mul3A_1282 : vector<16xf32>
        %swap3A_1284 = arith.index_cast %add3A_1204 : i32 to index
        %swap3A_1285 = arith.constant 32 : index
        %swap3A_1286 = tpu.vector_load %arg24[%swap3A_1284, %swap3A_1285] {strides = array<i32>} : memref<64x64xf32, #tpu.memory_space<vmem>>, vector<1x16xf32>,
        %swap3A_1287 = vector.shape_cast %swap3A_1286 : vector<1x16xf32> to vector<16xf32>
        %swap3A_1288 = vector.shape_cast %add3A_1283 : vector<16xf32> to vector<1x16xf32>
        tpu.vector_store %arg24[%swap3A_1284, %swap3A_1285], %swap3A_1288 {strides = array<i32>} : memref<64x64xf32, #tpu.memory_space<vmem>>, vector<1x16xf32>,
        %get3A_1289 = arith.index_cast %add3A_1204 : i32 to index
        %get3A_1290 = arith.constant 112 : index
        %get3A_1291 = tpu.vector_load %arg20[%get3A_1289, %get3A_1290] {strides = array<i32>} : memref<64x128xf32, #tpu.memory_space<vmem>>, vector<1x16xf32>,
        %get3A_1292 = vector.shape_cast %get3A_1291 : vector<1x16xf32> to vector<16xf32>
        %mul3A_1293 = arith.mulf %gather3A_1194, %get3A_1292 : vector<16xf32>
        %get3A_1294 = arith.index_cast %add3A_1204 : i32 to index
        %get3A_1295 = arith.constant 112 : index
        %get3A_1296 = tpu.vector_load %arg21[%get3A_1294, %get3A_1295] {strides = array<i32>} : memref<64x128xf32, #tpu.memory_space<vmem>>, vector<1x16xf32>,
        %get3A_1297 = vector.shape_cast %get3A_1296 : vector<1x16xf32> to vector<16xf32>
        %mul3A_1298 = arith.mulf %gather3A_1196, %get3A_1297 : vector<16xf32>
        %add3A_1299 = arith.addf %mul3A_1293, %mul3A_1298 : vector<16xf32>
        %get3A_1300 = arith.index_cast %add3A_1204 : i32 to index
        %get3A_1301 = arith.constant 112 : index
        %get3A_1302 = tpu.vector_load %arg22[%get3A_1300, %get3A_1301] {strides = array<i32>} : memref<64x128xf32, #tpu.memory_space<vmem>>, vector<1x16xf32>,
        %get3A_1303 = vector.shape_cast %get3A_1302 : vector<1x16xf32> to vector<16xf32>
        %mul3A_1304 = arith.mulf %gather3A_1198, %get3A_1303 : vector<16xf32>
        %add3A_1305 = arith.addf %add3A_1299, %mul3A_1304 : vector<16xf32>
        %get3A_1306 = arith.index_cast %add3A_1204 : i32 to index
        %get3A_1307 = arith.constant 112 : index
        %get3A_1308 = tpu.vector_load %arg23[%get3A_1306, %get3A_1307] {strides = array<i32>} : memref<64x128xf32, #tpu.memory_space<vmem>>, vector<1x16xf32>,
        %get3A_1309 = vector.shape_cast %get3A_1308 : vector<1x16xf32> to vector<16xf32>
        %mul3A_1310 = arith.mulf %gather3A_1200, %get3A_1309 : vector<16xf32>
        %add3A_1311 = arith.addf %add3A_1305, %mul3A_1310 : vector<16xf32>
        %swap3A_1312 = arith.index_cast %add3A_1204 : i32 to index
        %swap3A_1313 = arith.constant 48 : index
        %swap3A_1314 = tpu.vector_load %arg24[%swap3A_1312, %swap3A_1313] {strides = array<i32>} : memref<64x64xf32, #tpu.memory_space<vmem>>, vector<1x16xf32>,
        %swap3A_1315 = vector.shape_cast %swap3A_1314 : vector<1x16xf32> to vector<16xf32>
        %swap3A_1316 = vector.shape_cast %add3A_1311 : vector<16xf32> to vector<1x16xf32>
        tpu.vector_store %arg24[%swap3A_1312, %swap3A_1313], %swap3A_1316 {strides = array<i32>} : memref<64x64xf32, #tpu.memory_space<vmem>>, vector<1x16xf32>,
        %broadcast_in_dim3A_1317 = arith.constant 10 : i32
        %broadcast_in_dim3A_1318 = vector.broadcast %broadcast_in_dim3A_1317 : i32 to vector<16x1xi32>
        %gather3A_1319 = vector.shape_cast %broadcast_in_dim3A_1318 : vector<16x1xi32> to vector<16xi32>
        %gather3A_1320 = tpu.dynamic_gather %get3A_44[%gather3A_1319] in [0] : vector<16xf32>, vector<16xi32> -> vector<16xf32>
        %gather3A_1321 = vector.shape_cast %broadcast_in_dim3A_1318 : vector<16x1xi32> to vector<16xi32>
        %gather3A_1322 = tpu.dynamic_gather %get3A_49[%gather3A_1321] in [0] : vector<16xf32>, vector<16xi32> -> vector<16xf32>
        %gather3A_1323 = vector.shape_cast %broadcast_in_dim3A_1318 : vector<16x1xi32> to vector<16xi32>
        %gather3A_1324 = tpu.dynamic_gather %get3A_54[%gather3A_1323] in [0] : vector<16xf32>, vector<16xi32> -> vector<16xf32>
        %gather3A_1325 = vector.shape_cast %broadcast_in_dim3A_1318 : vector<16x1xi32> to vector<16xi32>
        %gather3A_1326 = tpu.dynamic_gather %get3A_59[%gather3A_1325] in [0] : vector<16xf32>, vector<16xi32> -> vector<16xf32>
        %mul3A_1327 = arith.constant 16 : i32
        %mul3A_1328 = arith.muli %scan3A_40, %mul3A_1327 : i32
        %add3A_1329 = arith.constant 10 : i32
        %add3A_1330 = arith.addi %mul3A_1328, %add3A_1329 : i32
        %get3A_1331 = arith.index_cast %add3A_1330 : i32 to index
        %get3A_1332 = arith.constant 64 : index
        %get3A_1333 = tpu.vector_load %arg20[%get3A_1331, %get3A_1332] {strides = array<i32>} : memref<64x128xf32, #tpu.memory_space<vmem>>, vector<1x16xf32>,
        %get3A_1334 = vector.shape_cast %get3A_1333 : vector<1x16xf32> to vector<16xf32>
        %mul3A_1335 = arith.mulf %gather3A_1320, %get3A_1334 : vector<16xf32>
        %get3A_1336 = arith.index_cast %add3A_1330 : i32 to index
        %get3A_1337 = arith.constant 64 : index
        %get3A_1338 = tpu.vector_load %arg21[%get3A_1336, %get3A_1337] {strides = array<i32>} : memref<64x128xf32, #tpu.memory_space<vmem>>, vector<1x16xf32>,
        %get3A_1339 = vector.shape_cast %get3A_1338 : vector<1x16xf32> to vector<16xf32>
        %mul3A_1340 = arith.mulf %gather3A_1322, %get3A_1339 : vector<16xf32>
        %add3A_1341 = arith.addf %mul3A_1335, %mul3A_1340 : vector<16xf32>
        %get3A_1342 = arith.index_cast %add3A_1330 : i32 to index
        %get3A_1343 = arith.constant 64 : index
        %get3A_1344 = tpu.vector_load %arg22[%get3A_1342, %get3A_1343] {strides = array<i32>} : memref<64x128xf32, #tpu.memory_space<vmem>>, vector<1x16xf32>,
        %get3A_1345 = vector.shape_cast %get3A_1344 : vector<1x16xf32> to vector<16xf32>
        %mul3A_1346 = arith.mulf %gather3A_1324, %get3A_1345 : vector<16xf32>
        %add3A_1347 = arith.addf %add3A_1341, %mul3A_1346 : vector<16xf32>
        %get3A_1348 = arith.index_cast %add3A_1330 : i32 to index
        %get3A_1349 = arith.constant 64 : index
        %get3A_1350 = tpu.vector_load %arg23[%get3A_1348, %get3A_1349] {strides = array<i32>} : memref<64x128xf32, #tpu.memory_space<vmem>>, vector<1x16xf32>,
        %get3A_1351 = vector.shape_cast %get3A_1350 : vector<1x16xf32> to vector<16xf32>
        %mul3A_1352 = arith.mulf %gather3A_1326, %get3A_1351 : vector<16xf32>
        %add3A_1353 = arith.addf %add3A_1347, %mul3A_1352 : vector<16xf32>
        %swap3A_1354 = arith.index_cast %add3A_1330 : i32 to index
        %swap3A_1355 = arith.constant 0 : index
        %swap3A_1356 = tpu.vector_load %arg24[%swap3A_1354, %swap3A_1355] {strides = array<i32>} : memref<64x64xf32, #tpu.memory_space<vmem>>, vector<1x16xf32>,
        %swap3A_1357 = vector.shape_cast %swap3A_1356 : vector<1x16xf32> to vector<16xf32>
        %swap3A_1358 = vector.shape_cast %add3A_1353 : vector<16xf32> to vector<1x16xf32>
        tpu.vector_store %arg24[%swap3A_1354, %swap3A_1355], %swap3A_1358 {strides = array<i32>} : memref<64x64xf32, #tpu.memory_space<vmem>>, vector<1x16xf32>,
        %get3A_1359 = arith.index_cast %add3A_1330 : i32 to index
        %get3A_1360 = arith.constant 80 : index
        %get3A_1361 = tpu.vector_load %arg20[%get3A_1359, %get3A_1360] {strides = array<i32>} : memref<64x128xf32, #tpu.memory_space<vmem>>, vector<1x16xf32>,
        %get3A_1362 = vector.shape_cast %get3A_1361 : vector<1x16xf32> to vector<16xf32>
        %mul3A_1363 = arith.mulf %gather3A_1320, %get3A_1362 : vector<16xf32>
        %get3A_1364 = arith.index_cast %add3A_1330 : i32 to index
        %get3A_1365 = arith.constant 80 : index
        %get3A_1366 = tpu.vector_load %arg21[%get3A_1364, %get3A_1365] {strides = array<i32>} : memref<64x128xf32, #tpu.memory_space<vmem>>, vector<1x16xf32>,
        %get3A_1367 = vector.shape_cast %get3A_1366 : vector<1x16xf32> to vector<16xf32>
        %mul3A_1368 = arith.mulf %gather3A_1322, %get3A_1367 : vector<16xf32>
        %add3A_1369 = arith.addf %mul3A_1363, %mul3A_1368 : vector<16xf32>
        %get3A_1370 = arith.index_cast %add3A_1330 : i32 to index
        %get3A_1371 = arith.constant 80 : index
        %get3A_1372 = tpu.vector_load %arg22[%get3A_1370, %get3A_1371] {strides = array<i32>} : memref<64x128xf32, #tpu.memory_space<vmem>>, vector<1x16xf32>,
        %get3A_1373 = vector.shape_cast %get3A_1372 : vector<1x16xf32> to vector<16xf32>
        %mul3A_1374 = arith.mulf %gather3A_1324, %get3A_1373 : vector<16xf32>
        %add3A_1375 = arith.addf %add3A_1369, %mul3A_1374 : vector<16xf32>
        %get3A_1376 = arith.index_cast %add3A_1330 : i32 to index
        %get3A_1377 = arith.constant 80 : index
        %get3A_1378 = tpu.vector_load %arg23[%get3A_1376, %get3A_1377] {strides = array<i32>} : memref<64x128xf32, #tpu.memory_space<vmem>>, vector<1x16xf32>,
        %get3A_1379 = vector.shape_cast %get3A_1378 : vector<1x16xf32> to vector<16xf32>
        %mul3A_1380 = arith.mulf %gather3A_1326, %get3A_1379 : vector<16xf32>
        %add3A_1381 = arith.addf %add3A_1375, %mul3A_1380 : vector<16xf32>
        %swap3A_1382 = arith.index_cast %add3A_1330 : i32 to index
        %swap3A_1383 = arith.constant 16 : index
        %swap3A_1384 = tpu.vector_load %arg24[%swap3A_1382, %swap3A_1383] {strides = array<i32>} : memref<64x64xf32, #tpu.memory_space<vmem>>, vector<1x16xf32>,
        %swap3A_1385 = vector.shape_cast %swap3A_1384 : vector<1x16xf32> to vector<16xf32>
        %swap3A_1386 = vector.shape_cast %add3A_1381 : vector<16xf32> to vector<1x16xf32>
        tpu.vector_store %arg24[%swap3A_1382, %swap3A_1383], %swap3A_1386 {strides = array<i32>} : memref<64x64xf32, #tpu.memory_space<vmem>>, vector<1x16xf32>,
        %get3A_1387 = arith.index_cast %add3A_1330 : i32 to index
        %get3A_1388 = arith.constant 96 : index
        %get3A_1389 = tpu.vector_load %arg20[%get3A_1387, %get3A_1388] {strides = array<i32>} : memref<64x128xf32, #tpu.memory_space<vmem>>, vector<1x16xf32>,
        %get3A_1390 = vector.shape_cast %get3A_1389 : vector<1x16xf32> to vector<16xf32>
        %mul3A_1391 = arith.mulf %gather3A_1320, %get3A_1390 : vector<16xf32>
        %get3A_1392 = arith.index_cast %add3A_1330 : i32 to index
        %get3A_1393 = arith.constant 96 : index
        %get3A_1394 = tpu.vector_load %arg21[%get3A_1392, %get3A_1393] {strides = array<i32>} : memref<64x128xf32, #tpu.memory_space<vmem>>, vector<1x16xf32>,
        %get3A_1395 = vector.shape_cast %get3A_1394 : vector<1x16xf32> to vector<16xf32>
        %mul3A_1396 = arith.mulf %gather3A_1322, %get3A_1395 : vector<16xf32>
        %add3A_1397 = arith.addf %mul3A_1391, %mul3A_1396 : vector<16xf32>
        %get3A_1398 = arith.index_cast %add3A_1330 : i32 to index
        %get3A_1399 = arith.constant 96 : index
        %get3A_1400 = tpu.vector_load %arg22[%get3A_1398, %get3A_1399] {strides = array<i32>} : memref<64x128xf32, #tpu.memory_space<vmem>>, vector<1x16xf32>,
        %get3A_1401 = vector.shape_cast %get3A_1400 : vector<1x16xf32> to vector<16xf32>
        %mul3A_1402 = arith.mulf %gather3A_1324, %get3A_1401 : vector<16xf32>
        %add3A_1403 = arith.addf %add3A_1397, %mul3A_1402 : vector<16xf32>
        %get3A_1404 = arith.index_cast %add3A_1330 : i32 to index
        %get3A_1405 = arith.constant 96 : index
        %get3A_1406 = tpu.vector_load %arg23[%get3A_1404, %get3A_1405] {strides = array<i32>} : memref<64x128xf32, #tpu.memory_space<vmem>>, vector<1x16xf32>,
        %get3A_1407 = vector.shape_cast %get3A_1406 : vector<1x16xf32> to vector<16xf32>
        %mul3A_1408 = arith.mulf %gather3A_1326, %get3A_1407 : vector<16xf32>
        %add3A_1409 = arith.addf %add3A_1403, %mul3A_1408 : vector<16xf32>
        %swap3A_1410 = arith.index_cast %add3A_1330 : i32 to index
        %swap3A_1411 = arith.constant 32 : index
        %swap3A_1412 = tpu.vector_load %arg24[%swap3A_1410, %swap3A_1411] {strides = array<i32>} : memref<64x64xf32, #tpu.memory_space<vmem>>, vector<1x16xf32>,
        %swap3A_1413 = vector.shape_cast %swap3A_1412 : vector<1x16xf32> to vector<16xf32>
        %swap3A_1414 = vector.shape_cast %add3A_1409 : vector<16xf32> to vector<1x16xf32>
        tpu.vector_store %arg24[%swap3A_1410, %swap3A_1411], %swap3A_1414 {strides = array<i32>} : memref<64x64xf32, #tpu.memory_space<vmem>>, vector<1x16xf32>,
        %get3A_1415 = arith.index_cast %add3A_1330 : i32 to index
        %get3A_1416 = arith.constant 112 : index
        %get3A_1417 = tpu.vector_load %arg20[%get3A_1415, %get3A_1416] {strides = array<i32>} : memref<64x128xf32, #tpu.memory_space<vmem>>, vector<1x16xf32>,
        %get3A_1418 = vector.shape_cast %get3A_1417 : vector<1x16xf32> to vector<16xf32>
        %mul3A_1419 = arith.mulf %gather3A_1320, %get3A_1418 : vector<16xf32>
        %get3A_1420 = arith.index_cast %add3A_1330 : i32 to index
        %get3A_1421 = arith.constant 112 : index
        %get3A_1422 = tpu.vector_load %arg21[%get3A_1420, %get3A_1421] {strides = array<i32>} : memref<64x128xf32, #tpu.memory_space<vmem>>, vector<1x16xf32>,
        %get3A_1423 = vector.shape_cast %get3A_1422 : vector<1x16xf32> to vector<16xf32>
        %mul3A_1424 = arith.mulf %gather3A_1322, %get3A_1423 : vector<16xf32>
        %add3A_1425 = arith.addf %mul3A_1419, %mul3A_1424 : vector<16xf32>
        %get3A_1426 = arith.index_cast %add3A_1330 : i32 to index
        %get3A_1427 = arith.constant 112 : index
        %get3A_1428 = tpu.vector_load %arg22[%get3A_1426, %get3A_1427] {strides = array<i32>} : memref<64x128xf32, #tpu.memory_space<vmem>>, vector<1x16xf32>,
        %get3A_1429 = vector.shape_cast %get3A_1428 : vector<1x16xf32> to vector<16xf32>
        %mul3A_1430 = arith.mulf %gather3A_1324, %get3A_1429 : vector<16xf32>
        %add3A_1431 = arith.addf %add3A_1425, %mul3A_1430 : vector<16xf32>
        %get3A_1432 = arith.index_cast %add3A_1330 : i32 to index
        %get3A_1433 = arith.constant 112 : index
        %get3A_1434 = tpu.vector_load %arg23[%get3A_1432, %get3A_1433] {strides = array<i32>} : memref<64x128xf32, #tpu.memory_space<vmem>>, vector<1x16xf32>,
        %get3A_1435 = vector.shape_cast %get3A_1434 : vector<1x16xf32> to vector<16xf32>
        %mul3A_1436 = arith.mulf %gather3A_1326, %get3A_1435 : vector<16xf32>
        %add3A_1437 = arith.addf %add3A_1431, %mul3A_1436 : vector<16xf32>
        %swap3A_1438 = arith.index_cast %add3A_1330 : i32 to index
        %swap3A_1439 = arith.constant 48 : index
        %swap3A_1440 = tpu.vector_load %arg24[%swap3A_1438, %swap3A_1439] {strides = array<i32>} : memref<64x64xf32, #tpu.memory_space<vmem>>, vector<1x16xf32>,
        %swap3A_1441 = vector.shape_cast %swap3A_1440 : vector<1x16xf32> to vector<16xf32>
        %swap3A_1442 = vector.shape_cast %add3A_1437 : vector<16xf32> to vector<1x16xf32>
        tpu.vector_store %arg24[%swap3A_1438, %swap3A_1439], %swap3A_1442 {strides = array<i32>} : memref<64x64xf32, #tpu.memory_space<vmem>>, vector<1x16xf32>,
        %broadcast_in_dim3A_1443 = arith.constant 11 : i32
        %broadcast_in_dim3A_1444 = vector.broadcast %broadcast_in_dim3A_1443 : i32 to vector<16x1xi32>
        %gather3A_1445 = vector.shape_cast %broadcast_in_dim3A_1444 : vector<16x1xi32> to vector<16xi32>
        %gather3A_1446 = tpu.dynamic_gather %get3A_44[%gather3A_1445] in [0] : vector<16xf32>, vector<16xi32> -> vector<16xf32>
        %gather3A_1447 = vector.shape_cast %broadcast_in_dim3A_1444 : vector<16x1xi32> to vector<16xi32>
        %gather3A_1448 = tpu.dynamic_gather %get3A_49[%gather3A_1447] in [0] : vector<16xf32>, vector<16xi32> -> vector<16xf32>
        %gather3A_1449 = vector.shape_cast %broadcast_in_dim3A_1444 : vector<16x1xi32> to vector<16xi32>
        %gather3A_1450 = tpu.dynamic_gather %get3A_54[%gather3A_1449] in [0] : vector<16xf32>, vector<16xi32> -> vector<16xf32>
        %gather3A_1451 = vector.shape_cast %broadcast_in_dim3A_1444 : vector<16x1xi32> to vector<16xi32>
        %gather3A_1452 = tpu.dynamic_gather %get3A_59[%gather3A_1451] in [0] : vector<16xf32>, vector<16xi32> -> vector<16xf32>
        %mul3A_1453 = arith.constant 16 : i32
        %mul3A_1454 = arith.muli %scan3A_40, %mul3A_1453 : i32
        %add3A_1455 = arith.constant 11 : i32
        %add3A_1456 = arith.addi %mul3A_1454, %add3A_1455 : i32
        %get3A_1457 = arith.index_cast %add3A_1456 : i32 to index
        %get3A_1458 = arith.constant 64 : index
        %get3A_1459 = tpu.vector_load %arg20[%get3A_1457, %get3A_1458] {strides = array<i32>} : memref<64x128xf32, #tpu.memory_space<vmem>>, vector<1x16xf32>,
        %get3A_1460 = vector.shape_cast %get3A_1459 : vector<1x16xf32> to vector<16xf32>
        %mul3A_1461 = arith.mulf %gather3A_1446, %get3A_1460 : vector<16xf32>
        %get3A_1462 = arith.index_cast %add3A_1456 : i32 to index
        %get3A_1463 = arith.constant 64 : index
        %get3A_1464 = tpu.vector_load %arg21[%get3A_1462, %get3A_1463] {strides = array<i32>} : memref<64x128xf32, #tpu.memory_space<vmem>>, vector<1x16xf32>,
        %get3A_1465 = vector.shape_cast %get3A_1464 : vector<1x16xf32> to vector<16xf32>
        %mul3A_1466 = arith.mulf %gather3A_1448, %get3A_1465 : vector<16xf32>
        %add3A_1467 = arith.addf %mul3A_1461, %mul3A_1466 : vector<16xf32>
        %get3A_1468 = arith.index_cast %add3A_1456 : i32 to index
        %get3A_1469 = arith.constant 64 : index
        %get3A_1470 = tpu.vector_load %arg22[%get3A_1468, %get3A_1469] {strides = array<i32>} : memref<64x128xf32, #tpu.memory_space<vmem>>, vector<1x16xf32>,
        %get3A_1471 = vector.shape_cast %get3A_1470 : vector<1x16xf32> to vector<16xf32>
        %mul3A_1472 = arith.mulf %gather3A_1450, %get3A_1471 : vector<16xf32>
        %add3A_1473 = arith.addf %add3A_1467, %mul3A_1472 : vector<16xf32>
        %get3A_1474 = arith.index_cast %add3A_1456 : i32 to index
        %get3A_1475 = arith.constant 64 : index
        %get3A_1476 = tpu.vector_load %arg23[%get3A_1474, %get3A_1475] {strides = array<i32>} : memref<64x128xf32, #tpu.memory_space<vmem>>, vector<1x16xf32>,
        %get3A_1477 = vector.shape_cast %get3A_1476 : vector<1x16xf32> to vector<16xf32>
        %mul3A_1478 = arith.mulf %gather3A_1452, %get3A_1477 : vector<16xf32>
        %add3A_1479 = arith.addf %add3A_1473, %mul3A_1478 : vector<16xf32>
        %swap3A_1480 = arith.index_cast %add3A_1456 : i32 to index
        %swap3A_1481 = arith.constant 0 : index
        %swap3A_1482 = tpu.vector_load %arg24[%swap3A_1480, %swap3A_1481] {strides = array<i32>} : memref<64x64xf32, #tpu.memory_space<vmem>>, vector<1x16xf32>,
        %swap3A_1483 = vector.shape_cast %swap3A_1482 : vector<1x16xf32> to vector<16xf32>
        %swap3A_1484 = vector.shape_cast %add3A_1479 : vector<16xf32> to vector<1x16xf32>
        tpu.vector_store %arg24[%swap3A_1480, %swap3A_1481], %swap3A_1484 {strides = array<i32>} : memref<64x64xf32, #tpu.memory_space<vmem>>, vector<1x16xf32>,
        %get3A_1485 = arith.index_cast %add3A_1456 : i32 to index
        %get3A_1486 = arith.constant 80 : index
        %get3A_1487 = tpu.vector_load %arg20[%get3A_1485, %get3A_1486] {strides = array<i32>} : memref<64x128xf32, #tpu.memory_space<vmem>>, vector<1x16xf32>,
        %get3A_1488 = vector.shape_cast %get3A_1487 : vector<1x16xf32> to vector<16xf32>
        %mul3A_1489 = arith.mulf %gather3A_1446, %get3A_1488 : vector<16xf32>
        %get3A_1490 = arith.index_cast %add3A_1456 : i32 to index
        %get3A_1491 = arith.constant 80 : index
        %get3A_1492 = tpu.vector_load %arg21[%get3A_1490, %get3A_1491] {strides = array<i32>} : memref<64x128xf32, #tpu.memory_space<vmem>>, vector<1x16xf32>,
        %get3A_1493 = vector.shape_cast %get3A_1492 : vector<1x16xf32> to vector<16xf32>
        %mul3A_1494 = arith.mulf %gather3A_1448, %get3A_1493 : vector<16xf32>
        %add3A_1495 = arith.addf %mul3A_1489, %mul3A_1494 : vector<16xf32>
        %get3A_1496 = arith.index_cast %add3A_1456 : i32 to index
        %get3A_1497 = arith.constant 80 : index
        %get3A_1498 = tpu.vector_load %arg22[%get3A_1496, %get3A_1497] {strides = array<i32>} : memref<64x128xf32, #tpu.memory_space<vmem>>, vector<1x16xf32>,
        %get3A_1499 = vector.shape_cast %get3A_1498 : vector<1x16xf32> to vector<16xf32>
        %mul3A_1500 = arith.mulf %gather3A_1450, %get3A_1499 : vector<16xf32>
        %add3A_1501 = arith.addf %add3A_1495, %mul3A_1500 : vector<16xf32>
        %get3A_1502 = arith.index_cast %add3A_1456 : i32 to index
        %get3A_1503 = arith.constant 80 : index
        %get3A_1504 = tpu.vector_load %arg23[%get3A_1502, %get3A_1503] {strides = array<i32>} : memref<64x128xf32, #tpu.memory_space<vmem>>, vector<1x16xf32>,
        %get3A_1505 = vector.shape_cast %get3A_1504 : vector<1x16xf32> to vector<16xf32>
        %mul3A_1506 = arith.mulf %gather3A_1452, %get3A_1505 : vector<16xf32>
        %add3A_1507 = arith.addf %add3A_1501, %mul3A_1506 : vector<16xf32>
        %swap3A_1508 = arith.index_cast %add3A_1456 : i32 to index
        %swap3A_1509 = arith.constant 16 : index
        %swap3A_1510 = tpu.vector_load %arg24[%swap3A_1508, %swap3A_1509] {strides = array<i32>} : memref<64x64xf32, #tpu.memory_space<vmem>>, vector<1x16xf32>,
        %swap3A_1511 = vector.shape_cast %swap3A_1510 : vector<1x16xf32> to vector<16xf32>
        %swap3A_1512 = vector.shape_cast %add3A_1507 : vector<16xf32> to vector<1x16xf32>
        tpu.vector_store %arg24[%swap3A_1508, %swap3A_1509], %swap3A_1512 {strides = array<i32>} : memref<64x64xf32, #tpu.memory_space<vmem>>, vector<1x16xf32>,
        %get3A_1513 = arith.index_cast %add3A_1456 : i32 to index
        %get3A_1514 = arith.constant 96 : index
        %get3A_1515 = tpu.vector_load %arg20[%get3A_1513, %get3A_1514] {strides = array<i32>} : memref<64x128xf32, #tpu.memory_space<vmem>>, vector<1x16xf32>,
        %get3A_1516 = vector.shape_cast %get3A_1515 : vector<1x16xf32> to vector<16xf32>
        %mul3A_1517 = arith.mulf %gather3A_1446, %get3A_1516 : vector<16xf32>
        %get3A_1518 = arith.index_cast %add3A_1456 : i32 to index
        %get3A_1519 = arith.constant 96 : index
        %get3A_1520 = tpu.vector_load %arg21[%get3A_1518, %get3A_1519] {strides = array<i32>} : memref<64x128xf32, #tpu.memory_space<vmem>>, vector<1x16xf32>,
        %get3A_1521 = vector.shape_cast %get3A_1520 : vector<1x16xf32> to vector<16xf32>
        %mul3A_1522 = arith.mulf %gather3A_1448, %get3A_1521 : vector<16xf32>
        %add3A_1523 = arith.addf %mul3A_1517, %mul3A_1522 : vector<16xf32>
        %get3A_1524 = arith.index_cast %add3A_1456 : i32 to index
        %get3A_1525 = arith.constant 96 : index
        %get3A_1526 = tpu.vector_load %arg22[%get3A_1524, %get3A_1525] {strides = array<i32>} : memref<64x128xf32, #tpu.memory_space<vmem>>, vector<1x16xf32>,
        %get3A_1527 = vector.shape_cast %get3A_1526 : vector<1x16xf32> to vector<16xf32>
        %mul3A_1528 = arith.mulf %gather3A_1450, %get3A_1527 : vector<16xf32>
        %add3A_1529 = arith.addf %add3A_1523, %mul3A_1528 : vector<16xf32>
        %get3A_1530 = arith.index_cast %add3A_1456 : i32 to index
        %get3A_1531 = arith.constant 96 : index
        %get3A_1532 = tpu.vector_load %arg23[%get3A_1530, %get3A_1531] {strides = array<i32>} : memref<64x128xf32, #tpu.memory_space<vmem>>, vector<1x16xf32>,
        %get3A_1533 = vector.shape_cast %get3A_1532 : vector<1x16xf32> to vector<16xf32>
        %mul3A_1534 = arith.mulf %gather3A_1452, %get3A_1533 : vector<16xf32>
        %add3A_1535 = arith.addf %add3A_1529, %mul3A_1534 : vector<16xf32>
        %swap3A_1536 = arith.index_cast %add3A_1456 : i32 to index
        %swap3A_1537 = arith.constant 32 : index
        %swap3A_1538 = tpu.vector_load %arg24[%swap3A_1536, %swap3A_1537] {strides = array<i32>} : memref<64x64xf32, #tpu.memory_space<vmem>>, vector<1x16xf32>,
        %swap3A_1539 = vector.shape_cast %swap3A_1538 : vector<1x16xf32> to vector<16xf32>
        %swap3A_1540 = vector.shape_cast %add3A_1535 : vector<16xf32> to vector<1x16xf32>
        tpu.vector_store %arg24[%swap3A_1536, %swap3A_1537], %swap3A_1540 {strides = array<i32>} : memref<64x64xf32, #tpu.memory_space<vmem>>, vector<1x16xf32>,
        %get3A_1541 = arith.index_cast %add3A_1456 : i32 to index
        %get3A_1542 = arith.constant 112 : index
        %get3A_1543 = tpu.vector_load %arg20[%get3A_1541, %get3A_1542] {strides = array<i32>} : memref<64x128xf32, #tpu.memory_space<vmem>>, vector<1x16xf32>,
        %get3A_1544 = vector.shape_cast %get3A_1543 : vector<1x16xf32> to vector<16xf32>
        %mul3A_1545 = arith.mulf %gather3A_1446, %get3A_1544 : vector<16xf32>
        %get3A_1546 = arith.index_cast %add3A_1456 : i32 to index
        %get3A_1547 = arith.constant 112 : index
        %get3A_1548 = tpu.vector_load %arg21[%get3A_1546, %get3A_1547] {strides = array<i32>} : memref<64x128xf32, #tpu.memory_space<vmem>>, vector<1x16xf32>,
        %get3A_1549 = vector.shape_cast %get3A_1548 : vector<1x16xf32> to vector<16xf32>
        %mul3A_1550 = arith.mulf %gather3A_1448, %get3A_1549 : vector<16xf32>
        %add3A_1551 = arith.addf %mul3A_1545, %mul3A_1550 : vector<16xf32>
        %get3A_1552 = arith.index_cast %add3A_1456 : i32 to index
        %get3A_1553 = arith.constant 112 : index
        %get3A_1554 = tpu.vector_load %arg22[%get3A_1552, %get3A_1553] {strides = array<i32>} : memref<64x128xf32, #tpu.memory_space<vmem>>, vector<1x16xf32>,
        %get3A_1555 = vector.shape_cast %get3A_1554 : vector<1x16xf32> to vector<16xf32>
        %mul3A_1556 = arith.mulf %gather3A_1450, %get3A_1555 : vector<16xf32>
        %add3A_1557 = arith.addf %add3A_1551, %mul3A_1556 : vector<16xf32>
        %get3A_1558 = arith.index_cast %add3A_1456 : i32 to index
        %get3A_1559 = arith.constant 112 : index
        %get3A_1560 = tpu.vector_load %arg23[%get3A_1558, %get3A_1559] {strides = array<i32>} : memref<64x128xf32, #tpu.memory_space<vmem>>, vector<1x16xf32>,
        %get3A_1561 = vector.shape_cast %get3A_1560 : vector<1x16xf32> to vector<16xf32>
        %mul3A_1562 = arith.mulf %gather3A_1452, %get3A_1561 : vector<16xf32>
        %add3A_1563 = arith.addf %add3A_1557, %mul3A_1562 : vector<16xf32>
        %swap3A_1564 = arith.index_cast %add3A_1456 : i32 to index
        %swap3A_1565 = arith.constant 48 : index
        %swap3A_1566 = tpu.vector_load %arg24[%swap3A_1564, %swap3A_1565] {strides = array<i32>} : memref<64x64xf32, #tpu.memory_space<vmem>>, vector<1x16xf32>,
        %swap3A_1567 = vector.shape_cast %swap3A_1566 : vector<1x16xf32> to vector<16xf32>
        %swap3A_1568 = vector.shape_cast %add3A_1563 : vector<16xf32> to vector<1x16xf32>
        tpu.vector_store %arg24[%swap3A_1564, %swap3A_1565], %swap3A_1568 {strides = array<i32>} : memref<64x64xf32, #tpu.memory_space<vmem>>, vector<1x16xf32>,
        %broadcast_in_dim3A_1569 = arith.constant 12 : i32
        %broadcast_in_dim3A_1570 = vector.broadcast %broadcast_in_dim3A_1569 : i32 to vector<16x1xi32>
        %gather3A_1571 = vector.shape_cast %broadcast_in_dim3A_1570 : vector<16x1xi32> to vector<16xi32>
        %gather3A_1572 = tpu.dynamic_gather %get3A_44[%gather3A_1571] in [0] : vector<16xf32>, vector<16xi32> -> vector<16xf32>
        %gather3A_1573 = vector.shape_cast %broadcast_in_dim3A_1570 : vector<16x1xi32> to vector<16xi32>
        %gather3A_1574 = tpu.dynamic_gather %get3A_49[%gather3A_1573] in [0] : vector<16xf32>, vector<16xi32> -> vector<16xf32>
        %gather3A_1575 = vector.shape_cast %broadcast_in_dim3A_1570 : vector<16x1xi32> to vector<16xi32>
        %gather3A_1576 = tpu.dynamic_gather %get3A_54[%gather3A_1575] in [0] : vector<16xf32>, vector<16xi32> -> vector<16xf32>
        %gather3A_1577 = vector.shape_cast %broadcast_in_dim3A_1570 : vector<16x1xi32> to vector<16xi32>
        %gather3A_1578 = tpu.dynamic_gather %get3A_59[%gather3A_1577] in [0] : vector<16xf32>, vector<16xi32> -> vector<16xf32>
        %mul3A_1579 = arith.constant 16 : i32
        %mul3A_1580 = arith.muli %scan3A_40, %mul3A_1579 : i32
        %add3A_1581 = arith.constant 12 : i32
        %add3A_1582 = arith.addi %mul3A_1580, %add3A_1581 : i32
        %get3A_1583 = arith.index_cast %add3A_1582 : i32 to index
        %get3A_1584 = arith.constant 64 : index
        %get3A_1585 = tpu.vector_load %arg20[%get3A_1583, %get3A_1584] {strides = array<i32>} : memref<64x128xf32, #tpu.memory_space<vmem>>, vector<1x16xf32>,
        %get3A_1586 = vector.shape_cast %get3A_1585 : vector<1x16xf32> to vector<16xf32>
        %mul3A_1587 = arith.mulf %gather3A_1572, %get3A_1586 : vector<16xf32>
        %get3A_1588 = arith.index_cast %add3A_1582 : i32 to index
        %get3A_1589 = arith.constant 64 : index
        %get3A_1590 = tpu.vector_load %arg21[%get3A_1588, %get3A_1589] {strides = array<i32>} : memref<64x128xf32, #tpu.memory_space<vmem>>, vector<1x16xf32>,
        %get3A_1591 = vector.shape_cast %get3A_1590 : vector<1x16xf32> to vector<16xf32>
        %mul3A_1592 = arith.mulf %gather3A_1574, %get3A_1591 : vector<16xf32>
        %add3A_1593 = arith.addf %mul3A_1587, %mul3A_1592 : vector<16xf32>
        %get3A_1594 = arith.index_cast %add3A_1582 : i32 to index
        %get3A_1595 = arith.constant 64 : index
        %get3A_1596 = tpu.vector_load %arg22[%get3A_1594, %get3A_1595] {strides = array<i32>} : memref<64x128xf32, #tpu.memory_space<vmem>>, vector<1x16xf32>,
        %get3A_1597 = vector.shape_cast %get3A_1596 : vector<1x16xf32> to vector<16xf32>
        %mul3A_1598 = arith.mulf %gather3A_1576, %get3A_1597 : vector<16xf32>
        %add3A_1599 = arith.addf %add3A_1593, %mul3A_1598 : vector<16xf32>
        %get3A_1600 = arith.index_cast %add3A_1582 : i32 to index
        %get3A_1601 = arith.constant 64 : index
        %get3A_1602 = tpu.vector_load %arg23[%get3A_1600, %get3A_1601] {strides = array<i32>} : memref<64x128xf32, #tpu.memory_space<vmem>>, vector<1x16xf32>,
        %get3A_1603 = vector.shape_cast %get3A_1602 : vector<1x16xf32> to vector<16xf32>
        %mul3A_1604 = arith.mulf %gather3A_1578, %get3A_1603 : vector<16xf32>
        %add3A_1605 = arith.addf %add3A_1599, %mul3A_1604 : vector<16xf32>
        %swap3A_1606 = arith.index_cast %add3A_1582 : i32 to index
        %swap3A_1607 = arith.constant 0 : index
        %swap3A_1608 = tpu.vector_load %arg24[%swap3A_1606, %swap3A_1607] {strides = array<i32>} : memref<64x64xf32, #tpu.memory_space<vmem>>, vector<1x16xf32>,
        %swap3A_1609 = vector.shape_cast %swap3A_1608 : vector<1x16xf32> to vector<16xf32>
        %swap3A_1610 = vector.shape_cast %add3A_1605 : vector<16xf32> to vector<1x16xf32>
        tpu.vector_store %arg24[%swap3A_1606, %swap3A_1607], %swap3A_1610 {strides = array<i32>} : memref<64x64xf32, #tpu.memory_space<vmem>>, vector<1x16xf32>,
        %get3A_1611 = arith.index_cast %add3A_1582 : i32 to index
        %get3A_1612 = arith.constant 80 : index
        %get3A_1613 = tpu.vector_load %arg20[%get3A_1611, %get3A_1612] {strides = array<i32>} : memref<64x128xf32, #tpu.memory_space<vmem>>, vector<1x16xf32>,
        %get3A_1614 = vector.shape_cast %get3A_1613 : vector<1x16xf32> to vector<16xf32>
        %mul3A_1615 = arith.mulf %gather3A_1572, %get3A_1614 : vector<16xf32>
        %get3A_1616 = arith.index_cast %add3A_1582 : i32 to index
        %get3A_1617 = arith.constant 80 : index
        %get3A_1618 = tpu.vector_load %arg21[%get3A_1616, %get3A_1617] {strides = array<i32>} : memref<64x128xf32, #tpu.memory_space<vmem>>, vector<1x16xf32>,
        %get3A_1619 = vector.shape_cast %get3A_1618 : vector<1x16xf32> to vector<16xf32>
        %mul3A_1620 = arith.mulf %gather3A_1574, %get3A_1619 : vector<16xf32>
        %add3A_1621 = arith.addf %mul3A_1615, %mul3A_1620 : vector<16xf32>
        %get3A_1622 = arith.index_cast %add3A_1582 : i32 to index
        %get3A_1623 = arith.constant 80 : index
        %get3A_1624 = tpu.vector_load %arg22[%get3A_1622, %get3A_1623] {strides = array<i32>} : memref<64x128xf32, #tpu.memory_space<vmem>>, vector<1x16xf32>,
        %get3A_1625 = vector.shape_cast %get3A_1624 : vector<1x16xf32> to vector<16xf32>
        %mul3A_1626 = arith.mulf %gather3A_1576, %get3A_1625 : vector<16xf32>
        %add3A_1627 = arith.addf %add3A_1621, %mul3A_1626 : vector<16xf32>
        %get3A_1628 = arith.index_cast %add3A_1582 : i32 to index
        %get3A_1629 = arith.constant 80 : index
        %get3A_1630 = tpu.vector_load %arg23[%get3A_1628, %get3A_1629] {strides = array<i32>} : memref<64x128xf32, #tpu.memory_space<vmem>>, vector<1x16xf32>,
        %get3A_1631 = vector.shape_cast %get3A_1630 : vector<1x16xf32> to vector<16xf32>
        %mul3A_1632 = arith.mulf %gather3A_1578, %get3A_1631 : vector<16xf32>
        %add3A_1633 = arith.addf %add3A_1627, %mul3A_1632 : vector<16xf32>
        %swap3A_1634 = arith.index_cast %add3A_1582 : i32 to index
        %swap3A_1635 = arith.constant 16 : index
        %swap3A_1636 = tpu.vector_load %arg24[%swap3A_1634, %swap3A_1635] {strides = array<i32>} : memref<64x64xf32, #tpu.memory_space<vmem>>, vector<1x16xf32>,
        %swap3A_1637 = vector.shape_cast %swap3A_1636 : vector<1x16xf32> to vector<16xf32>
        %swap3A_1638 = vector.shape_cast %add3A_1633 : vector<16xf32> to vector<1x16xf32>
        tpu.vector_store %arg24[%swap3A_1634, %swap3A_1635], %swap3A_1638 {strides = array<i32>} : memref<64x64xf32, #tpu.memory_space<vmem>>, vector<1x16xf32>,
        %get3A_1639 = arith.index_cast %add3A_1582 : i32 to index
        %get3A_1640 = arith.constant 96 : index
        %get3A_1641 = tpu.vector_load %arg20[%get3A_1639, %get3A_1640] {strides = array<i32>} : memref<64x128xf32, #tpu.memory_space<vmem>>, vector<1x16xf32>,
        %get3A_1642 = vector.shape_cast %get3A_1641 : vector<1x16xf32> to vector<16xf32>
        %mul3A_1643 = arith.mulf %gather3A_1572, %get3A_1642 : vector<16xf32>
        %get3A_1644 = arith.index_cast %add3A_1582 : i32 to index
        %get3A_1645 = arith.constant 96 : index
        %get3A_1646 = tpu.vector_load %arg21[%get3A_1644, %get3A_1645] {strides = array<i32>} : memref<64x128xf32, #tpu.memory_space<vmem>>, vector<1x16xf32>,
        %get3A_1647 = vector.shape_cast %get3A_1646 : vector<1x16xf32> to vector<16xf32>
        %mul3A_1648 = arith.mulf %gather3A_1574, %get3A_1647 : vector<16xf32>
        %add3A_1649 = arith.addf %mul3A_1643, %mul3A_1648 : vector<16xf32>
        %get3A_1650 = arith.index_cast %add3A_1582 : i32 to index
        %get3A_1651 = arith.constant 96 : index
        %get3A_1652 = tpu.vector_load %arg22[%get3A_1650, %get3A_1651] {strides = array<i32>} : memref<64x128xf32, #tpu.memory_space<vmem>>, vector<1x16xf32>,
        %get3A_1653 = vector.shape_cast %get3A_1652 : vector<1x16xf32> to vector<16xf32>
        %mul3A_1654 = arith.mulf %gather3A_1576, %get3A_1653 : vector<16xf32>
        %add3A_1655 = arith.addf %add3A_1649, %mul3A_1654 : vector<16xf32>
        %get3A_1656 = arith.index_cast %add3A_1582 : i32 to index
        %get3A_1657 = arith.constant 96 : index
        %get3A_1658 = tpu.vector_load %arg23[%get3A_1656, %get3A_1657] {strides = array<i32>} : memref<64x128xf32, #tpu.memory_space<vmem>>, vector<1x16xf32>,
        %get3A_1659 = vector.shape_cast %get3A_1658 : vector<1x16xf32> to vector<16xf32>
        %mul3A_1660 = arith.mulf %gather3A_1578, %get3A_1659 : vector<16xf32>
        %add3A_1661 = arith.addf %add3A_1655, %mul3A_1660 : vector<16xf32>
        %swap3A_1662 = arith.index_cast %add3A_1582 : i32 to index
        %swap3A_1663 = arith.constant 32 : index
        %swap3A_1664 = tpu.vector_load %arg24[%swap3A_1662, %swap3A_1663] {strides = array<i32>} : memref<64x64xf32, #tpu.memory_space<vmem>>, vector<1x16xf32>,
        %swap3A_1665 = vector.shape_cast %swap3A_1664 : vector<1x16xf32> to vector<16xf32>
        %swap3A_1666 = vector.shape_cast %add3A_1661 : vector<16xf32> to vector<1x16xf32>
        tpu.vector_store %arg24[%swap3A_1662, %swap3A_1663], %swap3A_1666 {strides = array<i32>} : memref<64x64xf32, #tpu.memory_space<vmem>>, vector<1x16xf32>,
        %get3A_1667 = arith.index_cast %add3A_1582 : i32 to index
        %get3A_1668 = arith.constant 112 : index
        %get3A_1669 = tpu.vector_load %arg20[%get3A_1667, %get3A_1668] {strides = array<i32>} : memref<64x128xf32, #tpu.memory_space<vmem>>, vector<1x16xf32>,
        %get3A_1670 = vector.shape_cast %get3A_1669 : vector<1x16xf32> to vector<16xf32>
        %mul3A_1671 = arith.mulf %gather3A_1572, %get3A_1670 : vector<16xf32>
        %get3A_1672 = arith.index_cast %add3A_1582 : i32 to index
        %get3A_1673 = arith.constant 112 : index
        %get3A_1674 = tpu.vector_load %arg21[%get3A_1672, %get3A_1673] {strides = array<i32>} : memref<64x128xf32, #tpu.memory_space<vmem>>, vector<1x16xf32>,
        %get3A_1675 = vector.shape_cast %get3A_1674 : vector<1x16xf32> to vector<16xf32>
        %mul3A_1676 = arith.mulf %gather3A_1574, %get3A_1675 : vector<16xf32>
        %add3A_1677 = arith.addf %mul3A_1671, %mul3A_1676 : vector<16xf32>
        %get3A_1678 = arith.index_cast %add3A_1582 : i32 to index
        %get3A_1679 = arith.constant 112 : index
        %get3A_1680 = tpu.vector_load %arg22[%get3A_1678, %get3A_1679] {strides = array<i32>} : memref<64x128xf32, #tpu.memory_space<vmem>>, vector<1x16xf32>,
        %get3A_1681 = vector.shape_cast %get3A_1680 : vector<1x16xf32> to vector<16xf32>
        %mul3A_1682 = arith.mulf %gather3A_1576, %get3A_1681 : vector<16xf32>
        %add3A_1683 = arith.addf %add3A_1677, %mul3A_1682 : vector<16xf32>
        %get3A_1684 = arith.index_cast %add3A_1582 : i32 to index
        %get3A_1685 = arith.constant 112 : index
        %get3A_1686 = tpu.vector_load %arg23[%get3A_1684, %get3A_1685] {strides = array<i32>} : memref<64x128xf32, #tpu.memory_space<vmem>>, vector<1x16xf32>,
        %get3A_1687 = vector.shape_cast %get3A_1686 : vector<1x16xf32> to vector<16xf32>
        %mul3A_1688 = arith.mulf %gather3A_1578, %get3A_1687 : vector<16xf32>
        %add3A_1689 = arith.addf %add3A_1683, %mul3A_1688 : vector<16xf32>
        %swap3A_1690 = arith.index_cast %add3A_1582 : i32 to index
        %swap3A_1691 = arith.constant 48 : index
        %swap3A_1692 = tpu.vector_load %arg24[%swap3A_1690, %swap3A_1691] {strides = array<i32>} : memref<64x64xf32, #tpu.memory_space<vmem>>, vector<1x16xf32>,
        %swap3A_1693 = vector.shape_cast %swap3A_1692 : vector<1x16xf32> to vector<16xf32>
        %swap3A_1694 = vector.shape_cast %add3A_1689 : vector<16xf32> to vector<1x16xf32>
        tpu.vector_store %arg24[%swap3A_1690, %swap3A_1691], %swap3A_1694 {strides = array<i32>} : memref<64x64xf32, #tpu.memory_space<vmem>>, vector<1x16xf32>,
        %broadcast_in_dim3A_1695 = arith.constant 13 : i32
        %broadcast_in_dim3A_1696 = vector.broadcast %broadcast_in_dim3A_1695 : i32 to vector<16x1xi32>
        %gather3A_1697 = vector.shape_cast %broadcast_in_dim3A_1696 : vector<16x1xi32> to vector<16xi32>
        %gather3A_1698 = tpu.dynamic_gather %get3A_44[%gather3A_1697] in [0] : vector<16xf32>, vector<16xi32> -> vector<16xf32>
        %gather3A_1699 = vector.shape_cast %broadcast_in_dim3A_1696 : vector<16x1xi32> to vector<16xi32>
        %gather3A_1700 = tpu.dynamic_gather %get3A_49[%gather3A_1699] in [0] : vector<16xf32>, vector<16xi32> -> vector<16xf32>
        %gather3A_1701 = vector.shape_cast %broadcast_in_dim3A_1696 : vector<16x1xi32> to vector<16xi32>
        %gather3A_1702 = tpu.dynamic_gather %get3A_54[%gather3A_1701] in [0] : vector<16xf32>, vector<16xi32> -> vector<16xf32>
        %gather3A_1703 = vector.shape_cast %broadcast_in_dim3A_1696 : vector<16x1xi32> to vector<16xi32>
        %gather3A_1704 = tpu.dynamic_gather %get3A_59[%gather3A_1703] in [0] : vector<16xf32>, vector<16xi32> -> vector<16xf32>
        %mul3A_1705 = arith.constant 16 : i32
        %mul3A_1706 = arith.muli %scan3A_40, %mul3A_1705 : i32
        %add3A_1707 = arith.constant 13 : i32
        %add3A_1708 = arith.addi %mul3A_1706, %add3A_1707 : i32
        %get3A_1709 = arith.index_cast %add3A_1708 : i32 to index
        %get3A_1710 = arith.constant 64 : index
        %get3A_1711 = tpu.vector_load %arg20[%get3A_1709, %get3A_1710] {strides = array<i32>} : memref<64x128xf32, #tpu.memory_space<vmem>>, vector<1x16xf32>,
        %get3A_1712 = vector.shape_cast %get3A_1711 : vector<1x16xf32> to vector<16xf32>
        %mul3A_1713 = arith.mulf %gather3A_1698, %get3A_1712 : vector<16xf32>
        %get3A_1714 = arith.index_cast %add3A_1708 : i32 to index
        %get3A_1715 = arith.constant 64 : index
        %get3A_1716 = tpu.vector_load %arg21[%get3A_1714, %get3A_1715] {strides = array<i32>} : memref<64x128xf32, #tpu.memory_space<vmem>>, vector<1x16xf32>,
        %get3A_1717 = vector.shape_cast %get3A_1716 : vector<1x16xf32> to vector<16xf32>
        %mul3A_1718 = arith.mulf %gather3A_1700, %get3A_1717 : vector<16xf32>
        %add3A_1719 = arith.addf %mul3A_1713, %mul3A_1718 : vector<16xf32>
        %get3A_1720 = arith.index_cast %add3A_1708 : i32 to index
        %get3A_1721 = arith.constant 64 : index
        %get3A_1722 = tpu.vector_load %arg22[%get3A_1720, %get3A_1721] {strides = array<i32>} : memref<64x128xf32, #tpu.memory_space<vmem>>, vector<1x16xf32>,
        %get3A_1723 = vector.shape_cast %get3A_1722 : vector<1x16xf32> to vector<16xf32>
        %mul3A_1724 = arith.mulf %gather3A_1702, %get3A_1723 : vector<16xf32>
        %add3A_1725 = arith.addf %add3A_1719, %mul3A_1724 : vector<16xf32>
        %get3A_1726 = arith.index_cast %add3A_1708 : i32 to index
        %get3A_1727 = arith.constant 64 : index
        %get3A_1728 = tpu.vector_load %arg23[%get3A_1726, %get3A_1727] {strides = array<i32>} : memref<64x128xf32, #tpu.memory_space<vmem>>, vector<1x16xf32>,
        %get3A_1729 = vector.shape_cast %get3A_1728 : vector<1x16xf32> to vector<16xf32>
        %mul3A_1730 = arith.mulf %gather3A_1704, %get3A_1729 : vector<16xf32>
        %add3A_1731 = arith.addf %add3A_1725, %mul3A_1730 : vector<16xf32>
        %swap3A_1732 = arith.index_cast %add3A_1708 : i32 to index
        %swap3A_1733 = arith.constant 0 : index
        %swap3A_1734 = tpu.vector_load %arg24[%swap3A_1732, %swap3A_1733] {strides = array<i32>} : memref<64x64xf32, #tpu.memory_space<vmem>>, vector<1x16xf32>,
        %swap3A_1735 = vector.shape_cast %swap3A_1734 : vector<1x16xf32> to vector<16xf32>
        %swap3A_1736 = vector.shape_cast %add3A_1731 : vector<16xf32> to vector<1x16xf32>
        tpu.vector_store %arg24[%swap3A_1732, %swap3A_1733], %swap3A_1736 {strides = array<i32>} : memref<64x64xf32, #tpu.memory_space<vmem>>, vector<1x16xf32>,
        %get3A_1737 = arith.index_cast %add3A_1708 : i32 to index
        %get3A_1738 = arith.constant 80 : index
        %get3A_1739 = tpu.vector_load %arg20[%get3A_1737, %get3A_1738] {strides = array<i32>} : memref<64x128xf32, #tpu.memory_space<vmem>>, vector<1x16xf32>,
        %get3A_1740 = vector.shape_cast %get3A_1739 : vector<1x16xf32> to vector<16xf32>
        %mul3A_1741 = arith.mulf %gather3A_1698, %get3A_1740 : vector<16xf32>
        %get3A_1742 = arith.index_cast %add3A_1708 : i32 to index
        %get3A_1743 = arith.constant 80 : index
        %get3A_1744 = tpu.vector_load %arg21[%get3A_1742, %get3A_1743] {strides = array<i32>} : memref<64x128xf32, #tpu.memory_space<vmem>>, vector<1x16xf32>,
        %get3A_1745 = vector.shape_cast %get3A_1744 : vector<1x16xf32> to vector<16xf32>
        %mul3A_1746 = arith.mulf %gather3A_1700, %get3A_1745 : vector<16xf32>
        %add3A_1747 = arith.addf %mul3A_1741, %mul3A_1746 : vector<16xf32>
        %get3A_1748 = arith.index_cast %add3A_1708 : i32 to index
        %get3A_1749 = arith.constant 80 : index
        %get3A_1750 = tpu.vector_load %arg22[%get3A_1748, %get3A_1749] {strides = array<i32>} : memref<64x128xf32, #tpu.memory_space<vmem>>, vector<1x16xf32>,
        %get3A_1751 = vector.shape_cast %get3A_1750 : vector<1x16xf32> to vector<16xf32>
        %mul3A_1752 = arith.mulf %gather3A_1702, %get3A_1751 : vector<16xf32>
        %add3A_1753 = arith.addf %add3A_1747, %mul3A_1752 : vector<16xf32>
        %get3A_1754 = arith.index_cast %add3A_1708 : i32 to index
        %get3A_1755 = arith.constant 80 : index
        %get3A_1756 = tpu.vector_load %arg23[%get3A_1754, %get3A_1755] {strides = array<i32>} : memref<64x128xf32, #tpu.memory_space<vmem>>, vector<1x16xf32>,
        %get3A_1757 = vector.shape_cast %get3A_1756 : vector<1x16xf32> to vector<16xf32>
        %mul3A_1758 = arith.mulf %gather3A_1704, %get3A_1757 : vector<16xf32>
        %add3A_1759 = arith.addf %add3A_1753, %mul3A_1758 : vector<16xf32>
        %swap3A_1760 = arith.index_cast %add3A_1708 : i32 to index
        %swap3A_1761 = arith.constant 16 : index
        %swap3A_1762 = tpu.vector_load %arg24[%swap3A_1760, %swap3A_1761] {strides = array<i32>} : memref<64x64xf32, #tpu.memory_space<vmem>>, vector<1x16xf32>,
        %swap3A_1763 = vector.shape_cast %swap3A_1762 : vector<1x16xf32> to vector<16xf32>
        %swap3A_1764 = vector.shape_cast %add3A_1759 : vector<16xf32> to vector<1x16xf32>
        tpu.vector_store %arg24[%swap3A_1760, %swap3A_1761], %swap3A_1764 {strides = array<i32>} : memref<64x64xf32, #tpu.memory_space<vmem>>, vector<1x16xf32>,
        %get3A_1765 = arith.index_cast %add3A_1708 : i32 to index
        %get3A_1766 = arith.constant 96 : index
        %get3A_1767 = tpu.vector_load %arg20[%get3A_1765, %get3A_1766] {strides = array<i32>} : memref<64x128xf32, #tpu.memory_space<vmem>>, vector<1x16xf32>,
        %get3A_1768 = vector.shape_cast %get3A_1767 : vector<1x16xf32> to vector<16xf32>
        %mul3A_1769 = arith.mulf %gather3A_1698, %get3A_1768 : vector<16xf32>
        %get3A_1770 = arith.index_cast %add3A_1708 : i32 to index
        %get3A_1771 = arith.constant 96 : index
        %get3A_1772 = tpu.vector_load %arg21[%get3A_1770, %get3A_1771] {strides = array<i32>} : memref<64x128xf32, #tpu.memory_space<vmem>>, vector<1x16xf32>,
        %get3A_1773 = vector.shape_cast %get3A_1772 : vector<1x16xf32> to vector<16xf32>
        %mul3A_1774 = arith.mulf %gather3A_1700, %get3A_1773 : vector<16xf32>
        %add3A_1775 = arith.addf %mul3A_1769, %mul3A_1774 : vector<16xf32>
        %get3A_1776 = arith.index_cast %add3A_1708 : i32 to index
        %get3A_1777 = arith.constant 96 : index
        %get3A_1778 = tpu.vector_load %arg22[%get3A_1776, %get3A_1777] {strides = array<i32>} : memref<64x128xf32, #tpu.memory_space<vmem>>, vector<1x16xf32>,
        %get3A_1779 = vector.shape_cast %get3A_1778 : vector<1x16xf32> to vector<16xf32>
        %mul3A_1780 = arith.mulf %gather3A_1702, %get3A_1779 : vector<16xf32>
        %add3A_1781 = arith.addf %add3A_1775, %mul3A_1780 : vector<16xf32>
        %get3A_1782 = arith.index_cast %add3A_1708 : i32 to index
        %get3A_1783 = arith.constant 96 : index
        %get3A_1784 = tpu.vector_load %arg23[%get3A_1782, %get3A_1783] {strides = array<i32>} : memref<64x128xf32, #tpu.memory_space<vmem>>, vector<1x16xf32>,
        %get3A_1785 = vector.shape_cast %get3A_1784 : vector<1x16xf32> to vector<16xf32>
        %mul3A_1786 = arith.mulf %gather3A_1704, %get3A_1785 : vector<16xf32>
        %add3A_1787 = arith.addf %add3A_1781, %mul3A_1786 : vector<16xf32>
        %swap3A_1788 = arith.index_cast %add3A_1708 : i32 to index
        %swap3A_1789 = arith.constant 32 : index
        %swap3A_1790 = tpu.vector_load %arg24[%swap3A_1788, %swap3A_1789] {strides = array<i32>} : memref<64x64xf32, #tpu.memory_space<vmem>>, vector<1x16xf32>,
        %swap3A_1791 = vector.shape_cast %swap3A_1790 : vector<1x16xf32> to vector<16xf32>
        %swap3A_1792 = vector.shape_cast %add3A_1787 : vector<16xf32> to vector<1x16xf32>
        tpu.vector_store %arg24[%swap3A_1788, %swap3A_1789], %swap3A_1792 {strides = array<i32>} : memref<64x64xf32, #tpu.memory_space<vmem>>, vector<1x16xf32>,
        %get3A_1793 = arith.index_cast %add3A_1708 : i32 to index
        %get3A_1794 = arith.constant 112 : index
        %get3A_1795 = tpu.vector_load %arg20[%get3A_1793, %get3A_1794] {strides = array<i32>} : memref<64x128xf32, #tpu.memory_space<vmem>>, vector<1x16xf32>,
        %get3A_1796 = vector.shape_cast %get3A_1795 : vector<1x16xf32> to vector<16xf32>
        %mul3A_1797 = arith.mulf %gather3A_1698, %get3A_1796 : vector<16xf32>
        %get3A_1798 = arith.index_cast %add3A_1708 : i32 to index
        %get3A_1799 = arith.constant 112 : index
        %get3A_1800 = tpu.vector_load %arg21[%get3A_1798, %get3A_1799] {strides = array<i32>} : memref<64x128xf32, #tpu.memory_space<vmem>>, vector<1x16xf32>,
        %get3A_1801 = vector.shape_cast %get3A_1800 : vector<1x16xf32> to vector<16xf32>
        %mul3A_1802 = arith.mulf %gather3A_1700, %get3A_1801 : vector<16xf32>
        %add3A_1803 = arith.addf %mul3A_1797, %mul3A_1802 : vector<16xf32>
        %get3A_1804 = arith.index_cast %add3A_1708 : i32 to index
        %get3A_1805 = arith.constant 112 : index
        %get3A_1806 = tpu.vector_load %arg22[%get3A_1804, %get3A_1805] {strides = array<i32>} : memref<64x128xf32, #tpu.memory_space<vmem>>, vector<1x16xf32>,
        %get3A_1807 = vector.shape_cast %get3A_1806 : vector<1x16xf32> to vector<16xf32>
        %mul3A_1808 = arith.mulf %gather3A_1702, %get3A_1807 : vector<16xf32>
        %add3A_1809 = arith.addf %add3A_1803, %mul3A_1808 : vector<16xf32>
        %get3A_1810 = arith.index_cast %add3A_1708 : i32 to index
        %get3A_1811 = arith.constant 112 : index
        %get3A_1812 = tpu.vector_load %arg23[%get3A_1810, %get3A_1811] {strides = array<i32>} : memref<64x128xf32, #tpu.memory_space<vmem>>, vector<1x16xf32>,
        %get3A_1813 = vector.shape_cast %get3A_1812 : vector<1x16xf32> to vector<16xf32>
        %mul3A_1814 = arith.mulf %gather3A_1704, %get3A_1813 : vector<16xf32>
        %add3A_1815 = arith.addf %add3A_1809, %mul3A_1814 : vector<16xf32>
        %swap3A_1816 = arith.index_cast %add3A_1708 : i32 to index
        %swap3A_1817 = arith.constant 48 : index
        %swap3A_1818 = tpu.vector_load %arg24[%swap3A_1816, %swap3A_1817] {strides = array<i32>} : memref<64x64xf32, #tpu.memory_space<vmem>>, vector<1x16xf32>,
        %swap3A_1819 = vector.shape_cast %swap3A_1818 : vector<1x16xf32> to vector<16xf32>
        %swap3A_1820 = vector.shape_cast %add3A_1815 : vector<16xf32> to vector<1x16xf32>
        tpu.vector_store %arg24[%swap3A_1816, %swap3A_1817], %swap3A_1820 {strides = array<i32>} : memref<64x64xf32, #tpu.memory_space<vmem>>, vector<1x16xf32>,
        %broadcast_in_dim3A_1821 = arith.constant 14 : i32
        %broadcast_in_dim3A_1822 = vector.broadcast %broadcast_in_dim3A_1821 : i32 to vector<16x1xi32>
        %gather3A_1823 = vector.shape_cast %broadcast_in_dim3A_1822 : vector<16x1xi32> to vector<16xi32>
        %gather3A_1824 = tpu.dynamic_gather %get3A_44[%gather3A_1823] in [0] : vector<16xf32>, vector<16xi32> -> vector<16xf32>
        %gather3A_1825 = vector.shape_cast %broadcast_in_dim3A_1822 : vector<16x1xi32> to vector<16xi32>
        %gather3A_1826 = tpu.dynamic_gather %get3A_49[%gather3A_1825] in [0] : vector<16xf32>, vector<16xi32> -> vector<16xf32>
        %gather3A_1827 = vector.shape_cast %broadcast_in_dim3A_1822 : vector<16x1xi32> to vector<16xi32>
        %gather3A_1828 = tpu.dynamic_gather %get3A_54[%gather3A_1827] in [0] : vector<16xf32>, vector<16xi32> -> vector<16xf32>
        %gather3A_1829 = vector.shape_cast %broadcast_in_dim3A_1822 : vector<16x1xi32> to vector<16xi32>
        %gather3A_1830 = tpu.dynamic_gather %get3A_59[%gather3A_1829] in [0] : vector<16xf32>, vector<16xi32> -> vector<16xf32>
        %mul3A_1831 = arith.constant 16 : i32
        %mul3A_1832 = arith.muli %scan3A_40, %mul3A_1831 : i32
        %add3A_1833 = arith.constant 14 : i32
        %add3A_1834 = arith.addi %mul3A_1832, %add3A_1833 : i32
        %get3A_1835 = arith.index_cast %add3A_1834 : i32 to index
        %get3A_1836 = arith.constant 64 : index
        %get3A_1837 = tpu.vector_load %arg20[%get3A_1835, %get3A_1836] {strides = array<i32>} : memref<64x128xf32, #tpu.memory_space<vmem>>, vector<1x16xf32>,
        %get3A_1838 = vector.shape_cast %get3A_1837 : vector<1x16xf32> to vector<16xf32>
        %mul3A_1839 = arith.mulf %gather3A_1824, %get3A_1838 : vector<16xf32>
        %get3A_1840 = arith.index_cast %add3A_1834 : i32 to index
        %get3A_1841 = arith.constant 64 : index
        %get3A_1842 = tpu.vector_load %arg21[%get3A_1840, %get3A_1841] {strides = array<i32>} : memref<64x128xf32, #tpu.memory_space<vmem>>, vector<1x16xf32>,
        %get3A_1843 = vector.shape_cast %get3A_1842 : vector<1x16xf32> to vector<16xf32>
        %mul3A_1844 = arith.mulf %gather3A_1826, %get3A_1843 : vector<16xf32>
        %add3A_1845 = arith.addf %mul3A_1839, %mul3A_1844 : vector<16xf32>
        %get3A_1846 = arith.index_cast %add3A_1834 : i32 to index
        %get3A_1847 = arith.constant 64 : index
        %get3A_1848 = tpu.vector_load %arg22[%get3A_1846, %get3A_1847] {strides = array<i32>} : memref<64x128xf32, #tpu.memory_space<vmem>>, vector<1x16xf32>,
        %get3A_1849 = vector.shape_cast %get3A_1848 : vector<1x16xf32> to vector<16xf32>
        %mul3A_1850 = arith.mulf %gather3A_1828, %get3A_1849 : vector<16xf32>
        %add3A_1851 = arith.addf %add3A_1845, %mul3A_1850 : vector<16xf32>
        %get3A_1852 = arith.index_cast %add3A_1834 : i32 to index
        %get3A_1853 = arith.constant 64 : index
        %get3A_1854 = tpu.vector_load %arg23[%get3A_1852, %get3A_1853] {strides = array<i32>} : memref<64x128xf32, #tpu.memory_space<vmem>>, vector<1x16xf32>,
        %get3A_1855 = vector.shape_cast %get3A_1854 : vector<1x16xf32> to vector<16xf32>
        %mul3A_1856 = arith.mulf %gather3A_1830, %get3A_1855 : vector<16xf32>
        %add3A_1857 = arith.addf %add3A_1851, %mul3A_1856 : vector<16xf32>
        %swap3A_1858 = arith.index_cast %add3A_1834 : i32 to index
        %swap3A_1859 = arith.constant 0 : index
        %swap3A_1860 = tpu.vector_load %arg24[%swap3A_1858, %swap3A_1859] {strides = array<i32>} : memref<64x64xf32, #tpu.memory_space<vmem>>, vector<1x16xf32>,
        %swap3A_1861 = vector.shape_cast %swap3A_1860 : vector<1x16xf32> to vector<16xf32>
        %swap3A_1862 = vector.shape_cast %add3A_1857 : vector<16xf32> to vector<1x16xf32>
        tpu.vector_store %arg24[%swap3A_1858, %swap3A_1859], %swap3A_1862 {strides = array<i32>} : memref<64x64xf32, #tpu.memory_space<vmem>>, vector<1x16xf32>,
        %get3A_1863 = arith.index_cast %add3A_1834 : i32 to index
        %get3A_1864 = arith.constant 80 : index
        %get3A_1865 = tpu.vector_load %arg20[%get3A_1863, %get3A_1864] {strides = array<i32>} : memref<64x128xf32, #tpu.memory_space<vmem>>, vector<1x16xf32>,
        %get3A_1866 = vector.shape_cast %get3A_1865 : vector<1x16xf32> to vector<16xf32>
        %mul3A_1867 = arith.mulf %gather3A_1824, %get3A_1866 : vector<16xf32>
        %get3A_1868 = arith.index_cast %add3A_1834 : i32 to index
        %get3A_1869 = arith.constant 80 : index
        %get3A_1870 = tpu.vector_load %arg21[%get3A_1868, %get3A_1869] {strides = array<i32>} : memref<64x128xf32, #tpu.memory_space<vmem>>, vector<1x16xf32>,
        %get3A_1871 = vector.shape_cast %get3A_1870 : vector<1x16xf32> to vector<16xf32>
        %mul3A_1872 = arith.mulf %gather3A_1826, %get3A_1871 : vector<16xf32>
        %add3A_1873 = arith.addf %mul3A_1867, %mul3A_1872 : vector<16xf32>
        %get3A_1874 = arith.index_cast %add3A_1834 : i32 to index
        %get3A_1875 = arith.constant 80 : index
        %get3A_1876 = tpu.vector_load %arg22[%get3A_1874, %get3A_1875] {strides = array<i32>} : memref<64x128xf32, #tpu.memory_space<vmem>>, vector<1x16xf32>,
        %get3A_1877 = vector.shape_cast %get3A_1876 : vector<1x16xf32> to vector<16xf32>
        %mul3A_1878 = arith.mulf %gather3A_1828, %get3A_1877 : vector<16xf32>
        %add3A_1879 = arith.addf %add3A_1873, %mul3A_1878 : vector<16xf32>
        %get3A_1880 = arith.index_cast %add3A_1834 : i32 to index
        %get3A_1881 = arith.constant 80 : index
        %get3A_1882 = tpu.vector_load %arg23[%get3A_1880, %get3A_1881] {strides = array<i32>} : memref<64x128xf32, #tpu.memory_space<vmem>>, vector<1x16xf32>,
        %get3A_1883 = vector.shape_cast %get3A_1882 : vector<1x16xf32> to vector<16xf32>
        %mul3A_1884 = arith.mulf %gather3A_1830, %get3A_1883 : vector<16xf32>
        %add3A_1885 = arith.addf %add3A_1879, %mul3A_1884 : vector<16xf32>
        %swap3A_1886 = arith.index_cast %add3A_1834 : i32 to index
        %swap3A_1887 = arith.constant 16 : index
        %swap3A_1888 = tpu.vector_load %arg24[%swap3A_1886, %swap3A_1887] {strides = array<i32>} : memref<64x64xf32, #tpu.memory_space<vmem>>, vector<1x16xf32>,
        %swap3A_1889 = vector.shape_cast %swap3A_1888 : vector<1x16xf32> to vector<16xf32>
        %swap3A_1890 = vector.shape_cast %add3A_1885 : vector<16xf32> to vector<1x16xf32>
        tpu.vector_store %arg24[%swap3A_1886, %swap3A_1887], %swap3A_1890 {strides = array<i32>} : memref<64x64xf32, #tpu.memory_space<vmem>>, vector<1x16xf32>,
        %get3A_1891 = arith.index_cast %add3A_1834 : i32 to index
        %get3A_1892 = arith.constant 96 : index
        %get3A_1893 = tpu.vector_load %arg20[%get3A_1891, %get3A_1892] {strides = array<i32>} : memref<64x128xf32, #tpu.memory_space<vmem>>, vector<1x16xf32>,
        %get3A_1894 = vector.shape_cast %get3A_1893 : vector<1x16xf32> to vector<16xf32>
        %mul3A_1895 = arith.mulf %gather3A_1824, %get3A_1894 : vector<16xf32>
        %get3A_1896 = arith.index_cast %add3A_1834 : i32 to index
        %get3A_1897 = arith.constant 96 : index
        %get3A_1898 = tpu.vector_load %arg21[%get3A_1896, %get3A_1897] {strides = array<i32>} : memref<64x128xf32, #tpu.memory_space<vmem>>, vector<1x16xf32>,
        %get3A_1899 = vector.shape_cast %get3A_1898 : vector<1x16xf32> to vector<16xf32>
        %mul3A_1900 = arith.mulf %gather3A_1826, %get3A_1899 : vector<16xf32>
        %add3A_1901 = arith.addf %mul3A_1895, %mul3A_1900 : vector<16xf32>
        %get3A_1902 = arith.index_cast %add3A_1834 : i32 to index
        %get3A_1903 = arith.constant 96 : index
        %get3A_1904 = tpu.vector_load %arg22[%get3A_1902, %get3A_1903] {strides = array<i32>} : memref<64x128xf32, #tpu.memory_space<vmem>>, vector<1x16xf32>,
        %get3A_1905 = vector.shape_cast %get3A_1904 : vector<1x16xf32> to vector<16xf32>
        %mul3A_1906 = arith.mulf %gather3A_1828, %get3A_1905 : vector<16xf32>
        %add3A_1907 = arith.addf %add3A_1901, %mul3A_1906 : vector<16xf32>
        %get3A_1908 = arith.index_cast %add3A_1834 : i32 to index
        %get3A_1909 = arith.constant 96 : index
        %get3A_1910 = tpu.vector_load %arg23[%get3A_1908, %get3A_1909] {strides = array<i32>} : memref<64x128xf32, #tpu.memory_space<vmem>>, vector<1x16xf32>,
        %get3A_1911 = vector.shape_cast %get3A_1910 : vector<1x16xf32> to vector<16xf32>
        %mul3A_1912 = arith.mulf %gather3A_1830, %get3A_1911 : vector<16xf32>
        %add3A_1913 = arith.addf %add3A_1907, %mul3A_1912 : vector<16xf32>
        %swap3A_1914 = arith.index_cast %add3A_1834 : i32 to index
        %swap3A_1915 = arith.constant 32 : index
        %swap3A_1916 = tpu.vector_load %arg24[%swap3A_1914, %swap3A_1915] {strides = array<i32>} : memref<64x64xf32, #tpu.memory_space<vmem>>, vector<1x16xf32>,
        %swap3A_1917 = vector.shape_cast %swap3A_1916 : vector<1x16xf32> to vector<16xf32>
        %swap3A_1918 = vector.shape_cast %add3A_1913 : vector<16xf32> to vector<1x16xf32>
        tpu.vector_store %arg24[%swap3A_1914, %swap3A_1915], %swap3A_1918 {strides = array<i32>} : memref<64x64xf32, #tpu.memory_space<vmem>>, vector<1x16xf32>,
        %get3A_1919 = arith.index_cast %add3A_1834 : i32 to index
        %get3A_1920 = arith.constant 112 : index
        %get3A_1921 = tpu.vector_load %arg20[%get3A_1919, %get3A_1920] {strides = array<i32>} : memref<64x128xf32, #tpu.memory_space<vmem>>, vector<1x16xf32>,
        %get3A_1922 = vector.shape_cast %get3A_1921 : vector<1x16xf32> to vector<16xf32>
        %mul3A_1923 = arith.mulf %gather3A_1824, %get3A_1922 : vector<16xf32>
        %get3A_1924 = arith.index_cast %add3A_1834 : i32 to index
        %get3A_1925 = arith.constant 112 : index
        %get3A_1926 = tpu.vector_load %arg21[%get3A_1924, %get3A_1925] {strides = array<i32>} : memref<64x128xf32, #tpu.memory_space<vmem>>, vector<1x16xf32>,
        %get3A_1927 = vector.shape_cast %get3A_1926 : vector<1x16xf32> to vector<16xf32>
        %mul3A_1928 = arith.mulf %gather3A_1826, %get3A_1927 : vector<16xf32>
        %add3A_1929 = arith.addf %mul3A_1923, %mul3A_1928 : vector<16xf32>
        %get3A_1930 = arith.index_cast %add3A_1834 : i32 to index
        %get3A_1931 = arith.constant 112 : index
        %get3A_1932 = tpu.vector_load %arg22[%get3A_1930, %get3A_1931] {strides = array<i32>} : memref<64x128xf32, #tpu.memory_space<vmem>>, vector<1x16xf32>,
        %get3A_1933 = vector.shape_cast %get3A_1932 : vector<1x16xf32> to vector<16xf32>
        %mul3A_1934 = arith.mulf %gather3A_1828, %get3A_1933 : vector<16xf32>
        %add3A_1935 = arith.addf %add3A_1929, %mul3A_1934 : vector<16xf32>
        %get3A_1936 = arith.index_cast %add3A_1834 : i32 to index
        %get3A_1937 = arith.constant 112 : index
        %get3A_1938 = tpu.vector_load %arg23[%get3A_1936, %get3A_1937] {strides = array<i32>} : memref<64x128xf32, #tpu.memory_space<vmem>>, vector<1x16xf32>,
        %get3A_1939 = vector.shape_cast %get3A_1938 : vector<1x16xf32> to vector<16xf32>
        %mul3A_1940 = arith.mulf %gather3A_1830, %get3A_1939 : vector<16xf32>
        %add3A_1941 = arith.addf %add3A_1935, %mul3A_1940 : vector<16xf32>
        %swap3A_1942 = arith.index_cast %add3A_1834 : i32 to index
        %swap3A_1943 = arith.constant 48 : index
        %swap3A_1944 = tpu.vector_load %arg24[%swap3A_1942, %swap3A_1943] {strides = array<i32>} : memref<64x64xf32, #tpu.memory_space<vmem>>, vector<1x16xf32>,
        %swap3A_1945 = vector.shape_cast %swap3A_1944 : vector<1x16xf32> to vector<16xf32>
        %swap3A_1946 = vector.shape_cast %add3A_1941 : vector<16xf32> to vector<1x16xf32>
        tpu.vector_store %arg24[%swap3A_1942, %swap3A_1943], %swap3A_1946 {strides = array<i32>} : memref<64x64xf32, #tpu.memory_space<vmem>>, vector<1x16xf32>,
        %broadcast_in_dim3A_1947 = arith.constant 15 : i32
        %broadcast_in_dim3A_1948 = vector.broadcast %broadcast_in_dim3A_1947 : i32 to vector<16x1xi32>
        %gather3A_1949 = vector.shape_cast %broadcast_in_dim3A_1948 : vector<16x1xi32> to vector<16xi32>
        %gather3A_1950 = tpu.dynamic_gather %get3A_44[%gather3A_1949] in [0] : vector<16xf32>, vector<16xi32> -> vector<16xf32>
        %gather3A_1951 = vector.shape_cast %broadcast_in_dim3A_1948 : vector<16x1xi32> to vector<16xi32>
        %gather3A_1952 = tpu.dynamic_gather %get3A_49[%gather3A_1951] in [0] : vector<16xf32>, vector<16xi32> -> vector<16xf32>
        %gather3A_1953 = vector.shape_cast %broadcast_in_dim3A_1948 : vector<16x1xi32> to vector<16xi32>
        %gather3A_1954 = tpu.dynamic_gather %get3A_54[%gather3A_1953] in [0] : vector<16xf32>, vector<16xi32> -> vector<16xf32>
        %gather3A_1955 = vector.shape_cast %broadcast_in_dim3A_1948 : vector<16x1xi32> to vector<16xi32>
        %gather3A_1956 = tpu.dynamic_gather %get3A_59[%gather3A_1955] in [0] : vector<16xf32>, vector<16xi32> -> vector<16xf32>
        %mul3A_1957 = arith.constant 16 : i32
        %mul3A_1958 = arith.muli %scan3A_40, %mul3A_1957 : i32
        %add3A_1959 = arith.constant 15 : i32
        %add3A_1960 = arith.addi %mul3A_1958, %add3A_1959 : i32
        %get3A_1961 = arith.index_cast %add3A_1960 : i32 to index
        %get3A_1962 = arith.constant 64 : index
        %get3A_1963 = tpu.vector_load %arg20[%get3A_1961, %get3A_1962] {strides = array<i32>} : memref<64x128xf32, #tpu.memory_space<vmem>>, vector<1x16xf32>,
        %get3A_1964 = vector.shape_cast %get3A_1963 : vector<1x16xf32> to vector<16xf32>
        %mul3A_1965 = arith.mulf %gather3A_1950, %get3A_1964 : vector<16xf32>
        %get3A_1966 = arith.index_cast %add3A_1960 : i32 to index
        %get3A_1967 = arith.constant 64 : index
        %get3A_1968 = tpu.vector_load %arg21[%get3A_1966, %get3A_1967] {strides = array<i32>} : memref<64x128xf32, #tpu.memory_space<vmem>>, vector<1x16xf32>,
        %get3A_1969 = vector.shape_cast %get3A_1968 : vector<1x16xf32> to vector<16xf32>
        %mul3A_1970 = arith.mulf %gather3A_1952, %get3A_1969 : vector<16xf32>
        %add3A_1971 = arith.addf %mul3A_1965, %mul3A_1970 : vector<16xf32>
        %get3A_1972 = arith.index_cast %add3A_1960 : i32 to index
        %get3A_1973 = arith.constant 64 : index
        %get3A_1974 = tpu.vector_load %arg22[%get3A_1972, %get3A_1973] {strides = array<i32>} : memref<64x128xf32, #tpu.memory_space<vmem>>, vector<1x16xf32>,
        %get3A_1975 = vector.shape_cast %get3A_1974 : vector<1x16xf32> to vector<16xf32>
        %mul3A_1976 = arith.mulf %gather3A_1954, %get3A_1975 : vector<16xf32>
        %add3A_1977 = arith.addf %add3A_1971, %mul3A_1976 : vector<16xf32>
        %get3A_1978 = arith.index_cast %add3A_1960 : i32 to index
        %get3A_1979 = arith.constant 64 : index
        %get3A_1980 = tpu.vector_load %arg23[%get3A_1978, %get3A_1979] {strides = array<i32>} : memref<64x128xf32, #tpu.memory_space<vmem>>, vector<1x16xf32>,
        %get3A_1981 = vector.shape_cast %get3A_1980 : vector<1x16xf32> to vector<16xf32>
        %mul3A_1982 = arith.mulf %gather3A_1956, %get3A_1981 : vector<16xf32>
        %add3A_1983 = arith.addf %add3A_1977, %mul3A_1982 : vector<16xf32>
        %swap3A_1984 = arith.index_cast %add3A_1960 : i32 to index
        %swap3A_1985 = arith.constant 0 : index
        %swap3A_1986 = tpu.vector_load %arg24[%swap3A_1984, %swap3A_1985] {strides = array<i32>} : memref<64x64xf32, #tpu.memory_space<vmem>>, vector<1x16xf32>,
        %swap3A_1987 = vector.shape_cast %swap3A_1986 : vector<1x16xf32> to vector<16xf32>
        %swap3A_1988 = vector.shape_cast %add3A_1983 : vector<16xf32> to vector<1x16xf32>
        tpu.vector_store %arg24[%swap3A_1984, %swap3A_1985], %swap3A_1988 {strides = array<i32>} : memref<64x64xf32, #tpu.memory_space<vmem>>, vector<1x16xf32>,
        %get3A_1989 = arith.index_cast %add3A_1960 : i32 to index
        %get3A_1990 = arith.constant 80 : index
        %get3A_1991 = tpu.vector_load %arg20[%get3A_1989, %get3A_1990] {strides = array<i32>} : memref<64x128xf32, #tpu.memory_space<vmem>>, vector<1x16xf32>,
        %get3A_1992 = vector.shape_cast %get3A_1991 : vector<1x16xf32> to vector<16xf32>
        %mul3A_1993 = arith.mulf %gather3A_1950, %get3A_1992 : vector<16xf32>
        %get3A_1994 = arith.index_cast %add3A_1960 : i32 to index
        %get3A_1995 = arith.constant 80 : index
        %get3A_1996 = tpu.vector_load %arg21[%get3A_1994, %get3A_1995] {strides = array<i32>} : memref<64x128xf32, #tpu.memory_space<vmem>>, vector<1x16xf32>,
        %get3A_1997 = vector.shape_cast %get3A_1996 : vector<1x16xf32> to vector<16xf32>
        %mul3A_1998 = arith.mulf %gather3A_1952, %get3A_1997 : vector<16xf32>
        %add3A_1999 = arith.addf %mul3A_1993, %mul3A_1998 : vector<16xf32>
        %get3A_2000 = arith.index_cast %add3A_1960 : i32 to index
        %get3A_2001 = arith.constant 80 : index
        %get3A_2002 = tpu.vector_load %arg22[%get3A_2000, %get3A_2001] {strides = array<i32>} : memref<64x128xf32, #tpu.memory_space<vmem>>, vector<1x16xf32>,
        %get3A_2003 = vector.shape_cast %get3A_2002 : vector<1x16xf32> to vector<16xf32>
        %mul3A_2004 = arith.mulf %gather3A_1954, %get3A_2003 : vector<16xf32>
        %add3A_2005 = arith.addf %add3A_1999, %mul3A_2004 : vector<16xf32>
        %get3A_2006 = arith.index_cast %add3A_1960 : i32 to index
        %get3A_2007 = arith.constant 80 : index
        %get3A_2008 = tpu.vector_load %arg23[%get3A_2006, %get3A_2007] {strides = array<i32>} : memref<64x128xf32, #tpu.memory_space<vmem>>, vector<1x16xf32>,
        %get3A_2009 = vector.shape_cast %get3A_2008 : vector<1x16xf32> to vector<16xf32>
        %mul3A_2010 = arith.mulf %gather3A_1956, %get3A_2009 : vector<16xf32>
        %add3A_2011 = arith.addf %add3A_2005, %mul3A_2010 : vector<16xf32>
        %swap3A_2012 = arith.index_cast %add3A_1960 : i32 to index
        %swap3A_2013 = arith.constant 16 : index
        %swap3A_2014 = tpu.vector_load %arg24[%swap3A_2012, %swap3A_2013] {strides = array<i32>} : memref<64x64xf32, #tpu.memory_space<vmem>>, vector<1x16xf32>,
        %swap3A_2015 = vector.shape_cast %swap3A_2014 : vector<1x16xf32> to vector<16xf32>
        %swap3A_2016 = vector.shape_cast %add3A_2011 : vector<16xf32> to vector<1x16xf32>
        tpu.vector_store %arg24[%swap3A_2012, %swap3A_2013], %swap3A_2016 {strides = array<i32>} : memref<64x64xf32, #tpu.memory_space<vmem>>, vector<1x16xf32>,
        %get3A_2017 = arith.index_cast %add3A_1960 : i32 to index
        %get3A_2018 = arith.constant 96 : index
        %get3A_2019 = tpu.vector_load %arg20[%get3A_2017, %get3A_2018] {strides = array<i32>} : memref<64x128xf32, #tpu.memory_space<vmem>>, vector<1x16xf32>,
        %get3A_2020 = vector.shape_cast %get3A_2019 : vector<1x16xf32> to vector<16xf32>
        %mul3A_2021 = arith.mulf %gather3A_1950, %get3A_2020 : vector<16xf32>
        %get3A_2022 = arith.index_cast %add3A_1960 : i32 to index
        %get3A_2023 = arith.constant 96 : index
        %get3A_2024 = tpu.vector_load %arg21[%get3A_2022, %get3A_2023] {strides = array<i32>} : memref<64x128xf32, #tpu.memory_space<vmem>>, vector<1x16xf32>,
        %get3A_2025 = vector.shape_cast %get3A_2024 : vector<1x16xf32> to vector<16xf32>
        %mul3A_2026 = arith.mulf %gather3A_1952, %get3A_2025 : vector<16xf32>
        %add3A_2027 = arith.addf %mul3A_2021, %mul3A_2026 : vector<16xf32>
        %get3A_2028 = arith.index_cast %add3A_1960 : i32 to index
        %get3A_2029 = arith.constant 96 : index
        %get3A_2030 = tpu.vector_load %arg22[%get3A_2028, %get3A_2029] {strides = array<i32>} : memref<64x128xf32, #tpu.memory_space<vmem>>, vector<1x16xf32>,
        %get3A_2031 = vector.shape_cast %get3A_2030 : vector<1x16xf32> to vector<16xf32>
        %mul3A_2032 = arith.mulf %gather3A_1954, %get3A_2031 : vector<16xf32>
        %add3A_2033 = arith.addf %add3A_2027, %mul3A_2032 : vector<16xf32>
        %get3A_2034 = arith.index_cast %add3A_1960 : i32 to index
        %get3A_2035 = arith.constant 96 : index
        %get3A_2036 = tpu.vector_load %arg23[%get3A_2034, %get3A_2035] {strides = array<i32>} : memref<64x128xf32, #tpu.memory_space<vmem>>, vector<1x16xf32>,
        %get3A_2037 = vector.shape_cast %get3A_2036 : vector<1x16xf32> to vector<16xf32>
        %mul3A_2038 = arith.mulf %gather3A_1956, %get3A_2037 : vector<16xf32>
        %add3A_2039 = arith.addf %add3A_2033, %mul3A_2038 : vector<16xf32>
        %swap3A_2040 = arith.index_cast %add3A_1960 : i32 to index
        %swap3A_2041 = arith.constant 32 : index
        %swap3A_2042 = tpu.vector_load %arg24[%swap3A_2040, %swap3A_2041] {strides = array<i32>} : memref<64x64xf32, #tpu.memory_space<vmem>>, vector<1x16xf32>,
        %swap3A_2043 = vector.shape_cast %swap3A_2042 : vector<1x16xf32> to vector<16xf32>
        %swap3A_2044 = vector.shape_cast %add3A_2039 : vector<16xf32> to vector<1x16xf32>
        tpu.vector_store %arg24[%swap3A_2040, %swap3A_2041], %swap3A_2044 {strides = array<i32>} : memref<64x64xf32, #tpu.memory_space<vmem>>, vector<1x16xf32>,
        %get3A_2045 = arith.index_cast %add3A_1960 : i32 to index
        %get3A_2046 = arith.constant 112 : index
        %get3A_2047 = tpu.vector_load %arg20[%get3A_2045, %get3A_2046] {strides = array<i32>} : memref<64x128xf32, #tpu.memory_space<vmem>>, vector<1x16xf32>,
        %get3A_2048 = vector.shape_cast %get3A_2047 : vector<1x16xf32> to vector<16xf32>
        %mul3A_2049 = arith.mulf %gather3A_1950, %get3A_2048 : vector<16xf32>
        %get3A_2050 = arith.index_cast %add3A_1960 : i32 to index
        %get3A_2051 = arith.constant 112 : index
        %get3A_2052 = tpu.vector_load %arg21[%get3A_2050, %get3A_2051] {strides = array<i32>} : memref<64x128xf32, #tpu.memory_space<vmem>>, vector<1x16xf32>,
        %get3A_2053 = vector.shape_cast %get3A_2052 : vector<1x16xf32> to vector<16xf32>
        %mul3A_2054 = arith.mulf %gather3A_1952, %get3A_2053 : vector<16xf32>
        %add3A_2055 = arith.addf %mul3A_2049, %mul3A_2054 : vector<16xf32>
        %get3A_2056 = arith.index_cast %add3A_1960 : i32 to index
        %get3A_2057 = arith.constant 112 : index
        %get3A_2058 = tpu.vector_load %arg22[%get3A_2056, %get3A_2057] {strides = array<i32>} : memref<64x128xf32, #tpu.memory_space<vmem>>, vector<1x16xf32>,
        %get3A_2059 = vector.shape_cast %get3A_2058 : vector<1x16xf32> to vector<16xf32>
        %mul3A_2060 = arith.mulf %gather3A_1954, %get3A_2059 : vector<16xf32>
        %add3A_2061 = arith.addf %add3A_2055, %mul3A_2060 : vector<16xf32>
        %get3A_2062 = arith.index_cast %add3A_1960 : i32 to index
        %get3A_2063 = arith.constant 112 : index
        %get3A_2064 = tpu.vector_load %arg23[%get3A_2062, %get3A_2063] {strides = array<i32>} : memref<64x128xf32, #tpu.memory_space<vmem>>, vector<1x16xf32>,
        %get3A_2065 = vector.shape_cast %get3A_2064 : vector<1x16xf32> to vector<16xf32>
        %mul3A_2066 = arith.mulf %gather3A_1956, %get3A_2065 : vector<16xf32>
        %add3A_2067 = arith.addf %add3A_2061, %mul3A_2066 : vector<16xf32>
        %swap3A_2068 = arith.index_cast %add3A_1960 : i32 to index
        %swap3A_2069 = arith.constant 48 : index
        %swap3A_2070 = tpu.vector_load %arg24[%swap3A_2068, %swap3A_2069] {strides = array<i32>} : memref<64x64xf32, #tpu.memory_space<vmem>>, vector<1x16xf32>,
        %swap3A_2071 = vector.shape_cast %swap3A_2070 : vector<1x16xf32> to vector<16xf32>
        %swap3A_2072 = vector.shape_cast %add3A_2067 : vector<16xf32> to vector<1x16xf32>
        tpu.vector_store %arg24[%swap3A_2068, %swap3A_2069], %swap3A_2072 {strides = array<i32>} : memref<64x64xf32, #tpu.memory_space<vmem>>, vector<1x16xf32>,
      }
      %scan3A_39 = arith.constant 4 : i32
      "tpu.region"() ({
        %run_scoped3A = tpu.sem_alloc : memref<!tpu.dma_semaphore, #tpu.memory_space<semaphore_mem>>
        %dma_start3A_40 = arith.constant 0 : i32
        %dma_start3A_41 = tpu.memref_slice %arg11[%add3A_11, %dma_start3A_40] : memref<131072x64xf32, #tpu.memory_space<hbm>> -> memref<64x64xf32, #tpu.memory_space<hbm>>
        %dma_start3A_42 = arith.constant 0 : i32
        %dma_start3A_43 = tpu.memref_slice %arg11[%add3A_11, %dma_start3A_42] : memref<131072x64xf32, #tpu.memory_space<hbm>> -> memref<64x64xf32, #tpu.memory_space<hbm>>
        tpu.enqueue_dma source(%arg24 : memref<64x64xf32, #tpu.memory_space<vmem>>) target(%dma_start3A_43 : memref<64x64xf32, #tpu.memory_space<hbm>>) target_semaphore(%run_scoped3A : memref<!tpu.dma_semaphore, #tpu.memory_space<semaphore_mem>>)
        %dma_wait3A_44 = arith.constant 0 : i32
        %dma_wait3A_45 = tpu.memref_slice %arg11[%add3A_11, %dma_wait3A_44] : memref<131072x64xf32, #tpu.memory_space<hbm>> -> memref<64x64xf32, #tpu.memory_space<hbm>>
        %dma_wait3A_46 = arith.constant 0 : i32
        %dma_wait3A_47 = tpu.memref_slice %arg11[%add3A_11, %dma_wait3A_46] : memref<131072x64xf32, #tpu.memory_space<hbm>> -> memref<64x64xf32, #tpu.memory_space<hbm>>
        tpu.wait_dma2 semaphore(%run_scoped3A : memref<!tpu.dma_semaphore, #tpu.memory_space<semaphore_mem>>) src(%arg24 : memref<64x64xf32, #tpu.memory_space<vmem>>) dst(%dma_wait3A_47 : memref<64x64xf32, #tpu.memory_space<hbm>>)
        tpu.yield
      }) : () -> ()
    }
    %scan3A_5 = arith.constant 64 : i32
    return
  }
}

module attributes {stable_mosaic.version = 14 : i64} {
  func.func @_mm_body(%arg0: i32, %arg1: i32, %arg2: memref<1x512x256xf32, #tpu.memory_space<vmem>>, %arg3: memref<256x128xf32, #tpu.memory_space<vmem>>, %arg4: memref<1x512x128xf32, #tpu.memory_space<vmem>>) attributes {dimension_semantics = [#tpu.dimension_semantics<arbitrary>, #tpu.dimension_semantics<arbitrary>], iteration_bounds = array<i64: 2, 4>, scalar_prefetch = 0 : i64, scratch_operands = 0 : i64, tpu.core_type = #tpu.core_type<tc>, window_params = [{transform_indices = @transform_0, window_bounds = array<i64: 1, 512, 256>}, {pipeline_mode = #tpu.pipeline_mode<synchronous>, transform_indices = @transform_1, window_bounds = array<i64: 256, 128>}, {transform_indices = @transform_2, window_bounds = array<i64: 1, 512, 128>}]} {
    %get3A = arith.constant 0 : index
    %get3A_0 = arith.constant 0 : index
    %get3A_1 = arith.constant 0 : index
    %get3A_2 = vector.load %arg2[%get3A, %get3A_0, %get3A_1] : memref<1x512x256xf32, #tpu.memory_space<vmem>>, vector<1x512x256xf32>
    %get3A_3 = vector.shape_cast %get3A_2 : vector<1x512x256xf32> to vector<512x256xf32>
    %convert_element_type3A = arith.truncf %get3A_3 : vector<512x256xf32> to vector<512x256xbf16>
    %get3A_4 = arith.constant 0 : index
    %get3A_5 = arith.constant 0 : index
    %get3A_6 = vector.load %arg3[%get3A_4, %get3A_5] : memref<256x128xf32, #tpu.memory_space<vmem>>, vector<256x128xf32>
    %convert_element_type3A_7 = arith.truncf %get3A_6 : vector<256x128xf32> to vector<256x128xbf16>
    %dot_general3A = arith.constant dense<0.000000e+00> : vector<512x128xf32>
    %dot_general3A_8 = tpu.matmul %convert_element_type3A, %convert_element_type3A_7, %dot_general3A {dimension_numbers = #tpu.dot_dimension_numbers<[1], [0], [0], [1], [0, 0, 1, 1], [], []>, transpose_lhs_hint = false} : vector<512x256xbf16>, vector<256x128xbf16>, vector<512x128xf32> -> vector<512x128xf32>
    %swap3A = arith.constant 0 : index
    %swap3A_9 = arith.constant 0 : index
    %swap3A_10 = arith.constant 0 : index
    %swap3A_11 = vector.load %arg4[%swap3A, %swap3A_9, %swap3A_10] : memref<1x512x128xf32, #tpu.memory_space<vmem>>, vector<1x512x128xf32>
    %swap3A_12 = vector.shape_cast %swap3A_11 : vector<1x512x128xf32> to vector<512x128xf32>
    %swap3A_13 = vector.shape_cast %dot_general3A_8 : vector<512x128xf32> to vector<1x512x128xf32>
    tpu.vector_store %arg4[%swap3A, %swap3A_9, %swap3A_10], %swap3A_13 {strides = array<i32>} : memref<1x512x128xf32, #tpu.memory_space<vmem>>, vector<1x512x128xf32>,
    return
  }
  func.func @transform_0(%arg0: i32, %arg1: i32) -> (i32, i32, i32) {
    %c0_i32 = arith.constant 0 : i32
    %c0_i32_0 = arith.constant 0 : i32
    return %arg0, %arg1, %c0_i32 : i32, i32, i32
  }
  func.func @transform_1(%arg0: i32, %arg1: i32) -> (i32, i32) {
    %c0_i32 = arith.constant 0 : i32
    %c0_i32_0 = arith.constant 0 : i32
    %c0_i32_1 = arith.constant 0 : i32
    return %c0_i32, %c0_i32_0 : i32, i32
  }
  func.func @transform_2(%arg0: i32, %arg1: i32) -> (i32, i32, i32) {
    %c0_i32 = arith.constant 0 : i32
    %c0_i32_0 = arith.constant 0 : i32
    return %arg0, %arg1, %c0_i32 : i32, i32, i32
  }
}

module attributes {stable_mosaic.version = 14 : i64} {
  func.func @_transpose_body(%arg0: i32, %arg1: i32, %arg2: memref<1x256x1024xf32, #tpu.memory_space<vmem>>, %arg3: memref<1x1024x256xf32, #tpu.memory_space<vmem>>) attributes {dimension_semantics = [#tpu.dimension_semantics<arbitrary>, #tpu.dimension_semantics<arbitrary>], iteration_bounds = array<i64: 12, 11>, scalar_prefetch = 0 : i64, scratch_operands = 0 : i64, tpu.core_type = #tpu.core_type<tc>, window_params = [{transform_indices = @transform_0, window_bounds = array<i64: 1, 256, 1024>}, {transform_indices = @transform_1, window_bounds = array<i64: 1, 1024, 256>}]} {
    %get3A = arith.constant 0 : index
    %get3A_0 = arith.constant 0 : index
    %get3A_1 = arith.constant 0 : index
    %get3A_2 = vector.load %arg2[%get3A, %get3A_0, %get3A_1] : memref<1x256x1024xf32, #tpu.memory_space<vmem>>, vector<1x256x1024xf32>
    %get3A_3 = vector.shape_cast %get3A_2 : vector<1x256x1024xf32> to vector<256x1024xf32>
    %transpose3A = tpu.transpose %get3A_3, [1, 0] : vector<256x1024xf32> -> vector<1024x256xf32>
    %swap3A = arith.constant 0 : index
    %swap3A_4 = arith.constant 0 : index
    %swap3A_5 = arith.constant 0 : index
    %swap3A_6 = vector.load %arg3[%swap3A, %swap3A_4, %swap3A_5] : memref<1x1024x256xf32, #tpu.memory_space<vmem>>, vector<1x1024x256xf32>
    %swap3A_7 = vector.shape_cast %swap3A_6 : vector<1x1024x256xf32> to vector<1024x256xf32>
    %swap3A_8 = vector.shape_cast %transpose3A : vector<1024x256xf32> to vector<1x1024x256xf32>
    tpu.vector_store %arg3[%swap3A, %swap3A_4, %swap3A_5], %swap3A_8 {strides = array<i32>} : memref<1x1024x256xf32, #tpu.memory_space<vmem>>, vector<1x1024x256xf32>,
    return
  }
  func.func @transform_0(%arg0: i32, %arg1: i32) -> (i32, i32, i32) {
    %c0_i32 = arith.constant 0 : i32
    %c0_i32_0 = arith.constant 0 : i32
    return %arg0, %c0_i32, %arg1 : i32, i32, i32
  }
  func.func @transform_1(%arg0: i32, %arg1: i32) -> (i32, i32, i32) {
    %c0_i32 = arith.constant 0 : i32
    %c0_i32_0 = arith.constant 0 : i32
    return %arg0, %arg1, %c0_i32 : i32, i32, i32
  }
}

module attributes {stable_mosaic.version = 14 : i64} {
  func.func @_index_body(%arg0: i32, %arg1: i32, %arg2: memref<1x512x32xf32, #tpu.memory_space<vmem>>, %arg3: memref<1x512x32xf32, #tpu.memory_space<vmem>>, %arg4: memref<1x512x32xf32, #tpu.memory_space<vmem>>, %arg5: memref<1x512x32xi32, #tpu.memory_space<vmem>>, %arg6: memref<1x512x32xi32, #tpu.memory_space<vmem>>, %arg7: memref<1x512x32xi32, #tpu.memory_space<vmem>>, %arg8: memref<1x512x32xi32, #tpu.memory_space<vmem>>, %arg9: memref<1x512x32xi32, #tpu.memory_space<vmem>>, %arg10: memref<1x512x32xf32, #tpu.memory_space<vmem>>, %arg11: memref<1x512x32xf32, #tpu.memory_space<vmem>>, %arg12: memref<1x512x32xf32, #tpu.memory_space<vmem>>, %arg13: memref<1x512x32xf32, #tpu.memory_space<vmem>>) attributes {dimension_semantics = [#tpu.dimension_semantics<arbitrary>, #tpu.dimension_semantics<arbitrary>], iteration_bounds = array<i64: 2, 4>, scalar_prefetch = 0 : i64, scratch_operands = 0 : i64, tpu.core_type = #tpu.core_type<tc>, window_params = [{transform_indices = @transform_0, window_bounds = array<i64: 1, 512, 32>}, {transform_indices = @transform_1, window_bounds = array<i64: 1, 512, 32>}, {transform_indices = @transform_2, window_bounds = array<i64: 1, 512, 32>}, {transform_indices = @transform_3, window_bounds = array<i64: 1, 512, 32>}, {transform_indices = @transform_4, window_bounds = array<i64: 1, 512, 32>}, {transform_indices = @transform_5, window_bounds = array<i64: 1, 512, 32>}, {transform_indices = @transform_6, window_bounds = array<i64: 1, 512, 32>}, {transform_indices = @transform_7, window_bounds = array<i64: 1, 512, 32>}, {transform_indices = @transform_8, window_bounds = array<i64: 1, 512, 32>}, {transform_indices = @transform_9, window_bounds = array<i64: 1, 512, 32>}, {transform_indices = @transform_10, window_bounds = array<i64: 1, 512, 32>}, {transform_indices = @transform_11, window_bounds = array<i64: 1, 512, 32>}]} {
    %get3A = arith.constant 0 : index
    %get3A_0 = arith.constant 0 : index
    %get3A_1 = arith.constant 0 : index
    %get3A_2 = vector.load %arg2[%get3A, %get3A_0, %get3A_1] : memref<1x512x32xf32, #tpu.memory_space<vmem>>, vector<1x512x32xf32>
    %get3A_3 = vector.shape_cast %get3A_2 : vector<1x512x32xf32> to vector<512x32xf32>
    %get3A_4 = arith.constant 0 : index
    %get3A_5 = arith.constant 0 : index
    %get3A_6 = arith.constant 0 : index
    %get3A_7 = vector.load %arg3[%get3A_4, %get3A_5, %get3A_6] : memref<1x512x32xf32, #tpu.memory_space<vmem>>, vector<1x512x32xf32>
    %get3A_8 = vector.shape_cast %get3A_7 : vector<1x512x32xf32> to vector<512x32xf32>
    %get3A_9 = arith.constant 0 : index
    %get3A_10 = arith.constant 0 : index
    %get3A_11 = arith.constant 0 : index
    %get3A_12 = vector.load %arg4[%get3A_9, %get3A_10, %get3A_11] : memref<1x512x32xf32, #tpu.memory_space<vmem>>, vector<1x512x32xf32>
    %get3A_13 = vector.shape_cast %get3A_12 : vector<1x512x32xf32> to vector<512x32xf32>
    %get3A_14 = arith.constant 0 : index
    %get3A_15 = arith.constant 0 : index
    %get3A_16 = arith.constant 0 : index
    %get3A_17 = vector.load %arg5[%get3A_14, %get3A_15, %get3A_16] : memref<1x512x32xi32, #tpu.memory_space<vmem>>, vector<1x512x32xi32>
    %get3A_18 = vector.shape_cast %get3A_17 : vector<1x512x32xi32> to vector<512x32xi32>
    %mul3A = arith.constant 1.760000e+02 : f32
    %mul3A_19 = vector.broadcast %mul3A : f32 to vector<512x32xf32>
    %mul3A_20 = arith.mulf %get3A_3, %mul3A_19 : vector<512x32xf32>
    %sub3A = arith.constant 5.000000e-01 : f32
    %sub3A_21 = vector.broadcast %sub3A : f32 to vector<512x32xf32>
    %sub3A_22 = arith.subf %mul3A_20, %sub3A_21 : vector<512x32xf32>
    %mul3A_23 = arith.constant 6.400000e+01 : f32
    %mul3A_24 = vector.broadcast %mul3A_23 : f32 to vector<512x32xf32>
    %mul3A_25 = arith.mulf %get3A_8, %mul3A_24 : vector<512x32xf32>
    %sub3A_26 = arith.constant 5.000000e-01 : f32
    %sub3A_27 = vector.broadcast %sub3A_26 : f32 to vector<512x32xf32>
    %sub3A_28 = arith.subf %mul3A_25, %sub3A_27 : vector<512x32xf32>
    %floor3A = math.floor %sub3A_22 : vector<512x32xf32>
    %floor3A_29 = math.floor %sub3A_28 : vector<512x32xf32>
    %sub3A_30 = arith.subf %sub3A_22, %floor3A : vector<512x32xf32>
    %sub3A_31 = arith.subf %sub3A_28, %floor3A_29 : vector<512x32xf32>
    %ge3A = arith.constant 0.000000e+00 : f32
    %ge3A_32 = vector.broadcast %ge3A : f32 to vector<512x32xf32>
    %ge3A_33 = arith.cmpf oge, %floor3A, %ge3A_32 : vector<512x32xf32>
    %le3A = arith.constant 1.750000e+02 : f32
    %le3A_34 = vector.broadcast %le3A : f32 to vector<512x32xf32>
    %le3A_35 = arith.cmpf ole, %floor3A, %le3A_34 : vector<512x32xf32>
    %and3A = arith.andi %ge3A_33, %le3A_35 : vector<512x32xi1>
    %ge3A_36 = arith.constant -1.000000e+00 : f32
    %ge3A_37 = vector.broadcast %ge3A_36 : f32 to vector<512x32xf32>
    %ge3A_38 = arith.cmpf oge, %floor3A, %ge3A_37 : vector<512x32xf32>
    %le3A_39 = arith.constant 1.740000e+02 : f32
    %le3A_40 = vector.broadcast %le3A_39 : f32 to vector<512x32xf32>
    %le3A_41 = arith.cmpf ole, %floor3A, %le3A_40 : vector<512x32xf32>
    %and3A_42 = arith.andi %ge3A_38, %le3A_41 : vector<512x32xi1>
    %ge3A_43 = arith.constant 0.000000e+00 : f32
    %ge3A_44 = vector.broadcast %ge3A_43 : f32 to vector<512x32xf32>
    %ge3A_45 = arith.cmpf oge, %floor3A_29, %ge3A_44 : vector<512x32xf32>
    %le3A_46 = arith.constant 6.300000e+01 : f32
    %le3A_47 = vector.broadcast %le3A_46 : f32 to vector<512x32xf32>
    %le3A_48 = arith.cmpf ole, %floor3A_29, %le3A_47 : vector<512x32xf32>
    %and3A_49 = arith.andi %ge3A_45, %le3A_48 : vector<512x32xi1>
    %ge3A_50 = arith.constant -1.000000e+00 : f32
    %ge3A_51 = vector.broadcast %ge3A_50 : f32 to vector<512x32xf32>
    %ge3A_52 = arith.cmpf oge, %floor3A_29, %ge3A_51 : vector<512x32xf32>
    %le3A_53 = arith.constant 6.200000e+01 : f32
    %le3A_54 = vector.broadcast %le3A_53 : f32 to vector<512x32xf32>
    %le3A_55 = arith.cmpf ole, %floor3A_29, %le3A_54 : vector<512x32xf32>
    %and3A_56 = arith.andi %ge3A_52, %le3A_55 : vector<512x32xi1>
    %jit3A = arith.constant 0.000000e+00 : f32
    %jit3A_57 = arith.constant 1.750000e+02 : f32
    %max3A = vector.broadcast %jit3A : f32 to vector<512x32xf32>
    %max3A_58 = arith.maximumf %max3A, %floor3A : vector<512x32xf32>
    %min3A = vector.broadcast %jit3A_57 : f32 to vector<512x32xf32>
    %min3A_59 = arith.minimumf %min3A, %max3A_58 : vector<512x32xf32>
    %convert_element_type3A = arith.fptosi %min3A_59 : vector<512x32xf32> to vector<512x32xi32>
    %add3A = arith.constant 1.000000e+00 : f32
    %add3A_60 = vector.broadcast %add3A : f32 to vector<512x32xf32>
    %add3A_61 = arith.addf %floor3A, %add3A_60 : vector<512x32xf32>
    %jit3A_62 = arith.constant 0.000000e+00 : f32
    %jit3A_63 = arith.constant 1.750000e+02 : f32
    %max3A_64 = vector.broadcast %jit3A_62 : f32 to vector<512x32xf32>
    %max3A_65 = arith.maximumf %max3A_64, %add3A_61 : vector<512x32xf32>
    %min3A_66 = vector.broadcast %jit3A_63 : f32 to vector<512x32xf32>
    %min3A_67 = arith.minimumf %min3A_66, %max3A_65 : vector<512x32xf32>
    %convert_element_type3A_68 = arith.fptosi %min3A_67 : vector<512x32xf32> to vector<512x32xi32>
    %jit3A_69 = arith.constant 0.000000e+00 : f32
    %jit3A_70 = arith.constant 6.300000e+01 : f32
    %max3A_71 = vector.broadcast %jit3A_69 : f32 to vector<512x32xf32>
    %max3A_72 = arith.maximumf %max3A_71, %floor3A_29 : vector<512x32xf32>
    %min3A_73 = vector.broadcast %jit3A_70 : f32 to vector<512x32xf32>
    %min3A_74 = arith.minimumf %min3A_73, %max3A_72 : vector<512x32xf32>
    %convert_element_type3A_75 = arith.fptosi %min3A_74 : vector<512x32xf32> to vector<512x32xi32>
    %add3A_76 = arith.constant 1.000000e+00 : f32
    %add3A_77 = vector.broadcast %add3A_76 : f32 to vector<512x32xf32>
    %add3A_78 = arith.addf %floor3A_29, %add3A_77 : vector<512x32xf32>
    %jit3A_79 = arith.constant 0.000000e+00 : f32
    %jit3A_80 = arith.constant 6.300000e+01 : f32
    %max3A_81 = vector.broadcast %jit3A_79 : f32 to vector<512x32xf32>
    %max3A_82 = arith.maximumf %max3A_81, %add3A_78 : vector<512x32xf32>
    %min3A_83 = vector.broadcast %jit3A_80 : f32 to vector<512x32xf32>
    %min3A_84 = arith.minimumf %min3A_83, %max3A_82 : vector<512x32xf32>
    %convert_element_type3A_85 = arith.fptosi %min3A_84 : vector<512x32xf32> to vector<512x32xi32>
    %iota3A = tpu.iota {dimensions = array<i32: 1>} : vector<512x32xi32>
    %jit3A_86 = arith.constant 16 : i32
    %div3A = vector.broadcast %jit3A_86 : i32 to vector<512x32xi32>
    %div3A_87 = arith.divsi %iota3A, %div3A : vector<512x32xi32>
    %sign3A = arith.constant 0 : i32
    %sign3A_88 = vector.broadcast %sign3A : i32 to vector<512x32xi32>
    %sign3A_89 = arith.cmpi sgt, %iota3A, %sign3A_88 : vector<512x32xi32>
    %sign3A_90 = arith.extui %sign3A_89 : vector<512x32xi1> to vector<512x32xi32>
    %sign3A_91 = arith.constant 0 : i32
    %sign3A_92 = vector.broadcast %sign3A_91 : i32 to vector<512x32xi32>
    %sign3A_93 = arith.cmpi slt, %iota3A, %sign3A_92 : vector<512x32xi32>
    %sign3A_94 = arith.extui %sign3A_93 : vector<512x32xi1> to vector<512x32xi32>
    %sign3A_95 = arith.subi %sign3A_90, %sign3A_94 : vector<512x32xi32>
    %sign3A_96 = arith.constant 0 : i32
    %sign3A_97 = arith.cmpi sgt, %jit3A_86, %sign3A_96 : i32
    %sign3A_98 = arith.extui %sign3A_97 : i1 to i32
    %sign3A_99 = arith.constant 0 : i32
    %sign3A_100 = arith.cmpi slt, %jit3A_86, %sign3A_99 : i32
    %sign3A_101 = arith.extui %sign3A_100 : i1 to i32
    %sign3A_102 = arith.subi %sign3A_98, %sign3A_101 : i32
    %ne3A = vector.broadcast %sign3A_102 : i32 to vector<512x32xi32>
    %ne3A_103 = arith.cmpi ne, %sign3A_95, %ne3A : vector<512x32xi32>
    %rem3A = vector.broadcast %jit3A_86 : i32 to vector<512x32xi32>
    %rem3A_104 = arith.remsi %iota3A, %rem3A : vector<512x32xi32>
    %ne3A_105 = arith.constant 0 : i32
    %ne3A_106 = vector.broadcast %ne3A_105 : i32 to vector<512x32xi32>
    %ne3A_107 = arith.cmpi ne, %rem3A_104, %ne3A_106 : vector<512x32xi32>
    %and3A_108 = arith.andi %ne3A_103, %ne3A_107 : vector<512x32xi1>
    %sub3A_109 = arith.constant 1 : i32
    %sub3A_110 = vector.broadcast %sub3A_109 : i32 to vector<512x32xi32>
    %sub3A_111 = arith.subi %div3A_87, %sub3A_110 : vector<512x32xi32>
    %select_n3A = arith.select %and3A_108, %sub3A_111, %div3A_87 : vector<512x32xi1>, vector<512x32xi32>
    %mul3A_112 = arith.constant 6 : i32
    %mul3A_113 = arith.muli %arg0, %mul3A_112 : i32
    %add3A_114 = vector.broadcast %mul3A_113 : i32 to vector<512x32xi32>
    %add3A_115 = arith.addi %add3A_114, %get3A_18 : vector<512x32xi32>
    %mul3A_116 = arith.constant 22528 : i32
    %mul3A_117 = vector.broadcast %mul3A_116 : i32 to vector<512x32xi32>
    %mul3A_118 = arith.muli %add3A_115, %mul3A_117 : vector<512x32xi32>
    %mul3A_119 = arith.constant 352 : i32
    %mul3A_120 = vector.broadcast %mul3A_119 : i32 to vector<512x32xi32>
    %mul3A_121 = arith.muli %convert_element_type3A_75, %mul3A_120 : vector<512x32xi32>
    %add3A_122 = arith.addi %mul3A_118, %mul3A_121 : vector<512x32xi32>
    %mul3A_123 = arith.constant 2 : i32
    %mul3A_124 = vector.broadcast %mul3A_123 : i32 to vector<512x32xi32>
    %mul3A_125 = arith.muli %convert_element_type3A, %mul3A_124 : vector<512x32xi32>
    %add3A_126 = arith.addi %add3A_122, %mul3A_125 : vector<512x32xi32>
    %add3A_127 = arith.addi %add3A_126, %select_n3A : vector<512x32xi32>
    %swap3A = arith.constant 0 : index
    %swap3A_128 = arith.constant 0 : index
    %swap3A_129 = arith.constant 0 : index
    %swap3A_130 = vector.load %arg6[%swap3A, %swap3A_128, %swap3A_129] : memref<1x512x32xi32, #tpu.memory_space<vmem>>, vector<1x512x32xi32>
    %swap3A_131 = vector.shape_cast %swap3A_130 : vector<1x512x32xi32> to vector<512x32xi32>
    %swap3A_132 = vector.shape_cast %add3A_127 : vector<512x32xi32> to vector<1x512x32xi32>
    tpu.vector_store %arg6[%swap3A, %swap3A_128, %swap3A_129], %swap3A_132 {strides = array<i32>} : memref<1x512x32xi32, #tpu.memory_space<vmem>>, vector<1x512x32xi32>,
    %mul3A_133 = arith.constant 352 : i32
    %mul3A_134 = vector.broadcast %mul3A_133 : i32 to vector<512x32xi32>
    %mul3A_135 = arith.muli %convert_element_type3A_75, %mul3A_134 : vector<512x32xi32>
    %add3A_136 = arith.addi %mul3A_118, %mul3A_135 : vector<512x32xi32>
    %mul3A_137 = arith.constant 2 : i32
    %mul3A_138 = vector.broadcast %mul3A_137 : i32 to vector<512x32xi32>
    %mul3A_139 = arith.muli %convert_element_type3A_68, %mul3A_138 : vector<512x32xi32>
    %add3A_140 = arith.addi %add3A_136, %mul3A_139 : vector<512x32xi32>
    %add3A_141 = arith.addi %add3A_140, %select_n3A : vector<512x32xi32>
    %swap3A_142 = arith.constant 0 : index
    %swap3A_143 = arith.constant 0 : index
    %swap3A_144 = arith.constant 0 : index
    %swap3A_145 = vector.load %arg7[%swap3A_142, %swap3A_143, %swap3A_144] : memref<1x512x32xi32, #tpu.memory_space<vmem>>, vector<1x512x32xi32>
    %swap3A_146 = vector.shape_cast %swap3A_145 : vector<1x512x32xi32> to vector<512x32xi32>
    %swap3A_147 = vector.shape_cast %add3A_141 : vector<512x32xi32> to vector<1x512x32xi32>
    tpu.vector_store %arg7[%swap3A_142, %swap3A_143, %swap3A_144], %swap3A_147 {strides = array<i32>} : memref<1x512x32xi32, #tpu.memory_space<vmem>>, vector<1x512x32xi32>,
    %mul3A_148 = arith.constant 352 : i32
    %mul3A_149 = vector.broadcast %mul3A_148 : i32 to vector<512x32xi32>
    %mul3A_150 = arith.muli %convert_element_type3A_85, %mul3A_149 : vector<512x32xi32>
    %add3A_151 = arith.addi %mul3A_118, %mul3A_150 : vector<512x32xi32>
    %mul3A_152 = arith.constant 2 : i32
    %mul3A_153 = vector.broadcast %mul3A_152 : i32 to vector<512x32xi32>
    %mul3A_154 = arith.muli %convert_element_type3A, %mul3A_153 : vector<512x32xi32>
    %add3A_155 = arith.addi %add3A_151, %mul3A_154 : vector<512x32xi32>
    %add3A_156 = arith.addi %add3A_155, %select_n3A : vector<512x32xi32>
    %swap3A_157 = arith.constant 0 : index
    %swap3A_158 = arith.constant 0 : index
    %swap3A_159 = arith.constant 0 : index
    %swap3A_160 = vector.load %arg8[%swap3A_157, %swap3A_158, %swap3A_159] : memref<1x512x32xi32, #tpu.memory_space<vmem>>, vector<1x512x32xi32>
    %swap3A_161 = vector.shape_cast %swap3A_160 : vector<1x512x32xi32> to vector<512x32xi32>
    %swap3A_162 = vector.shape_cast %add3A_156 : vector<512x32xi32> to vector<1x512x32xi32>
    tpu.vector_store %arg8[%swap3A_157, %swap3A_158, %swap3A_159], %swap3A_162 {strides = array<i32>} : memref<1x512x32xi32, #tpu.memory_space<vmem>>, vector<1x512x32xi32>,
    %mul3A_163 = arith.constant 352 : i32
    %mul3A_164 = vector.broadcast %mul3A_163 : i32 to vector<512x32xi32>
    %mul3A_165 = arith.muli %convert_element_type3A_85, %mul3A_164 : vector<512x32xi32>
    %add3A_166 = arith.addi %mul3A_118, %mul3A_165 : vector<512x32xi32>
    %mul3A_167 = arith.constant 2 : i32
    %mul3A_168 = vector.broadcast %mul3A_167 : i32 to vector<512x32xi32>
    %mul3A_169 = arith.muli %convert_element_type3A_68, %mul3A_168 : vector<512x32xi32>
    %add3A_170 = arith.addi %add3A_166, %mul3A_169 : vector<512x32xi32>
    %add3A_171 = arith.addi %add3A_170, %select_n3A : vector<512x32xi32>
    %swap3A_172 = arith.constant 0 : index
    %swap3A_173 = arith.constant 0 : index
    %swap3A_174 = arith.constant 0 : index
    %swap3A_175 = vector.load %arg9[%swap3A_172, %swap3A_173, %swap3A_174] : memref<1x512x32xi32, #tpu.memory_space<vmem>>, vector<1x512x32xi32>
    %swap3A_176 = vector.shape_cast %swap3A_175 : vector<1x512x32xi32> to vector<512x32xi32>
    %swap3A_177 = vector.shape_cast %add3A_171 : vector<512x32xi32> to vector<1x512x32xi32>
    tpu.vector_store %arg9[%swap3A_172, %swap3A_173, %swap3A_174], %swap3A_177 {strides = array<i32>} : memref<1x512x32xi32, #tpu.memory_space<vmem>>, vector<1x512x32xi32>,
    %sub3A_178 = arith.constant 1.000000e+00 : f32
    %sub3A_179 = vector.broadcast %sub3A_178 : f32 to vector<512x32xf32>
    %sub3A_180 = arith.subf %sub3A_179, %sub3A_30 : vector<512x32xf32>
    %sub3A_181 = arith.constant 1.000000e+00 : f32
    %sub3A_182 = vector.broadcast %sub3A_181 : f32 to vector<512x32xf32>
    %sub3A_183 = arith.subf %sub3A_182, %sub3A_31 : vector<512x32xf32>
    %mul3A_184 = arith.mulf %sub3A_183, %sub3A_180 : vector<512x32xf32>
    %convert_element_type3A_185 = arith.extui %and3A : vector<512x32xi1> to vector<512x32xi32>
    %convert_element_type3A_186 = arith.sitofp %convert_element_type3A_185 : vector<512x32xi32> to vector<512x32xf32>
    %mul3A_187 = arith.mulf %mul3A_184, %convert_element_type3A_186 : vector<512x32xf32>
    %convert_element_type3A_188 = arith.extui %and3A_49 : vector<512x32xi1> to vector<512x32xi32>
    %convert_element_type3A_189 = arith.sitofp %convert_element_type3A_188 : vector<512x32xi32> to vector<512x32xf32>
    %mul3A_190 = arith.mulf %mul3A_187, %convert_element_type3A_189 : vector<512x32xf32>
    %mul3A_191 = arith.mulf %mul3A_190, %get3A_13 : vector<512x32xf32>
    %swap3A_192 = arith.constant 0 : index
    %swap3A_193 = arith.constant 0 : index
    %swap3A_194 = arith.constant 0 : index
    %swap3A_195 = vector.load %arg10[%swap3A_192, %swap3A_193, %swap3A_194] : memref<1x512x32xf32, #tpu.memory_space<vmem>>, vector<1x512x32xf32>
    %swap3A_196 = vector.shape_cast %swap3A_195 : vector<1x512x32xf32> to vector<512x32xf32>
    %swap3A_197 = vector.shape_cast %mul3A_191 : vector<512x32xf32> to vector<1x512x32xf32>
    tpu.vector_store %arg10[%swap3A_192, %swap3A_193, %swap3A_194], %swap3A_197 {strides = array<i32>} : memref<1x512x32xf32, #tpu.memory_space<vmem>>, vector<1x512x32xf32>,
    %mul3A_198 = arith.mulf %sub3A_183, %sub3A_30 : vector<512x32xf32>
    %convert_element_type3A_199 = arith.extui %and3A_42 : vector<512x32xi1> to vector<512x32xi32>
    %convert_element_type3A_200 = arith.sitofp %convert_element_type3A_199 : vector<512x32xi32> to vector<512x32xf32>
    %mul3A_201 = arith.mulf %mul3A_198, %convert_element_type3A_200 : vector<512x32xf32>
    %convert_element_type3A_202 = arith.extui %and3A_49 : vector<512x32xi1> to vector<512x32xi32>
    %convert_element_type3A_203 = arith.sitofp %convert_element_type3A_202 : vector<512x32xi32> to vector<512x32xf32>
    %mul3A_204 = arith.mulf %mul3A_201, %convert_element_type3A_203 : vector<512x32xf32>
    %mul3A_205 = arith.mulf %mul3A_204, %get3A_13 : vector<512x32xf32>
    %swap3A_206 = arith.constant 0 : index
    %swap3A_207 = arith.constant 0 : index
    %swap3A_208 = arith.constant 0 : index
    %swap3A_209 = vector.load %arg11[%swap3A_206, %swap3A_207, %swap3A_208] : memref<1x512x32xf32, #tpu.memory_space<vmem>>, vector<1x512x32xf32>
    %swap3A_210 = vector.shape_cast %swap3A_209 : vector<1x512x32xf32> to vector<512x32xf32>
    %swap3A_211 = vector.shape_cast %mul3A_205 : vector<512x32xf32> to vector<1x512x32xf32>
    tpu.vector_store %arg11[%swap3A_206, %swap3A_207, %swap3A_208], %swap3A_211 {strides = array<i32>} : memref<1x512x32xf32, #tpu.memory_space<vmem>>, vector<1x512x32xf32>,
    %mul3A_212 = arith.mulf %sub3A_31, %sub3A_180 : vector<512x32xf32>
    %convert_element_type3A_213 = arith.extui %and3A : vector<512x32xi1> to vector<512x32xi32>
    %convert_element_type3A_214 = arith.sitofp %convert_element_type3A_213 : vector<512x32xi32> to vector<512x32xf32>
    %mul3A_215 = arith.mulf %mul3A_212, %convert_element_type3A_214 : vector<512x32xf32>
    %convert_element_type3A_216 = arith.extui %and3A_56 : vector<512x32xi1> to vector<512x32xi32>
    %convert_element_type3A_217 = arith.sitofp %convert_element_type3A_216 : vector<512x32xi32> to vector<512x32xf32>
    %mul3A_218 = arith.mulf %mul3A_215, %convert_element_type3A_217 : vector<512x32xf32>
    %mul3A_219 = arith.mulf %mul3A_218, %get3A_13 : vector<512x32xf32>
    %swap3A_220 = arith.constant 0 : index
    %swap3A_221 = arith.constant 0 : index
    %swap3A_222 = arith.constant 0 : index
    %swap3A_223 = vector.load %arg12[%swap3A_220, %swap3A_221, %swap3A_222] : memref<1x512x32xf32, #tpu.memory_space<vmem>>, vector<1x512x32xf32>
    %swap3A_224 = vector.shape_cast %swap3A_223 : vector<1x512x32xf32> to vector<512x32xf32>
    %swap3A_225 = vector.shape_cast %mul3A_219 : vector<512x32xf32> to vector<1x512x32xf32>
    tpu.vector_store %arg12[%swap3A_220, %swap3A_221, %swap3A_222], %swap3A_225 {strides = array<i32>} : memref<1x512x32xf32, #tpu.memory_space<vmem>>, vector<1x512x32xf32>,
    %mul3A_226 = arith.mulf %sub3A_31, %sub3A_30 : vector<512x32xf32>
    %convert_element_type3A_227 = arith.extui %and3A_42 : vector<512x32xi1> to vector<512x32xi32>
    %convert_element_type3A_228 = arith.sitofp %convert_element_type3A_227 : vector<512x32xi32> to vector<512x32xf32>
    %mul3A_229 = arith.mulf %mul3A_226, %convert_element_type3A_228 : vector<512x32xf32>
    %convert_element_type3A_230 = arith.extui %and3A_56 : vector<512x32xi1> to vector<512x32xi32>
    %convert_element_type3A_231 = arith.sitofp %convert_element_type3A_230 : vector<512x32xi32> to vector<512x32xf32>
    %mul3A_232 = arith.mulf %mul3A_229, %convert_element_type3A_231 : vector<512x32xf32>
    %mul3A_233 = arith.mulf %mul3A_232, %get3A_13 : vector<512x32xf32>
    %swap3A_234 = arith.constant 0 : index
    %swap3A_235 = arith.constant 0 : index
    %swap3A_236 = arith.constant 0 : index
    %swap3A_237 = vector.load %arg13[%swap3A_234, %swap3A_235, %swap3A_236] : memref<1x512x32xf32, #tpu.memory_space<vmem>>, vector<1x512x32xf32>
    %swap3A_238 = vector.shape_cast %swap3A_237 : vector<1x512x32xf32> to vector<512x32xf32>
    %swap3A_239 = vector.shape_cast %mul3A_233 : vector<512x32xf32> to vector<1x512x32xf32>
    tpu.vector_store %arg13[%swap3A_234, %swap3A_235, %swap3A_236], %swap3A_239 {strides = array<i32>} : memref<1x512x32xf32, #tpu.memory_space<vmem>>, vector<1x512x32xf32>,
    return
  }
  func.func @transform_0(%arg0: i32, %arg1: i32) -> (i32, i32, i32) {
    %c0_i32 = arith.constant 0 : i32
    %c0_i32_0 = arith.constant 0 : i32
    return %arg0, %arg1, %c0_i32 : i32, i32, i32
  }
  func.func @transform_1(%arg0: i32, %arg1: i32) -> (i32, i32, i32) {
    %c0_i32 = arith.constant 0 : i32
    %c0_i32_0 = arith.constant 0 : i32
    return %arg0, %arg1, %c0_i32 : i32, i32, i32
  }
  func.func @transform_2(%arg0: i32, %arg1: i32) -> (i32, i32, i32) {
    %c0_i32 = arith.constant 0 : i32
    %c0_i32_0 = arith.constant 0 : i32
    return %arg0, %arg1, %c0_i32 : i32, i32, i32
  }
  func.func @transform_3(%arg0: i32, %arg1: i32) -> (i32, i32, i32) {
    %c0_i32 = arith.constant 0 : i32
    %c0_i32_0 = arith.constant 0 : i32
    return %arg0, %arg1, %c0_i32 : i32, i32, i32
  }
  func.func @transform_4(%arg0: i32, %arg1: i32) -> (i32, i32, i32) {
    %c0_i32 = arith.constant 0 : i32
    %c0_i32_0 = arith.constant 0 : i32
    return %arg0, %arg1, %c0_i32 : i32, i32, i32
  }
  func.func @transform_5(%arg0: i32, %arg1: i32) -> (i32, i32, i32) {
    %c0_i32 = arith.constant 0 : i32
    %c0_i32_0 = arith.constant 0 : i32
    return %arg0, %arg1, %c0_i32 : i32, i32, i32
  }
  func.func @transform_6(%arg0: i32, %arg1: i32) -> (i32, i32, i32) {
    %c0_i32 = arith.constant 0 : i32
    %c0_i32_0 = arith.constant 0 : i32
    return %arg0, %arg1, %c0_i32 : i32, i32, i32
  }
  func.func @transform_7(%arg0: i32, %arg1: i32) -> (i32, i32, i32) {
    %c0_i32 = arith.constant 0 : i32
    %c0_i32_0 = arith.constant 0 : i32
    return %arg0, %arg1, %c0_i32 : i32, i32, i32
  }
  func.func @transform_8(%arg0: i32, %arg1: i32) -> (i32, i32, i32) {
    %c0_i32 = arith.constant 0 : i32
    %c0_i32_0 = arith.constant 0 : i32
    return %arg0, %arg1, %c0_i32 : i32, i32, i32
  }
  func.func @transform_9(%arg0: i32, %arg1: i32) -> (i32, i32, i32) {
    %c0_i32 = arith.constant 0 : i32
    %c0_i32_0 = arith.constant 0 : i32
    return %arg0, %arg1, %c0_i32 : i32, i32, i32
  }
  func.func @transform_10(%arg0: i32, %arg1: i32) -> (i32, i32, i32) {
    %c0_i32 = arith.constant 0 : i32
    %c0_i32_0 = arith.constant 0 : i32
    return %arg0, %arg1, %c0_i32 : i32, i32, i32
  }
  func.func @transform_11(%arg0: i32, %arg1: i32) -> (i32, i32, i32) {
    %c0_i32 = arith.constant 0 : i32
    %c0_i32_0 = arith.constant 0 : i32
    return %arg0, %arg1, %c0_i32 : i32, i32, i32
  }
}

</mosaic_0001>

<sc_bundles>
// kernel: gather_offload_async_start.1
scs
__scs_entry_jumppad:
0x0: {  	(pc) =	sbr.rel $0x88, $3  }
0x1: {  	(tag) =	ssettag $0x0;
	lr =	simm.s32 $0x1  }
0x2: {  	[smem:$0x3F9B] =	sst lr;
	_ =	strace $0xD0000000  }
0x3: {  	_ = 	snop  }
0x4: {  	_ = 	snop  }
0x5: {  	_ = 	snop  }
0x6: {  	_ = 	snop  }
0x7: {  	_ = 	snop  }
__scs_overlays_trampoline_lowered:
0x8: {  	[smem:$0x3FAA] =	sst s0  }
0x9: {  	[smem:$0x3FAB] =	sst s1  }
0xa: {  	[smem:$0x3FAC] =	sst s2  }
0xb: {  	[smem:$0x3FAD] =	sst s3  }
0xc: {  	[smem:$0x3FAE] =	sst s4  }
0xd: {  	[smem:$0x3FAF] =	sst s5  }
0xe: {  	[smem:$0x3FB0] =	sst s6  }
0xf: {  	[smem:$0x3FB1] =	sst s7  }
0x10: {  	[smem:$0x3FB2] =	sst s8  }
0x11: {  	[smem:$0x3FB3] =	sst s9;
	s0 =	simm.s32 @!p0 $0x0  }
0x12: {  	s1 =	sld [smem:$0x3F99];
	s0 =	simm.s32 @p0 $0x1  }
0x13: {  	[smem:$0x3FB4] =	sst s0;
	s0 =	simm.s32 @!p1 $0x0  }
0x14: {  	s2 =	sld [smem:$0x3F98];
	s0 =	simm.s32 @p1 $0x1  }
0x15: {  	[smem:$0x3FB5] =	sst s0;
	s0 =	simm.s32 @!p2 $0x0  }
0x16: {  	s3 =	sld [smem:$0x3FDB];
	s0 =	simm.s32 @p2 $0x1  }
0x17: {  	s4 =	simm.s32 $0x1BF5;
	[smem:$0x3FB7] =	sst s0  }
0x18: {  	s0 =	sld [smem:$0x3F9A];
	_ =	swait.ge [sflag:s4], $0x0  }
0x19: {  	s7 =	sld [smem:$0x3F9B]  }
0x1a: {  	s8 =	sadd.s32 $0xFFFFE003, lr  }
0x1b: {  	s9 =	sadd.s32 $0xFFFFFEF7, lr;
	s5 =	simm.s32 $0xFFFFFFFF;
	p2 =	slt.u32 s8, $0xFFFFF086  }
0x1c: {  	p1 =	slt.u32 s9, $0xF7A;
	s5 =	simm.s32 @!p2 $0x0  }
0x1d: {  	s5 =	simm.s32 @p1 $0x1;
	p0 =	seq.s32 s7, s2  }
0x1e: {  	s7 =	smul.u32 @!p0 $0xF7A, s2;
	p2 =	seq.s32 @!p0 s5, $0x0  }
0x1f: {  	s9 =	smul.u32 $0xF7A, s1;
	s8 =	simm.s32 @!p0 $0x1BF5;
	p2 =	por !p2, p0  }
0x20: {  	[sflag:s8] =	ssyncset.s32 @!p0 $0xFFFFF086;
	s6 =	sadd.s32 @!p0 s3, s7;
	s7 =	simm.s32 @!p0 $0x108  }
0x21: {  	s3 =	sadd.s32 s3, s9;
	s6 =	sadd.s32 @!p0 $0x88, s6;
	s7 =	simm.s32 @p2 $0x1082  }
0x22: {  	[simem:s7], [sflag:s8] =	dma.local @!p0 [hbm:s6], $0xF7A  }
0x23: {  	s9 =	sor.u32 $0xD0000000, s2;
	s6 =	simm.s32 $0x108;
	_ =	swait.ge @!p0 [sflag:s8], $0x0  }
0x24: {  	s3 =	sadd.s32 $0x88, s3;
	s6 =	simm.s32 @!p1 $0x1082;
	[sflag:s4] =	ssyncset.s32 $0xFFFFF086  }
0x25: {  	[simem:s6], [sflag:s4] =	dma.local [hbm:s3], $0xF7A  }
0x26: {  	[smem:$0x3F9B] =	sst s1;
	(tag) =	ssettag s2;
	_ =	strace s9  }
0x27: {  	s1 =	sld [smem:$0x3FAB]  }
0x28: {  	s2 =	sld [smem:$0x3FAC]  }
0x29: {  	s4 =	sld [smem:$0x3FAE]  }
0x2a: {  	p0 =	seq.s32 s5, $0x0;
	s5 =	sld [smem:$0x3FAF]  }
0x2b: {  	s6 =	sld [smem:$0x3FB0]  }
0x2c: {  	s7 =	sld [smem:$0x3FB1]  }
0x2d: {  	s3 =	simm.s32 $0x108;
	s8 =	sld [smem:$0x3FB2]  }
0x2e: {  	s3 =	simm.s32 @!p0 $0x1082;
	s9 =	sld [smem:$0x3FB3]  }
0x2f: {  	lr =	sadd.s32 s0, s3;
	s0 =	sld [smem:$0x3FAA]  }
0x30: {  	s3 =	sld [smem:$0x3FAD]  }
0x31: {  	[smem:$0x3FB6] =	sst s10  }
0x32: {  	s10 =	sld [smem:$0x3FB4];
	_ =	sdelay $0x3  }
0x33: {  	p0 =	seq.s32 s10, $0x1;
	s10 =	sld [smem:$0x3FB6];
	_ =	sdelay $0x3  }
0x34: {  	[smem:$0x3FB6] =	sst s10  }
0x35: {  	s10 =	sld [smem:$0x3FB5];
	_ =	sdelay $0x3  }
0x36: {  	p1 =	seq.s32 s10, $0x1;
	s10 =	sld [smem:$0x3FB6];
	_ =	sdelay $0x3  }
0x37: {  	[smem:$0x3FB6] =	sst s10  }
0x38: {  	s10 =	sld [smem:$0x3FB7]  }
0x39: {  	_ = 	snop;
	(pc) =	sbr.ind lr, $3  }
0x3a: {  	_ = 	snop  }
0x3b: {  	_ = 	snop  }
0x3c: {  	p2 =	seq.s32 s10, $0x1;
	s10 =	sld [smem:$0x3FB6]  }
0x3d: {  	_ =	shalt  }
0x3e: {  	_ =	shalt  }
0x3f: {  	_ =	shalt  }
0x40: {  	_ =	shalt  }
0x41: {  	_ =	shalt  }
0x42: {  	_ =	shalt  }
0x43: {  	_ =	shalt  }
0x44: {  	_ =	shalt  }
0x45: {  	_ =	shalt  }
0x46: {  	_ =	shalt  }
0x47: {  	_ =	shalt  }
0x48: {  	_ =	shalt  }
0x49: {  	_ =	shalt  }
0x4a: {  	_ =	shalt  }
0x4b: {  	_ =	shalt  }
0x4c: {  	_ =	shalt  }
0x4d: {  	_ =	shalt  }
0x4e: {  	_ =	shalt  }
0x4f: {  	_ =	shalt  }
0x50: {  	_ =	shalt  }
0x51: {  	_ =	shalt  }
0x52: {  	_ =	shalt  }
0x53: {  	_ =	shalt  }
0x54: {  	_ =	shalt  }
0x55: {  	_ =	shalt  }
0x56: {  	_ =	shalt  }
0x57: {  	_ =	shalt  }
0x58: {  	_ =	shalt  }
0x59: {  	_ =	shalt  }
0x5a: {  	_ =	shalt  }
0x5b: {  	_ =	shalt  }
0x5c: {  	_ =	shalt  }
0x5d: {  	_ =	shalt  }
0x5e: {  	_ =	shalt  }
0x5f: {  	_ =	shalt  }
0x60: {  	_ =	shalt  }
0x61: {  	_ =	shalt  }
0x62: {  	_ =	shalt  }
0x63: {  	_ =	shalt  }
0x64: {  	_ =	shalt  }
0x65: {  	_ =	shalt  }
0x66: {  	_ =	shalt  }
0x67: {  	_ =	shalt  }
0x68: {  	_ =	shalt  }
0x69: {  	_ =	shalt  }
0x6a: {  	_ =	shalt  }
0x6b: {  	_ =	shalt  }
0x6c: {  	_ =	shalt  }
0x6d: {  	_ =	shalt  }
0x6e: {  	_ =	shalt  }
0x6f: {  	_ =	shalt  }
0x70: {  	_ =	shalt  }
0x71: {  	_ =	shalt  }
0x72: {  	_ =	shalt  }
0x73: {  	_ =	shalt  }
0x74: {  	_ =	shalt  }
0x75: {  	_ =	shalt  }
0x76: {  	_ =	shalt  }
0x77: {  	_ =	shalt  }
0x78: {  	_ =	shalt  }
0x79: {  	_ =	shalt  }
0x7a: {  	_ =	shalt  }
0x7b: {  	_ =	shalt  }
0x7c: {  	_ =	shalt  }
0x7d: {  	_ =	shalt  }
0x7e: {  	_ =	shalt  }
0x7f: {  	_ =	shalt  }
0x80: {  	_ =	shalt  }
0x81: {  	_ =	shalt  }
0x82: {  	_ =	shalt  }
0x83: {  	_ =	shalt  }
0x84: {  	_ =	shalt  }
0x85: {  	_ =	shalt  }
0x86: {  	_ =	shalt  }
0x87: {  	_ =	shalt  }
.Lfunc_end0:
.L_simem_size_0:
called_computation.2_lowered:
.L_overlay_start_0:
0x88: {  	s2 =	sld [smem:$0x3FD9]  }
0x89: {  	s3 =	sld [smem:$0x3FFE];
	_ =	sdelay $0x1  }
0x8a: {  	s1 =	srdreg.scid  }
0x8b: {  	s0 =	sand.u32 $0x1, s1  }
0x8c: {  	s16 =	sshll.u32 s0, $0xA;
	s2 =	sadd.s32 s3, s2  }
0x8d: {  	s2 =	sadd.s32 s2, s16  }
0x8e: {  	[smem:$0x3FC2] =	sst s2  }
0x8f: {  	_ = 	snop  }
0x90: {  	(tm) =	ssettm $0x1  }
0x91: {  	s17 =	sld [smem:$0x3FFB];
	_ =	sdelay $0x3  }
0x92: {  	_ =	strace s17  }
0x93: {  	s2 =	sld [smem:$0x3FFC];
	_ =	sdelay $0x3  }
0x94: {  	_ =	strace s2  }
0x95: {  	s2 =	sld [smem:$0x3FFD];
	_ =	sdelay $0x3  }
0x96: {  	_ =	strace s2  }
0x97: {  	_ =	strace $0x8FFFFFFF  }
0x98: {  	s18 =	sld [smem:$0x3FDB];
	_ =	sdelay $0x1  }
0x99: {  	s19 =	simm.s32 $_scs_section_size  }
0x9a: {  	s4 =	simm.s32 $_size__tile_overlayer_lowered;
	s5 =	simm.s32 $_tile_overlayer_lowered  }
0x9b: {  	s22 =	simm.s32 $0x1BFF;
	s21 =	sshll.u32 s5, $0x1;
	s2 =	sadd.s32 s19, s18  }
0x9c: {  	s6 =	simm.s32 $0x0;
	s20 =	sshll.u32 s4, $0x1;
	s4 =	sadd.s32 s21, s2  }
0x9d: {  	[timem:s6], [sflag:s22] =	dma.local [hbm:s4], s20  }
0x9e: {  	_ =	swait.ge [sflag:s22], s20  }
0x9f: {  	s3 =	ssub.s32 $0x0, s20;
	[sflag:s22] =	ssyncset.done $0x0  }
0xa0: {  	[sflag:s22] =	ssyncadd.s32 s3;
	_ =	sdelay $0x1  }
0xa1: {  	s23 =	simm.s32 $0x1B8B  }
0xa2: {  	_ =	swait.ge [sflag:s23], $0x1  }
0xa3: {  	[sflag:s23] =	ssyncset.done $0x0  }
0xa4: {  	s25 =	simm.s32 $0x1B8E;
	s24 =	sld [smem:$0x3FFE];
	[sflag:s23] =	ssyncadd.s32 $0xFFFFFFFF  }
0xa5: {  	s26 =	simm.s32 $execute0_lowered;
	[smem:$0x3FD2] =	sst s25  }
0xa6: {  	s4 =	sshll.u32 s26, $0x1;
	_ =	strace $0x80000049;
	[dreg:$0x1] =	wrdreg $0xFFFFFFFF  }
0xa7: {  	s28 =	simm.s32 $_size_execute0_lowered;
	s2 =	sadd.s32 s2, s4;
	[dreg:$0x0] =	wrdreg $0x0  }
0xa8: {  	s4 =	sshll.u32 s28, $0x1;
	[dreg:$0x2] =	wrdreg s2  }
0xa9: {  	[dreg:$0x3] =	wrdreg s4  }
0xaa: {  	[dreg:$0x4] =	wrdreg $0xC0  }
0xab: {  	_ =	task [dreg:s6], $0x5FFFF  }
0xac: {  	[dreg:$0x1] =	wrdreg $0xFFFFFFFF  }
0xad: {  	[dreg:$0x0] =	wrdreg $0x60  }
0xae: {  	[dreg:$0x2] =	wrdreg s24  }
0xaf: {  	[dreg:$0x3] =	wrdreg $0xA  }
0xb0: {  	_ =	task.clear_ibuf [dreg:s6], $0x4FFFF;
	_ =	strace $0x90000049  }
0xb1: {  	s29 =	simm.s32 $0xA;
	_ =	strace $0x8000004B  }
0xb2: {  	_ =	swait.ge [sflag:s29], $0x1  }
0xb3: {  	[sflag:s29] =	ssyncadd.s32 $0xFFFFFFFF  }
0xb4: {  	_ =	strace $0x9000004B  }
0xb5: {  	_ =	sfence  }
0xb6: {  	s30 =	sld [smem:$0x0];
	_ =	sdelay $0x2  }
0xb7: {  	s31 =	sshll.u32 s1, $0xD;
	s1 =	sshrl.u32 s1, $0x2  }
0xb8: {  	s3 =	sand.u32 $0x4000, s31;
	s1 =	sadd.s32 s1, s30  }
0xb9: {  	s0 =	sor.u32 s3, s0;
	s1 =	sshll.u32 s1, $0x11  }
0xba: {  	s0 =	sor.u32 s1, s0  }
0xbb: {  	s0 =	sadd.s32 $0x8F2B, s0  }
0xbc: {  	[sflag:s0] =	ssyncadd.remote.s32 $0x1  }
0xbd: {  	_ =	sfence.sel $0xFFFF  }
0xbe: {  	[dreg:$0x0] =	wrdreg $0xFFFFFFFF;
	(pc) =	sbr.abs _section_cstart, $3  }
0xbf: {  	[dreg:$0x1] =	wrdreg $0xFFFFFFFF  }
0xc0: {  	_ =	task.clear_ibuf [dreg:s6], $0x2FFFF;
	_ =	strace $0x9FFFFFFF  }
0xc1: {  	(tm) =	ssettm $0x7FFFFFFF  }
tec
execute0_lowered:
.L_overlay_start_1:
0x0: {  	(tag) =	ssettag $0x1  }
0x1: {  	s0 =	srdreg.scid;
	s5 =	rddreg [dreg:$0x0]  }
0x2: {  	s1 =	stileid.u32;
	s6 =	simm.s32 $0x1;
	s9 =	simm.s32 $0x1  }
0x3: {  	s10 =	simm.s32 $0x3;
	s13 =	simm.s32 $0x0;
	s2 =	sshll.u32 s0, $0xB  }
0x4: {  	s12 =	simm.s32 $0x0;
	s3 =	sshll.u32 s1, $0xC;
	s2 =	sand.u32 $0x800, s2  }
0x5: {  	s0 =	rddreg [dreg:$0x1];
	_ =	strace $0x8000004A;
	s2 =	sor.u32 s3, s2  }
0x6: {  	s4 =	sadd.s32 $0x1C00, s5;
	[sflag:s6] =	ssyncpa.u1 $0x0;
	s8 =	ssub.s32 $0x20000, s2  }
.Ltmp0:
0x7: {  	s3 =	sadd.s32 $0x9C00, s5;
	s7 =	sand.u32 $0xF800, s8;
	(pc) =	sbr.rel .LBB2_1-.Ltmp0, $4  }
0x8: {  	s5 =	sadd.s32 $0x59C00, s5;
	s11 =	smov.u32 s2;
	p0 =	sne.s32 s7, $0x0  }
0x9: {  	s8 =	sshrl.u32 s8, $0x10;
	s7 =	simm.s32 $0x2;
	s9 =	simm.s32 @!p0 $0x0  }
0xa: {  	[sflag:s7] =	ssyncpa.u1 $0x0;
	p0 =	por $0x0, $0x0;
	s8 =	sadd.s32 s9, s8  }
0xb: {  	vm0 =	vmmov $0xffff;
	[sflag:s10] =	ssyncpa.u1 $0x0;
	s10 =	simm.s32 $0x0;
	s9 =	sadd.s32 $0x1, s8  }
.LBB2_4:
0xc: {  	v2 =	vand.u32 $0x7, v2;
	v3 =	vand.u32 $0x80000, v3;
	v4 =	vand.u32 $0x7C000, v4  }
0xd: {  	v1 =	vand.u32 $0x7FF, v1;
	v2 =	vsel vm1, $0xFFFFFFFF, v2;
	v3 =	vor.u32 v4, v3  }
0xe: {  	v1 =	vsel vm1, $0xFFFFFFFF, v1;
	v3 =	vsel vm1, $0xFFF7C000, v3;
	v63 =	vand.u32 $0xFFFFC000, v2  }
0xf: {  	v5 =	vand.u32 $0x7F, v1;
	v1 =	vshll.u32 v1, $0x3;
	v3 =	vadd.s32 v63, v3  }
0x10: {  	v2 =	vshll.u32 v2, $0x7;
	v1 =	vand.u32 $0xFFFFFC00, v1;
	v3 =	vor.u32 v5, v3  }
0x11: {  	v2 =	vand.u32 $0x380, v2;
	v1 =	vadd.s32 v1, v3  }
0x12: {  	v1 =	vor.u32 v2, v1;
	_ =	sdelay $0x1  }
0x13: {  	(ifvalue) =	ssetifvalue $0x7FFFFFFF;
	s14 =	sadd.s32 $0x10, s14  }
0x14: {  	[tilespmem:s14], [sflag:$0x1] =	stream.indirect_vreg.gather [hbm4b:s3+s10], $0x1, v0, vm0, $0x4038;
	[tilespmem:$0x2000] =	vst v63  }
0x15: {  	(ifvalue) =	ssetifvalue $0x7FFFFFFF;
	s14 =	sadd.s32 $0x10, s14  }
0x16: {  	[tilespmem:s14], [sflag:$0x1] =	stream.indirect_vreg.gather [hbm4b:s3+s10], $0x1, v1, vm0, $0x4038;
	[tilespmem:$0x2000] =	vst v63  }
0x17: {  	_ =	swait.ge [sflag:s6], $0x800  }
0x18: {  	s30 =	sshrl.u32 s13, $0x3;
	[sflag:s6] =	ssyncset.done $0x0  }
0x19: {  	s31 =	sand.u32 $0x7, s13;
	s14 =	sadd.s32 s5, s30;
	[sflag:s6] =	ssyncadd.s32 $0xFFFFF800  }
0x1a: {  	[hbm4b:s14+s31] =	stream.linear.scatter [tilespmem:s15], [sflag:$0x3], $0x800, $0x38;
	[tilespmem:$0x2000] =	vst v63  }
.LBB2_5:
0x1b: {  	s15 =	sadd.s32 $0x10000, s11  }
0x1c: {  	p2 =	sgt.s32 s15, $0x1FFFF  }
0x1d: {  	s15 =	smov.u32 @p2 s2;
	p2 =	sne.s32 s12, s9  }
.Ltmp1:
0x1e: {  	p1 =	slt.u32 s12, $0x2;
	(pc) =	sbr.rel @!p2 .LBB2_6-.Ltmp1, $4  }
0x1f: {  	s14 =	simm.s32 @!p1 $0x3  }
0x20: {  	s16 =	sadd.s32 $0x1, s12;
	_ =	swait.ge @!p1 [sflag:s14], $0x800  }
0x21: {  	s13 =	smov.u32 s11;
	p0 =	por !p0, !p0;
	[sflag:s14] =	ssyncset.done @!p1 $0x0  }
0x22: {  	s12 =	smov.u32 s16;
	s11 =	smov.u32 s15;
	[sflag:s14] =	ssyncadd.s32 @!p1 $0xFFFFF800  }
.LBB2_1:
0x23: {  	p1 =	sge.u32 s12, s8  }
0x24: {  	s14 =	sxor.u32 @!p1 $0xFFFFFFFF, s12  }
0x25: {  	s31 =	sadd.s32 $0xFFFFFFFF, s12;
	s15 =	sshrl.u32 @!p1 s11, $0x3;
	s14 =	sshll.u32 @!p1 s14, $0xB  }
0x26: {  	s16 =	sand.u32 @!p1 $0x7, s11;
	s15 =	sadd.s32 @!p1 s4, s15;
	s14 =	sand.u32 @!p1 $0x800, s14  }
0x27: {  	[tilespmem:s14], [sflag:$0x2] =	stream.linear.gather @!p1 [hbm4b:s15+s16], $0x800, $0x38;
	[tilespmem:$0x2000] =	vst v63  }
0x28: {  	p1 =	sge.u32 s31, s8  }
.Ltmp2:
0x29: {  	_ = 	snop;
	(pc) =	sbr.rel @p1 .LBB2_5-.Ltmp2, $1  }
0x2a: {  	_ =	sdelay $0x3  }
0x2b: {  	s14 =	simm.s32 $0x1  }
0x2c: {  	_ =	swait.ge [sflag:s7], $0x800;
	s14 =	simm.s32 @!p0 $0x0  }
0x2d: {  	[sflag:s7] =	ssyncset.done $0x0;
	s14 =	sshll.u32 s14, $0xB  }
0x2e: {  	[sflag:s7] =	ssyncadd.s32 $0xFFFFF800;
	(ifvalue) =	ssetifvalue $0x7FFFFFFF;
	v0 =	vld.msk [tilespmem:s14+$0x0 ss:$0x1], $0xffff;
	_ =	sdelay $0x4  }
0x2f: {  	s15 =	sadd.s32 $0x10, s14;
	vm1 =	veq.s32 v0, $0x80000000;
	v1 =	vshrl.u32 v0, $0x1  }
0x30: {  	v4 =	vld.msk [tilespmem:s15+$0x0 ss:$0x1], $0xffff;
	v2 =	vshrl.u32 v0, $0x11;
	v3 =	vshll.u32 v0, $0x13;
	v0 =	vshll.u32 v0, $0x2  }
0x31: {  	v3 =	vand.u32 $0x80000, v3;
	v0 =	vand.u32 $0x7C000, v0  }
0x32: {  	v2 =	vand.u32 $0x7, v2;
	v1 =	vand.u32 $0x7FF, v1;
	v0 =	vor.u32 v0, v3  }
0x33: {  	v2 =	vsel vm1, $0xFFFFFFFF, v2;
	v1 =	vsel vm1, $0xFFFFFFFF, v1;
	v0 =	vsel vm1, $0xFFF7C000, v0  }
0x34: {  	v3 =	vand.u32 $0xFFFFC000, v2;
	v5 =	vand.u32 $0x7F, v1;
	v1 =	vshll.u32 v1, $0x3  }
0x35: {  	v2 =	vshll.u32 v2, $0x7;
	vm1 =	veq.s32 v4, $0x80000000;
	v0 =	vadd.s32 v3, v0  }
0x36: {  	v1 =	vand.u32 $0xFFFFFC00, v1;
	v2 =	vand.u32 $0x380, v2;
	v0 =	vor.u32 v5, v0  }
0x37: {  	v3 =	vshll.u32 v4, $0x13;
	v0 =	vadd.s32 v1, v0;
	v1 =	vshrl.u32 v4, $0x1  }
0x38: {  	v0 =	vor.u32 v2, v0;
	v2 =	vshrl.u32 v4, $0x11;
	v4 =	vshll.u32 v4, $0x2  }
0x39: {  	s17 =	sadd.s32 $0x10, s15;
	v3 =	vand.u32 $0x80000, v3;
	v2 =	vand.u32 $0x7, v2;
	v4 =	vand.u32 $0x7C000, v4  }
0x3a: {  	v5 =	vld.msk [tilespmem:s17+$0x0 ss:$0x1], $0xffff;
	v1 =	vand.u32 $0x7FF, v1;
	v2 =	vsel vm1, $0xFFFFFFFF, v2;
	v3 =	vor.u32 v4, v3  }
0x3b: {  	v1 =	vsel vm1, $0xFFFFFFFF, v1;
	v3 =	vsel vm1, $0xFFF7C000, v3;
	v4 =	vand.u32 $0xFFFFC000, v2  }
0x3c: {  	v6 =	vand.u32 $0x7F, v1;
	v1 =	vshll.u32 v1, $0x3;
	v3 =	vadd.s32 v4, v3  }
0x3d: {  	s31 =	sshll.u32 s12, $0xB;
	s14 =	sor.u32 $0x1000, s14;
	(ifvalue) =	ssetifvalue $0x7FFFFFFF;
	v1 =	vand.u32 $0xFFFFFC00, v1;
	v2 =	vshll.u32 v2, $0x7;
	v3 =	vor.u32 v6, v3  }
0x3e: {  	[tilespmem:s14], [sflag:$0x1] =	stream.indirect_vreg.gather [hbm4b:s3+s10], $0x1, v0, vm0, $0x4038;
	v0 =	vand.u32 $0x380, v2;
	v2 =	vadd.s32 v1, v3;
	[tilespmem:$0x2000] =	vst v63  }
0x3f: {  	s15 =	sand.u32 $0x800, s31;
	vm1 =	veq.s32 v5, $0x80000000;
	v4 =	vshll.u32 v5, $0x2;
	v0 =	vor.u32 v0, v2  }
0x40: {  	s16 =	simm.s32 $0x20;
	s15 =	sor.u32 $0x1000, s15;
	s17 =	sadd.s32 $0x10, s17;
	v1 =	vshrl.u32 v5, $0x1;
	v3 =	vshll.u32 v5, $0x13;
	v2 =	vshrl.u32 v5, $0x11  }
.LBB2_3:
0x41: {  	v5 =	vld.msk [tilespmem:s17+$0x0 ss:$0x1], $0xffff;
	v2 =	vand.u32 $0x7, v2;
	v3 =	vand.u32 $0x80000, v3;
	v4 =	vand.u32 $0x7C000, v4  }
0x42: {  	s16 =	sadd.s32 $0x10, s16;
	v1 =	vand.u32 $0x7FF, v1;
	v2 =	vsel vm1, $0xFFFFFFFF, v2;
	v3 =	vor.u32 v4, v3  }
0x43: {  	s14 =	sadd.s32 $0x10, s14;
	p1 =	slt.u32 s16, $0x7F0;
	v1 =	vsel vm1, $0xFFFFFFFF, v1;
	v3 =	vsel vm1, $0xFFF7C000, v3;
	v4 =	vand.u32 $0xFFFFC000, v2;
	(ifvalue) =	ssetifvalue $0x7FFFFFFF  }
0x44: {  	[tilespmem:s14], [sflag:$0x1] =	stream.indirect_vreg.gather [hbm4b:s3+s10], $0x1, v0, vm0, $0x4038;
	[tilespmem:$0x2000] =	vst v63  }
.Ltmp3:
0x45: {  	v6 =	vand.u32 $0x7F, v1;
	v1 =	vshll.u32 v1, $0x3;
	v3 =	vadd.s32 v4, v3;
	(pc) =	sbr.rel @p1 .LBB2_3-.Ltmp3, $4  }
0x46: {  	v0 =	vand.u32 $0xFFFFFC00, v1;
	v1 =	vshll.u32 v2, $0x7;
	v2 =	vor.u32 v6, v3  }
0x47: {  	v3 =	vand.u32 $0x380, v1;
	v0 =	vadd.s32 v0, v2  }
0x48: {  	vm1 =	veq.s32 v5, $0x80000000;
	v1 =	vshrl.u32 v5, $0x1;
	v0 =	vor.u32 v3, v0  }
0x49: {  	s17 =	sadd.s32 $0x10, s17;
	v2 =	vshrl.u32 v5, $0x11;
	v4 =	vshll.u32 v5, $0x2;
	v3 =	vshll.u32 v5, $0x13  }
.Ltmp4:
0x4a: {  	_ = 	snop;
	(pc) =	sbr.rel .LBB2_4-.Ltmp4, $1  }
0x4b: {  	_ =	sdelay $0x3  }
.LBB2_6:
0x4c: {  	_ =	sfence.sel $0x180000  }
0x4d: {  	s2 =	simm.s32 $0x2;
	[bflag:$0x0] =	sbarrier.arrive $0xFFFF  }
0x4e: {  	s30 =	simm.s32 $0x3;
	[sflag:s2] =	ssyncpa.u1 $0x1  }
0x4f: {  	s31 =	simm.s32 $0x1;
	[sflag:s30] =	ssyncpa.u1 $0x1  }
0x50: {  	[sflag:s31] =	ssyncpa.u1 $0x1  }
0x51: {  	p0 =	sne.s32 s1, $0x0;
	_ =	strace $0x9000004A  }
0x52: {  	s0 =	sadd.s32 @!p0 $0x100000, s0;
	[bflag:$0x2] =	sbarrier.arrive $0xFFFF  }
0x53: {  	[sflag:s0] =	ssyncadd.tile.s32 @!p0 $0x1;
	_ =	shalt  }
.Lfunc_end2:
_tile_overlayer_lowered:
.L_overlay_start_2:
0x54: {  	(tag) =	ssettag $0x2  }
0x55: {  	s0 =	rddreg [dreg:$0x0];
	s2 =	stileid.u32  }
0x56: {  	s1 =	rddreg [dreg:$0x1];
	p0 =	sne.s32 s2, $0x0  }
0x57: {  	s3 =	rddreg [dreg:$0x2];
	[bflag:$0x3] =	sbarrier.arrive $0xFFFF;
	s2 =	simm.s32 @!p0 $0x1C01  }
0x58: {  	[timem:s3], [sflag:s2] =	dma.local @!p0 [hbm:s0], s1  }
0x59: {  	s0 =	simm.s32 @!p0 $0x1  }
0x5a: {  	_ =	swait.ge @!p0 [sflag:s0], s1  }
0x5b: {  	s1 =	ssub.s32 @!p0 $0x0, s1;
	[sflag:s0] =	ssyncset.done @!p0 $0x0  }
0x5c: {  	[sflag:s0] =	ssyncadd.s32 @!p0 s1  }
0x5d: {  	[bflag:$0x3] =	sbarrier.arrive $0xFFFF  }
0x5e: {  	_ =	shalt  }

// kernel: gather_offload_async_start.2
scs
__scs_entry_jumppad:
0x0: {  	(pc) =	sbr.rel $0x88, $3  }
0x1: {  	(tag) =	ssettag $0x0;
	lr =	simm.s32 $0x1  }
0x2: {  	[smem:$0x3F9B] =	sst lr;
	_ =	strace $0xD0000000  }
0x3: {  	_ = 	snop  }
0x4: {  	_ = 	snop  }
0x5: {  	_ = 	snop  }
0x6: {  	_ = 	snop  }
0x7: {  	_ = 	snop  }
__scs_overlays_trampoline_lowered:
0x8: {  	[smem:$0x3FAA] =	sst s0  }
0x9: {  	[smem:$0x3FAB] =	sst s1  }
0xa: {  	[smem:$0x3FAC] =	sst s2  }
0xb: {  	[smem:$0x3FAD] =	sst s3  }
0xc: {  	[smem:$0x3FAE] =	sst s4  }
0xd: {  	[smem:$0x3FAF] =	sst s5  }
0xe: {  	[smem:$0x3FB0] =	sst s6  }
0xf: {  	[smem:$0x3FB1] =	sst s7  }
0x10: {  	[smem:$0x3FB2] =	sst s8  }
0x11: {  	[smem:$0x3FB3] =	sst s9;
	s0 =	simm.s32 @!p0 $0x0  }
0x12: {  	s1 =	sld [smem:$0x3F99];
	s0 =	simm.s32 @p0 $0x1  }
0x13: {  	[smem:$0x3FB4] =	sst s0;
	s0 =	simm.s32 @!p1 $0x0  }
0x14: {  	s2 =	sld [smem:$0x3F98];
	s0 =	simm.s32 @p1 $0x1  }
0x15: {  	[smem:$0x3FB5] =	sst s0;
	s0 =	simm.s32 @!p2 $0x0  }
0x16: {  	s3 =	sld [smem:$0x3FDB];
	s0 =	simm.s32 @p2 $0x1  }
0x17: {  	s4 =	simm.s32 $0x1BF5;
	[smem:$0x3FB7] =	sst s0  }
0x18: {  	s0 =	sld [smem:$0x3F9A];
	_ =	swait.ge [sflag:s4], $0x0  }
0x19: {  	s7 =	sld [smem:$0x3F9B]  }
0x1a: {  	s8 =	sadd.s32 $0xFFFFE003, lr  }
0x1b: {  	s9 =	sadd.s32 $0xFFFFFEF7, lr;
	s5 =	simm.s32 $0xFFFFFFFF;
	p2 =	slt.u32 s8, $0xFFFFF086  }
0x1c: {  	p1 =	slt.u32 s9, $0xF7A;
	s5 =	simm.s32 @!p2 $0x0  }
0x1d: {  	s5 =	simm.s32 @p1 $0x1;
	p0 =	seq.s32 s7, s2  }
0x1e: {  	s7 =	smul.u32 @!p0 $0xF7A, s2;
	p2 =	seq.s32 @!p0 s5, $0x0  }
0x1f: {  	s9 =	smul.u32 $0xF7A, s1;
	s8 =	simm.s32 @!p0 $0x1BF5;
	p2 =	por !p2, p0  }
0x20: {  	[sflag:s8] =	ssyncset.s32 @!p0 $0xFFFFF086;
	s6 =	sadd.s32 @!p0 s3, s7;
	s7 =	simm.s32 @!p0 $0x108  }
0x21: {  	s3 =	sadd.s32 s3, s9;
	s6 =	sadd.s32 @!p0 $0x88, s6;
	s7 =	simm.s32 @p2 $0x1082  }
0x22: {  	[simem:s7], [sflag:s8] =	dma.local @!p0 [hbm:s6], $0xF7A  }
0x23: {  	s9 =	sor.u32 $0xD0000000, s2;
	s6 =	simm.s32 $0x108;
	_ =	swait.ge @!p0 [sflag:s8], $0x0  }
0x24: {  	s3 =	sadd.s32 $0x88, s3;
	s6 =	simm.s32 @!p1 $0x1082;
	[sflag:s4] =	ssyncset.s32 $0xFFFFF086  }
0x25: {  	[simem:s6], [sflag:s4] =	dma.local [hbm:s3], $0xF7A  }
0x26: {  	[smem:$0x3F9B] =	sst s1;
	(tag) =	ssettag s2;
	_ =	strace s9  }
0x27: {  	s1 =	sld [smem:$0x3FAB]  }
0x28: {  	s2 =	sld [smem:$0x3FAC]  }
0x29: {  	s4 =	sld [smem:$0x3FAE]  }
0x2a: {  	p0 =	seq.s32 s5, $0x0;
	s5 =	sld [smem:$0x3FAF]  }
0x2b: {  	s6 =	sld [smem:$0x3FB0]  }
0x2c: {  	s7 =	sld [smem:$0x3FB1]  }
0x2d: {  	s3 =	simm.s32 $0x108;
	s8 =	sld [smem:$0x3FB2]  }
0x2e: {  	s3 =	simm.s32 @!p0 $0x1082;
	s9 =	sld [smem:$0x3FB3]  }
0x2f: {  	lr =	sadd.s32 s0, s3;
	s0 =	sld [smem:$0x3FAA]  }
0x30: {  	s3 =	sld [smem:$0x3FAD]  }
0x31: {  	[smem:$0x3FB6] =	sst s10  }
0x32: {  	s10 =	sld [smem:$0x3FB4];
	_ =	sdelay $0x3  }
0x33: {  	p0 =	seq.s32 s10, $0x1;
	s10 =	sld [smem:$0x3FB6];
	_ =	sdelay $0x3  }
0x34: {  	[smem:$0x3FB6] =	sst s10  }
0x35: {  	s10 =	sld [smem:$0x3FB5];
	_ =	sdelay $0x3  }
0x36: {  	p1 =	seq.s32 s10, $0x1;
	s10 =	sld [smem:$0x3FB6];
	_ =	sdelay $0x3  }
0x37: {  	[smem:$0x3FB6] =	sst s10  }
0x38: {  	s10 =	sld [smem:$0x3FB7]  }
0x39: {  	_ = 	snop;
	(pc) =	sbr.ind lr, $3  }
0x3a: {  	_ = 	snop  }
0x3b: {  	_ = 	snop  }
0x3c: {  	p2 =	seq.s32 s10, $0x1;
	s10 =	sld [smem:$0x3FB6]  }
0x3d: {  	_ =	shalt  }
0x3e: {  	_ =	shalt  }
0x3f: {  	_ =	shalt  }
0x40: {  	_ =	shalt  }
0x41: {  	_ =	shalt  }
0x42: {  	_ =	shalt  }
0x43: {  	_ =	shalt  }
0x44: {  	_ =	shalt  }
0x45: {  	_ =	shalt  }
0x46: {  	_ =	shalt  }
0x47: {  	_ =	shalt  }
0x48: {  	_ =	shalt  }
0x49: {  	_ =	shalt  }
0x4a: {  	_ =	shalt  }
0x4b: {  	_ =	shalt  }
0x4c: {  	_ =	shalt  }
0x4d: {  	_ =	shalt  }
0x4e: {  	_ =	shalt  }
0x4f: {  	_ =	shalt  }
0x50: {  	_ =	shalt  }
0x51: {  	_ =	shalt  }
0x52: {  	_ =	shalt  }
0x53: {  	_ =	shalt  }
0x54: {  	_ =	shalt  }
0x55: {  	_ =	shalt  }
0x56: {  	_ =	shalt  }
0x57: {  	_ =	shalt  }
0x58: {  	_ =	shalt  }
0x59: {  	_ =	shalt  }
0x5a: {  	_ =	shalt  }
0x5b: {  	_ =	shalt  }
0x5c: {  	_ =	shalt  }
0x5d: {  	_ =	shalt  }
0x5e: {  	_ =	shalt  }
0x5f: {  	_ =	shalt  }
0x60: {  	_ =	shalt  }
0x61: {  	_ =	shalt  }
0x62: {  	_ =	shalt  }
0x63: {  	_ =	shalt  }
0x64: {  	_ =	shalt  }
0x65: {  	_ =	shalt  }
0x66: {  	_ =	shalt  }
0x67: {  	_ =	shalt  }
0x68: {  	_ =	shalt  }
0x69: {  	_ =	shalt  }
0x6a: {  	_ =	shalt  }
0x6b: {  	_ =	shalt  }
0x6c: {  	_ =	shalt  }
0x6d: {  	_ =	shalt  }
0x6e: {  	_ =	shalt  }
0x6f: {  	_ =	shalt  }
0x70: {  	_ =	shalt  }
0x71: {  	_ =	shalt  }
0x72: {  	_ =	shalt  }
0x73: {  	_ =	shalt  }
0x74: {  	_ =	shalt  }
0x75: {  	_ =	shalt  }
0x76: {  	_ =	shalt  }
0x77: {  	_ =	shalt  }
0x78: {  	_ =	shalt  }
0x79: {  	_ =	shalt  }
0x7a: {  	_ =	shalt  }
0x7b: {  	_ =	shalt  }
0x7c: {  	_ =	shalt  }
0x7d: {  	_ =	shalt  }
0x7e: {  	_ =	shalt  }
0x7f: {  	_ =	shalt  }
0x80: {  	_ =	shalt  }
0x81: {  	_ =	shalt  }
0x82: {  	_ =	shalt  }
0x83: {  	_ =	shalt  }
0x84: {  	_ =	shalt  }
0x85: {  	_ =	shalt  }
0x86: {  	_ =	shalt  }
0x87: {  	_ =	shalt  }
.Lfunc_end0:
.L_simem_size_0:
called_computation.3_lowered:
.L_overlay_start_0:
0x88: {  	s2 =	sld [smem:$0x3FD9]  }
0x89: {  	s3 =	sld [smem:$0x3FFE];
	_ =	sdelay $0x1  }
0x8a: {  	s1 =	srdreg.scid  }
0x8b: {  	s0 =	sand.u32 $0x1, s1  }
0x8c: {  	s17 =	sshll.u32 s0, $0xA;
	s2 =	sadd.s32 s3, s2  }
0x8d: {  	s2 =	sadd.s32 s2, s17  }
0x8e: {  	[smem:$0x3FC2] =	sst s2  }
0x8f: {  	_ = 	snop  }
0x90: {  	s2 =	sld [smem:$0x3FD0];
	(tm) =	ssettm $0x1  }
0x91: {  	s18 =	sld [smem:$0x3FFB];
	_ =	sdelay $0x3  }
0x92: {  	_ =	strace s18  }
0x93: {  	s3 =	sld [smem:$0x3FFC];
	_ =	sdelay $0x3  }
0x94: {  	_ =	strace s3  }
0x95: {  	s3 =	sld [smem:$0x3FFD];
	_ =	sdelay $0x3  }
0x96: {  	_ =	strace s3  }
0x97: {  	_ =	strace $0x8FFFFFFF  }
0x98: {  	s19 =	sld [smem:$0x3FDB];
	_ =	sdelay $0x1  }
0x99: {  	s4 =	simm.s32 $_scs_section_size  }
0x9a: {  	s5 =	simm.s32 $_size__tile_overlayer_lowered;
	s6 =	simm.s32 $_tile_overlayer_lowered  }
0x9b: {  	s22 =	simm.s32 $0x1BFF;
	s21 =	sshll.u32 s6, $0x1;
	s3 =	sadd.s32 s4, s19  }
0x9c: {  	s7 =	simm.s32 $0x0;
	s20 =	sshll.u32 s5, $0x1;
	s5 =	sadd.s32 s21, s3  }
0x9d: {  	[timem:s7], [sflag:s22] =	dma.local [hbm:s5], s20  }
0x9e: {  	_ =	swait.ge [sflag:s22], s20  }
0x9f: {  	s4 =	ssub.s32 $0x0, s20;
	[sflag:s22] =	ssyncset.done $0x0  }
0xa0: {  	[sflag:s22] =	ssyncadd.s32 s4;
	_ =	sdelay $0x1  }
0xa1: {  	s23 =	simm.s32 $0x1B8B  }
0xa2: {  	_ =	swait.ge [sflag:s23], $0x1  }
0xa3: {  	[sflag:s23] =	ssyncset.done $0x0  }
0xa4: {  	s25 =	simm.s32 $0x1B8E;
	s24 =	sld [smem:$0x3FFE];
	[sflag:s23] =	ssyncadd.s32 $0xFFFFFFFF  }
0xa5: {  	s26 =	simm.s32 $execute0_lowered;
	[smem:$0x3FD2] =	sst s25  }
0xa6: {  	s5 =	sshll.u32 s26, $0x1;
	_ =	strace $0x80000046;
	[dreg:$0x1] =	wrdreg $0xFFFFFFFF  }
0xa7: {  	s28 =	simm.s32 $_size_execute0_lowered;
	s3 =	sadd.s32 s3, s5;
	[dreg:$0x0] =	wrdreg $0x0  }
0xa8: {  	s5 =	sshll.u32 s28, $0x1;
	[dreg:$0x2] =	wrdreg s3  }
0xa9: {  	[dreg:$0x3] =	wrdreg s5  }
0xaa: {  	[dreg:$0x4] =	wrdreg $0xC0  }
0xab: {  	_ =	task [dreg:s7], $0x5FFFF  }
0xac: {  	[dreg:$0x1] =	wrdreg $0xFFFFFFFF  }
0xad: {  	[dreg:$0x0] =	wrdreg $0x60  }
0xae: {  	[dreg:$0x2] =	wrdreg s2  }
0xaf: {  	[dreg:$0x3] =	wrdreg s24  }
0xb0: {  	[dreg:$0x4] =	wrdreg $0x9  }
0xb1: {  	_ =	task.clear_ibuf [dreg:s7], $0x5FFFF;
	_ =	strace $0x90000046  }
0xb2: {  	s29 =	simm.s32 $0x9;
	_ =	strace $0x80000048  }
0xb3: {  	_ =	swait.ge [sflag:s29], $0x1  }
0xb4: {  	[sflag:s29] =	ssyncadd.s32 $0xFFFFFFFF  }
0xb5: {  	_ =	strace $0x90000048  }
0xb6: {  	_ =	sfence  }
0xb7: {  	s30 =	sld [smem:$0x0];
	_ =	sdelay $0x2  }
0xb8: {  	s31 =	sshll.u32 s1, $0xD;
	s1 =	sshrl.u32 s1, $0x2  }
0xb9: {  	s3 =	sand.u32 $0x4000, s31;
	s1 =	sadd.s32 s1, s30  }
0xba: {  	s0 =	sor.u32 s3, s0;
	s1 =	sshll.u32 s1, $0x11  }
0xbb: {  	s0 =	sor.u32 s1, s0  }
0xbc: {  	s0 =	sadd.s32 $0x8F2B, s0  }
0xbd: {  	[sflag:s0] =	ssyncadd.remote.s32 $0x1  }
0xbe: {  	_ =	sfence.sel $0xFFFF  }
0xbf: {  	[dreg:$0x0] =	wrdreg $0xFFFFFFFF;
	(pc) =	sbr.abs _section_cstart, $3  }
0xc0: {  	[dreg:$0x1] =	wrdreg $0xFFFFFFFF  }
0xc1: {  	_ =	task.clear_ibuf [dreg:s7], $0x2FFFF;
	_ =	strace $0x9FFFFFFF  }
0xc2: {  	(tm) =	ssettm $0x7FFFFFFF  }
0xc3: {  	_ =	shalt  }
tec
execute0_lowered:
.L_overlay_start_1:
0x0: {  	(tag) =	ssettag $0x1  }
0x1: {  	s1 =	srdreg.scid;
	s2 =	rddreg [dreg:$0x0]  }
0x2: {  	s0 =	stileid.u32;
	s5 =	rddreg [dreg:$0x1];
	s6 =	simm.s32 $0x1  }
0x3: {  	s9 =	simm.s32 $0x1;
	s10 =	simm.s32 $0x3;
	s1 =	sshll.u32 s1, $0xB  }
0x4: {  	s13 =	simm.s32 $0x0;
	s3 =	sshll.u32 s0, $0xC;
	s4 =	sand.u32 $0x800, s1  }
0x5: {  	s12 =	simm.s32 $0x0;
	s1 =	rddreg [dreg:$0x2];
	s3 =	sor.u32 s3, s4  }
0x6: {  	_ =	strace $0x80000047;
	s4 =	sadd.s32 $0x1C00, s5;
	s8 =	ssub.s32 $0x20000, s3  }
.Ltmp0:
0x7: {  	s5 =	sadd.s32 $0x5C00, s5;
	s7 =	sand.u32 $0xF800, s8;
	(pc) =	sbr.rel .LBB2_1-.Ltmp0, $4  }
0x8: {  	[sflag:s6] =	ssyncpa.u1 $0x0;
	s11 =	smov.u32 s3;
	p0 =	sne.s32 s7, $0x0  }
0x9: {  	s8 =	sshrl.u32 s8, $0x10;
	s7 =	simm.s32 $0x2;
	s9 =	simm.s32 @!p0 $0x0  }
0xa: {  	[sflag:s7] =	ssyncpa.u1 $0x0;
	p0 =	por $0x0, $0x0;
	s8 =	sadd.s32 s9, s8  }
0xb: {  	vm0 =	vmmov $0xffff;
	[sflag:s10] =	ssyncpa.u1 $0x0;
	s10 =	simm.s32 $0x0;
	s9 =	sadd.s32 $0x1, s8  }
.LBB2_4:
0xc: {  	v2 =	vand.u32 $0x7, v2;
	v3 =	vand.u32 $0x80000, v3;
	v4 =	vand.u32 $0x7C000, v4  }
0xd: {  	v1 =	vand.u32 $0x7FF, v1;
	v2 =	vsel vm1, $0xFFFFFFFF, v2;
	v3 =	vor.u32 v4, v3  }
0xe: {  	v1 =	vsel vm1, $0xFFFFFFFF, v1;
	v3 =	vsel vm1, $0xFFF7C000, v3;
	v63 =	vand.u32 $0xFFFFC000, v2  }
0xf: {  	v5 =	vand.u32 $0x7F, v1;
	v1 =	vshll.u32 v1, $0x3;
	v3 =	vadd.s32 v63, v3  }
0x10: {  	v2 =	vshll.u32 v2, $0x7;
	v1 =	vand.u32 $0xFFFFFC00, v1;
	v3 =	vor.u32 v5, v3  }
0x11: {  	v2 =	vand.u32 $0x380, v2;
	v1 =	vadd.s32 v1, v3  }
0x12: {  	v1 =	vor.u32 v2, v1;
	_ =	sdelay $0x1  }
0x13: {  	(ifvalue) =	ssetifvalue $0x7FFFFFFF;
	s14 =	sadd.s32 $0x10, s14  }
0x14: {  	[tilespmem:s14], [sflag:$0x1] =	stream.indirect_vreg.gather [hbm4b:s2+s10], $0x1, v0, vm0, $0x4038;
	[tilespmem:$0x2000] =	vst v63  }
0x15: {  	(ifvalue) =	ssetifvalue $0x7FFFFFFF;
	s14 =	sadd.s32 $0x10, s14  }
0x16: {  	[tilespmem:s14], [sflag:$0x1] =	stream.indirect_vreg.gather [hbm4b:s2+s10], $0x1, v1, vm0, $0x4038;
	[tilespmem:$0x2000] =	vst v63  }
0x17: {  	_ =	swait.ge [sflag:s6], $0x800  }
0x18: {  	s30 =	sshrl.u32 s13, $0x3;
	[sflag:s6] =	ssyncset.done $0x0  }
0x19: {  	s31 =	sand.u32 $0x7, s13;
	s14 =	sadd.s32 s5, s30;
	[sflag:s6] =	ssyncadd.s32 $0xFFFFF800  }
0x1a: {  	[hbm4b:s14+s31] =	stream.linear.scatter [tilespmem:s15], [sflag:$0x3], $0x800, $0x38;
	[tilespmem:$0x2000] =	vst v63  }
.LBB2_5:
0x1b: {  	s15 =	sadd.s32 $0x10000, s11  }
0x1c: {  	p2 =	sgt.s32 s15, $0x1FFFF  }
0x1d: {  	s15 =	smov.u32 @p2 s3;
	p2 =	sne.s32 s12, s9  }
.Ltmp1:
0x1e: {  	p1 =	slt.u32 s12, $0x2;
	(pc) =	sbr.rel @!p2 .LBB2_6-.Ltmp1, $4  }
0x1f: {  	s14 =	simm.s32 @!p1 $0x3  }
0x20: {  	s16 =	sadd.s32 $0x1, s12;
	_ =	swait.ge @!p1 [sflag:s14], $0x800  }
0x21: {  	s13 =	smov.u32 s11;
	p0 =	por !p0, !p0;
	[sflag:s14] =	ssyncset.done @!p1 $0x0  }
0x22: {  	s12 =	smov.u32 s16;
	s11 =	smov.u32 s15;
	[sflag:s14] =	ssyncadd.s32 @!p1 $0xFFFFF800  }
.LBB2_1:
0x23: {  	p1 =	sge.u32 s12, s8  }
0x24: {  	s14 =	sxor.u32 @!p1 $0xFFFFFFFF, s12  }
0x25: {  	s31 =	sadd.s32 $0xFFFFFFFF, s12;
	s15 =	sshrl.u32 @!p1 s11, $0x3;
	s14 =	sshll.u32 @!p1 s14, $0xB  }
0x26: {  	s16 =	sand.u32 @!p1 $0x7, s11;
	s15 =	sadd.s32 @!p1 s4, s15;
	s14 =	sand.u32 @!p1 $0x800, s14  }
0x27: {  	[tilespmem:s14], [sflag:$0x2] =	stream.linear.gather @!p1 [hbm4b:s15+s16], $0x800, $0x38;
	[tilespmem:$0x2000] =	vst v63  }
0x28: {  	p1 =	sge.u32 s31, s8  }
.Ltmp2:
0x29: {  	_ = 	snop;
	(pc) =	sbr.rel @p1 .LBB2_5-.Ltmp2, $1  }
0x2a: {  	_ =	sdelay $0x3  }
0x2b: {  	s14 =	simm.s32 $0x1  }
0x2c: {  	_ =	swait.ge [sflag:s7], $0x800;
	s14 =	simm.s32 @!p0 $0x0  }
0x2d: {  	[sflag:s7] =	ssyncset.done $0x0;
	s14 =	sshll.u32 s14, $0xB  }
0x2e: {  	[sflag:s7] =	ssyncadd.s32 $0xFFFFF800;
	(ifvalue) =	ssetifvalue $0x7FFFFFFF;
	v0 =	vld.msk [tilespmem:s14+$0x0 ss:$0x1], $0xffff;
	_ =	sdelay $0x4  }
0x2f: {  	s15 =	sadd.s32 $0x10, s14;
	vm1 =	veq.s32 v0, $0x80000000;
	v1 =	vshrl.u32 v0, $0x1  }
0x30: {  	v4 =	vld.msk [tilespmem:s15+$0x0 ss:$0x1], $0xffff;
	v2 =	vshrl.u32 v0, $0x11;
	v3 =	vshll.u32 v0, $0x13;
	v0 =	vshll.u32 v0, $0x2  }
0x31: {  	v3 =	vand.u32 $0x80000, v3;
	v0 =	vand.u32 $0x7C000, v0  }
0x32: {  	v2 =	vand.u32 $0x7, v2;
	v1 =	vand.u32 $0x7FF, v1;
	v0 =	vor.u32 v0, v3  }
0x33: {  	v2 =	vsel vm1, $0xFFFFFFFF, v2;
	v1 =	vsel vm1, $0xFFFFFFFF, v1;
	v0 =	vsel vm1, $0xFFF7C000, v0  }
0x34: {  	v3 =	vand.u32 $0xFFFFC000, v2;
	v5 =	vand.u32 $0x7F, v1;
	v1 =	vshll.u32 v1, $0x3  }
0x35: {  	v2 =	vshll.u32 v2, $0x7;
	vm1 =	veq.s32 v4, $0x80000000;
	v0 =	vadd.s32 v3, v0  }
0x36: {  	v1 =	vand.u32 $0xFFFFFC00, v1;
	v2 =	vand.u32 $0x380, v2;
	v0 =	vor.u32 v5, v0  }
0x37: {  	v3 =	vshll.u32 v4, $0x13;
	v0 =	vadd.s32 v1, v0;
	v1 =	vshrl.u32 v4, $0x1  }
0x38: {  	v0 =	vor.u32 v2, v0;
	v2 =	vshrl.u32 v4, $0x11;
	v4 =	vshll.u32 v4, $0x2  }
0x39: {  	s17 =	sadd.s32 $0x10, s15;
	v3 =	vand.u32 $0x80000, v3;
	v2 =	vand.u32 $0x7, v2;
	v4 =	vand.u32 $0x7C000, v4  }
0x3a: {  	v5 =	vld.msk [tilespmem:s17+$0x0 ss:$0x1], $0xffff;
	v1 =	vand.u32 $0x7FF, v1;
	v2 =	vsel vm1, $0xFFFFFFFF, v2;
	v3 =	vor.u32 v4, v3  }
0x3b: {  	v1 =	vsel vm1, $0xFFFFFFFF, v1;
	v3 =	vsel vm1, $0xFFF7C000, v3;
	v4 =	vand.u32 $0xFFFFC000, v2  }
0x3c: {  	v6 =	vand.u32 $0x7F, v1;
	v1 =	vshll.u32 v1, $0x3;
	v3 =	vadd.s32 v4, v3  }
0x3d: {  	s31 =	sshll.u32 s12, $0xB;
	s14 =	sor.u32 $0x1000, s14;
	(ifvalue) =	ssetifvalue $0x7FFFFFFF;
	v1 =	vand.u32 $0xFFFFFC00, v1;
	v2 =	vshll.u32 v2, $0x7;
	v3 =	vor.u32 v6, v3  }
0x3e: {  	[tilespmem:s14], [sflag:$0x1] =	stream.indirect_vreg.gather [hbm4b:s2+s10], $0x1, v0, vm0, $0x4038;
	v0 =	vand.u32 $0x380, v2;
	v2 =	vadd.s32 v1, v3;
	[tilespmem:$0x2000] =	vst v63  }
0x3f: {  	s15 =	sand.u32 $0x800, s31;
	vm1 =	veq.s32 v5, $0x80000000;
	v4 =	vshll.u32 v5, $0x2;
	v0 =	vor.u32 v0, v2  }
0x40: {  	s16 =	simm.s32 $0x20;
	s15 =	sor.u32 $0x1000, s15;
	s17 =	sadd.s32 $0x10, s17;
	v1 =	vshrl.u32 v5, $0x1;
	v3 =	vshll.u32 v5, $0x13;
	v2 =	vshrl.u32 v5, $0x11  }
.LBB2_3:
0x41: {  	v5 =	vld.msk [tilespmem:s17+$0x0 ss:$0x1], $0xffff;
	v2 =	vand.u32 $0x7, v2;
	v3 =	vand.u32 $0x80000, v3;
	v4 =	vand.u32 $0x7C000, v4  }
0x42: {  	s16 =	sadd.s32 $0x10, s16;
	v1 =	vand.u32 $0x7FF, v1;
	v2 =	vsel vm1, $0xFFFFFFFF, v2;
	v3 =	vor.u32 v4, v3  }
0x43: {  	s14 =	sadd.s32 $0x10, s14;
	p1 =	slt.u32 s16, $0x7F0;
	v1 =	vsel vm1, $0xFFFFFFFF, v1;
	v3 =	vsel vm1, $0xFFF7C000, v3;
	v4 =	vand.u32 $0xFFFFC000, v2;
	(ifvalue) =	ssetifvalue $0x7FFFFFFF  }
0x44: {  	[tilespmem:s14], [sflag:$0x1] =	stream.indirect_vreg.gather [hbm4b:s2+s10], $0x1, v0, vm0, $0x4038;
	[tilespmem:$0x2000] =	vst v63  }
.Ltmp3:
0x45: {  	v6 =	vand.u32 $0x7F, v1;
	v1 =	vshll.u32 v1, $0x3;
	v3 =	vadd.s32 v4, v3;
	(pc) =	sbr.rel @p1 .LBB2_3-.Ltmp3, $4  }
0x46: {  	v0 =	vand.u32 $0xFFFFFC00, v1;
	v1 =	vshll.u32 v2, $0x7;
	v2 =	vor.u32 v6, v3  }
0x47: {  	v3 =	vand.u32 $0x380, v1;
	v0 =	vadd.s32 v0, v2  }
0x48: {  	vm1 =	veq.s32 v5, $0x80000000;
	v1 =	vshrl.u32 v5, $0x1;
	v0 =	vor.u32 v3, v0  }
0x49: {  	s17 =	sadd.s32 $0x10, s17;
	v2 =	vshrl.u32 v5, $0x11;
	v4 =	vshll.u32 v5, $0x2;
	v3 =	vshll.u32 v5, $0x13  }
.Ltmp4:
0x4a: {  	_ = 	snop;
	(pc) =	sbr.rel .LBB2_4-.Ltmp4, $1  }
0x4b: {  	_ =	sdelay $0x3  }
.LBB2_6:
0x4c: {  	_ =	sfence.sel $0x180000  }
0x4d: {  	s2 =	simm.s32 $0x2;
	[bflag:$0x0] =	sbarrier.arrive $0xFFFF  }
0x4e: {  	s30 =	simm.s32 $0x3;
	[sflag:s2] =	ssyncpa.u1 $0x1  }
0x4f: {  	s31 =	simm.s32 $0x1;
	[sflag:s30] =	ssyncpa.u1 $0x1  }
0x50: {  	[sflag:s31] =	ssyncpa.u1 $0x1  }
0x51: {  	p0 =	sne.s32 s0, $0x0;
	_ =	strace $0x90000047  }
0x52: {  	s0 =	sadd.s32 @!p0 $0x100000, s1;
	[bflag:$0x2] =	sbarrier.arrive $0xFFFF  }
0x53: {  	[sflag:s0] =	ssyncadd.tile.s32 @!p0 $0x1;
	_ =	shalt  }
.Lfunc_end2:
_tile_overlayer_lowered:
.L_overlay_start_2:
0x54: {  	(tag) =	ssettag $0x2  }
0x55: {  	s0 =	rddreg [dreg:$0x0];
	s2 =	stileid.u32  }
0x56: {  	s1 =	rddreg [dreg:$0x1];
	p0 =	sne.s32 s2, $0x0  }
0x57: {  	s3 =	rddreg [dreg:$0x2];
	[bflag:$0x3] =	sbarrier.arrive $0xFFFF;
	s2 =	simm.s32 @!p0 $0x1C01  }
0x58: {  	[timem:s3], [sflag:s2] =	dma.local @!p0 [hbm:s0], s1  }
0x59: {  	s0 =	simm.s32 @!p0 $0x1  }
0x5a: {  	_ =	swait.ge @!p0 [sflag:s0], s1  }
0x5b: {  	s1 =	ssub.s32 @!p0 $0x0, s1;
	[sflag:s0] =	ssyncset.done @!p0 $0x0  }
0x5c: {  	[sflag:s0] =	ssyncadd.s32 @!p0 s1  }
0x5d: {  	[bflag:$0x3] =	sbarrier.arrive $0xFFFF  }
0x5e: {  	_ =	shalt  }

// kernel: gather_offload_async_start
scs
__scs_entry_jumppad:
0x0: {  	(pc) =	sbr.rel $0x88, $3  }
0x1: {  	(tag) =	ssettag $0x0;
	lr =	simm.s32 $0x1  }
0x2: {  	[smem:$0x3F9B] =	sst lr;
	_ =	strace $0xD0000000  }
0x3: {  	_ = 	snop  }
0x4: {  	_ = 	snop  }
0x5: {  	_ = 	snop  }
0x6: {  	_ = 	snop  }
0x7: {  	_ = 	snop  }
__scs_overlays_trampoline_lowered:
0x8: {  	[smem:$0x3FAA] =	sst s0  }
0x9: {  	[smem:$0x3FAB] =	sst s1  }
0xa: {  	[smem:$0x3FAC] =	sst s2  }
0xb: {  	[smem:$0x3FAD] =	sst s3  }
0xc: {  	[smem:$0x3FAE] =	sst s4  }
0xd: {  	[smem:$0x3FAF] =	sst s5  }
0xe: {  	[smem:$0x3FB0] =	sst s6  }
0xf: {  	[smem:$0x3FB1] =	sst s7  }
0x10: {  	[smem:$0x3FB2] =	sst s8  }
0x11: {  	[smem:$0x3FB3] =	sst s9;
	s0 =	simm.s32 @!p0 $0x0  }
0x12: {  	s1 =	sld [smem:$0x3F99];
	s0 =	simm.s32 @p0 $0x1  }
0x13: {  	[smem:$0x3FB4] =	sst s0;
	s0 =	simm.s32 @!p1 $0x0  }
0x14: {  	s2 =	sld [smem:$0x3F98];
	s0 =	simm.s32 @p1 $0x1  }
0x15: {  	[smem:$0x3FB5] =	sst s0;
	s0 =	simm.s32 @!p2 $0x0  }
0x16: {  	s3 =	sld [smem:$0x3FDB];
	s0 =	simm.s32 @p2 $0x1  }
0x17: {  	s4 =	simm.s32 $0x1BF5;
	[smem:$0x3FB7] =	sst s0  }
0x18: {  	s0 =	sld [smem:$0x3F9A];
	_ =	swait.ge [sflag:s4], $0x0  }
0x19: {  	s7 =	sld [smem:$0x3F9B]  }
0x1a: {  	s8 =	sadd.s32 $0xFFFFE003, lr  }
0x1b: {  	s9 =	sadd.s32 $0xFFFFFEF7, lr;
	s5 =	simm.s32 $0xFFFFFFFF;
	p2 =	slt.u32 s8, $0xFFFFF086  }
0x1c: {  	p1 =	slt.u32 s9, $0xF7A;
	s5 =	simm.s32 @!p2 $0x0  }
0x1d: {  	s5 =	simm.s32 @p1 $0x1;
	p0 =	seq.s32 s7, s2  }
0x1e: {  	s7 =	smul.u32 @!p0 $0xF7A, s2;
	p2 =	seq.s32 @!p0 s5, $0x0  }
0x1f: {  	s9 =	smul.u32 $0xF7A, s1;
	s8 =	simm.s32 @!p0 $0x1BF5;
	p2 =	por !p2, p0  }
0x20: {  	[sflag:s8] =	ssyncset.s32 @!p0 $0xFFFFF086;
	s6 =	sadd.s32 @!p0 s3, s7;
	s7 =	simm.s32 @!p0 $0x108  }
0x21: {  	s3 =	sadd.s32 s3, s9;
	s6 =	sadd.s32 @!p0 $0x88, s6;
	s7 =	simm.s32 @p2 $0x1082  }
0x22: {  	[simem:s7], [sflag:s8] =	dma.local @!p0 [hbm:s6], $0xF7A  }
0x23: {  	s9 =	sor.u32 $0xD0000000, s2;
	s6 =	simm.s32 $0x108;
	_ =	swait.ge @!p0 [sflag:s8], $0x0  }
0x24: {  	s3 =	sadd.s32 $0x88, s3;
	s6 =	simm.s32 @!p1 $0x1082;
	[sflag:s4] =	ssyncset.s32 $0xFFFFF086  }
0x25: {  	[simem:s6], [sflag:s4] =	dma.local [hbm:s3], $0xF7A  }
0x26: {  	[smem:$0x3F9B] =	sst s1;
	(tag) =	ssettag s2;
	_ =	strace s9  }
0x27: {  	s1 =	sld [smem:$0x3FAB]  }
0x28: {  	s2 =	sld [smem:$0x3FAC]  }
0x29: {  	s4 =	sld [smem:$0x3FAE]  }
0x2a: {  	p0 =	seq.s32 s5, $0x0;
	s5 =	sld [smem:$0x3FAF]  }
0x2b: {  	s6 =	sld [smem:$0x3FB0]  }
0x2c: {  	s7 =	sld [smem:$0x3FB1]  }
0x2d: {  	s3 =	simm.s32 $0x108;
	s8 =	sld [smem:$0x3FB2]  }
0x2e: {  	s3 =	simm.s32 @!p0 $0x1082;
	s9 =	sld [smem:$0x3FB3]  }
0x2f: {  	lr =	sadd.s32 s0, s3;
	s0 =	sld [smem:$0x3FAA]  }
0x30: {  	s3 =	sld [smem:$0x3FAD]  }
0x31: {  	[smem:$0x3FB6] =	sst s10  }
0x32: {  	s10 =	sld [smem:$0x3FB4];
	_ =	sdelay $0x3  }
0x33: {  	p0 =	seq.s32 s10, $0x1;
	s10 =	sld [smem:$0x3FB6];
	_ =	sdelay $0x3  }
0x34: {  	[smem:$0x3FB6] =	sst s10  }
0x35: {  	s10 =	sld [smem:$0x3FB5];
	_ =	sdelay $0x3  }
0x36: {  	p1 =	seq.s32 s10, $0x1;
	s10 =	sld [smem:$0x3FB6];
	_ =	sdelay $0x3  }
0x37: {  	[smem:$0x3FB6] =	sst s10  }
0x38: {  	s10 =	sld [smem:$0x3FB7]  }
0x39: {  	_ = 	snop;
	(pc) =	sbr.ind lr, $3  }
0x3a: {  	_ = 	snop  }
0x3b: {  	_ = 	snop  }
0x3c: {  	p2 =	seq.s32 s10, $0x1;
	s10 =	sld [smem:$0x3FB6]  }
0x3d: {  	_ =	shalt  }
0x3e: {  	_ =	shalt  }
0x3f: {  	_ =	shalt  }
0x40: {  	_ =	shalt  }
0x41: {  	_ =	shalt  }
0x42: {  	_ =	shalt  }
0x43: {  	_ =	shalt  }
0x44: {  	_ =	shalt  }
0x45: {  	_ =	shalt  }
0x46: {  	_ =	shalt  }
0x47: {  	_ =	shalt  }
0x48: {  	_ =	shalt  }
0x49: {  	_ =	shalt  }
0x4a: {  	_ =	shalt  }
0x4b: {  	_ =	shalt  }
0x4c: {  	_ =	shalt  }
0x4d: {  	_ =	shalt  }
0x4e: {  	_ =	shalt  }
0x4f: {  	_ =	shalt  }
0x50: {  	_ =	shalt  }
0x51: {  	_ =	shalt  }
0x52: {  	_ =	shalt  }
0x53: {  	_ =	shalt  }
0x54: {  	_ =	shalt  }
0x55: {  	_ =	shalt  }
0x56: {  	_ =	shalt  }
0x57: {  	_ =	shalt  }
0x58: {  	_ =	shalt  }
0x59: {  	_ =	shalt  }
0x5a: {  	_ =	shalt  }
0x5b: {  	_ =	shalt  }
0x5c: {  	_ =	shalt  }
0x5d: {  	_ =	shalt  }
0x5e: {  	_ =	shalt  }
0x5f: {  	_ =	shalt  }
0x60: {  	_ =	shalt  }
0x61: {  	_ =	shalt  }
0x62: {  	_ =	shalt  }
0x63: {  	_ =	shalt  }
0x64: {  	_ =	shalt  }
0x65: {  	_ =	shalt  }
0x66: {  	_ =	shalt  }
0x67: {  	_ =	shalt  }
0x68: {  	_ =	shalt  }
0x69: {  	_ =	shalt  }
0x6a: {  	_ =	shalt  }
0x6b: {  	_ =	shalt  }
0x6c: {  	_ =	shalt  }
0x6d: {  	_ =	shalt  }
0x6e: {  	_ =	shalt  }
0x6f: {  	_ =	shalt  }
0x70: {  	_ =	shalt  }
0x71: {  	_ =	shalt  }
0x72: {  	_ =	shalt  }
0x73: {  	_ =	shalt  }
0x74: {  	_ =	shalt  }
0x75: {  	_ =	shalt  }
0x76: {  	_ =	shalt  }
0x77: {  	_ =	shalt  }
0x78: {  	_ =	shalt  }
0x79: {  	_ =	shalt  }
0x7a: {  	_ =	shalt  }
0x7b: {  	_ =	shalt  }
0x7c: {  	_ =	shalt  }
0x7d: {  	_ =	shalt  }
0x7e: {  	_ =	shalt  }
0x7f: {  	_ =	shalt  }
0x80: {  	_ =	shalt  }
0x81: {  	_ =	shalt  }
0x82: {  	_ =	shalt  }
0x83: {  	_ =	shalt  }
0x84: {  	_ =	shalt  }
0x85: {  	_ =	shalt  }
0x86: {  	_ =	shalt  }
0x87: {  	_ =	shalt  }
.Lfunc_end0:
.L_simem_size_0:
called_computation.1_lowered:
.L_overlay_start_0:
0x88: {  	s2 =	sld [smem:$0x3FD9]  }
0x89: {  	s3 =	sld [smem:$0x3FFE];
	_ =	sdelay $0x1  }
0x8a: {  	s1 =	srdreg.scid  }
0x8b: {  	s0 =	sand.u32 $0x1, s1  }
0x8c: {  	s17 =	sshll.u32 s0, $0xA;
	s2 =	sadd.s32 s3, s2  }
0x8d: {  	s2 =	sadd.s32 s2, s17  }
0x8e: {  	[smem:$0x3FC2] =	sst s2  }
0x8f: {  	_ = 	snop  }
0x90: {  	(tm) =	ssettm $0x1  }
0x91: {  	s18 =	sld [smem:$0x3FFB];
	_ =	sdelay $0x3  }
0x92: {  	_ =	strace s18  }
0x93: {  	s2 =	sld [smem:$0x3FFC];
	_ =	sdelay $0x3  }
0x94: {  	_ =	strace s2  }
0x95: {  	s2 =	sld [smem:$0x3FFD];
	_ =	sdelay $0x3  }
0x96: {  	_ =	strace s2  }
0x97: {  	_ =	strace $0x8FFFFFFF  }
0x98: {  	s19 =	sld [smem:$0x3FDB];
	_ =	sdelay $0x1  }
0x99: {  	s20 =	simm.s32 $_scs_section_size  }
0x9a: {  	s4 =	simm.s32 $_size__tile_overlayer_lowered;
	s5 =	simm.s32 $_tile_overlayer_lowered  }
0x9b: {  	s6 =	simm.s32 $0x1BFF;
	s21 =	sshll.u32 s5, $0x1;
	s3 =	sadd.s32 s20, s19  }
0x9c: {  	s22 =	simm.s32 $0x0;
	s4 =	sshll.u32 s4, $0x1;
	s5 =	sadd.s32 s21, s3  }
0x9d: {  	[timem:s22], [sflag:s6] =	dma.local [hbm:s5], s4  }
0x9e: {  	_ =	swait.ge [sflag:s6], s4  }
0x9f: {  	s4 =	ssub.s32 $0x0, s4;
	[sflag:s6] =	ssyncset.done $0x0  }
0xa0: {  	[sflag:s6] =	ssyncadd.s32 s4;
	_ =	sdelay $0x1  }
0xa1: {  	s23 =	simm.s32 $0x1B8B  }
0xa2: {  	_ =	swait.ge [sflag:s23], $0x1  }
0xa3: {  	[sflag:s23] =	ssyncset.done $0x0  }
0xa4: {  	[sflag:s23] =	ssyncadd.s32 $0xFFFFFFFF  }
0xa5: {  	s4 =	sld [smem:$0x0]  }
0xa6: {  	s5 =	sand.u32 $0xFFFFFFFE, s1  }
0xa7: {  	p0 =	sne.s32 s1, s5  }
0xa8: {  	s5 =	sshll.u32 @p0 s5, $0xE  }
0xa9: {  	s5 =	sadd.s32 @p0 $0x11B8D, s5;
	s6 =	sshll.u32 @p0 s4, $0x11  }
0xaa: {  	s5 =	sor.u32 @p0 s6, s5  }
0xab: {  	[sflag:s5] =	ssyncadd.remote.s32 @p0 $0x1;
	_ =	sdelay $0x1  }
0xac: {  	s5 =	simm.s32 @p0 $0x1B8D  }
0xad: {  	_ =	swait.eq @p0 [sflag:s5], $0x1  }
0xae: {  	[sflag:s5] =	ssyncadd.s32 @p0 $0xFFFFFFFF  }
0xaf: {  	s6 =	sshll.u32 @!p0 s1, $0xE  }
0xb0: {  	s6 =	sor.u32 @!p0 $0x4000, s6;
	s5 =	simm.s32 @!p0 $0x1B8D  }
0xb1: {  	s4 =	sshll.u32 @!p0 s4, $0x11;
	s6 =	sadd.s32 @!p0 $0x11B8D, s6;
	_ =	swait.eq @!p0 [sflag:s5], $0x1  }
0xb2: {  	s4 =	sor.u32 @!p0 s4, s6;
	[sflag:s5] =	ssyncadd.s32 @!p0 $0xFFFFFFFF  }
0xb3: {  	s25 =	simm.s32 $0x1B8E;
	s24 =	sld [smem:$0x3FFE];
	[sflag:s4] =	ssyncadd.remote.s32 @!p0 $0x1  }
0xb4: {  	s26 =	simm.s32 $execute0_lowered;
	[smem:$0x3FD2] =	sst s25  }
0xb5: {  	s5 =	sshll.u32 s26, $0x1;
	_ =	strace $0x8000004C;
	[dreg:$0x1] =	wrdreg $0xFFFFFFFF  }
0xb6: {  	s28 =	simm.s32 $_size_execute0_lowered;
	s3 =	sadd.s32 s3, s5;
	[dreg:$0x0] =	wrdreg $0x0  }
0xb7: {  	s5 =	sshll.u32 s28, $0x1;
	[dreg:$0x2] =	wrdreg s3  }
0xb8: {  	[dreg:$0x3] =	wrdreg s5  }
0xb9: {  	[dreg:$0x4] =	wrdreg $0xC0  }
0xba: {  	_ =	task [dreg:s22], $0x5FFFF  }
0xbb: {  	[dreg:$0x1] =	wrdreg $0xFFFFFFFF  }
0xbc: {  	[dreg:$0x0] =	wrdreg $0x60  }
0xbd: {  	[dreg:$0x2] =	wrdreg s24  }
0xbe: {  	[dreg:$0x3] =	wrdreg $0x9  }
0xbf: {  	_ =	task.clear_ibuf [dreg:s22], $0x4FFFF;
	_ =	strace $0x9000004C  }
0xc0: {  	s29 =	simm.s32 $0x9;
	_ =	strace $0x8000004E  }
0xc1: {  	_ =	swait.ge [sflag:s29], $0x1  }
0xc2: {  	[sflag:s29] =	ssyncadd.s32 $0xFFFFFFFF  }
0xc3: {  	_ =	strace $0x9000004E  }
0xc4: {  	_ =	sfence  }
0xc5: {  	s30 =	sld [smem:$0x0];
	_ =	sdelay $0x2  }
0xc6: {  	s31 =	sshll.u32 s1, $0xD;
	s1 =	sshrl.u32 s1, $0x2  }
0xc7: {  	s4 =	sand.u32 $0x4000, s31;
	s1 =	sadd.s32 s1, s30  }
0xc8: {  	s0 =	sor.u32 s4, s0;
	s1 =	sshll.u32 s1, $0x11  }
0xc9: {  	s0 =	sor.u32 s1, s0  }
0xca: {  	s0 =	sadd.s32 $0x8F2B, s0  }
0xcb: {  	[sflag:s0] =	ssyncadd.remote.s32 $0x1  }
0xcc: {  	_ =	sfence.sel $0xFFFF  }
0xcd: {  	[dreg:$0x0] =	wrdreg $0xFFFFFFFF;
	(pc) =	sbr.abs _section_cstart, $3  }
0xce: {  	[dreg:$0x1] =	wrdreg $0xFFFFFFFF  }
0xcf: {  	_ =	task.clear_ibuf [dreg:s22], $0x2FFFF;
	_ =	strace $0x9FFFFFFF  }
0xd0: {  	(tm) =	ssettm $0x7FFFFFFF  }
0xd1: {  	_ =	shalt  }
tec
execute0_lowered:
.L_overlay_start_1:
0x0: {  	(tag) =	ssettag $0x1  }
0x1: {  	s0 =	srdreg.scid;
	s5 =	rddreg [dreg:$0x0]  }
0x2: {  	s1 =	stileid.u32;
	s6 =	simm.s32 $0x1;
	s9 =	simm.s32 $0x1  }
0x3: {  	s10 =	simm.s32 $0x3;
	s13 =	simm.s32 $0x0;
	s2 =	sshll.u32 s0, $0xB  }
0x4: {  	s12 =	simm.s32 $0x0;
	s3 =	sshll.u32 s1, $0xC;
	s2 =	sand.u32 $0x800, s2  }
0x5: {  	s0 =	rddreg [dreg:$0x1];
	_ =	strace $0x8000004D;
	s2 =	sor.u32 s3, s2  }
0x6: {  	s4 =	sadd.s32 $0x1C00, s5;
	[sflag:s6] =	ssyncpa.u1 $0x0;
	s8 =	ssub.s32 $0x20000, s2  }
.Ltmp0:
0x7: {  	s3 =	sadd.s32 $0x29C00, s5;
	s7 =	sand.u32 $0xF800, s8;
	(pc) =	sbr.rel .LBB2_1-.Ltmp0, $4  }
0x8: {  	s5 =	sadd.s32 $0x5DC00, s5;
	s11 =	smov.u32 s2;
	p0 =	sne.s32 s7, $0x0  }
0x9: {  	s8 =	sshrl.u32 s8, $0x10;
	s7 =	simm.s32 $0x2;
	s9 =	simm.s32 @!p0 $0x0  }
0xa: {  	[sflag:s7] =	ssyncpa.u1 $0x0;
	p0 =	por $0x0, $0x0;
	s8 =	sadd.s32 s9, s8  }
0xb: {  	vm0 =	vmmov $0xffff;
	[sflag:s10] =	ssyncpa.u1 $0x0;
	s10 =	simm.s32 $0x0;
	s9 =	sadd.s32 $0x1, s8  }
.LBB2_4:
0xc: {  	v2 =	vand.u32 $0x7, v2;
	v3 =	vand.u32 $0x80000, v3;
	v4 =	vand.u32 $0x7C000, v4  }
0xd: {  	v1 =	vand.u32 $0x7FF, v1;
	v2 =	vsel vm1, $0xFFFFFFFF, v2;
	v3 =	vor.u32 v4, v3  }
0xe: {  	v1 =	vsel vm1, $0xFFFFFFFF, v1;
	v3 =	vsel vm1, $0xFFF7C000, v3;
	v63 =	vand.u32 $0xFFFFC000, v2  }
0xf: {  	v5 =	vand.u32 $0x7F, v1;
	v1 =	vshll.u32 v1, $0x3;
	v3 =	vadd.s32 v63, v3  }
0x10: {  	v2 =	vshll.u32 v2, $0x7;
	v1 =	vand.u32 $0xFFFFFC00, v1;
	v3 =	vor.u32 v5, v3  }
0x11: {  	v2 =	vand.u32 $0x380, v2;
	v1 =	vadd.s32 v1, v3  }
0x12: {  	v1 =	vor.u32 v2, v1;
	_ =	sdelay $0x1  }
0x13: {  	(ifvalue) =	ssetifvalue $0x7FFFFFFF;
	s14 =	sadd.s32 $0x10, s14  }
0x14: {  	[tilespmem:s14], [sflag:$0x1] =	stream.indirect_vreg.gather [hbm4b:s3+s10], $0x1, v0, vm0, $0x4038;
	[tilespmem:$0x2000] =	vst v63  }
0x15: {  	(ifvalue) =	ssetifvalue $0x7FFFFFFF;
	s14 =	sadd.s32 $0x10, s14  }
0x16: {  	[tilespmem:s14], [sflag:$0x1] =	stream.indirect_vreg.gather [hbm4b:s3+s10], $0x1, v1, vm0, $0x4038;
	[tilespmem:$0x2000] =	vst v63  }
0x17: {  	_ =	swait.ge [sflag:s6], $0x800  }
0x18: {  	s30 =	sshrl.u32 s13, $0x3;
	[sflag:s6] =	ssyncset.done $0x0  }
0x19: {  	s31 =	sand.u32 $0x7, s13;
	s14 =	sadd.s32 s5, s30;
	[sflag:s6] =	ssyncadd.s32 $0xFFFFF800  }
0x1a: {  	[hbm4b:s14+s31] =	stream.linear.scatter [tilespmem:s15], [sflag:$0x3], $0x800, $0x38;
	[tilespmem:$0x2000] =	vst v63  }
.LBB2_5:
0x1b: {  	s15 =	sadd.s32 $0x10000, s11  }
0x1c: {  	p2 =	sgt.s32 s15, $0x1FFFF  }
0x1d: {  	s15 =	smov.u32 @p2 s2;
	p2 =	sne.s32 s12, s9  }
.Ltmp1:
0x1e: {  	p1 =	slt.u32 s12, $0x2;
	(pc) =	sbr.rel @!p2 .LBB2_6-.Ltmp1, $4  }
0x1f: {  	s14 =	simm.s32 @!p1 $0x3  }
0x20: {  	s16 =	sadd.s32 $0x1, s12;
	_ =	swait.ge @!p1 [sflag:s14], $0x800  }
0x21: {  	s13 =	smov.u32 s11;
	p0 =	por !p0, !p0;
	[sflag:s14] =	ssyncset.done @!p1 $0x0  }
0x22: {  	s12 =	smov.u32 s16;
	s11 =	smov.u32 s15;
	[sflag:s14] =	ssyncadd.s32 @!p1 $0xFFFFF800  }
.LBB2_1:
0x23: {  	p1 =	sge.u32 s12, s8  }
0x24: {  	s14 =	sxor.u32 @!p1 $0xFFFFFFFF, s12  }
0x25: {  	s31 =	sadd.s32 $0xFFFFFFFF, s12;
	s15 =	sshrl.u32 @!p1 s11, $0x3;
	s14 =	sshll.u32 @!p1 s14, $0xB  }
0x26: {  	s16 =	sand.u32 @!p1 $0x7, s11;
	s15 =	sadd.s32 @!p1 s4, s15;
	s14 =	sand.u32 @!p1 $0x800, s14  }
0x27: {  	[tilespmem:s14], [sflag:$0x2] =	stream.linear.gather @!p1 [hbm4b:s15+s16], $0x800, $0x38;
	[tilespmem:$0x2000] =	vst v63  }
0x28: {  	p1 =	sge.u32 s31, s8  }
.Ltmp2:
0x29: {  	_ = 	snop;
	(pc) =	sbr.rel @p1 .LBB2_5-.Ltmp2, $1  }
0x2a: {  	_ =	sdelay $0x3  }
0x2b: {  	s14 =	simm.s32 $0x1  }
0x2c: {  	_ =	swait.ge [sflag:s7], $0x800;
	s14 =	simm.s32 @!p0 $0x0  }
0x2d: {  	[sflag:s7] =	ssyncset.done $0x0;
	s14 =	sshll.u32 s14, $0xB  }
0x2e: {  	[sflag:s7] =	ssyncadd.s32 $0xFFFFF800;
	(ifvalue) =	ssetifvalue $0x7FFFFFFF;
	v0 =	vld.msk [tilespmem:s14+$0x0 ss:$0x1], $0xffff;
	_ =	sdelay $0x4  }
0x2f: {  	s15 =	sadd.s32 $0x10, s14;
	vm1 =	veq.s32 v0, $0x80000000;
	v1 =	vshrl.u32 v0, $0x1  }
0x30: {  	v4 =	vld.msk [tilespmem:s15+$0x0 ss:$0x1], $0xffff;
	v2 =	vshrl.u32 v0, $0x11;
	v3 =	vshll.u32 v0, $0x13;
	v0 =	vshll.u32 v0, $0x2  }
0x31: {  	v3 =	vand.u32 $0x80000, v3;
	v0 =	vand.u32 $0x7C000, v0  }
0x32: {  	v2 =	vand.u32 $0x7, v2;
	v1 =	vand.u32 $0x7FF, v1;
	v0 =	vor.u32 v0, v3  }
0x33: {  	v2 =	vsel vm1, $0xFFFFFFFF, v2;
	v1 =	vsel vm1, $0xFFFFFFFF, v1;
	v0 =	vsel vm1, $0xFFF7C000, v0  }
0x34: {  	v3 =	vand.u32 $0xFFFFC000, v2;
	v5 =	vand.u32 $0x7F, v1;
	v1 =	vshll.u32 v1, $0x3  }
0x35: {  	v2 =	vshll.u32 v2, $0x7;
	vm1 =	veq.s32 v4, $0x80000000;
	v0 =	vadd.s32 v3, v0  }
0x36: {  	v1 =	vand.u32 $0xFFFFFC00, v1;
	v2 =	vand.u32 $0x380, v2;
	v0 =	vor.u32 v5, v0  }
0x37: {  	v3 =	vshll.u32 v4, $0x13;
	v0 =	vadd.s32 v1, v0;
	v1 =	vshrl.u32 v4, $0x1  }
0x38: {  	v0 =	vor.u32 v2, v0;
	v2 =	vshrl.u32 v4, $0x11;
	v4 =	vshll.u32 v4, $0x2  }
0x39: {  	s17 =	sadd.s32 $0x10, s15;
	v3 =	vand.u32 $0x80000, v3;
	v2 =	vand.u32 $0x7, v2;
	v4 =	vand.u32 $0x7C000, v4  }
0x3a: {  	v5 =	vld.msk [tilespmem:s17+$0x0 ss:$0x1], $0xffff;
	v1 =	vand.u32 $0x7FF, v1;
	v2 =	vsel vm1, $0xFFFFFFFF, v2;
	v3 =	vor.u32 v4, v3  }
0x3b: {  	v1 =	vsel vm1, $0xFFFFFFFF, v1;
	v3 =	vsel vm1, $0xFFF7C000, v3;
	v4 =	vand.u32 $0xFFFFC000, v2  }
0x3c: {  	v6 =	vand.u32 $0x7F, v1;
	v1 =	vshll.u32 v1, $0x3;
	v3 =	vadd.s32 v4, v3  }
0x3d: {  	s31 =	sshll.u32 s12, $0xB;
	s14 =	sor.u32 $0x1000, s14;
	(ifvalue) =	ssetifvalue $0x7FFFFFFF;
	v1 =	vand.u32 $0xFFFFFC00, v1;
	v2 =	vshll.u32 v2, $0x7;
	v3 =	vor.u32 v6, v3  }
0x3e: {  	[tilespmem:s14], [sflag:$0x1] =	stream.indirect_vreg.gather [hbm4b:s3+s10], $0x1, v0, vm0, $0x4038;
	v0 =	vand.u32 $0x380, v2;
	v2 =	vadd.s32 v1, v3;
	[tilespmem:$0x2000] =	vst v63  }
0x3f: {  	s15 =	sand.u32 $0x800, s31;
	vm1 =	veq.s32 v5, $0x80000000;
	v4 =	vshll.u32 v5, $0x2;
	v0 =	vor.u32 v0, v2  }
0x40: {  	s16 =	simm.s32 $0x20;
	s15 =	sor.u32 $0x1000, s15;
	s17 =	sadd.s32 $0x10, s17;
	v1 =	vshrl.u32 v5, $0x1;
	v3 =	vshll.u32 v5, $0x13;
	v2 =	vshrl.u32 v5, $0x11  }
.LBB2_3:
0x41: {  	v5 =	vld.msk [tilespmem:s17+$0x0 ss:$0x1], $0xffff;
	v2 =	vand.u32 $0x7, v2;
	v3 =	vand.u32 $0x80000, v3;
	v4 =	vand.u32 $0x7C000, v4  }
0x42: {  	s16 =	sadd.s32 $0x10, s16;
	v1 =	vand.u32 $0x7FF, v1;
	v2 =	vsel vm1, $0xFFFFFFFF, v2;
	v3 =	vor.u32 v4, v3  }
0x43: {  	s14 =	sadd.s32 $0x10, s14;
	p1 =	slt.u32 s16, $0x7F0;
	v1 =	vsel vm1, $0xFFFFFFFF, v1;
	v3 =	vsel vm1, $0xFFF7C000, v3;
	v4 =	vand.u32 $0xFFFFC000, v2;
	(ifvalue) =	ssetifvalue $0x7FFFFFFF  }
0x44: {  	[tilespmem:s14], [sflag:$0x1] =	stream.indirect_vreg.gather [hbm4b:s3+s10], $0x1, v0, vm0, $0x4038;
	[tilespmem:$0x2000] =	vst v63  }
.Ltmp3:
0x45: {  	v6 =	vand.u32 $0x7F, v1;
	v1 =	vshll.u32 v1, $0x3;
	v3 =	vadd.s32 v4, v3;
	(pc) =	sbr.rel @p1 .LBB2_3-.Ltmp3, $4  }
0x46: {  	v0 =	vand.u32 $0xFFFFFC00, v1;
	v1 =	vshll.u32 v2, $0x7;
	v2 =	vor.u32 v6, v3  }
0x47: {  	v3 =	vand.u32 $0x380, v1;
	v0 =	vadd.s32 v0, v2  }
0x48: {  	vm1 =	veq.s32 v5, $0x80000000;
	v1 =	vshrl.u32 v5, $0x1;
	v0 =	vor.u32 v3, v0  }
0x49: {  	s17 =	sadd.s32 $0x10, s17;
	v2 =	vshrl.u32 v5, $0x11;
	v4 =	vshll.u32 v5, $0x2;
	v3 =	vshll.u32 v5, $0x13  }
.Ltmp4:
0x4a: {  	_ = 	snop;
	(pc) =	sbr.rel .LBB2_4-.Ltmp4, $1  }
0x4b: {  	_ =	sdelay $0x3  }
.LBB2_6:
0x4c: {  	_ =	sfence.sel $0x180000  }
0x4d: {  	s2 =	simm.s32 $0x2;
	[bflag:$0x0] =	sbarrier.arrive $0xFFFF  }
0x4e: {  	s30 =	simm.s32 $0x3;
	[sflag:s2] =	ssyncpa.u1 $0x1  }
0x4f: {  	s31 =	simm.s32 $0x1;
	[sflag:s30] =	ssyncpa.u1 $0x1  }
0x50: {  	[sflag:s31] =	ssyncpa.u1 $0x1  }
0x51: {  	p0 =	sne.s32 s1, $0x0;
	_ =	strace $0x9000004D  }
0x52: {  	s0 =	sadd.s32 @!p0 $0x100000, s0;
	[bflag:$0x2] =	sbarrier.arrive $0xFFFF  }
0x53: {  	[sflag:s0] =	ssyncadd.tile.s32 @!p0 $0x1;
	_ =	shalt  }
.Lfunc_end2:
_tile_overlayer_lowered:
.L_overlay_start_2:
0x54: {  	(tag) =	ssettag $0x2  }
0x55: {  	s0 =	rddreg [dreg:$0x0];
	s2 =	stileid.u32  }
0x56: {  	s1 =	rddreg [dreg:$0x1];
	p0 =	sne.s32 s2, $0x0  }
0x57: {  	s3 =	rddreg [dreg:$0x2];
	[bflag:$0x3] =	sbarrier.arrive $0xFFFF;
	s2 =	simm.s32 @!p0 $0x1C01  }
0x58: {  	[timem:s3], [sflag:s2] =	dma.local @!p0 [hbm:s0], s1  }
0x59: {  	s0 =	simm.s32 @!p0 $0x1  }
0x5a: {  	_ =	swait.ge @!p0 [sflag:s0], s1  }
0x5b: {  	s1 =	ssub.s32 @!p0 $0x0, s1;
	[sflag:s0] =	ssyncset.done @!p0 $0x0  }
0x5c: {  	[sflag:s0] =	ssyncadd.s32 @!p0 s1  }
0x5d: {  	[bflag:$0x3] =	sbarrier.arrive $0xFFFF  }
0x5e: {  	_ =	shalt  }

// kernel: kernel.6.cloned.1.call-start
scs
__scs_entry_jumppad:
0x0: {  	(pc) =	sbr.rel $0x88, $3  }
0x1: {  	(tag) =	ssettag $0x0;
	lr =	simm.s32 $0x1  }
0x2: {  	[smem:$0x3F9B] =	sst lr;
	_ =	strace $0xD0000000  }
0x3: {  	_ = 	snop  }
0x4: {  	_ = 	snop  }
0x5: {  	_ = 	snop  }
0x6: {  	_ = 	snop  }
0x7: {  	_ = 	snop  }
__scs_overlays_trampoline_lowered:
0x8: {  	[smem:$0x3FAA] =	sst s0  }
0x9: {  	[smem:$0x3FAB] =	sst s1  }
0xa: {  	[smem:$0x3FAC] =	sst s2  }
0xb: {  	[smem:$0x3FAD] =	sst s3  }
0xc: {  	[smem:$0x3FAE] =	sst s4  }
0xd: {  	[smem:$0x3FAF] =	sst s5  }
0xe: {  	[smem:$0x3FB0] =	sst s6  }
0xf: {  	[smem:$0x3FB1] =	sst s7  }
0x10: {  	[smem:$0x3FB2] =	sst s8  }
0x11: {  	[smem:$0x3FB3] =	sst s9;
	s0 =	simm.s32 @!p0 $0x0  }
0x12: {  	s1 =	sld [smem:$0x3F99];
	s0 =	simm.s32 @p0 $0x1  }
0x13: {  	[smem:$0x3FB4] =	sst s0;
	s0 =	simm.s32 @!p1 $0x0  }
0x14: {  	s2 =	sld [smem:$0x3F98];
	s0 =	simm.s32 @p1 $0x1  }
0x15: {  	[smem:$0x3FB5] =	sst s0;
	s0 =	simm.s32 @!p2 $0x0  }
0x16: {  	s3 =	sld [smem:$0x3FDB];
	s0 =	simm.s32 @p2 $0x1  }
0x17: {  	s4 =	simm.s32 $0x1BF5;
	[smem:$0x3FB7] =	sst s0  }
0x18: {  	s0 =	sld [smem:$0x3F9A];
	_ =	swait.ge [sflag:s4], $0x0  }
0x19: {  	s7 =	sld [smem:$0x3F9B]  }
0x1a: {  	s8 =	sadd.s32 $0xFFFFE003, lr  }
0x1b: {  	s9 =	sadd.s32 $0xFFFFFEF7, lr;
	s5 =	simm.s32 $0xFFFFFFFF;
	p2 =	slt.u32 s8, $0xFFFFF086  }
0x1c: {  	p1 =	slt.u32 s9, $0xF7A;
	s5 =	simm.s32 @!p2 $0x0  }
0x1d: {  	s5 =	simm.s32 @p1 $0x1;
	p0 =	seq.s32 s7, s2  }
0x1e: {  	s7 =	smul.u32 @!p0 $0xF7A, s2;
	p2 =	seq.s32 @!p0 s5, $0x0  }
0x1f: {  	s9 =	smul.u32 $0xF7A, s1;
	s8 =	simm.s32 @!p0 $0x1BF5;
	p2 =	por !p2, p0  }
0x20: {  	[sflag:s8] =	ssyncset.s32 @!p0 $0xFFFFF086;
	s6 =	sadd.s32 @!p0 s3, s7;
	s7 =	simm.s32 @!p0 $0x108  }
0x21: {  	s3 =	sadd.s32 s3, s9;
	s6 =	sadd.s32 @!p0 $0x88, s6;
	s7 =	simm.s32 @p2 $0x1082  }
0x22: {  	[simem:s7], [sflag:s8] =	dma.local @!p0 [hbm:s6], $0xF7A  }
0x23: {  	s9 =	sor.u32 $0xD0000000, s2;
	s6 =	simm.s32 $0x108;
	_ =	swait.ge @!p0 [sflag:s8], $0x0  }
0x24: {  	s3 =	sadd.s32 $0x88, s3;
	s6 =	simm.s32 @!p1 $0x1082;
	[sflag:s4] =	ssyncset.s32 $0xFFFFF086  }
0x25: {  	[simem:s6], [sflag:s4] =	dma.local [hbm:s3], $0xF7A  }
0x26: {  	[smem:$0x3F9B] =	sst s1;
	(tag) =	ssettag s2;
	_ =	strace s9  }
0x27: {  	s1 =	sld [smem:$0x3FAB]  }
0x28: {  	s2 =	sld [smem:$0x3FAC]  }
0x29: {  	s4 =	sld [smem:$0x3FAE]  }
0x2a: {  	p0 =	seq.s32 s5, $0x0;
	s5 =	sld [smem:$0x3FAF]  }
0x2b: {  	s6 =	sld [smem:$0x3FB0]  }
0x2c: {  	s7 =	sld [smem:$0x3FB1]  }
0x2d: {  	s3 =	simm.s32 $0x108;
	s8 =	sld [smem:$0x3FB2]  }
0x2e: {  	s3 =	simm.s32 @!p0 $0x1082;
	s9 =	sld [smem:$0x3FB3]  }
0x2f: {  	lr =	sadd.s32 s0, s3;
	s0 =	sld [smem:$0x3FAA]  }
0x30: {  	s3 =	sld [smem:$0x3FAD]  }
0x31: {  	[smem:$0x3FB6] =	sst s10  }
0x32: {  	s10 =	sld [smem:$0x3FB4];
	_ =	sdelay $0x3  }
0x33: {  	p0 =	seq.s32 s10, $0x1;
	s10 =	sld [smem:$0x3FB6];
	_ =	sdelay $0x3  }
0x34: {  	[smem:$0x3FB6] =	sst s10  }
0x35: {  	s10 =	sld [smem:$0x3FB5];
	_ =	sdelay $0x3  }
0x36: {  	p1 =	seq.s32 s10, $0x1;
	s10 =	sld [smem:$0x3FB6];
	_ =	sdelay $0x3  }
0x37: {  	[smem:$0x3FB6] =	sst s10  }
0x38: {  	s10 =	sld [smem:$0x3FB7]  }
0x39: {  	_ = 	snop;
	(pc) =	sbr.ind lr, $3  }
0x3a: {  	_ = 	snop  }
0x3b: {  	_ = 	snop  }
0x3c: {  	p2 =	seq.s32 s10, $0x1;
	s10 =	sld [smem:$0x3FB6]  }
0x3d: {  	_ =	shalt  }
0x3e: {  	_ =	shalt  }
0x3f: {  	_ =	shalt  }
0x40: {  	_ =	shalt  }
0x41: {  	_ =	shalt  }
0x42: {  	_ =	shalt  }
0x43: {  	_ =	shalt  }
0x44: {  	_ =	shalt  }
0x45: {  	_ =	shalt  }
0x46: {  	_ =	shalt  }
0x47: {  	_ =	shalt  }
0x48: {  	_ =	shalt  }
0x49: {  	_ =	shalt  }
0x4a: {  	_ =	shalt  }
0x4b: {  	_ =	shalt  }
0x4c: {  	_ =	shalt  }
0x4d: {  	_ =	shalt  }
0x4e: {  	_ =	shalt  }
0x4f: {  	_ =	shalt  }
0x50: {  	_ =	shalt  }
0x51: {  	_ =	shalt  }
0x52: {  	_ =	shalt  }
0x53: {  	_ =	shalt  }
0x54: {  	_ =	shalt  }
0x55: {  	_ =	shalt  }
0x56: {  	_ =	shalt  }
0x57: {  	_ =	shalt  }
0x58: {  	_ =	shalt  }
0x59: {  	_ =	shalt  }
0x5a: {  	_ =	shalt  }
0x5b: {  	_ =	shalt  }
0x5c: {  	_ =	shalt  }
0x5d: {  	_ =	shalt  }
0x5e: {  	_ =	shalt  }
0x5f: {  	_ =	shalt  }
0x60: {  	_ =	shalt  }
0x61: {  	_ =	shalt  }
0x62: {  	_ =	shalt  }
0x63: {  	_ =	shalt  }
0x64: {  	_ =	shalt  }
0x65: {  	_ =	shalt  }
0x66: {  	_ =	shalt  }
0x67: {  	_ =	shalt  }
0x68: {  	_ =	shalt  }
0x69: {  	_ =	shalt  }
0x6a: {  	_ =	shalt  }
0x6b: {  	_ =	shalt  }
0x6c: {  	_ =	shalt  }
0x6d: {  	_ =	shalt  }
0x6e: {  	_ =	shalt  }
0x6f: {  	_ =	shalt  }
0x70: {  	_ =	shalt  }
0x71: {  	_ =	shalt  }
0x72: {  	_ =	shalt  }
0x73: {  	_ =	shalt  }
0x74: {  	_ =	shalt  }
0x75: {  	_ =	shalt  }
0x76: {  	_ =	shalt  }
0x77: {  	_ =	shalt  }
0x78: {  	_ =	shalt  }
0x79: {  	_ =	shalt  }
0x7a: {  	_ =	shalt  }
0x7b: {  	_ =	shalt  }
0x7c: {  	_ =	shalt  }
0x7d: {  	_ =	shalt  }
0x7e: {  	_ =	shalt  }
0x7f: {  	_ =	shalt  }
0x80: {  	_ =	shalt  }
0x81: {  	_ =	shalt  }
0x82: {  	_ =	shalt  }
0x83: {  	_ =	shalt  }
0x84: {  	_ =	shalt  }
0x85: {  	_ =	shalt  }
0x86: {  	_ =	shalt  }
0x87: {  	_ =	shalt  }
.Lfunc_end0:
.L_simem_size_0:
called_computation.4_lowered:
.L_overlay_start_0:
0x88: {  	s2 =	sld [smem:$0x3FD9]  }
0x89: {  	s3 =	sld [smem:$0x3FFE];
	_ =	sdelay $0x1  }
0x8a: {  	s1 =	srdreg.scid  }
0x8b: {  	s0 =	sand.u32 $0x1, s1  }
0x8c: {  	s17 =	sshll.u32 s0, $0xA;
	s2 =	sadd.s32 s3, s2  }
0x8d: {  	s2 =	sadd.s32 s2, s17  }
0x8e: {  	[smem:$0x3FC2] =	sst s2  }
0x8f: {  	_ = 	snop  }
0x90: {  	s2 =	sld [smem:$0x3FD0];
	(tm) =	ssettm $0x1  }
0x91: {  	s18 =	sld [smem:$0x3FFB];
	_ =	sdelay $0x3  }
0x92: {  	_ =	strace s18  }
0x93: {  	s3 =	sld [smem:$0x3FFC];
	_ =	sdelay $0x3  }
0x94: {  	_ =	strace s3  }
0x95: {  	s3 =	sld [smem:$0x3FFD];
	_ =	sdelay $0x3  }
0x96: {  	_ =	strace s3  }
0x97: {  	_ =	strace $0x8FFFFFFF  }
0x98: {  	s19 =	sld [smem:$0x3FDB];
	_ =	sdelay $0x1  }
0x99: {  	s4 =	simm.s32 $_scs_section_size  }
0x9a: {  	s5 =	simm.s32 $_size__tile_overlayer_lowered;
	s6 =	simm.s32 $_tile_overlayer_lowered  }
0x9b: {  	s22 =	simm.s32 $0x1BFF;
	s21 =	sshll.u32 s6, $0x1;
	s3 =	sadd.s32 s4, s19  }
0x9c: {  	s7 =	simm.s32 $0x0;
	s20 =	sshll.u32 s5, $0x1;
	s5 =	sadd.s32 s21, s3  }
0x9d: {  	[timem:s7], [sflag:s22] =	dma.local [hbm:s5], s20  }
0x9e: {  	_ =	swait.ge [sflag:s22], s20  }
0x9f: {  	s4 =	ssub.s32 $0x0, s20;
	[sflag:s22] =	ssyncset.done $0x0  }
0xa0: {  	[sflag:s22] =	ssyncadd.s32 s4;
	_ =	sdelay $0x1  }
0xa1: {  	s23 =	simm.s32 $0x1B8B  }
0xa2: {  	_ =	swait.ge [sflag:s23], $0x1  }
0xa3: {  	[sflag:s23] =	ssyncset.done $0x0  }
0xa4: {  	s25 =	simm.s32 $0x1B8E;
	s24 =	sld [smem:$0x3FFE];
	[sflag:s23] =	ssyncadd.s32 $0xFFFFFFFF  }
0xa5: {  	s26 =	simm.s32 $execute0_lowered;
	[smem:$0x3FD2] =	sst s25  }
0xa6: {  	s5 =	sshll.u32 s26, $0x1;
	_ =	strace $0x8000004F;
	[dreg:$0x1] =	wrdreg $0xFFFFFFFF  }
0xa7: {  	s28 =	simm.s32 $_size_execute0_lowered;
	s3 =	sadd.s32 s3, s5;
	[dreg:$0x0] =	wrdreg $0x0  }
0xa8: {  	s5 =	sshll.u32 s28, $0x1;
	[dreg:$0x2] =	wrdreg s3  }
0xa9: {  	[dreg:$0x3] =	wrdreg s5  }
0xaa: {  	[dreg:$0x4] =	wrdreg $0xC0  }
0xab: {  	_ =	task [dreg:s7], $0x5FFFF  }
0xac: {  	[dreg:$0x1] =	wrdreg $0xFFFFFFFF  }
0xad: {  	[dreg:$0x0] =	wrdreg $0x60  }
0xae: {  	[dreg:$0x2] =	wrdreg s24  }
0xaf: {  	[dreg:$0x3] =	wrdreg s2  }
0xb0: {  	[dreg:$0x4] =	wrdreg $0x9  }
0xb1: {  	_ =	task.clear_ibuf [dreg:s7], $0x5FFFF;
	_ =	strace $0x9000004F  }
0xb2: {  	s29 =	simm.s32 $0x9;
	_ =	strace $0x80000051  }
0xb3: {  	_ =	swait.ge [sflag:s29], $0x1  }
0xb4: {  	[sflag:s29] =	ssyncadd.s32 $0xFFFFFFFF  }
0xb5: {  	_ =	strace $0x90000051  }
0xb6: {  	_ =	sfence  }
0xb7: {  	s30 =	sld [smem:$0x0];
	_ =	sdelay $0x2  }
0xb8: {  	s31 =	sshll.u32 s1, $0xD;
	s1 =	sshrl.u32 s1, $0x2  }
0xb9: {  	s3 =	sand.u32 $0x4000, s31;
	s1 =	sadd.s32 s1, s30  }
0xba: {  	s0 =	sor.u32 s3, s0;
	s1 =	sshll.u32 s1, $0x11  }
0xbb: {  	s0 =	sor.u32 s1, s0  }
0xbc: {  	s0 =	sadd.s32 $0x8F2B, s0  }
0xbd: {  	[sflag:s0] =	ssyncadd.remote.s32 $0x1  }
0xbe: {  	_ =	sfence.sel $0xFFFF  }
0xbf: {  	[dreg:$0x0] =	wrdreg $0xFFFFFFFF;
	(pc) =	sbr.abs _section_cstart, $3  }
0xc0: {  	[dreg:$0x1] =	wrdreg $0xFFFFFFFF  }
0xc1: {  	_ =	task.clear_ibuf [dreg:s7], $0x2FFFF;
	_ =	strace $0x9FFFFFFF  }
0xc2: {  	(tm) =	ssettm $0x7FFFFFFF  }
0xc3: {  	_ =	shalt  }
tec
execute0_lowered:
.L_overlay_start_1:
0x0: {  	(tag) =	ssettag $0x1  }
0x1: {  	s0 =	rddreg [dreg:$0x0]  }
0x2: {  	s2 =	simm.s32 $0x0;
	s9 =	srdreg.scid;
	s1 =	stileid.u32  }
0x3: {  	s15 =	simm.s32 $0x2;
	s16 =	simm.s32 $0x80;
	s17 =	simm.s32 $0x100  }
0x4: {  	s18 =	simm.s32 $0x180;
	s19 =	simm.s32 $0x200;
	s20 =	simm.s32 $0x280  }
0x5: {  	s21 =	simm.s32 $0x300;
	s22 =	simm.s32 $0x380;
	s23 =	simm.s32 $0x40  }
0x6: {  	s24 =	simm.s32 $0x400;
	s25 =	simm.s32 $0x2400;
	s28 =	simm.s32 $0x6400  }
0x7: {  	s29 =	simm.s32 $0x1;
	s30 =	simm.s32 $0x8400;
	[smem:$0x7FF] =	sst s2  }
0x8: {  	s3 =	sadd.s32 $0x889C00, s0;
	s4 =	sadd.s32 $0x1C00, s0;
	s5 =	sadd.s32 $0x5C00, s0  }
0x9: {  	s6 =	sadd.s32 $0x9C00, s0;
	s7 =	sadd.s32 $0xDC00, s0;
	s9 =	sand.u32 $0x1, s9  }
0xa: {  	s8 =	sadd.s32 $0x11C00, s0;
	s10 =	sadd.s32 $0x15C00, s0;
	s13 =	ssub.s32 $0x2, s9  }
0xb: {  	s11 =	sadd.s32 $0x19C00, s0;
	s12 =	sadd.s32 $0x1DC00, s0;
	s26 =	sshrl.u32 s13, $0x1  }
0xc: {  	s31 =	sshll.u32 s1, $0xD;
	s1 =	simm.s32 $0x0;
	s0 =	ssub.s32 s13, s26  }
0xd: {  	_ =	strace $0x80000050;
	s9 =	sshll.u32 s9, $0xC;
	s0 =	smax.u32 s0, $0x1  }
0xe: {  	v3 =	vimm.s32 $0x0;
	s13 =	sor.u32 s9, s31;
	s26 =	simm.s32 $0x4400;
	[dreg:$0x3] =	wrdreg s0  }
.LBB2_1:
0xf: {  	[dreg:$0x4] =	wrdreg s1;
	s0 =	simm.s32 $0x0  }
.LBB2_2:
0x10: {  	s9 =	sshll.u32 s0, $0x6  }
0x11: {  	s9 =	sadd.s32 s13, s9  }
0x12: {  	s1 =	rddreg [dreg:$0x1];
	s31 =	sshrl.u32 s9, $0x3  }
0x13: {  	s14 =	simm.s32 $0x0;
	s1 =	sadd.s32 s1, s31  }
0x14: {  	[tilespmem:s14], [sflag:$0x2] =	stream.linear.gather [hbm4b:s1+s14], $0x40, $0x38;
	[tilespmem:$0xA400] =	vst v63  }
0x15: {  	_ =	swait.ge [sflag:s15], $0x40  }
0x16: {  	[sflag:s15] =	ssyncset.done $0x0  }
0x17: {  	s1 =	sadd.s32 s4, s31;
	[sflag:s15] =	ssyncadd.s32 $0xFFFFFFC0  }
0x18: {  	[tilespmem:s16], [sflag:$0x2] =	stream.linear.gather [hbm4b:s1+s14], $0x40, $0x38;
	[tilespmem:$0xA400] =	vst v63  }
0x19: {  	_ =	swait.ge [sflag:s15], $0x40  }
0x1a: {  	[sflag:s15] =	ssyncset.done $0x0  }
0x1b: {  	s1 =	sadd.s32 s5, s31;
	[sflag:s15] =	ssyncadd.s32 $0xFFFFFFC0  }
0x1c: {  	[tilespmem:s17], [sflag:$0x2] =	stream.linear.gather [hbm4b:s1+s14], $0x40, $0x38;
	[tilespmem:$0xA400] =	vst v63  }
0x1d: {  	_ =	swait.ge [sflag:s15], $0x40  }
0x1e: {  	[sflag:s15] =	ssyncset.done $0x0  }
0x1f: {  	s1 =	sadd.s32 s6, s31;
	[sflag:s15] =	ssyncadd.s32 $0xFFFFFFC0  }
0x20: {  	[tilespmem:s18], [sflag:$0x2] =	stream.linear.gather [hbm4b:s1+s14], $0x40, $0x38;
	[tilespmem:$0xA400] =	vst v63  }
0x21: {  	_ =	swait.ge [sflag:s15], $0x40  }
0x22: {  	[sflag:s15] =	ssyncset.done $0x0  }
0x23: {  	s1 =	sadd.s32 s7, s31;
	[sflag:s15] =	ssyncadd.s32 $0xFFFFFFC0  }
0x24: {  	[tilespmem:s19], [sflag:$0x2] =	stream.linear.gather [hbm4b:s1+s14], $0x40, $0x38;
	[tilespmem:$0xA400] =	vst v63  }
0x25: {  	_ =	swait.ge [sflag:s15], $0x40  }
0x26: {  	[sflag:s15] =	ssyncset.done $0x0  }
0x27: {  	s1 =	sadd.s32 s8, s31;
	[sflag:s15] =	ssyncadd.s32 $0xFFFFFFC0  }
0x28: {  	[tilespmem:s20], [sflag:$0x2] =	stream.linear.gather [hbm4b:s1+s14], $0x40, $0x38;
	[tilespmem:$0xA400] =	vst v63  }
0x29: {  	_ =	swait.ge [sflag:s15], $0x40  }
0x2a: {  	[sflag:s15] =	ssyncset.done $0x0  }
0x2b: {  	s1 =	sadd.s32 s10, s31;
	[sflag:s15] =	ssyncadd.s32 $0xFFFFFFC0  }
0x2c: {  	[tilespmem:s21], [sflag:$0x2] =	stream.linear.gather [hbm4b:s1+s14], $0x40, $0x38;
	[tilespmem:$0xA400] =	vst v63  }
0x2d: {  	_ =	swait.ge [sflag:s15], $0x40  }
0x2e: {  	[sflag:s15] =	ssyncset.done $0x0  }
0x2f: {  	s31 =	sadd.s32 s11, s31;
	[sflag:s15] =	ssyncadd.s32 $0xFFFFFFC0  }
0x30: {  	[tilespmem:s22], [sflag:$0x2] =	stream.linear.gather [hbm4b:s31+s14], $0x40, $0x38;
	[tilespmem:$0xA400] =	vst v63  }
0x31: {  	_ =	swait.ge [sflag:s15], $0x40  }
0x32: {  	[sflag:s15] =	ssyncset.done $0x0  }
0x33: {  	[sflag:s15] =	ssyncadd.s32 $0xFFFFFFC0  }
0x34: {  	[tilespmem:s24], [sflag:$0x1] =	stream.indirect.gather [hbm4b:s3+s23], $0x80, s14, s23, $0xb8;
	[tilespmem:$0xA400] =	vst v63  }
0x35: {  	_ = 	snop  }
0x36: {  	[tilespmem:s25], [sflag:$0x1] =	stream.indirect.gather [hbm4b:s3+s23], $0x80, s16, s23, $0xb8;
	[tilespmem:$0xA400] =	vst v63  }
0x37: {  	_ = 	snop  }
0x38: {  	[tilespmem:s26], [sflag:$0x1] =	stream.indirect.gather [hbm4b:s3+s23], $0x80, s17, s23, $0xb8;
	[tilespmem:$0xA400] =	vst v63  }
0x39: {  	_ = 	snop  }
0x3a: {  	[tilespmem:s28], [sflag:$0x1] =	stream.indirect.gather [hbm4b:s3+s23], $0x80, s18, s23, $0xb8;
	[tilespmem:$0xA400] =	vst v63  }
0x3b: {  	_ =	swait.ge [sflag:s29], $0x2000  }
0x3c: {  	[sflag:s29] =	ssyncset.done $0x0  }
0x3d: {  	[sflag:s29] =	ssyncadd.s32 $0xFFFFE000  }
0x3e: {  	_ =	swait.ge [sflag:s29], $0x2000  }
0x3f: {  	[sflag:s29] =	ssyncset.done $0x0  }
0x40: {  	[sflag:s29] =	ssyncadd.s32 $0xFFFFE000  }
0x41: {  	_ =	swait.ge [sflag:s29], $0x2000  }
0x42: {  	[sflag:s29] =	ssyncset.done $0x0  }
0x43: {  	[sflag:s29] =	ssyncadd.s32 $0xFFFFE000  }
0x44: {  	_ =	swait.ge [sflag:s29], $0x2000  }
0x45: {  	[sflag:s29] =	ssyncset.done $0x0  }
0x46: {  	[sflag:s29] =	ssyncadd.s32 $0xFFFFE000  }
.LBB2_3:
0x47: {  	s31 =	sshll.u32 s14, $0xB  }
0x48: {  	v0 =	vld [tilespmem:s31+$0x2590];
	_ =	sdelay $0x4  }
0x49: {  	[tilespmem:$0x1FA90] =	vst v0;
	v0 =	vld [tilespmem:s31+$0x4590];
	_ =	sdelay $0x4  }
0x4a: {  	[tilespmem:$0x1FAA0] =	vst v0;
	v0 =	vld [tilespmem:s31+$0x6590];
	_ =	sdelay $0x4  }
0x4b: {  	[tilespmem:$0x1FAE0] =	vst v0;
	v0 =	vld [tilespmem:s31+$0x45A0];
	_ =	sdelay $0x4  }
0x4c: {  	[tilespmem:$0x1FAC0] =	vst v0;
	v0 =	vld [tilespmem:s31+$0x65A0];
	_ =	sdelay $0x4  }
0x4d: {  	[tilespmem:$0x1FAF0] =	vst v0;
	v0 =	vld [tilespmem:s31+$0x25B0];
	_ =	sdelay $0x4  }
0x4e: {  	[tilespmem:$0x1FAB0] =	vst v0;
	v0 =	vld [tilespmem:s31+$0x45B0];
	_ =	sdelay $0x4  }
0x4f: {  	[tilespmem:$0x1FAD0] =	vst v0;
	v0 =	vld [tilespmem:s31+$0x65B0];
	_ =	sdelay $0x4  }
0x50: {  	[tilespmem:$0x1FB20] =	vst v0;
	v0 =	vld [tilespmem:s31+$0x600];
	_ =	sdelay $0x4  }
0x51: {  	[tilespmem:$0x1FB00] =	vst v0;
	v0 =	vld [tilespmem:s31+$0x2600];
	_ =	sdelay $0x4  }
0x52: {  	[tilespmem:$0x1FB10] =	vst v0;
	v0 =	vld [tilespmem:s31+$0x4600];
	_ =	sdelay $0x4  }
0x53: {  	[tilespmem:$0x1FB30] =	vst v0;
	v0 =	vld [tilespmem:s31+$0x6600];
	_ =	sdelay $0x4  }
0x54: {  	[tilespmem:$0x1FB60] =	vst v0;
	v0 =	vld [tilespmem:s31+$0x610];
	_ =	sdelay $0x4  }
0x55: {  	[tilespmem:$0x1FB40] =	vst v0;
	v0 =	vld [tilespmem:s31+$0x2610];
	_ =	sdelay $0x4  }
0x56: {  	[tilespmem:$0x1FB50] =	vst v0;
	v0 =	vld [tilespmem:s31+$0x4610];
	_ =	sdelay $0x4  }
0x57: {  	[tilespmem:$0x1FB90] =	vst v0;
	v0 =	vld [tilespmem:s31+$0x6610];
	_ =	sdelay $0x4  }
0x58: {  	[tilespmem:$0x1FBC0] =	vst v0;
	v0 =	vld [tilespmem:s31+$0x620];
	_ =	sdelay $0x4  }
0x59: {  	[tilespmem:$0x1FB70] =	vst v0;
	v0 =	vld [tilespmem:s31+$0x2620];
	_ =	sdelay $0x4  }
0x5a: {  	[tilespmem:$0x1FBA0] =	vst v0;
	v0 =	vld [tilespmem:s31+$0x4620];
	_ =	sdelay $0x4  }
0x5b: {  	[tilespmem:$0x1FBD0] =	vst v0;
	v0 =	vld [tilespmem:s31+$0x6620];
	_ =	sdelay $0x4  }
0x5c: {  	[tilespmem:$0x1FBE0] =	vst v0;
	v0 =	vld [tilespmem:s31+$0x630];
	_ =	sdelay $0x4  }
0x5d: {  	[tilespmem:$0x1FB80] =	vst v0;
	v0 =	vld [tilespmem:s31+$0x2630];
	_ =	sdelay $0x4  }
0x5e: {  	[tilespmem:$0x1FBB0] =	vst v0;
	v0 =	vld [tilespmem:s31+$0x4630];
	_ =	sdelay $0x4  }
0x5f: {  	[tilespmem:$0x1FC10] =	vst v0;
	v0 =	vld [tilespmem:s31+$0x6630];
	_ =	sdelay $0x4  }
0x60: {  	[tilespmem:$0x1FC30] =	vst v0;
	v0 =	vld [tilespmem:s31+$0x680];
	_ =	sdelay $0x4  }
0x61: {  	[tilespmem:$0x1FBF0] =	vst v0;
	v0 =	vld [tilespmem:s31+$0x2680];
	_ =	sdelay $0x4  }
0x62: {  	[tilespmem:$0x1FC00] =	vst v0;
	v0 =	vld [tilespmem:s31+$0x4680];
	_ =	sdelay $0x3  }
0x63: {  	v1 =	vld [tilespmem:s31+$0x4690]  }
0x64: {  	[tilespmem:$0x1FC20] =	vst v0;
	v0 =	vld [tilespmem:s31+$0x6680]  }
0x65: {  	s1 =	sshll.u32 s14, $0x4  }
0x66: {  	v18 =	vld [tilespmem:s1+$0x200]  }
0x67: {  	v19 =	vld [tilespmem:s1+$0x280]  }
0x68: {  	[tilespmem:$0x1FCA0] =	vst v1;
	v1 =	vld [tilespmem:s31+$0x6690]  }
0x69: {  	[tilespmem:$0x1FC40] =	vst v0;
	v0 =	vld [tilespmem:s31+$0x690]  }
0x6a: {  	v17 =	vld [tilespmem:s1+$0x300]  }
0x6b: {  	v16 =	vld [tilespmem:s1+$0x380]  }
0x6c: {  	v57 =	vld [tilespmem:s31+$0x400]  }
0x6d: {  	[tilespmem:$0x1FCE0] =	vst v1;
	v1 =	vld [tilespmem:s31+$0x6A0]  }
0x6e: {  	[tilespmem:$0x1FC50] =	vst v0;
	v0 =	vld [tilespmem:s31+$0x2690]  }
0x6f: {  	v60 =	vld [tilespmem:s31+$0x2400]  }
0x70: {  	v61 =	vld [tilespmem:s31+$0x4400]  }
0x71: {  	v4 =	vld [tilespmem:s31+$0x6400]  }
0x72: {  	v6 =	vld [tilespmem:s31+$0x410];
	v2 =	vperm.xlane v19, v3;
	[tilespmem:$0x1FC60] =	vst v1  }
0x73: {  	v1 =	vperm.xlane v17, v3;
	[tilespmem:$0x1FC70] =	vst v0;
	v0 =	vperm.xlane v18, v3;
	v3 =	vld [tilespmem:s31+$0x26A0]  }
0x74: {  	v7 =	vld [tilespmem:s31+$0x2410]  }
0x75: {  	v13 =	vld [tilespmem:s31+$0x4410]  }
0x76: {  	v21 =	vld [tilespmem:s31+$0x6410]  }
0x77: {  	v8 =	vld [tilespmem:s31+$0x420]  }
0x78: {  	[tilespmem:$0x1FC80] =	vst v3;
	v3 =	vld [tilespmem:s31+$0x46A0]  }
0x79: {  	v9 =	vld [tilespmem:s31+$0x2420]  }
0x7a: {  	v12 =	vld [tilespmem:s31+$0x4420]  }
0x7b: {  	v20 =	vld [tilespmem:s31+$0x6420]  }
0x7c: {  	v5 =	vld [tilespmem:s31+$0x430];
	v60 =	vmul.f32 v60, v2;
	v57 =	vmul.f32 v57, v0  }
0x7d: {  	v10 =	vld [tilespmem:s31+$0x2430];
	[tilespmem:$0x1FCB0] =	vst v3;
	v3 =	vimm.s32 $0x0  }
0x7e: {  	v11 =	vld [tilespmem:s31+$0x4430];
	v61 =	vmul.f32 v61, v1;
	v57 =	vadd.f32 v60, v57;
	v3 =	vperm.xlane v16, v3  }
0x7f: {  	v22 =	vld [tilespmem:s31+$0x6430]  }
0x80: {  	v14 =	vld [tilespmem:s31+$0x480];
	v57 =	vadd.f32 v61, v57;
	v4 =	vmul.f32 v4, v3  }
0x81: {  	v15 =	vld [tilespmem:s31+$0x2480]  }
0x82: {  	v23 =	vld [tilespmem:s31+$0x4480];
	v4 =	vadd.f32 v4, v57  }
0x83: {  	v56 =	vld [tilespmem:s31+$0x6480];
	v7 =	vmul.f32 v7, v2;
	v6 =	vmul.f32 v6, v0  }
0x84: {  	v26 =	vld [tilespmem:s31+$0x490];
	v57 =	vmul.f32 v9, v2;
	[tilespmem:$0x1FE30] =	vst v4;
	v4 =	vmul.f32 v8, v0  }
0x85: {  	v24 =	vld [tilespmem:s31+$0x2490];
	v2 =	vmul.f32 v10, v2;
	v0 =	vmul.f32 v5, v0  }
0x86: {  	v32 =	vld [tilespmem:s31+$0x4490];
	v5 =	vmul.f32 v13, v1;
	v13 =	vmul.f32 v12, v1;
	v4 =	vadd.f32 v57, v4  }
0x87: {  	v44 =	vld [tilespmem:s31+$0x6490]  }
0x88: {  	v27 =	vld [tilespmem:s31+$0x4A0];
	v0 =	vadd.f32 v2, v0;
	v2 =	vmul.f32 v20, v3;
	v4 =	vadd.f32 v13, v4  }
0x89: {  	v29 =	vld [tilespmem:s31+$0x24A0];
	v6 =	vadd.f32 v7, v6  }
0x8a: {  	v38 =	vld [tilespmem:s31+$0x44A0];
	v2 =	vadd.f32 v2, v4  }
0x8b: {  	v31 =	vld [tilespmem:s31+$0x64A0];
	v10 =	vimm.s32 $0x1;
	v12 =	vmul.f32 v21, v3;
	v5 =	vadd.f32 v5, v6  }
0x8c: {  	v6 =	vperm.xlane v18, v10;
	[tilespmem:$0x1FE50] =	vst v2;
	v2 =	vld [tilespmem:s31+$0x4710]  }
0x8d: {  	v25 =	vld [tilespmem:s31+$0x4B0];
	v1 =	vmul.f32 v11, v1;
	v8 =	vperm.xlane v19, v10;
	v5 =	vadd.f32 v12, v5  }
0x8e: {  	v28 =	vld [tilespmem:s31+$0x24B0];
	v7 =	vperm.xlane v17, v10;
	v14 =	vmul.f32 v14, v6  }
0x8f: {  	v53 =	vld [tilespmem:s31+$0x44B0];
	v0 =	vadd.f32 v1, v0;
	v1 =	vmul.f32 v22, v3;
	[tilespmem:$0x1FE40] =	vst v5;
	v5 =	vmul.f32 v15, v8  }
0x90: {  	v57 =	vld [tilespmem:s31+$0x4700];
	v3 =	vmul.f32 v23, v7  }
0x91: {  	v4 =	vperm.xlane v16, v10;
	v0 =	vadd.f32 v1, v0;
	[tilespmem:$0x1FD60] =	vst v2;
	v2 =	vadd.f32 v5, v14;
	v5 =	vld [tilespmem:s31+$0x720]  }
0x92: {  	v36 =	vld [tilespmem:s31+$0x64B0];
	v1 =	vmul.f32 v24, v8  }
0x93: {  	v20 =	vld [tilespmem:s31+$0x710];
	[tilespmem:$0x1FE60] =	vst v0;
	v0 =	vmul.f32 v26, v6;
	v2 =	vadd.f32 v3, v2;
	v3 =	vmul.f32 v56, v4  }
0x94: {  	v55 =	vld [tilespmem:s31+$0x500]  }
0x95: {  	v21 =	vld [tilespmem:s31+$0x2710];
	[tilespmem:$0x1FD00] =	vst v57;
	v26 =	vmul.f32 v32, v7;
	v0 =	vadd.f32 v1, v0;
	v2 =	vadd.f32 v3, v2  }
0x96: {  	v58 =	vld [tilespmem:s31+$0x2500];
	v57 =	vimm.s32 $0x2;
	v32 =	vmul.f32 v44, v4;
	[tilespmem:$0x1FD50] =	vst v5  }
0x97: {  	v40 =	vld [tilespmem:s31+$0x4500];
	v0 =	vadd.f32 v26, v0;
	v5 =	vmul.f32 v27, v6;
	[tilespmem:$0x1FE70] =	vst v2;
	v2 =	vmul.f32 v29, v8  }
0x98: {  	v47 =	vld [tilespmem:s31+$0x6500];
	[tilespmem:$0x1FD30] =	vst v20;
	v20 =	vperm.xlane v18, v57  }
0x99: {  	v46 =	vld [tilespmem:s31+$0x510];
	v0 =	vadd.f32 v32, v0;
	v2 =	vadd.f32 v2, v5;
	v5 =	vmul.f32 v38, v7  }
0x9a: {  	v34 =	vld [tilespmem:s31+$0x2510];
	[tilespmem:$0x1FD40] =	vst v21;
	v1 =	vmul.f32 v25, v6;
	v3 =	vmul.f32 v28, v8  }
0x9b: {  	v42 =	vld [tilespmem:s31+$0x4510];
	v21 =	vperm.xlane v19, v57;
	[tilespmem:$0x1FE80] =	vst v0;
	v0 =	vmul.f32 v31, v4;
	v2 =	vadd.f32 v5, v2  }
0x9c: {  	v52 =	vld [tilespmem:s31+$0x520];
	v23 =	vperm.xlane v17, v57;
	v1 =	vadd.f32 v3, v1;
	v3 =	vmul.f32 v53, v7  }
0x9d: {  	v30 =	vld [tilespmem:s31+$0x530];
	v22 =	vmul.f32 v55, v20;
	v5 =	vmul.f32 v58, v21;
	v0 =	vadd.f32 v0, v2  }
0x9e: {  	v33 =	vld [tilespmem:s31+$0x2530];
	v25 =	vperm.xlane v16, v57;
	v1 =	vadd.f32 v3, v1  }
0x9f: {  	v27 =	vld [tilespmem:s31+$0x4720];
	v3 =	vmul.f32 v36, v4;
	v2 =	vmul.f32 v40, v23;
	[tilespmem:$0x1FE90] =	vst v0;
	v0 =	vadd.f32 v5, v22  }
0xa0: {  	v39 =	vld [tilespmem:s31+$0x2520]  }
0xa1: {  	v49 =	vld [tilespmem:s31+$0x6510];
	v4 =	vmul.f32 v47, v25;
	v1 =	vadd.f32 v3, v1;
	v0 =	vadd.f32 v2, v0  }
0xa2: {  	v37 =	vld [tilespmem:s31+$0x4520];
	v3 =	vmul.f32 v34, v21;
	v2 =	vmul.f32 v46, v20  }
0xa3: {  	v48 =	vld [tilespmem:s31+$0x6520];
	[tilespmem:$0x1FEA0] =	vst v1;
	v1 =	vmul.f32 v30, v20;
	v0 =	vadd.f32 v4, v0  }
0xa4: {  	v35 =	vld [tilespmem:s31+$0x580];
	[tilespmem:$0x1FD70] =	vst v27;
	v4 =	vmul.f32 v33, v21;
	v2 =	vadd.f32 v3, v2;
	v3 =	vmul.f32 v42, v23  }
0xa5: {  	v43 =	vld [tilespmem:s31+$0x2580];
	v27 =	vimm.s32 $0x3;
	v5 =	vmul.f32 v52, v20;
	[tilespmem:$0x1FEB0] =	vst v0;
	v0 =	vmul.f32 v39, v21  }
0xa6: {  	v45 =	vld [tilespmem:s31+$0x4580];
	v2 =	vadd.f32 v3, v2;
	v1 =	vadd.f32 v4, v1;
	v4 =	vmul.f32 v49, v25  }
0xa7: {  	v41 =	vld [tilespmem:s31+$0x4530];
	v33 =	vperm.xlane v18, v27;
	v39 =	vperm.xlane v19, v27  }
0xa8: {  	v0 =	vadd.f32 v0, v5;
	v5 =	vmul.f32 v37, v23;
	v2 =	vadd.f32 v4, v2;
	v4 =	vld [tilespmem:s31+$0x67B0]  }
0xa9: {  	v50 =	vld [tilespmem:s31+$0x6580];
	v11 =	vmul.f32 v48, v25;
	v47 =	vperm.xlane v17, v27  }
0xaa: {  	v51 =	vld [tilespmem:s31+$0x6530];
	v46 =	vmul.f32 v35, v33;
	v0 =	vadd.f32 v5, v0;
	v5 =	vmul.f32 v43, v39  }
0xab: {  	v62 =	vld [tilespmem:s31+$0x5A0];
	v12 =	vperm.xlane v16, v27;
	v48 =	vmul.f32 v45, v47  }
0xac: {  	v54 =	vld [tilespmem:s31+$0x25A0];
	v3 =	vmul.f32 v41, v23;
	v5 =	vadd.f32 v5, v46;
	v0 =	vadd.f32 v11, v0  }
0xad: {  	[tilespmem:$0x1FDD0] =	vst v4;
	v4 =	vld [tilespmem:$0x1FAA0]  }
0xae: {  	v1 =	vadd.f32 v3, v1;
	v3 =	vmul.f32 v50, v12;
	[tilespmem:$0x1FED0] =	vst v0;
	v0 =	vadd.f32 v48, v5  }
0xaf: {  	[tilespmem:$0x1FEC0] =	vst v2;
	v2 =	vmul.f32 v51, v25  }
0xb0: {  	v63 =	vld [tilespmem:s31+$0x590];
	v0 =	vadd.f32 v3, v0  }
0xb1: {  	v1 =	vadd.f32 v2, v1;
	v2 =	vld [tilespmem:$0x1FA90];
	v3 =	vmul.f32 v54, v39  }
0xb2: {  	[tilespmem:$0x1FEF0] =	vst v0;
	v0 =	vmul.f32 v62, v33;
	v49 =	vmul.f32 v4, v47;
	v4 =	vld [tilespmem:$0x1FAC0]  }
0xb3: {  	v59 =	vld [tilespmem:s31+$0x5B0]  }
0xb4: {  	v0 =	vadd.f32 v3, v0;
	v3 =	vld [tilespmem:$0x1FAB0];
	_ =	sdelay $0x1  }
0xb5: {  	[tilespmem:$0x1FEE0] =	vst v1;
	v1 =	vmul.f32 v63, v33  }
0xb6: {  	v2 =	vmul.f32 v2, v39;
	v50 =	vmul.f32 v4, v47;
	v4 =	vld [tilespmem:$0x1FAD0];
	_ =	sdelay $0x1  }
0xb7: {  	v1 =	vadd.f32 v2, v1;
	v2 =	vmul.f32 v59, v33;
	v3 =	vmul.f32 v3, v39  }
0xb8: {  	v5 =	vld [tilespmem:$0x1FAE0]  }
0xb9: {  	v2 =	vadd.f32 v3, v2;
	v3 =	vld [tilespmem:$0x1FAF0]  }
0xba: {  	v51 =	vmul.f32 v4, v47;
	v4 =	vimm.s32 $0x4  }
0xbb: {  	v52 =	vperm.xlane v18, v4;
	v59 =	vperm.xlane v19, v4  }
0xbc: {  	v45 =	vperm.xlane v17, v4;
	v47 =	vperm.xlane v16, v4;
	v4 =	vld [tilespmem:s31+$0x6850]  }
0xbd: {  	v54 =	vmul.f32 v5, v12;
	v5 =	vld [tilespmem:s31+$0x6840]  }
0xbe: {  	v0 =	vadd.f32 v50, v0;
	v3 =	vmul.f32 v3, v12;
	_ =	sdelay $0x1  }
0xbf: {  	v1 =	vadd.f32 v49, v1;
	v0 =	vadd.f32 v3, v0;
	v3 =	vld [tilespmem:s31+$0x4850]  }
0xc0: {  	[tilespmem:$0x1FE10] =	vst v4;
	v4 =	vld [tilespmem:$0x1FB70]  }
0xc1: {  	v1 =	vadd.f32 v54, v1;
	[tilespmem:$0x1FDE0] =	vst v5;
	v5 =	vld [tilespmem:$0x1FB00]  }
0xc2: {  	[tilespmem:$0x1FF10] =	vst v0;
	v0 =	vadd.f32 v51, v2;
	v2 =	vld [tilespmem:$0x1FB20]  }
0xc3: {  	[tilespmem:$0x1FF00] =	vst v1;
	v1 =	vld [tilespmem:$0x1FB10]  }
0xc4: {  	[tilespmem:$0x1FE00] =	vst v3;
	v3 =	vld [tilespmem:$0x1FB30]  }
0xc5: {  	v62 =	vmul.f32 v4, v52;
	v4 =	vld [tilespmem:$0x1FB90];
	_ =	sdelay $0x1  }
0xc6: {  	v2 =	vmul.f32 v2, v12  }
0xc7: {  	v43 =	vmul.f32 v5, v52;
	v1 =	vmul.f32 v1, v59  }
0xc8: {  	v0 =	vadd.f32 v2, v0;
	v2 =	vld [tilespmem:$0x1FB50]  }
0xc9: {  	v1 =	vadd.f32 v1, v43;
	v3 =	vmul.f32 v3, v45;
	v63 =	vmul.f32 v4, v45;
	v4 =	vld [tilespmem:s31+$0x6860]  }
0xca: {  	[tilespmem:$0x1FF20] =	vst v0;
	v0 =	vld [tilespmem:$0x1FB40]  }
0xcb: {  	v1 =	vadd.f32 v3, v1;
	v3 =	vld [tilespmem:$0x1FB60]  }
0xcc: {  	v5 =	vld [tilespmem:s31+$0x850];
	_ =	sdelay $0x1  }
0xcd: {  	v9 =	vld [tilespmem:s31+$0x700]  }
0xce: {  	v2 =	vmul.f32 v2, v59;
	[tilespmem:$0x1FE20] =	vst v4;
	v4 =	vld [tilespmem:$0x1FBC0]  }
0xcf: {  	v61 =	vld [tilespmem:s31+$0x26B0];
	v0 =	vmul.f32 v0, v52;
	v3 =	vmul.f32 v3, v47  }
0xd0: {  	[tilespmem:$0x1FDF0] =	vst v5;
	v5 =	vld [tilespmem:$0x1FBD0]  }
0xd1: {  	v0 =	vadd.f32 v2, v0;
	v2 =	vld [tilespmem:$0x1FB80];
	v1 =	vadd.f32 v3, v1  }
0xd2: {  	[tilespmem:$0x1FCD0] =	vst v9;
	v3 =	vld [tilespmem:$0x1FBB0]  }
0xd3: {  	v0 =	vadd.f32 v63, v0;
	v9 =	vmul.f32 v4, v47;
	[tilespmem:$0x1FF30] =	vst v1;
	v1 =	vld [tilespmem:$0x1FBA0];
	_ =	sdelay $0x1  }
0xd4: {  	v34 =	vld [tilespmem:s31+$0x4790];
	v0 =	vadd.f32 v9, v0  }
0xd5: {  	v10 =	vmul.f32 v5, v45;
	v5 =	vld [tilespmem:$0x1FBF0]  }
0xd6: {  	v2 =	vmul.f32 v2, v52;
	[tilespmem:$0x1FF40] =	vst v0;
	v0 =	vld [tilespmem:$0x1FBE0]  }
0xd7: {  	[tilespmem:$0x1FC90] =	vst v61;
	v61 =	vld [tilespmem:s31+$0x46B0];
	v3 =	vmul.f32 v3, v59;
	v1 =	vmul.f32 v1, v59  }
0xd8: {  	v4 =	vimm.s32 $0x5  }
0xd9: {  	[tilespmem:$0x1FDB0] =	vst v34;
	v34 =	vperm.xlane v18, v4;
	v2 =	vadd.f32 v3, v2;
	v3 =	vld [tilespmem:$0x1FC10];
	v1 =	vadd.f32 v1, v62  }
0xda: {  	v60 =	vld [tilespmem:s31+$0x66A0]  }
0xdb: {  	v63 =	vmul.f32 v5, v34;
	v5 =	vld [tilespmem:$0x1FC00];
	v0 =	vmul.f32 v0, v47;
	v1 =	vadd.f32 v10, v1  }
0xdc: {  	[tilespmem:$0x1FCC0] =	vst v61;
	v61 =	vld [tilespmem:s31+$0x66B0]  }
0xdd: {  	v0 =	vadd.f32 v0, v1;
	v1 =	vld [tilespmem:$0x1FC20]  }
0xde: {  	v12 =	vperm.xlane v19, v4;
	v3 =	vmul.f32 v3, v45  }
0xdf: {  	v48 =	vperm.xlane v17, v4;
	v59 =	vperm.xlane v16, v4;
	v4 =	vld [tilespmem:$0x1FC40]  }
0xe0: {  	[tilespmem:$0x1FCF0] =	vst v60;
	v7 =	vmul.f32 v5, v12;
	v2 =	vadd.f32 v3, v2;
	v3 =	vld [tilespmem:$0x1FC30]  }
0xe1: {  	v60 =	vld [tilespmem:s31+$0x6B0];
	[tilespmem:$0x1FD10] =	vst v61  }
0xe2: {  	v61 =	vld [tilespmem:s31+$0x2700];
	[tilespmem:$0x1FF50] =	vst v0;
	v0 =	vadd.f32 v7, v63;
	v1 =	vmul.f32 v1, v48  }
0xe3: {  	v13 =	vld [tilespmem:s31+$0x6700]  }
0xe4: {  	v9 =	vmul.f32 v4, v59;
	v4 =	vld [tilespmem:$0x1FC60];
	v0 =	vadd.f32 v1, v0  }
0xe5: {  	v24 =	vld [tilespmem:s31+$0x6730];
	v3 =	vmul.f32 v3, v47  }
0xe6: {  	v1 =	vld [tilespmem:$0x1FC50];
	v0 =	vadd.f32 v9, v0  }
0xe7: {  	v2 =	vadd.f32 v3, v2;
	v3 =	vld [tilespmem:$0x1FC70]  }
0xe8: {  	[tilespmem:$0x1FF70] =	vst v0;
	v0 =	vld [tilespmem:$0x1FC80]  }
0xe9: {  	v10 =	vmul.f32 v4, v34;
	v4 =	vld [tilespmem:$0x1FC90]  }
0xea: {  	v15 =	vld [tilespmem:s31+$0x2840]  }
0xeb: {  	v44 =	vld [tilespmem:s31+$0x730]  }
0xec: {  	[tilespmem:$0x1FD20] =	vst v13;
	v13 =	vld [tilespmem:s31+$0x6710];
	v1 =	vmul.f32 v1, v34;
	v3 =	vmul.f32 v3, v12  }
0xed: {  	v55 =	vld [tilespmem:s31+$0x4730];
	v0 =	vmul.f32 v0, v12  }
0xee: {  	v12 =	vmul.f32 v4, v12;
	v4 =	vadd.f32 v3, v1;
	v1 =	vld [tilespmem:$0x1FCA0]  }
0xef: {  	v35 =	vadd.f32 v0, v10;
	v0 =	vld [tilespmem:$0x1FCB0]  }
0xf0: {  	v57 =	vld [tilespmem:s31+$0x67A0]  }
0xf1: {  	v26 =	vld [tilespmem:s31+$0x6780]  }
0xf2: {  	v14 =	vld [tilespmem:s31+$0x27B0]  }
0xf3: {  	v32 =	vld [tilespmem:s31+$0x870];
	[tilespmem:$0x1FF60] =	vst v2;
	v2 =	vmul.f32 v60, v34;
	v3 =	vmul.f32 v1, v48  }
0xf4: {  	[tilespmem:$0x1FD90] =	vst v24;
	v24 =	vmul.f32 v0, v48;
	v0 =	vld [tilespmem:$0x1FCC0]  }
0xf5: {  	v28 =	vadd.f32 v3, v4;
	v3 =	vadd.f32 v12, v2;
	v2 =	vld [tilespmem:$0x1FCE0]  }
0xf6: {  	v56 =	vld [tilespmem:s31+$0x2720]  }
0xf7: {  	v31 =	vld [tilespmem:s31+$0x2790]  }
0xf8: {  	[tilespmem:$0x1FDA0] =	vst v26;
	v26 =	vld [tilespmem:s31+$0x860]  }
0xf9: {  	v29 =	vld [tilespmem:s31+$0x6720];
	v5 =	vmul.f32 v0, v48  }
0xfa: {  	v12 =	vmul.f32 v2, v59;
	v2 =	vld [tilespmem:$0x1FCF0]  }
0xfb: {  	v3 =	vadd.f32 v5, v3;
	v5 =	vld [tilespmem:$0x1FD10]  }
0xfc: {  	v53 =	vld [tilespmem:s31+$0x780]  }
0xfd: {  	v8 =	vld [tilespmem:s31+$0x2850]  }
0xfe: {  	v38 =	vld [tilespmem:s31+$0x2730]  }
0xff: {  	v36 =	vld [tilespmem:s31+$0x790]  }
0x100: {  	v58 =	vld [tilespmem:s31+$0x4780];
	v4 =	vmul.f32 v2, v59;
	v59 =	vmul.f32 v5, v59  }
0x101: {  	v40 =	vld [tilespmem:s31+$0x2780]  }
0x102: {  	v0 =	vld [tilespmem:$0x1FCD0];
	v3 =	vadd.f32 v59, v3  }
0x103: {  	v30 =	vld [tilespmem:s31+$0x47A0];
	v9 =	vadd.f32 v24, v35  }
0x104: {  	v7 =	vimm.s32 $0x6;
	[tilespmem:$0x1FFA0] =	vst v3;
	v3 =	vld [tilespmem:$0x1FD30]  }
0x105: {  	v37 =	vperm.xlane v18, v7;
	v1 =	vperm.xlane v19, v7;
	v2 =	vld [tilespmem:$0x1FD00];
	v4 =	vadd.f32 v4, v9  }
0x106: {  	[tilespmem:$0x1FD80] =	vst v29;
	v22 =	vld [tilespmem:s31+$0x7A0]  }
0x107: {  	v10 =	vmul.f32 v61, v1;
	v29 =	vmul.f32 v0, v37;
	[tilespmem:$0x1FF90] =	vst v4;
	v4 =	vld [tilespmem:$0x1FD20]  }
0x108: {  	v20 =	vld [tilespmem:s31+$0x7B0];
	v0 =	vperm.xlane v17, v7  }
0x109: {  	v48 =	vadd.f32 v10, v29;
	v10 =	vmul.f32 v3, v37;
	v3 =	vld [tilespmem:$0x1FD40]  }
0x10a: {  	v42 =	vld [tilespmem:s31+$0x6790];
	v24 =	vmul.f32 v2, v0;
	v2 =	vperm.xlane v16, v7  }
0x10b: {  	v21 =	vld [tilespmem:s31+$0x840]  }
0x10c: {  	v27 =	vld [tilespmem:s31+$0x8C0];
	v63 =	vadd.f32 v24, v48;
	v9 =	vmul.f32 v4, v2  }
0x10d: {  	v41 =	vld [tilespmem:s31+$0x28D0]  }
0x10e: {  	v23 =	vld [tilespmem:s31+$0x27A0];
	v6 =	vadd.f32 v12, v28;
	v12 =	vmul.f32 v3, v1;
	v3 =	vadd.f32 v9, v63  }
0x10f: {  	[tilespmem:$0x1FDC0] =	vst v42;
	v42 =	vld [tilespmem:s31+$0x2870]  }
0x110: {  	[tilespmem:$0x1FFB0] =	vst v3;
	v3 =	vld [tilespmem:$0x1FD50]  }
0x111: {  	v25 =	vld [tilespmem:s31+$0x4870]  }
0x112: {  	v11 =	vld [tilespmem:s31+$0x47B0]  }
0x113: {  	v46 =	vld [tilespmem:s31+$0x4840]  }
0x114: {  	v33 =	vld [tilespmem:s31+$0x28E0]  }
0x115: {  	v63 =	vmul.f32 v3, v37;
	v3 =	vld [tilespmem:$0x1FD60]  }
0x116: {  	v49 =	vld [tilespmem:s31+$0x28C0]  }
0x117: {  	v54 =	vld [tilespmem:s31+$0x68D0]  }
0x118: {  	v39 =	vld [tilespmem:s31+$0x2860]  }
0x119: {  	v50 =	vld [tilespmem:s31+$0x48E0]  }
0x11a: {  	v7 =	vmul.f32 v3, v0;
	v3 =	vld [tilespmem:$0x1FD70]  }
0x11b: {  	v43 =	vld [tilespmem:s31+$0x4860]  }
0x11c: {  	v51 =	vld [tilespmem:s31+$0x8E0];
	v56 =	vmul.f32 v56, v1  }
0x11d: {  	v52 =	vld [tilespmem:s31+$0x6870];
	v1 =	vmul.f32 v38, v1;
	v37 =	vmul.f32 v44, v37  }
0x11e: {  	v62 =	vld [tilespmem:s31+$0x68C0]  }
0x11f: {  	v45 =	vld [tilespmem:s31+$0x48C0];
	v5 =	vmul.f32 v55, v0;
	v9 =	vmul.f32 v3, v0;
	v3 =	vadd.f32 v1, v37  }
0x120: {  	v1 =	vld [tilespmem:$0x1FD80]  }
0x121: {  	v3 =	vadd.f32 v5, v3;
	v5 =	vld [tilespmem:$0x1FD90]  }
0x122: {  	v47 =	vld [tilespmem:s31+$0x8D0];
	[tilespmem:$0x1FF80] =	vst v6;
	v6 =	vadd.f32 v12, v10  }
0x123: {  	v60 =	vld [tilespmem:s31+$0x48D0]  }
0x124: {  	v34 =	vld [tilespmem:s31+$0x940];
	v10 =	vmul.f32 v13, v2;
	v59 =	vadd.f32 v7, v6;
	v7 =	vimm.s32 $0x7  }
0x125: {  	v61 =	vld [tilespmem:s31+$0x68E0];
	v6 =	vperm.xlane v19, v7;
	v0 =	vperm.xlane v18, v7  }
0x126: {  	v28 =	vld [tilespmem:s31+$0x28F0];
	v12 =	vmul.f32 v1, v2;
	v2 =	vmul.f32 v5, v2  }
0x127: {  	v29 =	vld [tilespmem:s31+$0x8F0];
	v4 =	vmul.f32 v53, v0;
	v22 =	vmul.f32 v22, v0  }
0x128: {  	v20 =	vmul.f32 v20, v0;
	v2 =	vadd.f32 v2, v3;
	v3 =	vmul.f32 v36, v0;
	v0 =	vld [tilespmem:$0x1FDB0]  }
0x129: {  	v55 =	vld [tilespmem:s31+$0x6940];
	v1 =	vadd.f32 v10, v59  }
0x12a: {  	v35 =	vadd.f32 v56, v63;
	v13 =	vmul.f32 v40, v6;
	[tilespmem:$0x1FFE0] =	vst v2;
	v2 =	vld [tilespmem:$0x1FDA0]  }
0x12b: {  	v24 =	vld [tilespmem:s31+$0x48F0];
	v10 =	vmul.f32 v31, v6;
	[tilespmem:$0x1FFC0] =	vst v1;
	v1 =	vperm.xlane v17, v7  }
0x12c: {  	v48 =	vld [tilespmem:s31+$0x68F0];
	v35 =	vadd.f32 v9, v35;
	v9 =	vadd.f32 v13, v4;
	v4 =	vperm.xlane v16, v7  }
0x12d: {  	v38 =	vld [tilespmem:s31+$0x2940];
	v5 =	vmul.f32 v58, v1;
	v3 =	vadd.f32 v10, v3;
	v0 =	vmul.f32 v0, v1  }
0x12e: {  	v44 =	vld [tilespmem:s31+$0x4940];
	v63 =	vadd.f32 v12, v35  }
0x12f: {  	v5 =	vadd.f32 v5, v9;
	v12 =	vmul.f32 v2, v4;
	v2 =	vadd.f32 v0, v3;
	v0 =	vld [tilespmem:$0x1FDC0]  }
0x130: {  	v56 =	vld [tilespmem:s31+$0x4950]  }
0x131: {  	v40 =	vld [tilespmem:s31+$0x2950];
	[tilespmem:$0x1FFD0] =	vst v63;
	v63 =	vadd.f32 v12, v5;
	v5 =	vmul.f32 v23, v6  }
0x132: {  	v37 =	vimm.s32 $0x8;
	v53 =	vld [tilespmem:s31+$0x950]  }
0x133: {  	v13 =	vld [tilespmem:s31+$0x960];
	v30 =	vmul.f32 v30, v1;
	v6 =	vmul.f32 v14, v6;
	v5 =	vadd.f32 v5, v22  }
0x134: {  	v31 =	vld [tilespmem:s31+$0x2960];
	v14 =	vperm.xlane v18, v37;
	v3 =	vmul.f32 v0, v4  }
0x135: {  	v35 =	vld [tilespmem:s31+$0x6960];
	v7 =	vmul.f32 v57, v4;
	v5 =	vadd.f32 v30, v5  }
0x136: {  	v57 =	vld [tilespmem:s31+$0x4970];
	v59 =	vadd.f32 v3, v2;
	v3 =	vmul.f32 v21, v14;
	v21 =	vperm.xlane v17, v37  }
0x137: {  	v58 =	vld [tilespmem:s31+$0x6950];
	v0 =	vperm.xlane v19, v37;
	v2 =	vmul.f32 v11, v1  }
0x138: {  	v1 =	vperm.xlane v16, v37;
	v37 =	vadd.f32 v7, v5;
	v5 =	vmul.f32 v46, v21;
	v46 =	vld [tilespmem:$0x1FDE0]  }
0x139: {  	v36 =	vld [tilespmem:s31+$0x4960];
	v15 =	vmul.f32 v15, v0  }
0x13a: {  	v22 =	vld [tilespmem:$0x1FDD0]  }
0x13b: {  	v9 =	vld [tilespmem:s31+$0x2970];
	v6 =	vadd.f32 v6, v20;
	v3 =	vadd.f32 v15, v3  }
0x13c: {  	v10 =	vld [tilespmem:s31+$0x29C0]  }
0x13d: {  	v23 =	vld [tilespmem:s31+$0x970];
	v2 =	vadd.f32 v2, v6;
	v3 =	vadd.f32 v5, v3;
	v6 =	vmul.f32 v46, v1  }
0x13e: {  	v5 =	vld [tilespmem:$0x1FDF0]  }
0x13f: {  	v12 =	vld [tilespmem:s31+$0x49D0];
	v4 =	vmul.f32 v22, v4;
	v3 =	vadd.f32 v6, v3  }
0x140: {  	v30 =	vld [tilespmem:s31+$0x6970];
	v20 =	vmul.f32 v42, v0  }
0x141: {  	v22 =	vadd.f32 v4, v2;
	v4 =	vmul.f32 v8, v0;
	[tilespmem:$0x1FFF0] =	vst v3;
	v3 =	vmul.f32 v39, v0;
	v0 =	vld [tilespmem:$0x1FE00]  }
0x142: {  	v26 =	vmul.f32 v26, v14;
	v11 =	vld [tilespmem:s31+$0x9C0]  }
0x143: {  	v42 =	vld [tilespmem:s31+$0x9E0];
	v5 =	vmul.f32 v5, v14  }
0x144: {  	v15 =	vld [tilespmem:s31+$0x69C0];
	v2 =	vmul.f32 v32, v14;
	v39 =	vmul.f32 v43, v21;
	v3 =	vadd.f32 v3, v26  }
0x145: {  	v32 =	vld [tilespmem:s31+$0x29D0];
	v4 =	vadd.f32 v4, v5  }
0x146: {  	v7 =	vadd.f32 v39, v3;
	v3 =	vadd.f32 v20, v2;
	v2 =	vld [tilespmem:$0x1FE10];
	v5 =	vmul.f32 v0, v21  }
0x147: {  	v46 =	vld [tilespmem:s31+$0x49C0];
	v0 =	vimm.s32 $0x9  }
0x148: {  	v6 =	vperm.xlane v18, v0;
	v43 =	vperm.xlane v19, v0;
	v8 =	vadd.f32 v5, v4;
	v4 =	vld [tilespmem:$0x1FE20]  }
0x149: {  	v14 =	vld [tilespmem:s31+$0x9D0];
	v5 =	vmul.f32 v25, v21  }
0x14a: {  	v26 =	vld [tilespmem:s31+$0x69D0];
	v21 =	vmul.f32 v27, v6;
	v25 =	vmul.f32 v49, v43  }
0x14b: {  	v39 =	vld [tilespmem:s31+$0x29E0];
	v49 =	vperm.xlane v17, v0;
	v2 =	vmul.f32 v2, v1  }
0x14c: {  	v27 =	vld [tilespmem:s31+$0x49E0];
	v0 =	vperm.xlane v16, v0;
	v21 =	vadd.f32 v25, v21  }
0x14d: {  	v20 =	vmul.f32 v45, v49;
	v25 =	vld [tilespmem:s31+$0x69E0];
	v45 =	vadd.f32 v2, v8;
	v4 =	vmul.f32 v4, v1  }
0x14e: {  	v2 =	vadd.f32 v5, v3;
	v3 =	vld [tilespmem:s31+$0x9F0];
	v5 =	vmul.f32 v62, v0;
	v1 =	vmul.f32 v52, v1  }
0x14f: {  	v62 =	vld [tilespmem:s31+$0x29F0];
	v8 =	vmul.f32 v24, v49;
	v52 =	vadd.f32 v4, v7;
	v4 =	vadd.f32 v20, v21  }
0x150: {  	v21 =	vadd.f32 v1, v2;
	v1 =	vmul.f32 v47, v6;
	v2 =	vmul.f32 v41, v43;
	v41 =	vld [tilespmem:s31+$0x49F0]  }
0x151: {  	v20 =	vadd.f32 v5, v4;
	v4 =	vmul.f32 v51, v6;
	v5 =	vmul.f32 v33, v43;
	v33 =	vld [tilespmem:s31+$0x69F0]  }
0x152: {  	v47 =	vmul.f32 v60, v49;
	v1 =	vadd.f32 v2, v1;
	v2 =	vmul.f32 v29, v6;
	v29 =	vld [tilespmem:s31+$0xA40]  }
0x153: {  	v60 =	vimm.s32 $0xA;
	v51 =	vmul.f32 v50, v49;
	v50 =	vld [tilespmem:s31+$0xA50];
	v4 =	vadd.f32 v5, v4  }
0x154: {  	v49 =	vperm.xlane v19, v60;
	v5 =	vmul.f32 v28, v43;
	v28 =	vld [tilespmem:s31+$0x2A40]  }
0x155: {  	v6 =	vadd.f32 v47, v1;
	v43 =	vperm.xlane v18, v60;
	v47 =	vld [tilespmem:s31+$0x4A40];
	v7 =	vadd.f32 v51, v4  }
0x156: {  	v1 =	vld [tilespmem:s31+$0x6A40];
	v4 =	vmul.f32 v54, v0;
	v2 =	vadd.f32 v5, v2;
	v5 =	vmul.f32 v61, v0  }
0x157: {  	v34 =	vmul.f32 v34, v43;
	v61 =	vmul.f32 v38, v49;
	v51 =	vld [tilespmem:s31+$0x2A50]  }
0x158: {  	v0 =	vmul.f32 v48, v0;
	v48 =	vld [tilespmem:s31+$0x4A50]  }
0x159: {  	v38 =	vperm.xlane v17, v60;
	v4 =	vadd.f32 v4, v6;
	v6 =	vadd.f32 v61, v34;
	v34 =	vld [tilespmem:s31+$0x6A50]  }
0x15a: {  	v2 =	vadd.f32 v8, v2;
	v8 =	vperm.xlane v16, v60;
	v60 =	vld [tilespmem:$0x1FE30]  }
0x15b: {  	v54 =	vmul.f32 v44, v38;
	v44 =	vld [tilespmem:s31+$0x2A60]  }
0x15c: {  	v61 =	vld [tilespmem:$0x1FE40]  }
0x15d: {  	v24 =	vadd.f32 v5, v7;
	v5 =	vadd.f32 v0, v2;
	v2 =	vmul.f32 v40, v49;
	v40 =	vld [tilespmem:s31+$0xA60]  }
0x15e: {  	v0 =	vmul.f32 v53, v43;
	v53 =	vld [tilespmem:s31+$0xA70]  }
0x15f: {  	v6 =	vadd.f32 v54, v6;
	v7 =	vmul.f32 v55, v8;
	v55 =	vld [tilespmem:s31+$0x2A70]  }
0x160: {  	v13 =	vmul.f32 v13, v43;
	v0 =	vadd.f32 v2, v0;
	v2 =	vmul.f32 v23, v43;
	v43 =	vld [tilespmem:s31+$0x4A60]  }
0x161: {  	v6 =	vadd.f32 v7, v6;
	v7 =	vmul.f32 v31, v49;
	v31 =	vld [tilespmem:s31+$0x6A60]  }
0x162: {  	v9 =	vmul.f32 v9, v49;
	v23 =	vld [tilespmem:s31+$0x4A70];
	[tilespmem:s31+$0x8400] =	vst v60  }
0x163: {  	[tilespmem:s31+$0x8410] =	vst v61;
	v60 =	vmul.f32 v56, v38;
	v61 =	vld [tilespmem:$0x1FE50]  }
0x164: {  	v56 =	vld [tilespmem:$0x1FE60];
	v2 =	vadd.f32 v9, v2  }
0x165: {  	v9 =	vmul.f32 v35, v8;
	v35 =	vld [tilespmem:s31+$0xAC0];
	v0 =	vadd.f32 v60, v0;
	v60 =	vmul.f32 v58, v8  }
0x166: {  	v58 =	vld [tilespmem:$0x1FE80]  }
0x167: {  	v36 =	vmul.f32 v36, v38;
	v13 =	vadd.f32 v7, v13;
	v7 =	vadd.f32 v60, v0;
	v60 =	vld [tilespmem:$0x1FE90]  }
0x168: {  	v0 =	vmul.f32 v57, v38;
	v38 =	vld [tilespmem:s31+$0x6A70]  }
0x169: {  	v13 =	vadd.f32 v36, v13;
	v57 =	vld [tilespmem:$0x1FEC0];
	[tilespmem:s31+$0x8430] =	vst v56;
	v56 =	vimm.s32 $0xB  }
0x16a: {  	[tilespmem:s31+$0x8420] =	vst v61;
	v61 =	vld [tilespmem:$0x1FE70];
	v54 =	vperm.xlane v19, v56  }
0x16b: {  	v30 =	vmul.f32 v30, v8;
	v8 =	vadd.f32 v9, v13;
	v13 =	vld [tilespmem:s31+$0x6AC0]  }
0x16c: {  	[tilespmem:s31+$0x8490] =	vst v58;
	v58 =	vmul.f32 v32, v54;
	v32 =	vld [tilespmem:s31+$0x4AC0]  }
0x16d: {  	v49 =	vperm.xlane v18, v56;
	[tilespmem:s31+$0x84A0] =	vst v60;
	v60 =	vld [tilespmem:$0x1FEB0]  }
0x16e: {  	v0 =	vadd.f32 v0, v2;
	[tilespmem:s31+$0x8510] =	vst v57;
	v57 =	vld [tilespmem:$0x1FEE0]  }
0x16f: {  	v36 =	vperm.xlane v17, v56;
	v2 =	vmul.f32 v14, v49;
	[tilespmem:s31+$0x8480] =	vst v61;
	v61 =	vld [tilespmem:$0x1FEA0]  }
0x170: {  	v9 =	vadd.f32 v30, v0;
	v30 =	vld [tilespmem:s31+$0x2AD0]  }
0x171: {  	v0 =	vadd.f32 v58, v2;
	v2 =	vmul.f32 v12, v36;
	v12 =	vld [tilespmem:s31+$0xAD0]  }
0x172: {  	v58 =	vld [tilespmem:$0x1FEF0];
	[tilespmem:s31+$0x8500] =	vst v60  }
0x173: {  	v11 =	vmul.f32 v11, v49;
	v10 =	vmul.f32 v10, v54;
	v60 =	vld [tilespmem:$0x1FED0];
	[tilespmem:s31+$0x8530] =	vst v57  }
0x174: {  	v57 =	vld [tilespmem:$0x1FF20];
	[tilespmem:s31+$0x84B0] =	vst v61;
	v61 =	vmul.f32 v46, v36;
	v46 =	vperm.xlane v16, v56  }
0x175: {  	v10 =	vadd.f32 v10, v11;
	v56 =	vld [tilespmem:s31+$0x2AC0]  }
0x176: {  	v0 =	vadd.f32 v2, v0;
	v2 =	vmul.f32 v3, v49;
	v3 =	vmul.f32 v26, v46;
	v26 =	vld [tilespmem:s31+$0x4AD0]  }
0x177: {  	v10 =	vadd.f32 v61, v10;
	v61 =	vmul.f32 v15, v46;
	v14 =	vmul.f32 v33, v46;
	v33 =	vld [tilespmem:s31+$0x4AE0]  }
0x178: {  	[tilespmem:s31+$0x8580] =	vst v58;
	v58 =	vmul.f32 v25, v46;
	v46 =	vld [tilespmem:s31+$0x4AF0]  }
0x179: {  	v10 =	vadd.f32 v61, v10;
	v61 =	vmul.f32 v39, v54;
	v39 =	vld [tilespmem:$0x1FF00]  }
0x17a: {  	[tilespmem:s31+$0x8520] =	vst v60;
	v60 =	vmul.f32 v42, v49;
	v42 =	vld [tilespmem:$0x1FF10]  }
0x17b: {  	v15 =	vadd.f32 v3, v0;
	v3 =	vmul.f32 v41, v36;
	v41 =	vld [tilespmem:s31+$0xAE0]  }
0x17c: {  	v0 =	vld [tilespmem:$0x1FF30]  }
0x17d: {  	v49 =	vmul.f32 v62, v54;
	[tilespmem:s31+$0x85B0] =	vst v57;
	v57 =	vld [tilespmem:$0x1FF60]  }
0x17e: {  	v54 =	vimm.s32 $0xC;
	v11 =	vadd.f32 v61, v60;
	v60 =	vld [tilespmem:$0x1FF40]  }
0x17f: {  	v27 =	vmul.f32 v27, v36;
	v36 =	vperm.xlane v18, v54;
	v2 =	vadd.f32 v49, v2;
	v61 =	vld [tilespmem:$0x1FF50]  }
0x180: {  	v49 =	vld [tilespmem:s31+$0xAF0]  }
0x181: {  	v25 =	vperm.xlane v19, v54;
	v2 =	vadd.f32 v3, v2;
	v3 =	vmul.f32 v50, v36;
	v50 =	vld [tilespmem:s31+$0x2AF0]  }
0x182: {  	[tilespmem:s31+$0x8590] =	vst v39;
	v39 =	vld [tilespmem:s31+$0x6AD0]  }
0x183: {  	v29 =	vmul.f32 v29, v36;
	v62 =	vmul.f32 v28, v25;
	[tilespmem:s31+$0x8600] =	vst v0;
	v0 =	vadd.f32 v27, v11;
	v27 =	vld [tilespmem:s31+$0x2AE0]  }
0x184: {  	[tilespmem:s31+$0x85A0] =	vst v42;
	v42 =	vld [tilespmem:s31+$0x6AE0]  }
0x185: {  	v28 =	vperm.xlane v17, v54;
	v11 =	vadd.f32 v62, v29;
	v29 =	vperm.xlane v16, v54;
	v54 =	vld [tilespmem:$0x1FF90]  }
0x186: {  	[tilespmem:s31+$0x8630] =	vst v57;
	v57 =	vld [tilespmem:$0x1FFA0]  }
0x187: {  	v47 =	vmul.f32 v47, v28;
	[tilespmem:s31+$0x8610] =	vst v60;
	v60 =	vld [tilespmem:$0x1FF70]  }
0x188: {  	[tilespmem:s31+$0x8620] =	vst v61;
	v0 =	vadd.f32 v58, v0;
	v58 =	vmul.f32 v51, v25;
	v61 =	vld [tilespmem:$0x1FF80]  }
0x189: {  	v11 =	vadd.f32 v47, v11;
	v47 =	vld [tilespmem:s31+$0x6AF0]  }
0x18a: {  	v3 =	vadd.f32 v58, v3;
	v58 =	vmul.f32 v40, v36;
	v40 =	vld [tilespmem:s31+$0xB50]  }
0x18b: {  	v36 =	vmul.f32 v53, v36;
	v53 =	vld [tilespmem:s31+$0x4B50]  }
0x18c: {  	v62 =	vmul.f32 v48, v28;
	v23 =	vmul.f32 v23, v28;
	[tilespmem:s31+$0x86A0] =	vst v54;
	v54 =	vld [tilespmem:$0x1FFC0]  }
0x18d: {  	v51 =	vimm.s32 $0xD;
	v1 =	vmul.f32 v1, v29;
	v34 =	vmul.f32 v34, v29;
	[tilespmem:s31+$0x86B0] =	vst v57;
	v57 =	vld [tilespmem:$0x1FFD0]  }
0x18e: {  	[tilespmem:s31+$0x8780] =	vst v63;
	v48 =	vperm.xlane v16, v51;
	v3 =	vadd.f32 v62, v3;
	v62 =	vmul.f32 v43, v28;
	v43 =	vld [tilespmem:s31+$0x2B40]  }
0x18f: {  	v2 =	vadd.f32 v14, v2;
	v31 =	vmul.f32 v31, v29;
	v28 =	vld [tilespmem:s31+$0xB60];
	[tilespmem:s31+$0x8680] =	vst v60;
	v60 =	vmul.f32 v44, v25  }
0x190: {  	[tilespmem:s31+$0x8790] =	vst v59;
	v1 =	vadd.f32 v1, v11;
	v13 =	vmul.f32 v13, v48;
	v44 =	vld [tilespmem:s31+$0xB40];
	v25 =	vmul.f32 v55, v25  }
0x191: {  	[tilespmem:s31+$0x8690] =	vst v61;
	v61 =	vld [tilespmem:$0x1FFB0];
	v55 =	vmul.f32 v39, v48;
	v14 =	vadd.f32 v60, v58;
	v58 =	vmul.f32 v38, v29  }
0x192: {  	[tilespmem:s31+$0x87A0] =	vst v37;
	v39 =	vld [tilespmem:s31+$0xBC0];
	v25 =	vadd.f32 v25, v36;
	v36 =	vperm.xlane v18, v51;
	v38 =	vperm.xlane v19, v51  }
0x193: {  	[tilespmem:s31+$0x8810] =	vst v45;
	v3 =	vadd.f32 v34, v3;
	v34 =	vld [tilespmem:s31+$0x4B40];
	v11 =	vadd.f32 v62, v14;
	v14 =	vperm.xlane v17, v51  }
0x194: {  	[tilespmem:s31+$0x8820] =	vst v52;
	v29 =	vld [tilespmem:s31+$0x6B40];
	v62 =	vmul.f32 v56, v38;
	v12 =	vmul.f32 v12, v36  }
0x195: {  	v60 =	vld [tilespmem:$0x1FFE0];
	[tilespmem:s31+$0x8720] =	vst v57;
	v57 =	vimm.s32 $0xE;
	v30 =	vmul.f32 v30, v38;
	v56 =	vmul.f32 v41, v36  }
0x196: {  	[tilespmem:s31+$0x8710] =	vst v54;
	v54 =	vld [tilespmem:$0x1FFF0];
	v23 =	vadd.f32 v23, v25;
	v45 =	vperm.xlane v17, v57;
	v52 =	vperm.xlane v16, v57  }
0x197: {  	v51 =	vld [tilespmem:s31+$0x2B50];
	[tilespmem:s31+$0x8700] =	vst v61;
	v61 =	vmul.f32 v35, v36;
	v37 =	vmul.f32 v32, v14  }
0x198: {  	[tilespmem:s31+$0x87B0] =	vst v22;
	v25 =	vld [tilespmem:s31+$0x2B70];
	v22 =	vadd.f32 v58, v23;
	v26 =	vmul.f32 v26, v14;
	v58 =	vmul.f32 v27, v38  }
0x199: {  	[tilespmem:s31+$0x8830] =	vst v21;
	v35 =	vld [tilespmem:s31+$0x4B60];
	v11 =	vadd.f32 v31, v11;
	v59 =	vmul.f32 v33, v14;
	v14 =	vmul.f32 v46, v14  }
0x19a: {  	v31 =	vld [tilespmem:s31+$0x6B50];
	v12 =	vadd.f32 v30, v12;
	v32 =	vperm.xlane v19, v57;
	[tilespmem:s31+$0x8730] =	vst v60;
	v60 =	vmul.f32 v42, v48  }
0x19b: {  	[tilespmem:s31+$0x8880] =	vst v20;
	v30 =	vld [tilespmem:s31+$0x2B60];
	v63 =	vadd.f32 v62, v61;
	v61 =	vmul.f32 v49, v36;
	v62 =	vmul.f32 v50, v38  }
0x19c: {  	[tilespmem:s31+$0x8890] =	vst v4;
	v33 =	vld [tilespmem:s31+$0x6B60];
	v12 =	vadd.f32 v26, v12;
	v4 =	vadd.f32 v58, v56;
	v26 =	vperm.xlane v18, v57  }
0x19d: {  	v46 =	vld [tilespmem:s31+$0x6B70];
	[tilespmem:s31+$0x8800] =	vst v54;
	v54 =	vmul.f32 v34, v45;
	v57 =	vmul.f32 v53, v45;
	v58 =	vimm.s32 $0xF  }
0x19e: {  	[tilespmem:s31+$0x88A0] =	vst v24;
	v36 =	vld [tilespmem:s31+$0xB70];
	v23 =	vadd.f32 v37, v63;
	v63 =	vmul.f32 v47, v48;
	v47 =	vmul.f32 v43, v32  }
0x19f: {  	[tilespmem:s31+$0x88B0] =	vst v5;
	v42 =	vld [tilespmem:s31+$0xBE0];
	v50 =	vmul.f32 v51, v32;
	v43 =	vperm.xlane v18, v58  }
0x1a0: {  	[tilespmem:s31+$0x8900] =	vst v6;
	v37 =	vld [tilespmem:s31+$0x4B70];
	v20 =	vadd.f32 v62, v61;
	v5 =	vmul.f32 v44, v26;
	v49 =	vmul.f32 v40, v26  }
0x1a1: {  	[tilespmem:s31+$0x8910] =	vst v7;
	v51 =	vld [tilespmem:s31+$0x2BC0];
	v4 =	vadd.f32 v59, v4;
	v59 =	vmul.f32 v29, v52;
	v62 =	vmul.f32 v28, v26  }
0x1a2: {  	[tilespmem:s31+$0x8920] =	vst v8;
	v12 =	vadd.f32 v55, v12;
	v55 =	vld [tilespmem:s31+$0x4BC0];
	v44 =	vperm.xlane v19, v58;
	v61 =	vmul.f32 v31, v52  }
0x1a3: {  	[tilespmem:s31+$0x8930] =	vst v9;
	v48 =	vadd.f32 v14, v20;
	v20 =	vld [tilespmem:s31+$0x6BC0];
	v28 =	vmul.f32 v30, v32;
	v31 =	vmul.f32 v35, v45  }
0x1a4: {  	[tilespmem:s31+$0x8A10] =	vst v3;
	v13 =	vadd.f32 v13, v23;
	v30 =	vld [tilespmem:s31+$0x4BD0];
	v32 =	vmul.f32 v25, v32;
	v3 =	vmul.f32 v46, v52  }
0x1a5: {  	[tilespmem:s31+$0x8980] =	vst v10;
	v46 =	vperm.xlane v17, v58;
	v5 =	vadd.f32 v47, v5;
	v4 =	vadd.f32 v60, v4;
	v60 =	vld [tilespmem:s31+$0xBD0]  }
0x1a6: {  	[tilespmem:s31+$0x8990] =	vst v15;
	v56 =	vadd.f32 v50, v49;
	v29 =	vmul.f32 v36, v26;
	v36 =	vmul.f32 v33, v52;
	v47 =	vld [tilespmem:s31+$0xBF0]  }
0x1a7: {  	[tilespmem:s31+$0x89B0] =	vst v2;
	v50 =	vld [tilespmem:s31+$0x2BF0];
	v6 =	vadd.f32 v63, v48;
	v2 =	vadd.f32 v28, v62;
	v48 =	vmul.f32 v39, v43  }
0x1a8: {  	[tilespmem:s31+$0x8A00] =	vst v1;
	v63 =	vld [tilespmem:s31+$0x2BD0];
	v5 =	vadd.f32 v54, v5;
	v8 =	vadd.f32 v57, v56;
	v41 =	vmul.f32 v37, v45  }
0x1a9: {  	v52 =	vld [tilespmem:s31+$0x4BE0];
	v1 =	vadd.f32 v32, v29;
	v49 =	vmul.f32 v51, v44;
	[tilespmem:s31+$0x8AA0] =	vst v4;
	v4 =	vmul.f32 v42, v43  }
0x1aa: {  	[tilespmem:s31+$0x89A0] =	vst v0;
	v45 =	vld [tilespmem:s31+$0x2BE0];
	v2 =	vadd.f32 v31, v2;
	v53 =	vmul.f32 v55, v46;
	v55 =	vperm.xlane v16, v58  }
0x1ab: {  	[tilespmem:s31+$0x8A20] =	vst v11;
	v54 =	vld [tilespmem:s31+$0x4BF0];
	v5 =	vadd.f32 v59, v5;
	v0 =	vadd.f32 v61, v8;
	v56 =	vmul.f32 v30, v46  }
0x1ac: {  	[tilespmem:s31+$0x8A30] =	vst v22;
	v35 =	vld [tilespmem:s31+$0x6BD0];
	v1 =	vadd.f32 v41, v1;
	v51 =	vmul.f32 v60, v43;
	v8 =	vmul.f32 v47, v43  }
0x1ad: {  	[tilespmem:s31+$0x8A90] =	vst v12;
	v59 =	vld [tilespmem:s31+$0x6BF0];
	v2 =	vadd.f32 v36, v2;
	v61 =	vmul.f32 v50, v44;
	v19 =	vmul.f32 v63, v44  }
0x1ae: {  	[tilespmem:s31+$0x8A80] =	vst v13;
	v57 =	vld [tilespmem:s31+$0x6BE0];
	v62 =	vmul.f32 v52, v46;
	v1 =	vadd.f32 v3, v1;
	v3 =	vadd.f32 v49, v48  }
0x1af: {  	[tilespmem:s31+$0x8B00] =	vst v5;
	v5 =	vmul.f32 v20, v55;
	v58 =	vmul.f32 v45, v44;
	v9 =	vadd.f32 v19, v51  }
0x1b0: {  	[tilespmem:s31+$0x8B10] =	vst v0;
	v0 =	vadd.f32 v61, v8;
	v7 =	vmul.f32 v54, v46;
	v3 =	vadd.f32 v53, v3  }
0x1b1: {  	[tilespmem:s31+$0x8AB0] =	vst v6;
	v63 =	vmul.f32 v35, v55;
	v4 =	vadd.f32 v58, v4;
	v60 =	vadd.f32 v56, v9  }
0x1b2: {  	p0 =	sne.s32 s14, $0x3;
	[tilespmem:s31+$0x8B20] =	vst v2;
	v0 =	vadd.f32 v7, v0;
	v2 =	vadd.f32 v5, v3;
	v5 =	vmul.f32 v59, v55  }
.Ltmp0:
0x1b3: {  	[tilespmem:s31+$0x8B30] =	vst v1;
	v3 =	vadd.f32 v62, v4;
	v4 =	vmul.f32 v57, v55;
	v1 =	vadd.f32 v63, v60;
	(pc) =	sbr.rel @p0 .LBB2_3-.Ltmp0, $4  }
0x1b4: {  	[tilespmem:s31+$0x8B80] =	vst v2;
	v0 =	vadd.f32 v5, v0  }
0x1b5: {  	v2 =	vadd.f32 v4, v3;
	[tilespmem:s31+$0x8B90] =	vst v1  }
0x1b6: {  	[tilespmem:s31+$0x8BB0] =	vst v0  }
0x1b7: {  	s14 =	sadd.s32 $0x1, s14;
	v3 =	vimm.s32 $0x0;
	[tilespmem:s31+$0x8BA0] =	vst v2  }
0x1b8: {  	s0 =	sadd.s32 $0x1, s0  }
0x1b9: {  	s1 =	sshll.u32 s9, $0x4;
	p0 =	sne.s32 s0, $0x40  }
.Ltmp1:
0x1ba: {  	s1 =	sadd.s32 s12, s1;
	(pc) =	sbr.rel @p0 .LBB2_2-.Ltmp1, $4  }
0x1bb: {  	[hbm4b:s1+s2] =	stream.linear.scatter [tilespmem:s30], [sflag:$0x2], $0x2000, $0x38;
	[tilespmem:$0xA400] =	vst v63  }
0x1bc: {  	_ =	swait.ge [sflag:s15], $0x2000  }
0x1bd: {  	[sflag:s15] =	ssyncset.done $0x0  }
0x1be: {  	[sflag:s15] =	ssyncadd.s32 $0xFFFFE000  }
0x1bf: {  	s1 =	rddreg [dreg:$0x4]  }
0x1c0: {  	s0 =	rddreg [dreg:$0x3];
	s1 =	sadd.s32 $0x1, s1  }
0x1c1: {  	p0 =	sne.s32 s1, s0  }
.Ltmp2:
0x1c2: {  	_ = 	snop;
	(pc) =	sbr.rel @p0 .LBB2_1-.Ltmp2, $1  }
0x1c3: {  	_ =	sdelay $0x3  }
0x1c4: {  	_ =	sfence.sel $0x180000  }
0x1c5: {  	[bflag:$0x0] =	sbarrier.arrive $0xFFFF  }
0x1c6: {  	_ =	strace $0x90000050  }
0x1c7: {  	s0 =	stileid.u32;
	[bflag:$0x2] =	sbarrier.arrive $0xFFFF  }
0x1c8: {  	p0 =	sne.s32 s0, $0x0;
	s0 =	rddreg [dreg:$0x2]  }
0x1c9: {  	s0 =	sadd.s32 @!p0 $0x100000, s0  }
0x1ca: {  	[sflag:s0] =	ssyncadd.tile.s32 @!p0 $0x1;
	_ =	shalt  }
.Lfunc_end2:
_tile_overlayer_lowered:
.L_overlay_start_2:
0x1cb: {  	(tag) =	ssettag $0x2  }
0x1cc: {  	s0 =	rddreg [dreg:$0x0];
	s2 =	stileid.u32  }
0x1cd: {  	s1 =	rddreg [dreg:$0x1];
	p0 =	sne.s32 s2, $0x0  }
0x1ce: {  	s3 =	rddreg [dreg:$0x2];
	[bflag:$0x3] =	sbarrier.arrive $0xFFFF;
	s2 =	simm.s32 @!p0 $0x1C02  }
0x1cf: {  	[timem:s3], [sflag:s2] =	dma.local @!p0 [hbm:s0], s1  }
0x1d0: {  	s0 =	simm.s32 @!p0 $0x2  }
0x1d1: {  	_ =	swait.ge @!p0 [sflag:s0], s1  }
0x1d2: {  	s1 =	ssub.s32 @!p0 $0x0, s1;
	[sflag:s0] =	ssyncset.done @!p0 $0x0  }
0x1d3: {  	[sflag:s0] =	ssyncadd.s32 @!p0 s1  }
0x1d4: {  	[bflag:$0x3] =	sbarrier.arrive $0xFFFF  }
0x1d5: {  	_ =	shalt  }

// kernel: sparse-core-data-format-call.cloned.1.call-start
scs
called_computation_lowered:
.L_overlay_start_0:
0x0: {  	s2 =	sld [smem:$0x3FD9]  }
0x1: {  	s3 =	sld [smem:$0x3FFE];
	_ =	sdelay $0x1  }
0x2: {  	s1 =	srdreg.scid  }
0x3: {  	s0 =	sand.u32 $0x1, s1  }
0x4: {  	s18 =	sshll.u32 s0, $0xA;
	s2 =	sadd.s32 s3, s2  }
0x5: {  	s2 =	sadd.s32 s2, s18  }
0x6: {  	[smem:$0x3FC2] =	sst s2  }
0x7: {  	_ = 	snop  }
0x8: {  	s2 =	sld [smem:$0x3FD0];
	(tm) =	ssettm $0x1  }
0x9: {  	s19 =	sld [smem:$0x3FFB];
	_ =	sdelay $0x3  }
0xa: {  	_ =	strace s19  }
0xb: {  	s3 =	sld [smem:$0x3FFC];
	_ =	sdelay $0x3  }
0xc: {  	_ =	strace s3  }
0xd: {  	s3 =	sld [smem:$0x3FFD];
	_ =	sdelay $0x3  }
0xe: {  	_ =	strace s3  }
0xf: {  	_ =	strace $0x8FFFFFFF  }
0x10: {  	s20 =	sld [smem:$0x3FDB];
	_ =	sdelay $0x1  }
0x11: {  	s4 =	simm.s32 $_scs_section_size  }
0x12: {  	s5 =	simm.s32 $_size__tile_overlayer_lowered;
	s6 =	simm.s32 $_tile_overlayer_lowered  }
0x13: {  	s23 =	simm.s32 $0x1BFF;
	s22 =	sshll.u32 s6, $0x1;
	s3 =	sadd.s32 s4, s20  }
0x14: {  	s7 =	simm.s32 $0x0;
	s21 =	sshll.u32 s5, $0x1;
	s5 =	sadd.s32 s22, s3  }
0x15: {  	[timem:s7], [sflag:s23] =	dma.local [hbm:s5], s21  }
0x16: {  	_ =	swait.ge [sflag:s23], s21  }
0x17: {  	s4 =	ssub.s32 $0x0, s21;
	[sflag:s23] =	ssyncset.done $0x0  }
0x18: {  	[sflag:s23] =	ssyncadd.s32 s4;
	_ =	sdelay $0x1  }
0x19: {  	s24 =	simm.s32 $0x1B8B  }
0x1a: {  	_ =	swait.ge [sflag:s24], $0x1  }
0x1b: {  	[sflag:s24] =	ssyncset.done $0x0  }
0x1c: {  	s26 =	simm.s32 $0x1B8E;
	s25 =	sld [smem:$0x3FFE];
	[sflag:s24] =	ssyncadd.s32 $0xFFFFFFFF  }
0x1d: {  	s27 =	simm.s32 $execute0_lowered;
	[smem:$0x3FD2] =	sst s26  }
0x1e: {  	s5 =	sshll.u32 s27, $0x1;
	_ =	strace $0x80000052;
	[dreg:$0x1] =	wrdreg $0xFFFFFFFF  }
0x1f: {  	s28 =	simm.s32 $_size_execute0_lowered;
	s3 =	sadd.s32 s3, s5;
	[dreg:$0x0] =	wrdreg $0x0  }
0x20: {  	s5 =	sshll.u32 s28, $0x1;
	[dreg:$0x2] =	wrdreg s3  }
0x21: {  	[dreg:$0x3] =	wrdreg s5  }
0x22: {  	[dreg:$0x4] =	wrdreg $0xC0  }
0x23: {  	_ =	task [dreg:s7], $0x5FFFF  }
0x24: {  	[dreg:$0x1] =	wrdreg $0xFFFFFFFF  }
0x25: {  	[dreg:$0x0] =	wrdreg $0x60  }
0x26: {  	[dreg:$0x2] =	wrdreg s25  }
0x27: {  	[dreg:$0x3] =	wrdreg s2  }
0x28: {  	[dreg:$0x4] =	wrdreg $0x9  }
0x29: {  	_ =	task.clear_ibuf [dreg:s7], $0x5FFFF;
	_ =	strace $0x90000052  }
0x2a: {  	s29 =	simm.s32 $0x9;
	_ =	strace $0x80000054  }
0x2b: {  	_ =	swait.ge [sflag:s29], $0x1  }
0x2c: {  	[sflag:s29] =	ssyncadd.s32 $0xFFFFFFFF  }
0x2d: {  	_ =	strace $0x90000054  }
0x2e: {  	_ =	sfence  }
0x2f: {  	s30 =	sld [smem:$0x0];
	_ =	sdelay $0x2  }
0x30: {  	s31 =	sshll.u32 s1, $0xD;
	s1 =	sshrl.u32 s1, $0x2  }
0x31: {  	s3 =	sand.u32 $0x4000, s31;
	s1 =	sadd.s32 s1, s30  }
0x32: {  	s0 =	sor.u32 s3, s0;
	s1 =	sshll.u32 s1, $0x11  }
0x33: {  	s0 =	sor.u32 s1, s0  }
0x34: {  	s0 =	sadd.s32 $0x8F2B, s0  }
0x35: {  	[sflag:s0] =	ssyncadd.remote.s32 $0x1  }
0x36: {  	_ =	sfence.sel $0xFFFF  }
0x37: {  	[dreg:$0x0] =	wrdreg $0xFFFFFFFF;
	(pc) =	sbr.abs _section_cstart, $3  }
0x38: {  	[dreg:$0x1] =	wrdreg $0xFFFFFFFF  }
0x39: {  	_ =	task.clear_ibuf [dreg:s7], $0x2FFFF;
	_ =	strace $0x9FFFFFFF  }
0x3a: {  	(tm) =	ssettm $0x7FFFFFFF  }
0x3b: {  	_ =	shalt  }
tec
execute0_lowered:
.L_overlay_start_1:
0x0: {  	(tag) =	ssettag $0x1  }
0x1: {  	s0 =	stileid.u32  }
0x2: {  	s1 =	srdreg.scid;
	s7 =	rddreg [dreg:$0x0]  }
0x3: {  	s31 =	simm.s32 $0x2;
	s15 =	simm.s32 $0x0;
	s9 =	simm.s32 $0x4000  }
0x4: {  	s17 =	simm.s32 $0x0;
	s2 =	sshll.u32 s0, $0x6;
	s1 =	sshll.u32 s1, $0xA  }
0x5: {  	s16 =	simm.s32 $0x0;
	s18 =	simm.s32 $0x0;
	s1 =	sor.u32 s2, s1  }
0x6: {  	s10 =	simm.s32 $0x0;
	s11 =	simm.s32 $0x0;
	s1 =	sand.u32 $0x780, s1  }
0x7: {  	s14 =	simm.s32 $0x0;
	s2 =	sand.u32 $0x1, s0;
	s3 =	ssub.s32 $0x800, s1  }
0x8: {  	s7 =	sadd.s32 $0x1DC00, s7;
	s4 =	ssub.s32 $0x2, s2;
	s5 =	sand.u32 $0x780, s3  }
0x9: {  	s6 =	sshrl.u32 s4, $0x1;
	p0 =	sne.s32 s5, $0x0;
	s5 =	simm.s32 $0x1  }
0xa: {  	s8 =	sand.u32 $0x1, s4;
	s3 =	sshrl.u32 s3, $0xB;
	s5 =	simm.s32 @!p0 $0x0  }
.Ltmp0:
0xb: {  	s6 =	sadd.s32 s8, s6;
	s5 =	sadd.s32 s5, s3;
	(pc) =	sbr.rel .LBB1_1-.Ltmp0, $4  }
0xc: {  	s13 =	smov.u32 s2;
	s4 =	rddreg [dreg:$0x1];
	s6 =	smul.u32 s5, s6  }
0xd: {  	s3 =	rddreg [dreg:$0x2];
	_ =	strace $0x80000053;
	s5 =	simm.s32 $0x1  }
0xe: {  	s12 =	smov.u32 s1;
	[sflag:s5] =	ssyncpa.u1 $0x0;
	s6 =	sshll.u32 s6, $0x5  }
0xf: {  	p0 =	por $0x0, $0x0;
	[sflag:s31] =	ssyncpa.u1 $0x0;
	s8 =	sor.u32 $0x1, s6  }
.LBB1_4:
0x10: {  	s21 =	sand.u32 $0x78, s16;
	s22 =	sshll.u32 s16, $0x3;
	s18 =	sshll.u32 s18, $0x13  }
0x11: {  	s23 =	sand.u32 $0x3F00, s16;
	s17 =	sshll.u32 s17, $0x11;
	s18 =	sadd.s32 s4, s18  }
0x12: {  	s15 =	sshll.u32 s15, $0xE;
	s22 =	sand.u32 $0x400, s22;
	s18 =	sadd.s32 s23, s18  }
0x13: {  	[tilespmem:s20+$0x810 ss:$0x81] =	vst.msk $0xffff, v2;
	s30 =	sand.u32 $0x7, s16;
	s21 =	sor.u32 s21, s22;
	s17 =	sadd.s32 s17, s18  }
0x14: {  	[tilespmem:s20+$0x1020 ss:$0x81] =	vst.msk $0xffff, v0;
	s16 =	sshll.u32 s30, $0x12;
	s31 =	sshrl.u32 s21, $0x3;
	s15 =	sadd.s32 s15, s17  }
0x15: {  	[tilespmem:s20+$0x0 ss:$0x81] =	vst.msk $0xffff, v1;
	s16 =	sor.u32 $0x400, s16;
	s15 =	sadd.s32 s31, s15  }
0x16: {  	[hbm4b:s15+s16] =	stream.strided.scatter [tilespmem:s19], [sflag:$0x2], $0x2000, s9, s16, $0x20;
	[tilespmem:$0x8080] =	vst v63  }
.LBB1_5:
0x17: {  	s19 =	sadd.s32 $0x1, s10  }
0x18: {  	s15 =	simm.s32 $0x1;
	p2 =	sgt.s32 s19, $0x7  }
0x19: {  	s15 =	simm.s32 @!p2 $0x0  }
0x1a: {  	s20 =	sadd.s32 s15, s11  }
0x1b: {  	s21 =	smov.u32 s12;
	s15 =	sadd.s32 $0x800, s12;
	p3 =	sgt.s32 s20, $0x3  }
0x1c: {  	s21 =	smov.u32 @p3 s15  }
0x1d: {  	s22 =	smov.u32 s13;
	s15 =	sadd.s32 $0x2, s13;
	p4 =	sgt.s32 s21, $0x7FF  }
0x1e: {  	p1 =	slt.u32 s14, $0x2;
	s22 =	smov.u32 @p4 s15  }
0x1f: {  	s17 =	smov.u32 s11;
	s19 =	simm.s32 @p2 $0x0;
	p2 =	sgt.s32 s22, $0x1  }
0x20: {  	s23 =	simm.s32 @!p1 $0x2;
	s22 =	smov.u32 @p2 s2;
	p2 =	sne.s32 s14, s8  }
.Ltmp1:
0x21: {  	s16 =	smov.u32 s12;
	_ =	swait.ge @!p1 [sflag:s23], $0x2000;
	(pc) =	sbr.rel @!p2 .LBB1_6-.Ltmp1, $4  }
0x22: {  	s18 =	smov.u32 s13;
	[sflag:s23] =	ssyncset.done @!p1 $0x0;
	s20 =	simm.s32 @p3 $0x0  }
0x23: {  	p0 =	por !p0, !p0;
	[sflag:s23] =	ssyncadd.s32 @!p1 $0xFFFFE000;
	s11 =	smov.u32 s20  }
0x24: {  	s21 =	smov.u32 @p4 s1;
	s15 =	smov.u32 s10;
	s10 =	smov.u32 s19  }
0x25: {  	s12 =	smov.u32 s21;
	s14 =	sadd.s32 $0x1, s14;
	s13 =	smov.u32 s22  }
.LBB1_1:
0x26: {  	p1 =	sge.u32 s14, s6  }
0x27: {  	s31 =	sadd.s32 $0xFFFFFFFF, s14;
	s19 =	sxor.u32 @!p1 $0xFFFFFFFF, s14;
	s20 =	sshll.u32 @!p1 s13, $0x14  }
0x28: {  	s21 =	sshll.u32 @!p1 s12, $0x9;
	s22 =	sshll.u32 @!p1 s11, $0x7;
	s20 =	sadd.s32 @!p1 s7, s20  }
0x29: {  	s23 =	sshll.u32 @!p1 s10, $0x4;
	s19 =	sshll.u32 @!p1 s19, $0xD;
	s20 =	sadd.s32 @!p1 s21, s20  }
0x2a: {  	s19 =	sand.u32 @!p1 $0x2000, s19;
	s21 =	sand.u32 @!p1 $0x70, s23;
	s20 =	sadd.s32 @!p1 s22, s20  }
0x2b: {  	s22 =	simm.s32 @!p1 $0x1000;
	s20 =	sadd.s32 @!p1 s21, s20;
	s21 =	simm.s32 @!p1 $0x40  }
0x2c: {  	[tilespmem:s19], [sflag:$0x1] =	stream.strided.gather @!p1 [hbm4b:s20+s21], $0x2000, s22, s21, $0x38;
	[tilespmem:$0x8080] =	vst v63  }
0x2d: {  	p1 =	sge.u32 s31, s6  }
.Ltmp2:
0x2e: {  	_ = 	snop;
	(pc) =	sbr.rel @p1 .LBB1_5-.Ltmp2, $1  }
0x2f: {  	_ =	sdelay $0x3  }
0x30: {  	s19 =	simm.s32 $0x1  }
0x31: {  	_ =	swait.ge [sflag:s5], $0x2000;
	s19 =	simm.s32 @!p0 $0x0  }
0x32: {  	[sflag:s5] =	ssyncset.done $0x0;
	s20 =	sshll.u32 s19, $0xD  }
0x33: {  	[sflag:s5] =	ssyncadd.s32 $0xFFFFE000;
	s23 =	sor.u32 $0x20, s20  }
0x34: {  	s19 =	smul.u32 $0x8100, s19;
	v3 =	vld [tilespmem:s23+$0x10]  }
0x35: {  	s30 =	sand.u32 $0x1, s14;
	v2 =	vld [tilespmem:s23+$0xFFFFFFF0]  }
0x36: {  	s20 =	smul.u32 $0x8100, s30;
	s19 =	sshrl.u32 s19, $0x2;
	v0 =	vld [tilespmem:s23+$0x0]  }
0x37: {  	v1 =	vld [tilespmem:s23+$0xFFFFFFE0];
	s21 =	sor.u32 $0x4000, s19  }
0x38: {  	s31 =	sshrl.u32 s20, $0x2;
	s20 =	sadd.s32 $0x0, s21  }
0x39: {  	s22 =	simm.s32 $0x4;
	s23 =	sadd.s32 $0x40, s23;
	s19 =	sor.u32 $0x4000, s31;
	[tilespmem:s20+$0x1830 ss:$0x81] =	vst.msk $0xffff, v3  }
.LBB1_3:
0x3a: {  	v3 =	vld [tilespmem:s23+$0x10];
	p1 =	sne.s32 s22, $0x1FC;
	[tilespmem:s20+$0x810 ss:$0x81] =	vst.msk $0xffff, v2;
	s24 =	smov.u32 s22;
	s22 =	sadd.s32 $0x4, s22  }
.Ltmp3:
0x3b: {  	v2 =	vld [tilespmem:s23+$0xFFFFFFF0];
	[tilespmem:s20+$0x1020 ss:$0x81] =	vst.msk $0xffff, v0;
	(pc) =	sbr.rel @p1 .LBB1_3-.Ltmp3, $4  }
0x3c: {  	v0 =	vld [tilespmem:s23+$0x0];
	[tilespmem:s20+$0x0 ss:$0x81] =	vst.msk $0xffff, v1  }
0x3d: {  	s20 =	sshra.s32 s24, $0x2;
	v1 =	vld [tilespmem:s23+$0xFFFFFFE0]  }
0x3e: {  	s20 =	sadd.s32 s20, s21  }
0x3f: {  	s23 =	sadd.s32 $0x40, s23;
	[tilespmem:s20+$0x1830 ss:$0x81] =	vst.msk $0xffff, v3  }
.Ltmp4:
0x40: {  	_ = 	snop;
	(pc) =	sbr.rel .LBB1_4-.Ltmp4, $1  }
0x41: {  	_ =	sdelay $0x3  }
.LBB1_6:
0x42: {  	_ =	sfence.sel $0x180000  }
0x43: {  	s1 =	simm.s32 $0x1;
	[bflag:$0x0] =	sbarrier.arrive $0xFFFF  }
0x44: {  	s31 =	simm.s32 $0x2;
	[sflag:s1] =	ssyncpa.u1 $0x1  }
0x45: {  	[sflag:s31] =	ssyncpa.u1 $0x1  }
0x46: {  	p0 =	sne.s32 s0, $0x0;
	_ =	strace $0x90000053  }
0x47: {  	s0 =	sadd.s32 @!p0 $0x100000, s3;
	[bflag:$0x2] =	sbarrier.arrive $0xFFFF  }
0x48: {  	[sflag:s0] =	ssyncadd.tile.s32 @!p0 $0x1;
	_ =	shalt  }
.Lfunc_end1:
_tile_overlayer_lowered:
.L_overlay_start_2:
0x49: {  	(tag) =	ssettag $0x2  }
0x4a: {  	s0 =	rddreg [dreg:$0x0];
	s2 =	stileid.u32  }
0x4b: {  	s1 =	rddreg [dreg:$0x1];
	p0 =	sne.s32 s2, $0x0  }
0x4c: {  	s3 =	rddreg [dreg:$0x2];
	[bflag:$0x3] =	sbarrier.arrive $0xFFFF;
	s2 =	simm.s32 @!p0 $0x1C01  }
0x4d: {  	[timem:s3], [sflag:s2] =	dma.local @!p0 [hbm:s0], s1  }
0x4e: {  	s0 =	simm.s32 @!p0 $0x1  }
0x4f: {  	_ =	swait.ge @!p0 [sflag:s0], s1  }
0x50: {  	s1 =	ssub.s32 @!p0 $0x0, s1;
	[sflag:s0] =	ssyncset.done @!p0 $0x0  }
0x51: {  	[sflag:s0] =	ssyncadd.s32 @!p0 s1  }
0x52: {  	[bflag:$0x3] =	sbarrier.arrive $0xFFFF  }
0x53: {  	_ =	shalt  }

</sc_bundles>
